<compile_context>
chip_gen: v7x
topology: tpu7x:2x2x1
jax: 0.10.2.dev20260603
libtpu: 0.0.44.dev20260713+nightly
codegen_flags: <defaults>
</compile_context>

<pallas_src>
import functools

import jax
import jax.numpy as jnp
from jax import lax
from jax.experimental import pallas as pl
from jax.experimental.pallas import tpu as pltpu
from jax.experimental.pallas import tpu_sc as plsc

LANES = 16
NBUF = 4
SLABW = 256
SHIFT = 8


def _dsa(start, size, align):
    return pl.ds(pl.multiple_of(start, align), size)


def _splat(x):
    return jnp.broadcast_to(jnp.asarray(x, jnp.int32), (LANES,))


@functools.lru_cache(maxsize=None)
def _build(batch, n_fields, v_rows, d, n_cores):
    total = batch * n_fields
    n_vec = batch // LANES
    hist_n = 512
    d_vecs = d // LANES
    blocks = batch // 128

    mesh = plsc.VectorSubcoreMesh(core_axis_name="c", subcore_axis_name="s")

    @functools.partial(
        pl.kernel,
        mesh=mesh,
        out_type=jax.ShapeDtypeStruct((total, 128), jnp.float32),
        scratch_types=[
            pltpu.VMEM((batch,), jnp.int32),
            pltpu.VMEM((batch,), jnp.int32),
            pltpu.VMEM((batch,), jnp.int32),
            pltpu.VMEM((batch,), jnp.int32),
            pltpu.VMEM((hist_n,), jnp.int32),
            pltpu.VMEM((hist_n,), jnp.int32),
            pltpu.VMEM((blocks, 128), jnp.int32),
            pltpu.VMEM((n_fields,), jnp.int32),
            pltpu.VMEM((n_fields * d,), jnp.float32),
            pltpu.VMEM((NBUF, d, SLABW), jnp.float32),
            pltpu.VMEM((2, 128, 128), jnp.float32),
            pltpu.SemaphoreType.DMA,
            pltpu.SemaphoreType.DMA,
            pltpu.SemaphoreType.DMA,
            pltpu.SemaphoreType.DMA,
            pltpu.SemaphoreType.DMA,
            pltpu.SemaphoreType.DMA,
        ],
        compiler_params=pltpu.CompilerParams(needs_layout_passes=False),
    )
    def emb_kernel(xt_hbm, off_hbm, tbl_hbm, tail_hbm, bias_hbm, stage_hbm,
                   g_v, s_v, srt_g, srt_b, pref_v, run_v, oid_v, off_v,
                   bias_v, slab_v, outb_v, sem0, sem1, sem2, sem3, ssem0,
                   ssem1):
        sems = [sem0, sem1, sem2, sem3]
        ssems = [ssem0, ssem1]
        cid = lax.axis_index("c")
        sid = lax.axis_index("s")
        wid = sid * n_cores + cid

        @pl.when(wid < n_fields)
        def _worker():
            iota = lax.iota(jnp.int32, LANES)

            pltpu.sync_copy(xt_hbm.at[wid], g_v)
            pltpu.sync_copy(off_hbm, off_v)
            pltpu.sync_copy(bias_hbm, bias_v)

            offv = plsc.load_gather(off_v, [_splat(wid)])
            off_s = jnp.max(offv)
            nxtv = plsc.load_gather(
                off_v, [_splat(jnp.minimum(wid + 1, n_fields - 1))])
            end_g = jnp.where(wid + 1 < n_fields, jnp.max(nxtv),
                              jnp.int32(v_rows))
            first_slab = lax.shift_right_logical(off_s, SHIFT)
            last_slab = lax.shift_right_logical(end_g - 1, SHIFT)
            nslab = last_slab - first_slab + 1
            has_tail = (last_slab + 1) * SLABW > v_rows

            bvs = [plsc.load_gather(bias_v, [_splat(wid * d) + iota + jb * LANES])
                   for jb in range(d_vecs)]

            def prep(i, c):
                sl = _dsa(i * LANES, LANES, 8)
                g = g_v[sl] + offv
                g_v[sl] = g
                s_v[sl] = lax.shift_right_logical(g, SHIFT) - first_slab
                return c
            lax.fori_loop(0, n_vec, prep, 0)

            for k in range(hist_n // LANES):
                pref_v[pl.ds(k * LANES, LANES)] = jnp.zeros((LANES,), jnp.int32)

            def hist(i, c):
                sv = jnp.clip(s_v[_dsa(i * LANES, LANES, 8)], 0, hist_n - 2)
                r, m = plsc.scan_count(sv)
                base = plsc.load_gather(pref_v, [sv])
                plsc.store_scatter(pref_v, [sv], base + r, mask=m)
                return c
            lax.fori_loop(0, n_vec, hist, 0)

            carry = jnp.int32(0)
            for k in range(hist_n // LANES):
                sl = pl.ds(k * LANES, LANES)
                h = pref_v[sl]
                inc = plsc.cumsum(h)
                excl = inc - h + jnp.broadcast_to(carry, (LANES,))
                pref_v[sl] = excl
                run_v[sl] = excl
                carry = carry + jnp.max(inc)

            def rank_pass(i, c):
                sl = _dsa(i * LANES, LANES, 8)
                sv = jnp.clip(s_v[sl], 0, hist_n - 2)
                r, m = plsc.scan_count(sv)
                base = plsc.load_gather(run_v, [sv])
                slot = jnp.clip(base + r - 1, 0, batch - 1)
                plsc.store_scatter(srt_g, [slot], g_v[sl])
                plsc.store_scatter(srt_b, [slot], _splat(i * LANES) + iota)
                plsc.store_scatter(run_v, [sv], base + r, mask=m)
                return c
            lax.fori_loop(0, n_vec, rank_pass, 0)

            def post(i, c):
                sl = _dsa(i * LANES, LANES, 8)
                s_v[sl] = jnp.bitwise_and(srt_g[sl], SLABW - 1)
                return c
            lax.fori_loop(0, n_vec, post, 0)

            def oid(j, c):
                for k in range(128 // LANES):
                    bv = srt_b[_dsa(j * 128 + k * LANES, LANES, 8)]
                    oid_v[j, pl.ds(k * LANES, LANES)] = jnp.clip(
                        bv * n_fields + _splat(wid), 0, total - 1)
                return c
            lax.fori_loop(0, blocks, oid, 0)

            def issue(s_idx, p):
                @pl.when(s_idx < nslab)
                def _():
                    is_tail = jnp.logical_and(has_tail, s_idx == nslab - 1)

                    @pl.when(is_tail)
                    def _():
                        pltpu.async_copy(tail_hbm, slab_v.at[p], sems[p])

                    @pl.when(jnp.logical_not(is_tail))
                    def _():
                        col0 = (first_slab + s_idx) * SLABW
                        pltpu.async_copy(
                            tbl_hbm.at[:, _dsa(col0, SLABW, 128)],
                            slab_v.at[p], sems[p])

            for p in range(NBUF):
                issue(jnp.int32(p), p)

            def sweep(t, c):
                for p in range(NBUF):
                    s_idx = t * NBUF + p

                    @pl.when(s_idx < nslab)
                    def _(p=p, s_idx=s_idx):
                        pltpu.make_async_copy(
                            tbl_hbm.at[:, _dsa(0, SLABW, 128)],
                            slab_v.at[p], sems[p]).wait()
                        hi = jnp.minimum(
                            jnp.max(plsc.load_gather(pref_v, [_splat(s_idx + 1)])),
                            jnp.int32(batch))
                        lo = jnp.minimum(
                            jnp.max(plsc.load_gather(pref_v, [_splat(s_idx)])), hi)

                        def occ(q):
                            lanev = plsc.load_gather(
                                s_v, [jnp.clip(_splat(q), 0, batch - 1)])
                            blk = lax.shift_right_logical(q, 7)
                            par = jnp.bitwise_and(blk, 1)
                            row = jnp.bitwise_and(q, 127)

                            for sp in range(2):
                                @pl.when(jnp.logical_and(
                                    jnp.logical_and(row == 0, blk >= 2),
                                    par == sp))
                                def _(sp=sp):
                                    pltpu.make_async_copy(
                                        outb_v.at[sp],
                                        stage_hbm.at[oid_v.at[0]],
                                        ssems[sp]).wait()

                            for jb in range(d_vecs):
                                val = plsc.load_gather(
                                    slab_v.at[p], [iota + jb * LANES, lanev])
                                outb_v[par, row, pl.ds(jb * LANES, LANES)] = \
                                    val + bvs[jb]

                            for sp in range(2):
                                @pl.when(jnp.logical_and(row == 127, par == sp))
                                def _(sp=sp):
                                    pltpu.async_copy(
                                        outb_v.at[sp],
                                        stage_hbm.at[oid_v.at[blk]],
                                        ssems[sp])
                            return q + 1
                        lax.while_loop(lambda q: q < hi, occ, lo)
                        issue(s_idx + NBUF, p)
                return c
            tmax = (nslab + NBUF - 1) // NBUF
            lax.fori_loop(0, tmax, sweep, 0)

            for sp in range(2):
                pltpu.make_async_copy(
                    outb_v.at[sp], stage_hbm.at[oid_v.at[0]], ssems[sp]).wait()

    return emb_kernel


def kernel(x, table, bias, offsets):
    batch, n_fields = x.shape
    v_rows, d = table.shape

    info = plsc.get_sparse_core_info()

    xt = x.T.astype(jnp.int32)
    tbl_t = table.T
    tail_w = v_rows % SLABW
    tail_base = v_rows - tail_w
    if tail_w:
        tail = jnp.concatenate(
            [table[tail_base:].T,
             jnp.zeros((d, SLABW - tail_w), jnp.float32)], axis=1)
    else:
        tail = jnp.zeros((d, SLABW), jnp.float32)

    staging = _build(batch, n_fields, v_rows, d, info.num_cores)(
        xt, offsets.astype(jnp.int32), tbl_t, tail, bias.reshape(-1))
    return staging[:, :d].reshape(batch, n_fields, d)

# --- scband reference (transcript-rebuilt; emitter-appended) ---
"""Pipeline reference for scband-cat-embeddings-58763742543974 (READ-ONLY COPY).

The authoritative reference and input builder live on the scoring server;
editing this copy changes nothing except your own understanding.
"""

import jax, jax.numpy as jnp
import numpy as np
import math

N_FIELDS = 26
CARD = 100000
D = 64
BATCH = 4096

def setup_inputs(seed: int = 0) -> dict:
    key = jax.random.key(seed)
    k1, k2, k3 = jax.random.split(key, 3)
    x = jax.random.randint(k1, (BATCH, N_FIELDS), 0, CARD, dtype=jnp.int64) if jax.config.jax_enable_x64 else jax.random.randint(k1, (BATCH, N_FIELDS), 0, CARD, dtype=jnp.int32)
    cardinalities = [CARD] * N_FIELDS
    offsets = jnp.asarray(np.concatenate([[0], np.cumsum(cardinalities[:-1])]), dtype=x.dtype)
    d_sqrt_inv = 1.0 / math.sqrt(D)
    table = jax.random.uniform(k2, (sum(cardinalities), D), dtype=jnp.float32, minval=-d_sqrt_inv, maxval=d_sqrt_inv)
    bias = jax.random.uniform(k3, (N_FIELDS, D), dtype=jnp.float32, minval=-d_sqrt_inv, maxval=d_sqrt_inv)
    return {"x": x, "table": table, "bias": bias, "offsets": offsets}

def reference(x, table, bias, offsets):
    idx = x + offsets[None]
    out = jnp.take(table, idx, axis=0)
    out = out + bias[None]
    return out

if __name__ == "__main__":
    import jax
    _d = setup_inputs()
    print(jax.jit(kernel)(*tuple(_d.values())))

</pallas_src>

<mosaic_0001>
#map = affine_map<(d0, d1) -> (0, 0)>
#map1 = affine_map<(d0, d1) -> (0)>
module attributes {stable_mosaic.version = 14 : i64} {
  func.func @emb_kernel(%arg0: i32, %arg1: i32, %arg2: memref<26x4096xi32, #tpu.memory_space<hbm>>, %arg3: memref<26xi32, #tpu.memory_space<hbm>>, %arg4: memref<64x2600000xf32, #tpu.memory_space<hbm>>, %arg5: memref<64x256xf32, #tpu.memory_space<hbm>>, %arg6: memref<1664xf32, #tpu.memory_space<hbm>>, %arg7: memref<106496x128xf32, #tpu.memory_space<hbm>>, %arg8: memref<4096xi32, #tpu.memory_space<vmem>>, %arg9: memref<4096xi32, #tpu.memory_space<vmem>>, %arg10: memref<4096xi32, #tpu.memory_space<vmem>>, %arg11: memref<4096xi32, #tpu.memory_space<vmem>>, %arg12: memref<512xi32, #tpu.memory_space<vmem>>, %arg13: memref<512xi32, #tpu.memory_space<vmem>>, %arg14: memref<32x128xi32, #tpu.memory_space<vmem>>, %arg15: memref<26xi32, #tpu.memory_space<vmem>>, %arg16: memref<1664xf32, #tpu.memory_space<vmem>>, %arg17: memref<4x64x256xf32, #tpu.memory_space<vmem>>, %arg18: memref<2x128x128xf32, #tpu.memory_space<vmem>>, %arg19: memref<!tpu.dma_semaphore, #tpu.memory_space<semaphore_mem>>, %arg20: memref<!tpu.dma_semaphore, #tpu.memory_space<semaphore_mem>>, %arg21: memref<!tpu.dma_semaphore, #tpu.memory_space<semaphore_mem>>, %arg22: memref<!tpu.dma_semaphore, #tpu.memory_space<semaphore_mem>>, %arg23: memref<!tpu.dma_semaphore, #tpu.memory_space<semaphore_mem>>, %arg24: memref<!tpu.dma_semaphore, #tpu.memory_space<semaphore_mem>>) attributes {dimension_semantics = [#tpu.dimension_semantics<core_parallel>, #tpu.dimension_semantics<subcore_parallel>], iteration_bounds = array<i64: 2, 16>, scalar_prefetch = 0 : i64, scratch_operands = 17 : i64, tpu.core_type = #tpu.core_type<sc_vector_subcore>, window_params = [{transform_indices = #map}, {transform_indices = #map1}, {transform_indices = #map}, {transform_indices = #map}, {transform_indices = #map1}, {transform_indices = #map}]} {
    %mul3A = arith.constant 2 : i32
    %mul3A_0 = arith.muli %arg1, %mul3A : i32
    %add3A = arith.addi %mul3A_0, %arg0 : i32
    %lt3A = arith.constant 26 : i32
    %lt3A_1 = arith.cmpi slt, %add3A, %lt3A : i32
    %convert_element_type3A = arith.extui %lt3A_1 : i1 to i32
    %cond3A = arith.constant 0 : i32
    %cond3A_2 = arith.cmpi ne, %convert_element_type3A, %cond3A : i32
    scf.if %cond3A_2 {
      %iota3A = tpu.iota {dimensions = array<i32: 0>} : vector<16xi32>
      "tpu.region"() ({
        %run_scoped3A = tpu.sem_alloc : memref<!tpu.dma_semaphore, #tpu.memory_space<semaphore_mem>>
        %dma_start3A = arith.constant 0 : i32
        %dma_start3A_978 = tpu.memref_slice %arg2[%add3A, %dma_start3A] : memref<26x4096xi32, #tpu.memory_space<hbm>> -> memref<1x4096xi32, #tpu.memory_space<hbm>>
        %dma_start3A_979 = tpu.memref_squeeze %dma_start3A_978 : memref<1x4096xi32, #tpu.memory_space<hbm>> -> memref<4096xi32, #tpu.memory_space<hbm>>
        %dma_start3A_980 = arith.constant 0 : i32
        %dma_start3A_981 = tpu.memref_slice %arg2[%add3A, %dma_start3A_980] : memref<26x4096xi32, #tpu.memory_space<hbm>> -> memref<1x4096xi32, #tpu.memory_space<hbm>>
        %dma_start3A_982 = tpu.memref_squeeze %dma_start3A_981 : memref<1x4096xi32, #tpu.memory_space<hbm>> -> memref<4096xi32, #tpu.memory_space<hbm>>
        tpu.enqueue_dma source(%dma_start3A_982 : memref<4096xi32, #tpu.memory_space<hbm>>) target(%arg8 : memref<4096xi32, #tpu.memory_space<vmem>>) target_semaphore(%run_scoped3A : memref<!tpu.dma_semaphore, #tpu.memory_space<semaphore_mem>>)
        %dma_wait3A_983 = arith.constant 0 : i32
        %dma_wait3A_984 = tpu.memref_slice %arg2[%add3A, %dma_wait3A_983] : memref<26x4096xi32, #tpu.memory_space<hbm>> -> memref<1x4096xi32, #tpu.memory_space<hbm>>
        %dma_wait3A_985 = tpu.memref_squeeze %dma_wait3A_984 : memref<1x4096xi32, #tpu.memory_space<hbm>> -> memref<4096xi32, #tpu.memory_space<hbm>>
        %dma_wait3A_986 = arith.constant 0 : i32
        %dma_wait3A_987 = tpu.memref_slice %arg2[%add3A, %dma_wait3A_986] : memref<26x4096xi32, #tpu.memory_space<hbm>> -> memref<1x4096xi32, #tpu.memory_space<hbm>>
        %dma_wait3A_988 = tpu.memref_squeeze %dma_wait3A_987 : memref<1x4096xi32, #tpu.memory_space<hbm>> -> memref<4096xi32, #tpu.memory_space<hbm>>
        tpu.wait_dma2 semaphore(%run_scoped3A : memref<!tpu.dma_semaphore, #tpu.memory_space<semaphore_mem>>) src(%dma_wait3A_988 : memref<4096xi32, #tpu.memory_space<hbm>>) dst(%arg8 : memref<4096xi32, #tpu.memory_space<vmem>>)
        tpu.yield
      }) : () -> ()
      "tpu.region"() ({
        %run_scoped3A = tpu.sem_alloc : memref<!tpu.dma_semaphore, #tpu.memory_space<semaphore_mem>>
        tpu.enqueue_dma source(%arg3 : memref<26xi32, #tpu.memory_space<hbm>>) target(%arg15 : memref<26xi32, #tpu.memory_space<vmem>>) target_semaphore(%run_scoped3A : memref<!tpu.dma_semaphore, #tpu.memory_space<semaphore_mem>>)
        tpu.wait_dma2 semaphore(%run_scoped3A : memref<!tpu.dma_semaphore, #tpu.memory_space<semaphore_mem>>) src(%arg3 : memref<26xi32, #tpu.memory_space<hbm>>) dst(%arg15 : memref<26xi32, #tpu.memory_space<vmem>>)
        tpu.yield
      }) : () -> ()
      "tpu.region"() ({
        %run_scoped3A = tpu.sem_alloc : memref<!tpu.dma_semaphore, #tpu.memory_space<semaphore_mem>>
        tpu.enqueue_dma source(%arg6 : memref<1664xf32, #tpu.memory_space<hbm>>) target(%arg16 : memref<1664xf32, #tpu.memory_space<vmem>>) target_semaphore(%run_scoped3A : memref<!tpu.dma_semaphore, #tpu.memory_space<semaphore_mem>>)
        tpu.wait_dma2 semaphore(%run_scoped3A : memref<!tpu.dma_semaphore, #tpu.memory_space<semaphore_mem>>) src(%arg6 : memref<1664xf32, #tpu.memory_space<hbm>>) dst(%arg16 : memref<1664xf32, #tpu.memory_space<vmem>>)
        tpu.yield
      }) : () -> ()
      %broadcast_in_dim3A = vector.broadcast %add3A : i32 to vector<16xi32>
      %gather3A = tpu.vector_load_idx %arg15[%broadcast_in_dim3A] : memref<26xi32, #tpu.memory_space<vmem>>[vector<16xi32>], vector<16xi32>,
      %reduce_max3A = arith.constant true
      %reduce_max3A_3 = vector.broadcast %reduce_max3A : i1 to vector<16xi1>
      %reduce_max3A_4 = arith.constant -2147483648 : i32
      %reduce_max3A_5 = vector.broadcast %reduce_max3A_4 : i32 to vector<16xi32>
      %reduce_max3A_6 = arith.xori %gather3A, %reduce_max3A_5 : vector<16xi32>
      %reduce_max3A_7 = tpu.scan <max>, %reduce_max3A_6 masked %reduce_max3A_3 : vector<16xi32>, vector<16xi1> -> vector<16xi32>
      %reduce_max3A_8 = arith.xori %reduce_max3A_7, %reduce_max3A_5 : vector<16xi32>
      %reduce_max3A_9 = vector.extract %reduce_max3A_8[15] : i32 from vector<16xi32>
      %add3A_10 = arith.constant 1 : i32
      %add3A_11 = arith.addi %add3A, %add3A_10 : i32
      %min3A = arith.constant 25 : i32
      %min3A_12 = arith.minsi %add3A_11, %min3A : i32
      %broadcast_in_dim3A_13 = vector.broadcast %min3A_12 : i32 to vector<16xi32>
      %gather3A_14 = tpu.vector_load_idx %arg15[%broadcast_in_dim3A_13] : memref<26xi32, #tpu.memory_space<vmem>>[vector<16xi32>], vector<16xi32>,
      %add3A_15 = arith.constant 1 : i32
      %add3A_16 = arith.addi %add3A, %add3A_15 : i32
      %lt3A_17 = arith.constant 26 : i32
      %lt3A_18 = arith.cmpi slt, %add3A_16, %lt3A_17 : i32
      %reduce_max3A_19 = arith.constant true
      %reduce_max3A_20 = vector.broadcast %reduce_max3A_19 : i1 to vector<16xi1>
      %reduce_max3A_21 = arith.constant -2147483648 : i32
      %reduce_max3A_22 = vector.broadcast %reduce_max3A_21 : i32 to vector<16xi32>
      %reduce_max3A_23 = arith.xori %gather3A_14, %reduce_max3A_22 : vector<16xi32>
      %reduce_max3A_24 = tpu.scan <max>, %reduce_max3A_23 masked %reduce_max3A_20 : vector<16xi32>, vector<16xi1> -> vector<16xi32>
      %reduce_max3A_25 = arith.xori %reduce_max3A_24, %reduce_max3A_22 : vector<16xi32>
      %reduce_max3A_26 = vector.extract %reduce_max3A_25[15] : i32 from vector<16xi32>
      %jit3A = arith.constant 2600000 : i32
      %select_n3A = arith.select %lt3A_18, %reduce_max3A_26, %jit3A : i32
      %shift_right_logical3A = arith.constant 8 : i32
      %shift_right_logical3A_27 = arith.shrui %reduce_max3A_9, %shift_right_logical3A : i32
      %sub3A = arith.constant 1 : i32
      %sub3A_28 = arith.subi %select_n3A, %sub3A : i32
      %shift_right_logical3A_29 = arith.constant 8 : i32
      %shift_right_logical3A_30 = arith.shrui %sub3A_28, %shift_right_logical3A_29 : i32
      %sub3A_31 = arith.subi %shift_right_logical3A_30, %shift_right_logical3A_27 : i32
      %add3A_32 = arith.constant 1 : i32
      %add3A_33 = arith.addi %sub3A_31, %add3A_32 : i32
      %add3A_34 = arith.constant 1 : i32
      %add3A_35 = arith.addi %shift_right_logical3A_30, %add3A_34 : i32
      %mul3A_36 = arith.constant 256 : i32
      %mul3A_37 = arith.muli %add3A_35, %mul3A_36 : i32
      %gt3A = arith.constant 2600000 : i32
      %gt3A_38 = arith.cmpi sgt, %mul3A_37, %gt3A : i32
      %mul3A_39 = arith.constant 64 : i32
      %mul3A_40 = arith.muli %add3A, %mul3A_39 : i32
      %broadcast_in_dim3A_41 = vector.broadcast %mul3A_40 : i32 to vector<16xi32>
      %add3A_42 = arith.addi %broadcast_in_dim3A_41, %iota3A : vector<16xi32>
      %add3A_43 = arith.constant 0 : i32
      %add3A_44 = vector.broadcast %add3A_43 : i32 to vector<16xi32>
      %add3A_45 = arith.addi %add3A_42, %add3A_44 : vector<16xi32>
      %gather3A_46 = tpu.vector_load_idx %arg16[%add3A_45] : memref<1664xf32, #tpu.memory_space<vmem>>[vector<16xi32>], vector<16xf32>,
      %mul3A_47 = arith.constant 64 : i32
      %mul3A_48 = arith.muli %add3A, %mul3A_47 : i32
      %broadcast_in_dim3A_49 = vector.broadcast %mul3A_48 : i32 to vector<16xi32>
      %add3A_50 = arith.addi %broadcast_in_dim3A_49, %iota3A : vector<16xi32>
      %add3A_51 = arith.constant 16 : i32
      %add3A_52 = vector.broadcast %add3A_51 : i32 to vector<16xi32>
      %add3A_53 = arith.addi %add3A_50, %add3A_52 : vector<16xi32>
      %gather3A_54 = tpu.vector_load_idx %arg16[%add3A_53] : memref<1664xf32, #tpu.memory_space<vmem>>[vector<16xi32>], vector<16xf32>,
      %mul3A_55 = arith.constant 64 : i32
      %mul3A_56 = arith.muli %add3A, %mul3A_55 : i32
      %broadcast_in_dim3A_57 = vector.broadcast %mul3A_56 : i32 to vector<16xi32>
      %add3A_58 = arith.addi %broadcast_in_dim3A_57, %iota3A : vector<16xi32>
      %add3A_59 = arith.constant 32 : i32
      %add3A_60 = vector.broadcast %add3A_59 : i32 to vector<16xi32>
      %add3A_61 = arith.addi %add3A_58, %add3A_60 : vector<16xi32>
      %gather3A_62 = tpu.vector_load_idx %arg16[%add3A_61] : memref<1664xf32, #tpu.memory_space<vmem>>[vector<16xi32>], vector<16xf32>,
      %mul3A_63 = arith.constant 64 : i32
      %mul3A_64 = arith.muli %add3A, %mul3A_63 : i32
      %broadcast_in_dim3A_65 = vector.broadcast %mul3A_64 : i32 to vector<16xi32>
      %add3A_66 = arith.addi %broadcast_in_dim3A_65, %iota3A : vector<16xi32>
      %add3A_67 = arith.constant 48 : i32
      %add3A_68 = vector.broadcast %add3A_67 : i32 to vector<16xi32>
      %add3A_69 = arith.addi %add3A_66, %add3A_68 : vector<16xi32>
      %gather3A_70 = tpu.vector_load_idx %arg16[%add3A_69] : memref<1664xf32, #tpu.memory_space<vmem>>[vector<16xi32>], vector<16xf32>,
      %scan3A = arith.constant 0 : i32
      %scan3A_71 = arith.constant 0 : i32
      %scan3A_72 = arith.constant 256 : i32
      %scan3A_73 = arith.addi %scan3A_71, %scan3A_72 : i32
      %scan3A_74 = arith.constant 1 : i32
      scf.for %scan3A_978 = %scan3A_71 to %scan3A_73 step %scan3A_74  : i32 {
        %mul3A_979 = arith.constant 16 : i32
        %mul3A_980 = arith.muli %scan3A_978, %mul3A_979 : i32
        %multiple_of3A = tpu.assume_multiple %mul3A_980, 8 : i32
        %get3A_981 = arith.index_cast %multiple_of3A : i32 to index
        %get3A_982 = tpu.vector_load %arg8[%get3A_981] {strides = array<i32>} : memref<4096xi32, #tpu.memory_space<vmem>>, vector<16xi32>,
        %add3A_983 = arith.addi %get3A_982, %gather3A : vector<16xi32>
        %swap3A_984 = arith.index_cast %multiple_of3A : i32 to index
        %swap3A_985 = tpu.vector_load %arg8[%swap3A_984] {strides = array<i32>} : memref<4096xi32, #tpu.memory_space<vmem>>, vector<16xi32>,
        tpu.vector_store %arg8[%swap3A_984], %add3A_983 {strides = array<i32>} : memref<4096xi32, #tpu.memory_space<vmem>>, vector<16xi32>,
        %shift_right_logical3A_986 = arith.constant 8 : i32
        %shift_right_logical3A_987 = vector.broadcast %shift_right_logical3A_986 : i32 to vector<16xi32>
        %shift_right_logical3A_988 = arith.shrui %add3A_983, %shift_right_logical3A_987 : vector<16xi32>
        %sub3A_989 = vector.broadcast %shift_right_logical3A_27 : i32 to vector<16xi32>
        %sub3A_990 = arith.subi %shift_right_logical3A_988, %sub3A_989 : vector<16xi32>
        %swap3A_991 = arith.index_cast %multiple_of3A : i32 to index
        %swap3A_992 = tpu.vector_load %arg9[%swap3A_991] {strides = array<i32>} : memref<4096xi32, #tpu.memory_space<vmem>>, vector<16xi32>,
        tpu.vector_store %arg9[%swap3A_991], %sub3A_990 {strides = array<i32>} : memref<4096xi32, #tpu.memory_space<vmem>>, vector<16xi32>,
      }
      %scan3A_75 = arith.constant 256 : i32
      %broadcast_in_dim3A_76 = arith.constant 0 : i32
      %broadcast_in_dim3A_77 = vector.broadcast %broadcast_in_dim3A_76 : i32 to vector<16xi32>
      %swap3A = arith.constant 0 : index
      %swap3A_78 = tpu.vector_load %arg12[%swap3A] {strides = array<i32>} : memref<512xi32, #tpu.memory_space<vmem>>, vector<16xi32>,
      tpu.vector_store %arg12[%swap3A], %broadcast_in_dim3A_77 {strides = array<i32>} : memref<512xi32, #tpu.memory_space<vmem>>, vector<16xi32>,
      %broadcast_in_dim3A_79 = arith.constant 0 : i32
      %broadcast_in_dim3A_80 = vector.broadcast %broadcast_in_dim3A_79 : i32 to vector<16xi32>
      %swap3A_81 = arith.constant 16 : index
      %swap3A_82 = tpu.vector_load %arg12[%swap3A_81] {strides = array<i32>} : memref<512xi32, #tpu.memory_space<vmem>>, vector<16xi32>,
      tpu.vector_store %arg12[%swap3A_81], %broadcast_in_dim3A_80 {strides = array<i32>} : memref<512xi32, #tpu.memory_space<vmem>>, vector<16xi32>,
      %broadcast_in_dim3A_83 = arith.constant 0 : i32
      %broadcast_in_dim3A_84 = vector.broadcast %broadcast_in_dim3A_83 : i32 to vector<16xi32>
      %swap3A_85 = arith.constant 32 : index
      %swap3A_86 = tpu.vector_load %arg12[%swap3A_85] {strides = array<i32>} : memref<512xi32, #tpu.memory_space<vmem>>, vector<16xi32>,
      tpu.vector_store %arg12[%swap3A_85], %broadcast_in_dim3A_84 {strides = array<i32>} : memref<512xi32, #tpu.memory_space<vmem>>, vector<16xi32>,
      %broadcast_in_dim3A_87 = arith.constant 0 : i32
      %broadcast_in_dim3A_88 = vector.broadcast %broadcast_in_dim3A_87 : i32 to vector<16xi32>
      %swap3A_89 = arith.constant 48 : index
      %swap3A_90 = tpu.vector_load %arg12[%swap3A_89] {strides = array<i32>} : memref<512xi32, #tpu.memory_space<vmem>>, vector<16xi32>,
      tpu.vector_store %arg12[%swap3A_89], %broadcast_in_dim3A_88 {strides = array<i32>} : memref<512xi32, #tpu.memory_space<vmem>>, vector<16xi32>,
      %broadcast_in_dim3A_91 = arith.constant 0 : i32
      %broadcast_in_dim3A_92 = vector.broadcast %broadcast_in_dim3A_91 : i32 to vector<16xi32>
      %swap3A_93 = arith.constant 64 : index
      %swap3A_94 = tpu.vector_load %arg12[%swap3A_93] {strides = array<i32>} : memref<512xi32, #tpu.memory_space<vmem>>, vector<16xi32>,
      tpu.vector_store %arg12[%swap3A_93], %broadcast_in_dim3A_92 {strides = array<i32>} : memref<512xi32, #tpu.memory_space<vmem>>, vector<16xi32>,
      %broadcast_in_dim3A_95 = arith.constant 0 : i32
      %broadcast_in_dim3A_96 = vector.broadcast %broadcast_in_dim3A_95 : i32 to vector<16xi32>
      %swap3A_97 = arith.constant 80 : index
      %swap3A_98 = tpu.vector_load %arg12[%swap3A_97] {strides = array<i32>} : memref<512xi32, #tpu.memory_space<vmem>>, vector<16xi32>,
      tpu.vector_store %arg12[%swap3A_97], %broadcast_in_dim3A_96 {strides = array<i32>} : memref<512xi32, #tpu.memory_space<vmem>>, vector<16xi32>,
      %broadcast_in_dim3A_99 = arith.constant 0 : i32
      %broadcast_in_dim3A_100 = vector.broadcast %broadcast_in_dim3A_99 : i32 to vector<16xi32>
      %swap3A_101 = arith.constant 96 : index
      %swap3A_102 = tpu.vector_load %arg12[%swap3A_101] {strides = array<i32>} : memref<512xi32, #tpu.memory_space<vmem>>, vector<16xi32>,
      tpu.vector_store %arg12[%swap3A_101], %broadcast_in_dim3A_100 {strides = array<i32>} : memref<512xi32, #tpu.memory_space<vmem>>, vector<16xi32>,
      %broadcast_in_dim3A_103 = arith.constant 0 : i32
      %broadcast_in_dim3A_104 = vector.broadcast %broadcast_in_dim3A_103 : i32 to vector<16xi32>
      %swap3A_105 = arith.constant 112 : index
      %swap3A_106 = tpu.vector_load %arg12[%swap3A_105] {strides = array<i32>} : memref<512xi32, #tpu.memory_space<vmem>>, vector<16xi32>,
      tpu.vector_store %arg12[%swap3A_105], %broadcast_in_dim3A_104 {strides = array<i32>} : memref<512xi32, #tpu.memory_space<vmem>>, vector<16xi32>,
      %broadcast_in_dim3A_107 = arith.constant 0 : i32
      %broadcast_in_dim3A_108 = vector.broadcast %broadcast_in_dim3A_107 : i32 to vector<16xi32>
      %swap3A_109 = arith.constant 128 : index
      %swap3A_110 = tpu.vector_load %arg12[%swap3A_109] {strides = array<i32>} : memref<512xi32, #tpu.memory_space<vmem>>, vector<16xi32>,
      tpu.vector_store %arg12[%swap3A_109], %broadcast_in_dim3A_108 {strides = array<i32>} : memref<512xi32, #tpu.memory_space<vmem>>, vector<16xi32>,
      %broadcast_in_dim3A_111 = arith.constant 0 : i32
      %broadcast_in_dim3A_112 = vector.broadcast %broadcast_in_dim3A_111 : i32 to vector<16xi32>
      %swap3A_113 = arith.constant 144 : index
      %swap3A_114 = tpu.vector_load %arg12[%swap3A_113] {strides = array<i32>} : memref<512xi32, #tpu.memory_space<vmem>>, vector<16xi32>,
      tpu.vector_store %arg12[%swap3A_113], %broadcast_in_dim3A_112 {strides = array<i32>} : memref<512xi32, #tpu.memory_space<vmem>>, vector<16xi32>,
      %broadcast_in_dim3A_115 = arith.constant 0 : i32
      %broadcast_in_dim3A_116 = vector.broadcast %broadcast_in_dim3A_115 : i32 to vector<16xi32>
      %swap3A_117 = arith.constant 160 : index
      %swap3A_118 = tpu.vector_load %arg12[%swap3A_117] {strides = array<i32>} : memref<512xi32, #tpu.memory_space<vmem>>, vector<16xi32>,
      tpu.vector_store %arg12[%swap3A_117], %broadcast_in_dim3A_116 {strides = array<i32>} : memref<512xi32, #tpu.memory_space<vmem>>, vector<16xi32>,
      %broadcast_in_dim3A_119 = arith.constant 0 : i32
      %broadcast_in_dim3A_120 = vector.broadcast %broadcast_in_dim3A_119 : i32 to vector<16xi32>
      %swap3A_121 = arith.constant 176 : index
      %swap3A_122 = tpu.vector_load %arg12[%swap3A_121] {strides = array<i32>} : memref<512xi32, #tpu.memory_space<vmem>>, vector<16xi32>,
      tpu.vector_store %arg12[%swap3A_121], %broadcast_in_dim3A_120 {strides = array<i32>} : memref<512xi32, #tpu.memory_space<vmem>>, vector<16xi32>,
      %broadcast_in_dim3A_123 = arith.constant 0 : i32
      %broadcast_in_dim3A_124 = vector.broadcast %broadcast_in_dim3A_123 : i32 to vector<16xi32>
      %swap3A_125 = arith.constant 192 : index
      %swap3A_126 = tpu.vector_load %arg12[%swap3A_125] {strides = array<i32>} : memref<512xi32, #tpu.memory_space<vmem>>, vector<16xi32>,
      tpu.vector_store %arg12[%swap3A_125], %broadcast_in_dim3A_124 {strides = array<i32>} : memref<512xi32, #tpu.memory_space<vmem>>, vector<16xi32>,
      %broadcast_in_dim3A_127 = arith.constant 0 : i32
      %broadcast_in_dim3A_128 = vector.broadcast %broadcast_in_dim3A_127 : i32 to vector<16xi32>
      %swap3A_129 = arith.constant 208 : index
      %swap3A_130 = tpu.vector_load %arg12[%swap3A_129] {strides = array<i32>} : memref<512xi32, #tpu.memory_space<vmem>>, vector<16xi32>,
      tpu.vector_store %arg12[%swap3A_129], %broadcast_in_dim3A_128 {strides = array<i32>} : memref<512xi32, #tpu.memory_space<vmem>>, vector<16xi32>,
      %broadcast_in_dim3A_131 = arith.constant 0 : i32
      %broadcast_in_dim3A_132 = vector.broadcast %broadcast_in_dim3A_131 : i32 to vector<16xi32>
      %swap3A_133 = arith.constant 224 : index
      %swap3A_134 = tpu.vector_load %arg12[%swap3A_133] {strides = array<i32>} : memref<512xi32, #tpu.memory_space<vmem>>, vector<16xi32>,
      tpu.vector_store %arg12[%swap3A_133], %broadcast_in_dim3A_132 {strides = array<i32>} : memref<512xi32, #tpu.memory_space<vmem>>, vector<16xi32>,
      %broadcast_in_dim3A_135 = arith.constant 0 : i32
      %broadcast_in_dim3A_136 = vector.broadcast %broadcast_in_dim3A_135 : i32 to vector<16xi32>
      %swap3A_137 = arith.constant 240 : index
      %swap3A_138 = tpu.vector_load %arg12[%swap3A_137] {strides = array<i32>} : memref<512xi32, #tpu.memory_space<vmem>>, vector<16xi32>,
      tpu.vector_store %arg12[%swap3A_137], %broadcast_in_dim3A_136 {strides = array<i32>} : memref<512xi32, #tpu.memory_space<vmem>>, vector<16xi32>,
      %broadcast_in_dim3A_139 = arith.constant 0 : i32
      %broadcast_in_dim3A_140 = vector.broadcast %broadcast_in_dim3A_139 : i32 to vector<16xi32>
      %swap3A_141 = arith.constant 256 : index
      %swap3A_142 = tpu.vector_load %arg12[%swap3A_141] {strides = array<i32>} : memref<512xi32, #tpu.memory_space<vmem>>, vector<16xi32>,
      tpu.vector_store %arg12[%swap3A_141], %broadcast_in_dim3A_140 {strides = array<i32>} : memref<512xi32, #tpu.memory_space<vmem>>, vector<16xi32>,
      %broadcast_in_dim3A_143 = arith.constant 0 : i32
      %broadcast_in_dim3A_144 = vector.broadcast %broadcast_in_dim3A_143 : i32 to vector<16xi32>
      %swap3A_145 = arith.constant 272 : index
      %swap3A_146 = tpu.vector_load %arg12[%swap3A_145] {strides = array<i32>} : memref<512xi32, #tpu.memory_space<vmem>>, vector<16xi32>,
      tpu.vector_store %arg12[%swap3A_145], %broadcast_in_dim3A_144 {strides = array<i32>} : memref<512xi32, #tpu.memory_space<vmem>>, vector<16xi32>,
      %broadcast_in_dim3A_147 = arith.constant 0 : i32
      %broadcast_in_dim3A_148 = vector.broadcast %broadcast_in_dim3A_147 : i32 to vector<16xi32>
      %swap3A_149 = arith.constant 288 : index
      %swap3A_150 = tpu.vector_load %arg12[%swap3A_149] {strides = array<i32>} : memref<512xi32, #tpu.memory_space<vmem>>, vector<16xi32>,
      tpu.vector_store %arg12[%swap3A_149], %broadcast_in_dim3A_148 {strides = array<i32>} : memref<512xi32, #tpu.memory_space<vmem>>, vector<16xi32>,
      %broadcast_in_dim3A_151 = arith.constant 0 : i32
      %broadcast_in_dim3A_152 = vector.broadcast %broadcast_in_dim3A_151 : i32 to vector<16xi32>
      %swap3A_153 = arith.constant 304 : index
      %swap3A_154 = tpu.vector_load %arg12[%swap3A_153] {strides = array<i32>} : memref<512xi32, #tpu.memory_space<vmem>>, vector<16xi32>,
      tpu.vector_store %arg12[%swap3A_153], %broadcast_in_dim3A_152 {strides = array<i32>} : memref<512xi32, #tpu.memory_space<vmem>>, vector<16xi32>,
      %broadcast_in_dim3A_155 = arith.constant 0 : i32
      %broadcast_in_dim3A_156 = vector.broadcast %broadcast_in_dim3A_155 : i32 to vector<16xi32>
      %swap3A_157 = arith.constant 320 : index
      %swap3A_158 = tpu.vector_load %arg12[%swap3A_157] {strides = array<i32>} : memref<512xi32, #tpu.memory_space<vmem>>, vector<16xi32>,
      tpu.vector_store %arg12[%swap3A_157], %broadcast_in_dim3A_156 {strides = array<i32>} : memref<512xi32, #tpu.memory_space<vmem>>, vector<16xi32>,
      %broadcast_in_dim3A_159 = arith.constant 0 : i32
      %broadcast_in_dim3A_160 = vector.broadcast %broadcast_in_dim3A_159 : i32 to vector<16xi32>
      %swap3A_161 = arith.constant 336 : index
      %swap3A_162 = tpu.vector_load %arg12[%swap3A_161] {strides = array<i32>} : memref<512xi32, #tpu.memory_space<vmem>>, vector<16xi32>,
      tpu.vector_store %arg12[%swap3A_161], %broadcast_in_dim3A_160 {strides = array<i32>} : memref<512xi32, #tpu.memory_space<vmem>>, vector<16xi32>,
      %broadcast_in_dim3A_163 = arith.constant 0 : i32
      %broadcast_in_dim3A_164 = vector.broadcast %broadcast_in_dim3A_163 : i32 to vector<16xi32>
      %swap3A_165 = arith.constant 352 : index
      %swap3A_166 = tpu.vector_load %arg12[%swap3A_165] {strides = array<i32>} : memref<512xi32, #tpu.memory_space<vmem>>, vector<16xi32>,
      tpu.vector_store %arg12[%swap3A_165], %broadcast_in_dim3A_164 {strides = array<i32>} : memref<512xi32, #tpu.memory_space<vmem>>, vector<16xi32>,
      %broadcast_in_dim3A_167 = arith.constant 0 : i32
      %broadcast_in_dim3A_168 = vector.broadcast %broadcast_in_dim3A_167 : i32 to vector<16xi32>
      %swap3A_169 = arith.constant 368 : index
      %swap3A_170 = tpu.vector_load %arg12[%swap3A_169] {strides = array<i32>} : memref<512xi32, #tpu.memory_space<vmem>>, vector<16xi32>,
      tpu.vector_store %arg12[%swap3A_169], %broadcast_in_dim3A_168 {strides = array<i32>} : memref<512xi32, #tpu.memory_space<vmem>>, vector<16xi32>,
      %broadcast_in_dim3A_171 = arith.constant 0 : i32
      %broadcast_in_dim3A_172 = vector.broadcast %broadcast_in_dim3A_171 : i32 to vector<16xi32>
      %swap3A_173 = arith.constant 384 : index
      %swap3A_174 = tpu.vector_load %arg12[%swap3A_173] {strides = array<i32>} : memref<512xi32, #tpu.memory_space<vmem>>, vector<16xi32>,
      tpu.vector_store %arg12[%swap3A_173], %broadcast_in_dim3A_172 {strides = array<i32>} : memref<512xi32, #tpu.memory_space<vmem>>, vector<16xi32>,
      %broadcast_in_dim3A_175 = arith.constant 0 : i32
      %broadcast_in_dim3A_176 = vector.broadcast %broadcast_in_dim3A_175 : i32 to vector<16xi32>
      %swap3A_177 = arith.constant 400 : index
      %swap3A_178 = tpu.vector_load %arg12[%swap3A_177] {strides = array<i32>} : memref<512xi32, #tpu.memory_space<vmem>>, vector<16xi32>,
      tpu.vector_store %arg12[%swap3A_177], %broadcast_in_dim3A_176 {strides = array<i32>} : memref<512xi32, #tpu.memory_space<vmem>>, vector<16xi32>,
      %broadcast_in_dim3A_179 = arith.constant 0 : i32
      %broadcast_in_dim3A_180 = vector.broadcast %broadcast_in_dim3A_179 : i32 to vector<16xi32>
      %swap3A_181 = arith.constant 416 : index
      %swap3A_182 = tpu.vector_load %arg12[%swap3A_181] {strides = array<i32>} : memref<512xi32, #tpu.memory_space<vmem>>, vector<16xi32>,
      tpu.vector_store %arg12[%swap3A_181], %broadcast_in_dim3A_180 {strides = array<i32>} : memref<512xi32, #tpu.memory_space<vmem>>, vector<16xi32>,
      %broadcast_in_dim3A_183 = arith.constant 0 : i32
      %broadcast_in_dim3A_184 = vector.broadcast %broadcast_in_dim3A_183 : i32 to vector<16xi32>
      %swap3A_185 = arith.constant 432 : index
      %swap3A_186 = tpu.vector_load %arg12[%swap3A_185] {strides = array<i32>} : memref<512xi32, #tpu.memory_space<vmem>>, vector<16xi32>,
      tpu.vector_store %arg12[%swap3A_185], %broadcast_in_dim3A_184 {strides = array<i32>} : memref<512xi32, #tpu.memory_space<vmem>>, vector<16xi32>,
      %broadcast_in_dim3A_187 = arith.constant 0 : i32
      %broadcast_in_dim3A_188 = vector.broadcast %broadcast_in_dim3A_187 : i32 to vector<16xi32>
      %swap3A_189 = arith.constant 448 : index
      %swap3A_190 = tpu.vector_load %arg12[%swap3A_189] {strides = array<i32>} : memref<512xi32, #tpu.memory_space<vmem>>, vector<16xi32>,
      tpu.vector_store %arg12[%swap3A_189], %broadcast_in_dim3A_188 {strides = array<i32>} : memref<512xi32, #tpu.memory_space<vmem>>, vector<16xi32>,
      %broadcast_in_dim3A_191 = arith.constant 0 : i32
      %broadcast_in_dim3A_192 = vector.broadcast %broadcast_in_dim3A_191 : i32 to vector<16xi32>
      %swap3A_193 = arith.constant 464 : index
      %swap3A_194 = tpu.vector_load %arg12[%swap3A_193] {strides = array<i32>} : memref<512xi32, #tpu.memory_space<vmem>>, vector<16xi32>,
      tpu.vector_store %arg12[%swap3A_193], %broadcast_in_dim3A_192 {strides = array<i32>} : memref<512xi32, #tpu.memory_space<vmem>>, vector<16xi32>,
      %broadcast_in_dim3A_195 = arith.constant 0 : i32
      %broadcast_in_dim3A_196 = vector.broadcast %broadcast_in_dim3A_195 : i32 to vector<16xi32>
      %swap3A_197 = arith.constant 480 : index
      %swap3A_198 = tpu.vector_load %arg12[%swap3A_197] {strides = array<i32>} : memref<512xi32, #tpu.memory_space<vmem>>, vector<16xi32>,
      tpu.vector_store %arg12[%swap3A_197], %broadcast_in_dim3A_196 {strides = array<i32>} : memref<512xi32, #tpu.memory_space<vmem>>, vector<16xi32>,
      %broadcast_in_dim3A_199 = arith.constant 0 : i32
      %broadcast_in_dim3A_200 = vector.broadcast %broadcast_in_dim3A_199 : i32 to vector<16xi32>
      %swap3A_201 = arith.constant 496 : index
      %swap3A_202 = tpu.vector_load %arg12[%swap3A_201] {strides = array<i32>} : memref<512xi32, #tpu.memory_space<vmem>>, vector<16xi32>,
      tpu.vector_store %arg12[%swap3A_201], %broadcast_in_dim3A_200 {strides = array<i32>} : memref<512xi32, #tpu.memory_space<vmem>>, vector<16xi32>,
      %scan3A_203 = arith.constant 0 : i32
      %scan3A_204 = arith.constant 0 : i32
      %scan3A_205 = arith.constant 256 : i32
      %scan3A_206 = arith.addi %scan3A_204, %scan3A_205 : i32
      %scan3A_207 = arith.constant 1 : i32
      scf.for %scan3A_978 = %scan3A_204 to %scan3A_206 step %scan3A_207  : i32 {
        %mul3A_979 = arith.constant 16 : i32
        %mul3A_980 = arith.muli %scan3A_978, %mul3A_979 : i32
        %multiple_of3A = tpu.assume_multiple %mul3A_980, 8 : i32
        %get3A_981 = arith.index_cast %multiple_of3A : i32 to index
        %get3A_982 = tpu.vector_load %arg9[%get3A_981] {strides = array<i32>} : memref<4096xi32, #tpu.memory_space<vmem>>, vector<16xi32>,
        %jit3A_983 = arith.constant 0 : i32
        %jit3A_984 = arith.constant 510 : i32
        %max3A = vector.broadcast %jit3A_983 : i32 to vector<16xi32>
        %max3A_985 = arith.maxsi %max3A, %get3A_982 : vector<16xi32>
        %min3A_986 = vector.broadcast %jit3A_984 : i32 to vector<16xi32>
        %min3A_987 = arith.minsi %min3A_986, %max3A_985 : vector<16xi32>
        %broadcast_in_dim3A_988 = arith.constant true
        %broadcast_in_dim3A_989 = vector.broadcast %broadcast_in_dim3A_988 : i1 to vector<16xi1>
        %unique3A, %unique3A_990 = tpu.scan_count mask(%broadcast_in_dim3A_989 : vector<16xi1>) value(%min3A_987 : vector<16xi32>) : vector<16xi1>, vector<16xi32>
        %gather3A_991 = tpu.vector_load_idx %arg12[%min3A_987] : memref<512xi32, #tpu.memory_space<vmem>>[vector<16xi32>], vector<16xi32>,
        %add3A_992 = arith.addi %gather3A_991, %unique3A_990 : vector<16xi32>
        tpu.vector_store_idx %arg12[%min3A_987], %add3A_992 masked %unique3A : memref<512xi32, #tpu.memory_space<vmem>>[vector<16xi32>], vector<16xi32>, vector<16xi1>
      }
      %scan3A_208 = arith.constant 256 : i32
      %get3A = arith.constant 0 : index
      %get3A_209 = tpu.vector_load %arg12[%get3A] {strides = array<i32>} : memref<512xi32, #tpu.memory_space<vmem>>, vector<16xi32>,
      %broadcast_in_dim3A_210 = arith.constant true
      %broadcast_in_dim3A_211 = vector.broadcast %broadcast_in_dim3A_210 : i1 to vector<16xi1>
      %masked_cumsum3A = tpu.scan <sum>, %get3A_209 masked %broadcast_in_dim3A_211 : vector<16xi32>, vector<16xi1> -> vector<16xi32>
      %sub3A_212 = arith.subi %masked_cumsum3A, %get3A_209 : vector<16xi32>
      %broadcast_in_dim3A_213 = arith.constant 0 : i32
      %broadcast_in_dim3A_214 = vector.broadcast %broadcast_in_dim3A_213 : i32 to vector<16xi32>
      %add3A_215 = arith.addi %sub3A_212, %broadcast_in_dim3A_214 : vector<16xi32>
      %swap3A_216 = arith.constant 0 : index
      %swap3A_217 = tpu.vector_load %arg12[%swap3A_216] {strides = array<i32>} : memref<512xi32, #tpu.memory_space<vmem>>, vector<16xi32>,
      tpu.vector_store %arg12[%swap3A_216], %add3A_215 {strides = array<i32>} : memref<512xi32, #tpu.memory_space<vmem>>, vector<16xi32>,
      %swap3A_218 = arith.constant 0 : index
      %swap3A_219 = tpu.vector_load %arg13[%swap3A_218] {strides = array<i32>} : memref<512xi32, #tpu.memory_space<vmem>>, vector<16xi32>,
      tpu.vector_store %arg13[%swap3A_218], %add3A_215 {strides = array<i32>} : memref<512xi32, #tpu.memory_space<vmem>>, vector<16xi32>,
      %reduce_max3A_220 = arith.constant true
      %reduce_max3A_221 = vector.broadcast %reduce_max3A_220 : i1 to vector<16xi1>
      %reduce_max3A_222 = arith.constant -2147483648 : i32
      %reduce_max3A_223 = vector.broadcast %reduce_max3A_222 : i32 to vector<16xi32>
      %reduce_max3A_224 = arith.xori %masked_cumsum3A, %reduce_max3A_223 : vector<16xi32>
      %reduce_max3A_225 = tpu.scan <max>, %reduce_max3A_224 masked %reduce_max3A_221 : vector<16xi32>, vector<16xi1> -> vector<16xi32>
      %reduce_max3A_226 = arith.xori %reduce_max3A_225, %reduce_max3A_223 : vector<16xi32>
      %reduce_max3A_227 = vector.extract %reduce_max3A_226[15] : i32 from vector<16xi32>
      %add3A_228 = arith.constant 0 : i32
      %add3A_229 = arith.addi %add3A_228, %reduce_max3A_227 : i32
      %get3A_230 = arith.constant 16 : index
      %get3A_231 = tpu.vector_load %arg12[%get3A_230] {strides = array<i32>} : memref<512xi32, #tpu.memory_space<vmem>>, vector<16xi32>,
      %broadcast_in_dim3A_232 = arith.constant true
      %broadcast_in_dim3A_233 = vector.broadcast %broadcast_in_dim3A_232 : i1 to vector<16xi1>
      %masked_cumsum3A_234 = tpu.scan <sum>, %get3A_231 masked %broadcast_in_dim3A_233 : vector<16xi32>, vector<16xi1> -> vector<16xi32>
      %sub3A_235 = arith.subi %masked_cumsum3A_234, %get3A_231 : vector<16xi32>
      %broadcast_in_dim3A_236 = vector.broadcast %add3A_229 : i32 to vector<16xi32>
      %add3A_237 = arith.addi %sub3A_235, %broadcast_in_dim3A_236 : vector<16xi32>
      %swap3A_238 = arith.constant 16 : index
      %swap3A_239 = tpu.vector_load %arg12[%swap3A_238] {strides = array<i32>} : memref<512xi32, #tpu.memory_space<vmem>>, vector<16xi32>,
      tpu.vector_store %arg12[%swap3A_238], %add3A_237 {strides = array<i32>} : memref<512xi32, #tpu.memory_space<vmem>>, vector<16xi32>,
      %swap3A_240 = arith.constant 16 : index
      %swap3A_241 = tpu.vector_load %arg13[%swap3A_240] {strides = array<i32>} : memref<512xi32, #tpu.memory_space<vmem>>, vector<16xi32>,
      tpu.vector_store %arg13[%swap3A_240], %add3A_237 {strides = array<i32>} : memref<512xi32, #tpu.memory_space<vmem>>, vector<16xi32>,
      %reduce_max3A_242 = arith.constant true
      %reduce_max3A_243 = vector.broadcast %reduce_max3A_242 : i1 to vector<16xi1>
      %reduce_max3A_244 = arith.constant -2147483648 : i32
      %reduce_max3A_245 = vector.broadcast %reduce_max3A_244 : i32 to vector<16xi32>
      %reduce_max3A_246 = arith.xori %masked_cumsum3A_234, %reduce_max3A_245 : vector<16xi32>
      %reduce_max3A_247 = tpu.scan <max>, %reduce_max3A_246 masked %reduce_max3A_243 : vector<16xi32>, vector<16xi1> -> vector<16xi32>
      %reduce_max3A_248 = arith.xori %reduce_max3A_247, %reduce_max3A_245 : vector<16xi32>
      %reduce_max3A_249 = vector.extract %reduce_max3A_248[15] : i32 from vector<16xi32>
      %add3A_250 = arith.addi %add3A_229, %reduce_max3A_249 : i32
      %get3A_251 = arith.constant 32 : index
      %get3A_252 = tpu.vector_load %arg12[%get3A_251] {strides = array<i32>} : memref<512xi32, #tpu.memory_space<vmem>>, vector<16xi32>,
      %broadcast_in_dim3A_253 = arith.constant true
      %broadcast_in_dim3A_254 = vector.broadcast %broadcast_in_dim3A_253 : i1 to vector<16xi1>
      %masked_cumsum3A_255 = tpu.scan <sum>, %get3A_252 masked %broadcast_in_dim3A_254 : vector<16xi32>, vector<16xi1> -> vector<16xi32>
      %sub3A_256 = arith.subi %masked_cumsum3A_255, %get3A_252 : vector<16xi32>
      %broadcast_in_dim3A_257 = vector.broadcast %add3A_250 : i32 to vector<16xi32>
      %add3A_258 = arith.addi %sub3A_256, %broadcast_in_dim3A_257 : vector<16xi32>
      %swap3A_259 = arith.constant 32 : index
      %swap3A_260 = tpu.vector_load %arg12[%swap3A_259] {strides = array<i32>} : memref<512xi32, #tpu.memory_space<vmem>>, vector<16xi32>,
      tpu.vector_store %arg12[%swap3A_259], %add3A_258 {strides = array<i32>} : memref<512xi32, #tpu.memory_space<vmem>>, vector<16xi32>,
      %swap3A_261 = arith.constant 32 : index
      %swap3A_262 = tpu.vector_load %arg13[%swap3A_261] {strides = array<i32>} : memref<512xi32, #tpu.memory_space<vmem>>, vector<16xi32>,
      tpu.vector_store %arg13[%swap3A_261], %add3A_258 {strides = array<i32>} : memref<512xi32, #tpu.memory_space<vmem>>, vector<16xi32>,
      %reduce_max3A_263 = arith.constant true
      %reduce_max3A_264 = vector.broadcast %reduce_max3A_263 : i1 to vector<16xi1>
      %reduce_max3A_265 = arith.constant -2147483648 : i32
      %reduce_max3A_266 = vector.broadcast %reduce_max3A_265 : i32 to vector<16xi32>
      %reduce_max3A_267 = arith.xori %masked_cumsum3A_255, %reduce_max3A_266 : vector<16xi32>
      %reduce_max3A_268 = tpu.scan <max>, %reduce_max3A_267 masked %reduce_max3A_264 : vector<16xi32>, vector<16xi1> -> vector<16xi32>
      %reduce_max3A_269 = arith.xori %reduce_max3A_268, %reduce_max3A_266 : vector<16xi32>
      %reduce_max3A_270 = vector.extract %reduce_max3A_269[15] : i32 from vector<16xi32>
      %add3A_271 = arith.addi %add3A_250, %reduce_max3A_270 : i32
      %get3A_272 = arith.constant 48 : index
      %get3A_273 = tpu.vector_load %arg12[%get3A_272] {strides = array<i32>} : memref<512xi32, #tpu.memory_space<vmem>>, vector<16xi32>,
      %broadcast_in_dim3A_274 = arith.constant true
      %broadcast_in_dim3A_275 = vector.broadcast %broadcast_in_dim3A_274 : i1 to vector<16xi1>
      %masked_cumsum3A_276 = tpu.scan <sum>, %get3A_273 masked %broadcast_in_dim3A_275 : vector<16xi32>, vector<16xi1> -> vector<16xi32>
      %sub3A_277 = arith.subi %masked_cumsum3A_276, %get3A_273 : vector<16xi32>
      %broadcast_in_dim3A_278 = vector.broadcast %add3A_271 : i32 to vector<16xi32>
      %add3A_279 = arith.addi %sub3A_277, %broadcast_in_dim3A_278 : vector<16xi32>
      %swap3A_280 = arith.constant 48 : index
      %swap3A_281 = tpu.vector_load %arg12[%swap3A_280] {strides = array<i32>} : memref<512xi32, #tpu.memory_space<vmem>>, vector<16xi32>,
      tpu.vector_store %arg12[%swap3A_280], %add3A_279 {strides = array<i32>} : memref<512xi32, #tpu.memory_space<vmem>>, vector<16xi32>,
      %swap3A_282 = arith.constant 48 : index
      %swap3A_283 = tpu.vector_load %arg13[%swap3A_282] {strides = array<i32>} : memref<512xi32, #tpu.memory_space<vmem>>, vector<16xi32>,
      tpu.vector_store %arg13[%swap3A_282], %add3A_279 {strides = array<i32>} : memref<512xi32, #tpu.memory_space<vmem>>, vector<16xi32>,
      %reduce_max3A_284 = arith.constant true
      %reduce_max3A_285 = vector.broadcast %reduce_max3A_284 : i1 to vector<16xi1>
      %reduce_max3A_286 = arith.constant -2147483648 : i32
      %reduce_max3A_287 = vector.broadcast %reduce_max3A_286 : i32 to vector<16xi32>
      %reduce_max3A_288 = arith.xori %masked_cumsum3A_276, %reduce_max3A_287 : vector<16xi32>
      %reduce_max3A_289 = tpu.scan <max>, %reduce_max3A_288 masked %reduce_max3A_285 : vector<16xi32>, vector<16xi1> -> vector<16xi32>
      %reduce_max3A_290 = arith.xori %reduce_max3A_289, %reduce_max3A_287 : vector<16xi32>
      %reduce_max3A_291 = vector.extract %reduce_max3A_290[15] : i32 from vector<16xi32>
      %add3A_292 = arith.addi %add3A_271, %reduce_max3A_291 : i32
      %get3A_293 = arith.constant 64 : index
      %get3A_294 = tpu.vector_load %arg12[%get3A_293] {strides = array<i32>} : memref<512xi32, #tpu.memory_space<vmem>>, vector<16xi32>,
      %broadcast_in_dim3A_295 = arith.constant true
      %broadcast_in_dim3A_296 = vector.broadcast %broadcast_in_dim3A_295 : i1 to vector<16xi1>
      %masked_cumsum3A_297 = tpu.scan <sum>, %get3A_294 masked %broadcast_in_dim3A_296 : vector<16xi32>, vector<16xi1> -> vector<16xi32>
      %sub3A_298 = arith.subi %masked_cumsum3A_297, %get3A_294 : vector<16xi32>
      %broadcast_in_dim3A_299 = vector.broadcast %add3A_292 : i32 to vector<16xi32>
      %add3A_300 = arith.addi %sub3A_298, %broadcast_in_dim3A_299 : vector<16xi32>
      %swap3A_301 = arith.constant 64 : index
      %swap3A_302 = tpu.vector_load %arg12[%swap3A_301] {strides = array<i32>} : memref<512xi32, #tpu.memory_space<vmem>>, vector<16xi32>,
      tpu.vector_store %arg12[%swap3A_301], %add3A_300 {strides = array<i32>} : memref<512xi32, #tpu.memory_space<vmem>>, vector<16xi32>,
      %swap3A_303 = arith.constant 64 : index
      %swap3A_304 = tpu.vector_load %arg13[%swap3A_303] {strides = array<i32>} : memref<512xi32, #tpu.memory_space<vmem>>, vector<16xi32>,
      tpu.vector_store %arg13[%swap3A_303], %add3A_300 {strides = array<i32>} : memref<512xi32, #tpu.memory_space<vmem>>, vector<16xi32>,
      %reduce_max3A_305 = arith.constant true
      %reduce_max3A_306 = vector.broadcast %reduce_max3A_305 : i1 to vector<16xi1>
      %reduce_max3A_307 = arith.constant -2147483648 : i32
      %reduce_max3A_308 = vector.broadcast %reduce_max3A_307 : i32 to vector<16xi32>
      %reduce_max3A_309 = arith.xori %masked_cumsum3A_297, %reduce_max3A_308 : vector<16xi32>
      %reduce_max3A_310 = tpu.scan <max>, %reduce_max3A_309 masked %reduce_max3A_306 : vector<16xi32>, vector<16xi1> -> vector<16xi32>
      %reduce_max3A_311 = arith.xori %reduce_max3A_310, %reduce_max3A_308 : vector<16xi32>
      %reduce_max3A_312 = vector.extract %reduce_max3A_311[15] : i32 from vector<16xi32>
      %add3A_313 = arith.addi %add3A_292, %reduce_max3A_312 : i32
      %get3A_314 = arith.constant 80 : index
      %get3A_315 = tpu.vector_load %arg12[%get3A_314] {strides = array<i32>} : memref<512xi32, #tpu.memory_space<vmem>>, vector<16xi32>,
      %broadcast_in_dim3A_316 = arith.constant true
      %broadcast_in_dim3A_317 = vector.broadcast %broadcast_in_dim3A_316 : i1 to vector<16xi1>
      %masked_cumsum3A_318 = tpu.scan <sum>, %get3A_315 masked %broadcast_in_dim3A_317 : vector<16xi32>, vector<16xi1> -> vector<16xi32>
      %sub3A_319 = arith.subi %masked_cumsum3A_318, %get3A_315 : vector<16xi32>
      %broadcast_in_dim3A_320 = vector.broadcast %add3A_313 : i32 to vector<16xi32>
      %add3A_321 = arith.addi %sub3A_319, %broadcast_in_dim3A_320 : vector<16xi32>
      %swap3A_322 = arith.constant 80 : index
      %swap3A_323 = tpu.vector_load %arg12[%swap3A_322] {strides = array<i32>} : memref<512xi32, #tpu.memory_space<vmem>>, vector<16xi32>,
      tpu.vector_store %arg12[%swap3A_322], %add3A_321 {strides = array<i32>} : memref<512xi32, #tpu.memory_space<vmem>>, vector<16xi32>,
      %swap3A_324 = arith.constant 80 : index
      %swap3A_325 = tpu.vector_load %arg13[%swap3A_324] {strides = array<i32>} : memref<512xi32, #tpu.memory_space<vmem>>, vector<16xi32>,
      tpu.vector_store %arg13[%swap3A_324], %add3A_321 {strides = array<i32>} : memref<512xi32, #tpu.memory_space<vmem>>, vector<16xi32>,
      %reduce_max3A_326 = arith.constant true
      %reduce_max3A_327 = vector.broadcast %reduce_max3A_326 : i1 to vector<16xi1>
      %reduce_max3A_328 = arith.constant -2147483648 : i32
      %reduce_max3A_329 = vector.broadcast %reduce_max3A_328 : i32 to vector<16xi32>
      %reduce_max3A_330 = arith.xori %masked_cumsum3A_318, %reduce_max3A_329 : vector<16xi32>
      %reduce_max3A_331 = tpu.scan <max>, %reduce_max3A_330 masked %reduce_max3A_327 : vector<16xi32>, vector<16xi1> -> vector<16xi32>
      %reduce_max3A_332 = arith.xori %reduce_max3A_331, %reduce_max3A_329 : vector<16xi32>
      %reduce_max3A_333 = vector.extract %reduce_max3A_332[15] : i32 from vector<16xi32>
      %add3A_334 = arith.addi %add3A_313, %reduce_max3A_333 : i32
      %get3A_335 = arith.constant 96 : index
      %get3A_336 = tpu.vector_load %arg12[%get3A_335] {strides = array<i32>} : memref<512xi32, #tpu.memory_space<vmem>>, vector<16xi32>,
      %broadcast_in_dim3A_337 = arith.constant true
      %broadcast_in_dim3A_338 = vector.broadcast %broadcast_in_dim3A_337 : i1 to vector<16xi1>
      %masked_cumsum3A_339 = tpu.scan <sum>, %get3A_336 masked %broadcast_in_dim3A_338 : vector<16xi32>, vector<16xi1> -> vector<16xi32>
      %sub3A_340 = arith.subi %masked_cumsum3A_339, %get3A_336 : vector<16xi32>
      %broadcast_in_dim3A_341 = vector.broadcast %add3A_334 : i32 to vector<16xi32>
      %add3A_342 = arith.addi %sub3A_340, %broadcast_in_dim3A_341 : vector<16xi32>
      %swap3A_343 = arith.constant 96 : index
      %swap3A_344 = tpu.vector_load %arg12[%swap3A_343] {strides = array<i32>} : memref<512xi32, #tpu.memory_space<vmem>>, vector<16xi32>,
      tpu.vector_store %arg12[%swap3A_343], %add3A_342 {strides = array<i32>} : memref<512xi32, #tpu.memory_space<vmem>>, vector<16xi32>,
      %swap3A_345 = arith.constant 96 : index
      %swap3A_346 = tpu.vector_load %arg13[%swap3A_345] {strides = array<i32>} : memref<512xi32, #tpu.memory_space<vmem>>, vector<16xi32>,
      tpu.vector_store %arg13[%swap3A_345], %add3A_342 {strides = array<i32>} : memref<512xi32, #tpu.memory_space<vmem>>, vector<16xi32>,
      %reduce_max3A_347 = arith.constant true
      %reduce_max3A_348 = vector.broadcast %reduce_max3A_347 : i1 to vector<16xi1>
      %reduce_max3A_349 = arith.constant -2147483648 : i32
      %reduce_max3A_350 = vector.broadcast %reduce_max3A_349 : i32 to vector<16xi32>
      %reduce_max3A_351 = arith.xori %masked_cumsum3A_339, %reduce_max3A_350 : vector<16xi32>
      %reduce_max3A_352 = tpu.scan <max>, %reduce_max3A_351 masked %reduce_max3A_348 : vector<16xi32>, vector<16xi1> -> vector<16xi32>
      %reduce_max3A_353 = arith.xori %reduce_max3A_352, %reduce_max3A_350 : vector<16xi32>
      %reduce_max3A_354 = vector.extract %reduce_max3A_353[15] : i32 from vector<16xi32>
      %add3A_355 = arith.addi %add3A_334, %reduce_max3A_354 : i32
      %get3A_356 = arith.constant 112 : index
      %get3A_357 = tpu.vector_load %arg12[%get3A_356] {strides = array<i32>} : memref<512xi32, #tpu.memory_space<vmem>>, vector<16xi32>,
      %broadcast_in_dim3A_358 = arith.constant true
      %broadcast_in_dim3A_359 = vector.broadcast %broadcast_in_dim3A_358 : i1 to vector<16xi1>
      %masked_cumsum3A_360 = tpu.scan <sum>, %get3A_357 masked %broadcast_in_dim3A_359 : vector<16xi32>, vector<16xi1> -> vector<16xi32>
      %sub3A_361 = arith.subi %masked_cumsum3A_360, %get3A_357 : vector<16xi32>
      %broadcast_in_dim3A_362 = vector.broadcast %add3A_355 : i32 to vector<16xi32>
      %add3A_363 = arith.addi %sub3A_361, %broadcast_in_dim3A_362 : vector<16xi32>
      %swap3A_364 = arith.constant 112 : index
      %swap3A_365 = tpu.vector_load %arg12[%swap3A_364] {strides = array<i32>} : memref<512xi32, #tpu.memory_space<vmem>>, vector<16xi32>,
      tpu.vector_store %arg12[%swap3A_364], %add3A_363 {strides = array<i32>} : memref<512xi32, #tpu.memory_space<vmem>>, vector<16xi32>,
      %swap3A_366 = arith.constant 112 : index
      %swap3A_367 = tpu.vector_load %arg13[%swap3A_366] {strides = array<i32>} : memref<512xi32, #tpu.memory_space<vmem>>, vector<16xi32>,
      tpu.vector_store %arg13[%swap3A_366], %add3A_363 {strides = array<i32>} : memref<512xi32, #tpu.memory_space<vmem>>, vector<16xi32>,
      %reduce_max3A_368 = arith.constant true
      %reduce_max3A_369 = vector.broadcast %reduce_max3A_368 : i1 to vector<16xi1>
      %reduce_max3A_370 = arith.constant -2147483648 : i32
      %reduce_max3A_371 = vector.broadcast %reduce_max3A_370 : i32 to vector<16xi32>
      %reduce_max3A_372 = arith.xori %masked_cumsum3A_360, %reduce_max3A_371 : vector<16xi32>
      %reduce_max3A_373 = tpu.scan <max>, %reduce_max3A_372 masked %reduce_max3A_369 : vector<16xi32>, vector<16xi1> -> vector<16xi32>
      %reduce_max3A_374 = arith.xori %reduce_max3A_373, %reduce_max3A_371 : vector<16xi32>
      %reduce_max3A_375 = vector.extract %reduce_max3A_374[15] : i32 from vector<16xi32>
      %add3A_376 = arith.addi %add3A_355, %reduce_max3A_375 : i32
      %get3A_377 = arith.constant 128 : index
      %get3A_378 = tpu.vector_load %arg12[%get3A_377] {strides = array<i32>} : memref<512xi32, #tpu.memory_space<vmem>>, vector<16xi32>,
      %broadcast_in_dim3A_379 = arith.constant true
      %broadcast_in_dim3A_380 = vector.broadcast %broadcast_in_dim3A_379 : i1 to vector<16xi1>
      %masked_cumsum3A_381 = tpu.scan <sum>, %get3A_378 masked %broadcast_in_dim3A_380 : vector<16xi32>, vector<16xi1> -> vector<16xi32>
      %sub3A_382 = arith.subi %masked_cumsum3A_381, %get3A_378 : vector<16xi32>
      %broadcast_in_dim3A_383 = vector.broadcast %add3A_376 : i32 to vector<16xi32>
      %add3A_384 = arith.addi %sub3A_382, %broadcast_in_dim3A_383 : vector<16xi32>
      %swap3A_385 = arith.constant 128 : index
      %swap3A_386 = tpu.vector_load %arg12[%swap3A_385] {strides = array<i32>} : memref<512xi32, #tpu.memory_space<vmem>>, vector<16xi32>,
      tpu.vector_store %arg12[%swap3A_385], %add3A_384 {strides = array<i32>} : memref<512xi32, #tpu.memory_space<vmem>>, vector<16xi32>,
      %swap3A_387 = arith.constant 128 : index
      %swap3A_388 = tpu.vector_load %arg13[%swap3A_387] {strides = array<i32>} : memref<512xi32, #tpu.memory_space<vmem>>, vector<16xi32>,
      tpu.vector_store %arg13[%swap3A_387], %add3A_384 {strides = array<i32>} : memref<512xi32, #tpu.memory_space<vmem>>, vector<16xi32>,
      %reduce_max3A_389 = arith.constant true
      %reduce_max3A_390 = vector.broadcast %reduce_max3A_389 : i1 to vector<16xi1>
      %reduce_max3A_391 = arith.constant -2147483648 : i32
      %reduce_max3A_392 = vector.broadcast %reduce_max3A_391 : i32 to vector<16xi32>
      %reduce_max3A_393 = arith.xori %masked_cumsum3A_381, %reduce_max3A_392 : vector<16xi32>
      %reduce_max3A_394 = tpu.scan <max>, %reduce_max3A_393 masked %reduce_max3A_390 : vector<16xi32>, vector<16xi1> -> vector<16xi32>
      %reduce_max3A_395 = arith.xori %reduce_max3A_394, %reduce_max3A_392 : vector<16xi32>
      %reduce_max3A_396 = vector.extract %reduce_max3A_395[15] : i32 from vector<16xi32>
      %add3A_397 = arith.addi %add3A_376, %reduce_max3A_396 : i32
      %get3A_398 = arith.constant 144 : index
      %get3A_399 = tpu.vector_load %arg12[%get3A_398] {strides = array<i32>} : memref<512xi32, #tpu.memory_space<vmem>>, vector<16xi32>,
      %broadcast_in_dim3A_400 = arith.constant true
      %broadcast_in_dim3A_401 = vector.broadcast %broadcast_in_dim3A_400 : i1 to vector<16xi1>
      %masked_cumsum3A_402 = tpu.scan <sum>, %get3A_399 masked %broadcast_in_dim3A_401 : vector<16xi32>, vector<16xi1> -> vector<16xi32>
      %sub3A_403 = arith.subi %masked_cumsum3A_402, %get3A_399 : vector<16xi32>
      %broadcast_in_dim3A_404 = vector.broadcast %add3A_397 : i32 to vector<16xi32>
      %add3A_405 = arith.addi %sub3A_403, %broadcast_in_dim3A_404 : vector<16xi32>
      %swap3A_406 = arith.constant 144 : index
      %swap3A_407 = tpu.vector_load %arg12[%swap3A_406] {strides = array<i32>} : memref<512xi32, #tpu.memory_space<vmem>>, vector<16xi32>,
      tpu.vector_store %arg12[%swap3A_406], %add3A_405 {strides = array<i32>} : memref<512xi32, #tpu.memory_space<vmem>>, vector<16xi32>,
      %swap3A_408 = arith.constant 144 : index
      %swap3A_409 = tpu.vector_load %arg13[%swap3A_408] {strides = array<i32>} : memref<512xi32, #tpu.memory_space<vmem>>, vector<16xi32>,
      tpu.vector_store %arg13[%swap3A_408], %add3A_405 {strides = array<i32>} : memref<512xi32, #tpu.memory_space<vmem>>, vector<16xi32>,
      %reduce_max3A_410 = arith.constant true
      %reduce_max3A_411 = vector.broadcast %reduce_max3A_410 : i1 to vector<16xi1>
      %reduce_max3A_412 = arith.constant -2147483648 : i32
      %reduce_max3A_413 = vector.broadcast %reduce_max3A_412 : i32 to vector<16xi32>
      %reduce_max3A_414 = arith.xori %masked_cumsum3A_402, %reduce_max3A_413 : vector<16xi32>
      %reduce_max3A_415 = tpu.scan <max>, %reduce_max3A_414 masked %reduce_max3A_411 : vector<16xi32>, vector<16xi1> -> vector<16xi32>
      %reduce_max3A_416 = arith.xori %reduce_max3A_415, %reduce_max3A_413 : vector<16xi32>
      %reduce_max3A_417 = vector.extract %reduce_max3A_416[15] : i32 from vector<16xi32>
      %add3A_418 = arith.addi %add3A_397, %reduce_max3A_417 : i32
      %get3A_419 = arith.constant 160 : index
      %get3A_420 = tpu.vector_load %arg12[%get3A_419] {strides = array<i32>} : memref<512xi32, #tpu.memory_space<vmem>>, vector<16xi32>,
      %broadcast_in_dim3A_421 = arith.constant true
      %broadcast_in_dim3A_422 = vector.broadcast %broadcast_in_dim3A_421 : i1 to vector<16xi1>
      %masked_cumsum3A_423 = tpu.scan <sum>, %get3A_420 masked %broadcast_in_dim3A_422 : vector<16xi32>, vector<16xi1> -> vector<16xi32>
      %sub3A_424 = arith.subi %masked_cumsum3A_423, %get3A_420 : vector<16xi32>
      %broadcast_in_dim3A_425 = vector.broadcast %add3A_418 : i32 to vector<16xi32>
      %add3A_426 = arith.addi %sub3A_424, %broadcast_in_dim3A_425 : vector<16xi32>
      %swap3A_427 = arith.constant 160 : index
      %swap3A_428 = tpu.vector_load %arg12[%swap3A_427] {strides = array<i32>} : memref<512xi32, #tpu.memory_space<vmem>>, vector<16xi32>,
      tpu.vector_store %arg12[%swap3A_427], %add3A_426 {strides = array<i32>} : memref<512xi32, #tpu.memory_space<vmem>>, vector<16xi32>,
      %swap3A_429 = arith.constant 160 : index
      %swap3A_430 = tpu.vector_load %arg13[%swap3A_429] {strides = array<i32>} : memref<512xi32, #tpu.memory_space<vmem>>, vector<16xi32>,
      tpu.vector_store %arg13[%swap3A_429], %add3A_426 {strides = array<i32>} : memref<512xi32, #tpu.memory_space<vmem>>, vector<16xi32>,
      %reduce_max3A_431 = arith.constant true
      %reduce_max3A_432 = vector.broadcast %reduce_max3A_431 : i1 to vector<16xi1>
      %reduce_max3A_433 = arith.constant -2147483648 : i32
      %reduce_max3A_434 = vector.broadcast %reduce_max3A_433 : i32 to vector<16xi32>
      %reduce_max3A_435 = arith.xori %masked_cumsum3A_423, %reduce_max3A_434 : vector<16xi32>
      %reduce_max3A_436 = tpu.scan <max>, %reduce_max3A_435 masked %reduce_max3A_432 : vector<16xi32>, vector<16xi1> -> vector<16xi32>
      %reduce_max3A_437 = arith.xori %reduce_max3A_436, %reduce_max3A_434 : vector<16xi32>
      %reduce_max3A_438 = vector.extract %reduce_max3A_437[15] : i32 from vector<16xi32>
      %add3A_439 = arith.addi %add3A_418, %reduce_max3A_438 : i32
      %get3A_440 = arith.constant 176 : index
      %get3A_441 = tpu.vector_load %arg12[%get3A_440] {strides = array<i32>} : memref<512xi32, #tpu.memory_space<vmem>>, vector<16xi32>,
      %broadcast_in_dim3A_442 = arith.constant true
      %broadcast_in_dim3A_443 = vector.broadcast %broadcast_in_dim3A_442 : i1 to vector<16xi1>
      %masked_cumsum3A_444 = tpu.scan <sum>, %get3A_441 masked %broadcast_in_dim3A_443 : vector<16xi32>, vector<16xi1> -> vector<16xi32>
      %sub3A_445 = arith.subi %masked_cumsum3A_444, %get3A_441 : vector<16xi32>
      %broadcast_in_dim3A_446 = vector.broadcast %add3A_439 : i32 to vector<16xi32>
      %add3A_447 = arith.addi %sub3A_445, %broadcast_in_dim3A_446 : vector<16xi32>
      %swap3A_448 = arith.constant 176 : index
      %swap3A_449 = tpu.vector_load %arg12[%swap3A_448] {strides = array<i32>} : memref<512xi32, #tpu.memory_space<vmem>>, vector<16xi32>,
      tpu.vector_store %arg12[%swap3A_448], %add3A_447 {strides = array<i32>} : memref<512xi32, #tpu.memory_space<vmem>>, vector<16xi32>,
      %swap3A_450 = arith.constant 176 : index
      %swap3A_451 = tpu.vector_load %arg13[%swap3A_450] {strides = array<i32>} : memref<512xi32, #tpu.memory_space<vmem>>, vector<16xi32>,
      tpu.vector_store %arg13[%swap3A_450], %add3A_447 {strides = array<i32>} : memref<512xi32, #tpu.memory_space<vmem>>, vector<16xi32>,
      %reduce_max3A_452 = arith.constant true
      %reduce_max3A_453 = vector.broadcast %reduce_max3A_452 : i1 to vector<16xi1>
      %reduce_max3A_454 = arith.constant -2147483648 : i32
      %reduce_max3A_455 = vector.broadcast %reduce_max3A_454 : i32 to vector<16xi32>
      %reduce_max3A_456 = arith.xori %masked_cumsum3A_444, %reduce_max3A_455 : vector<16xi32>
      %reduce_max3A_457 = tpu.scan <max>, %reduce_max3A_456 masked %reduce_max3A_453 : vector<16xi32>, vector<16xi1> -> vector<16xi32>
      %reduce_max3A_458 = arith.xori %reduce_max3A_457, %reduce_max3A_455 : vector<16xi32>
      %reduce_max3A_459 = vector.extract %reduce_max3A_458[15] : i32 from vector<16xi32>
      %add3A_460 = arith.addi %add3A_439, %reduce_max3A_459 : i32
      %get3A_461 = arith.constant 192 : index
      %get3A_462 = tpu.vector_load %arg12[%get3A_461] {strides = array<i32>} : memref<512xi32, #tpu.memory_space<vmem>>, vector<16xi32>,
      %broadcast_in_dim3A_463 = arith.constant true
      %broadcast_in_dim3A_464 = vector.broadcast %broadcast_in_dim3A_463 : i1 to vector<16xi1>
      %masked_cumsum3A_465 = tpu.scan <sum>, %get3A_462 masked %broadcast_in_dim3A_464 : vector<16xi32>, vector<16xi1> -> vector<16xi32>
      %sub3A_466 = arith.subi %masked_cumsum3A_465, %get3A_462 : vector<16xi32>
      %broadcast_in_dim3A_467 = vector.broadcast %add3A_460 : i32 to vector<16xi32>
      %add3A_468 = arith.addi %sub3A_466, %broadcast_in_dim3A_467 : vector<16xi32>
      %swap3A_469 = arith.constant 192 : index
      %swap3A_470 = tpu.vector_load %arg12[%swap3A_469] {strides = array<i32>} : memref<512xi32, #tpu.memory_space<vmem>>, vector<16xi32>,
      tpu.vector_store %arg12[%swap3A_469], %add3A_468 {strides = array<i32>} : memref<512xi32, #tpu.memory_space<vmem>>, vector<16xi32>,
      %swap3A_471 = arith.constant 192 : index
      %swap3A_472 = tpu.vector_load %arg13[%swap3A_471] {strides = array<i32>} : memref<512xi32, #tpu.memory_space<vmem>>, vector<16xi32>,
      tpu.vector_store %arg13[%swap3A_471], %add3A_468 {strides = array<i32>} : memref<512xi32, #tpu.memory_space<vmem>>, vector<16xi32>,
      %reduce_max3A_473 = arith.constant true
      %reduce_max3A_474 = vector.broadcast %reduce_max3A_473 : i1 to vector<16xi1>
      %reduce_max3A_475 = arith.constant -2147483648 : i32
      %reduce_max3A_476 = vector.broadcast %reduce_max3A_475 : i32 to vector<16xi32>
      %reduce_max3A_477 = arith.xori %masked_cumsum3A_465, %reduce_max3A_476 : vector<16xi32>
      %reduce_max3A_478 = tpu.scan <max>, %reduce_max3A_477 masked %reduce_max3A_474 : vector<16xi32>, vector<16xi1> -> vector<16xi32>
      %reduce_max3A_479 = arith.xori %reduce_max3A_478, %reduce_max3A_476 : vector<16xi32>
      %reduce_max3A_480 = vector.extract %reduce_max3A_479[15] : i32 from vector<16xi32>
      %add3A_481 = arith.addi %add3A_460, %reduce_max3A_480 : i32
      %get3A_482 = arith.constant 208 : index
      %get3A_483 = tpu.vector_load %arg12[%get3A_482] {strides = array<i32>} : memref<512xi32, #tpu.memory_space<vmem>>, vector<16xi32>,
      %broadcast_in_dim3A_484 = arith.constant true
      %broadcast_in_dim3A_485 = vector.broadcast %broadcast_in_dim3A_484 : i1 to vector<16xi1>
      %masked_cumsum3A_486 = tpu.scan <sum>, %get3A_483 masked %broadcast_in_dim3A_485 : vector<16xi32>, vector<16xi1> -> vector<16xi32>
      %sub3A_487 = arith.subi %masked_cumsum3A_486, %get3A_483 : vector<16xi32>
      %broadcast_in_dim3A_488 = vector.broadcast %add3A_481 : i32 to vector<16xi32>
      %add3A_489 = arith.addi %sub3A_487, %broadcast_in_dim3A_488 : vector<16xi32>
      %swap3A_490 = arith.constant 208 : index
      %swap3A_491 = tpu.vector_load %arg12[%swap3A_490] {strides = array<i32>} : memref<512xi32, #tpu.memory_space<vmem>>, vector<16xi32>,
      tpu.vector_store %arg12[%swap3A_490], %add3A_489 {strides = array<i32>} : memref<512xi32, #tpu.memory_space<vmem>>, vector<16xi32>,
      %swap3A_492 = arith.constant 208 : index
      %swap3A_493 = tpu.vector_load %arg13[%swap3A_492] {strides = array<i32>} : memref<512xi32, #tpu.memory_space<vmem>>, vector<16xi32>,
      tpu.vector_store %arg13[%swap3A_492], %add3A_489 {strides = array<i32>} : memref<512xi32, #tpu.memory_space<vmem>>, vector<16xi32>,
      %reduce_max3A_494 = arith.constant true
      %reduce_max3A_495 = vector.broadcast %reduce_max3A_494 : i1 to vector<16xi1>
      %reduce_max3A_496 = arith.constant -2147483648 : i32
      %reduce_max3A_497 = vector.broadcast %reduce_max3A_496 : i32 to vector<16xi32>
      %reduce_max3A_498 = arith.xori %masked_cumsum3A_486, %reduce_max3A_497 : vector<16xi32>
      %reduce_max3A_499 = tpu.scan <max>, %reduce_max3A_498 masked %reduce_max3A_495 : vector<16xi32>, vector<16xi1> -> vector<16xi32>
      %reduce_max3A_500 = arith.xori %reduce_max3A_499, %reduce_max3A_497 : vector<16xi32>
      %reduce_max3A_501 = vector.extract %reduce_max3A_500[15] : i32 from vector<16xi32>
      %add3A_502 = arith.addi %add3A_481, %reduce_max3A_501 : i32
      %get3A_503 = arith.constant 224 : index
      %get3A_504 = tpu.vector_load %arg12[%get3A_503] {strides = array<i32>} : memref<512xi32, #tpu.memory_space<vmem>>, vector<16xi32>,
      %broadcast_in_dim3A_505 = arith.constant true
      %broadcast_in_dim3A_506 = vector.broadcast %broadcast_in_dim3A_505 : i1 to vector<16xi1>
      %masked_cumsum3A_507 = tpu.scan <sum>, %get3A_504 masked %broadcast_in_dim3A_506 : vector<16xi32>, vector<16xi1> -> vector<16xi32>
      %sub3A_508 = arith.subi %masked_cumsum3A_507, %get3A_504 : vector<16xi32>
      %broadcast_in_dim3A_509 = vector.broadcast %add3A_502 : i32 to vector<16xi32>
      %add3A_510 = arith.addi %sub3A_508, %broadcast_in_dim3A_509 : vector<16xi32>
      %swap3A_511 = arith.constant 224 : index
      %swap3A_512 = tpu.vector_load %arg12[%swap3A_511] {strides = array<i32>} : memref<512xi32, #tpu.memory_space<vmem>>, vector<16xi32>,
      tpu.vector_store %arg12[%swap3A_511], %add3A_510 {strides = array<i32>} : memref<512xi32, #tpu.memory_space<vmem>>, vector<16xi32>,
      %swap3A_513 = arith.constant 224 : index
      %swap3A_514 = tpu.vector_load %arg13[%swap3A_513] {strides = array<i32>} : memref<512xi32, #tpu.memory_space<vmem>>, vector<16xi32>,
      tpu.vector_store %arg13[%swap3A_513], %add3A_510 {strides = array<i32>} : memref<512xi32, #tpu.memory_space<vmem>>, vector<16xi32>,
      %reduce_max3A_515 = arith.constant true
      %reduce_max3A_516 = vector.broadcast %reduce_max3A_515 : i1 to vector<16xi1>
      %reduce_max3A_517 = arith.constant -2147483648 : i32
      %reduce_max3A_518 = vector.broadcast %reduce_max3A_517 : i32 to vector<16xi32>
      %reduce_max3A_519 = arith.xori %masked_cumsum3A_507, %reduce_max3A_518 : vector<16xi32>
      %reduce_max3A_520 = tpu.scan <max>, %reduce_max3A_519 masked %reduce_max3A_516 : vector<16xi32>, vector<16xi1> -> vector<16xi32>
      %reduce_max3A_521 = arith.xori %reduce_max3A_520, %reduce_max3A_518 : vector<16xi32>
      %reduce_max3A_522 = vector.extract %reduce_max3A_521[15] : i32 from vector<16xi32>
      %add3A_523 = arith.addi %add3A_502, %reduce_max3A_522 : i32
      %get3A_524 = arith.constant 240 : index
      %get3A_525 = tpu.vector_load %arg12[%get3A_524] {strides = array<i32>} : memref<512xi32, #tpu.memory_space<vmem>>, vector<16xi32>,
      %broadcast_in_dim3A_526 = arith.constant true
      %broadcast_in_dim3A_527 = vector.broadcast %broadcast_in_dim3A_526 : i1 to vector<16xi1>
      %masked_cumsum3A_528 = tpu.scan <sum>, %get3A_525 masked %broadcast_in_dim3A_527 : vector<16xi32>, vector<16xi1> -> vector<16xi32>
      %sub3A_529 = arith.subi %masked_cumsum3A_528, %get3A_525 : vector<16xi32>
      %broadcast_in_dim3A_530 = vector.broadcast %add3A_523 : i32 to vector<16xi32>
      %add3A_531 = arith.addi %sub3A_529, %broadcast_in_dim3A_530 : vector<16xi32>
      %swap3A_532 = arith.constant 240 : index
      %swap3A_533 = tpu.vector_load %arg12[%swap3A_532] {strides = array<i32>} : memref<512xi32, #tpu.memory_space<vmem>>, vector<16xi32>,
      tpu.vector_store %arg12[%swap3A_532], %add3A_531 {strides = array<i32>} : memref<512xi32, #tpu.memory_space<vmem>>, vector<16xi32>,
      %swap3A_534 = arith.constant 240 : index
      %swap3A_535 = tpu.vector_load %arg13[%swap3A_534] {strides = array<i32>} : memref<512xi32, #tpu.memory_space<vmem>>, vector<16xi32>,
      tpu.vector_store %arg13[%swap3A_534], %add3A_531 {strides = array<i32>} : memref<512xi32, #tpu.memory_space<vmem>>, vector<16xi32>,
      %reduce_max3A_536 = arith.constant true
      %reduce_max3A_537 = vector.broadcast %reduce_max3A_536 : i1 to vector<16xi1>
      %reduce_max3A_538 = arith.constant -2147483648 : i32
      %reduce_max3A_539 = vector.broadcast %reduce_max3A_538 : i32 to vector<16xi32>
      %reduce_max3A_540 = arith.xori %masked_cumsum3A_528, %reduce_max3A_539 : vector<16xi32>
      %reduce_max3A_541 = tpu.scan <max>, %reduce_max3A_540 masked %reduce_max3A_537 : vector<16xi32>, vector<16xi1> -> vector<16xi32>
      %reduce_max3A_542 = arith.xori %reduce_max3A_541, %reduce_max3A_539 : vector<16xi32>
      %reduce_max3A_543 = vector.extract %reduce_max3A_542[15] : i32 from vector<16xi32>
      %add3A_544 = arith.addi %add3A_523, %reduce_max3A_543 : i32
      %get3A_545 = arith.constant 256 : index
      %get3A_546 = tpu.vector_load %arg12[%get3A_545] {strides = array<i32>} : memref<512xi32, #tpu.memory_space<vmem>>, vector<16xi32>,
      %broadcast_in_dim3A_547 = arith.constant true
      %broadcast_in_dim3A_548 = vector.broadcast %broadcast_in_dim3A_547 : i1 to vector<16xi1>
      %masked_cumsum3A_549 = tpu.scan <sum>, %get3A_546 masked %broadcast_in_dim3A_548 : vector<16xi32>, vector<16xi1> -> vector<16xi32>
      %sub3A_550 = arith.subi %masked_cumsum3A_549, %get3A_546 : vector<16xi32>
      %broadcast_in_dim3A_551 = vector.broadcast %add3A_544 : i32 to vector<16xi32>
      %add3A_552 = arith.addi %sub3A_550, %broadcast_in_dim3A_551 : vector<16xi32>
      %swap3A_553 = arith.constant 256 : index
      %swap3A_554 = tpu.vector_load %arg12[%swap3A_553] {strides = array<i32>} : memref<512xi32, #tpu.memory_space<vmem>>, vector<16xi32>,
      tpu.vector_store %arg12[%swap3A_553], %add3A_552 {strides = array<i32>} : memref<512xi32, #tpu.memory_space<vmem>>, vector<16xi32>,
      %swap3A_555 = arith.constant 256 : index
      %swap3A_556 = tpu.vector_load %arg13[%swap3A_555] {strides = array<i32>} : memref<512xi32, #tpu.memory_space<vmem>>, vector<16xi32>,
      tpu.vector_store %arg13[%swap3A_555], %add3A_552 {strides = array<i32>} : memref<512xi32, #tpu.memory_space<vmem>>, vector<16xi32>,
      %reduce_max3A_557 = arith.constant true
      %reduce_max3A_558 = vector.broadcast %reduce_max3A_557 : i1 to vector<16xi1>
      %reduce_max3A_559 = arith.constant -2147483648 : i32
      %reduce_max3A_560 = vector.broadcast %reduce_max3A_559 : i32 to vector<16xi32>
      %reduce_max3A_561 = arith.xori %masked_cumsum3A_549, %reduce_max3A_560 : vector<16xi32>
      %reduce_max3A_562 = tpu.scan <max>, %reduce_max3A_561 masked %reduce_max3A_558 : vector<16xi32>, vector<16xi1> -> vector<16xi32>
      %reduce_max3A_563 = arith.xori %reduce_max3A_562, %reduce_max3A_560 : vector<16xi32>
      %reduce_max3A_564 = vector.extract %reduce_max3A_563[15] : i32 from vector<16xi32>
      %add3A_565 = arith.addi %add3A_544, %reduce_max3A_564 : i32
      %get3A_566 = arith.constant 272 : index
      %get3A_567 = tpu.vector_load %arg12[%get3A_566] {strides = array<i32>} : memref<512xi32, #tpu.memory_space<vmem>>, vector<16xi32>,
      %broadcast_in_dim3A_568 = arith.constant true
      %broadcast_in_dim3A_569 = vector.broadcast %broadcast_in_dim3A_568 : i1 to vector<16xi1>
      %masked_cumsum3A_570 = tpu.scan <sum>, %get3A_567 masked %broadcast_in_dim3A_569 : vector<16xi32>, vector<16xi1> -> vector<16xi32>
      %sub3A_571 = arith.subi %masked_cumsum3A_570, %get3A_567 : vector<16xi32>
      %broadcast_in_dim3A_572 = vector.broadcast %add3A_565 : i32 to vector<16xi32>
      %add3A_573 = arith.addi %sub3A_571, %broadcast_in_dim3A_572 : vector<16xi32>
      %swap3A_574 = arith.constant 272 : index
      %swap3A_575 = tpu.vector_load %arg12[%swap3A_574] {strides = array<i32>} : memref<512xi32, #tpu.memory_space<vmem>>, vector<16xi32>,
      tpu.vector_store %arg12[%swap3A_574], %add3A_573 {strides = array<i32>} : memref<512xi32, #tpu.memory_space<vmem>>, vector<16xi32>,
      %swap3A_576 = arith.constant 272 : index
      %swap3A_577 = tpu.vector_load %arg13[%swap3A_576] {strides = array<i32>} : memref<512xi32, #tpu.memory_space<vmem>>, vector<16xi32>,
      tpu.vector_store %arg13[%swap3A_576], %add3A_573 {strides = array<i32>} : memref<512xi32, #tpu.memory_space<vmem>>, vector<16xi32>,
      %reduce_max3A_578 = arith.constant true
      %reduce_max3A_579 = vector.broadcast %reduce_max3A_578 : i1 to vector<16xi1>
      %reduce_max3A_580 = arith.constant -2147483648 : i32
      %reduce_max3A_581 = vector.broadcast %reduce_max3A_580 : i32 to vector<16xi32>
      %reduce_max3A_582 = arith.xori %masked_cumsum3A_570, %reduce_max3A_581 : vector<16xi32>
      %reduce_max3A_583 = tpu.scan <max>, %reduce_max3A_582 masked %reduce_max3A_579 : vector<16xi32>, vector<16xi1> -> vector<16xi32>
      %reduce_max3A_584 = arith.xori %reduce_max3A_583, %reduce_max3A_581 : vector<16xi32>
      %reduce_max3A_585 = vector.extract %reduce_max3A_584[15] : i32 from vector<16xi32>
      %add3A_586 = arith.addi %add3A_565, %reduce_max3A_585 : i32
      %get3A_587 = arith.constant 288 : index
      %get3A_588 = tpu.vector_load %arg12[%get3A_587] {strides = array<i32>} : memref<512xi32, #tpu.memory_space<vmem>>, vector<16xi32>,
      %broadcast_in_dim3A_589 = arith.constant true
      %broadcast_in_dim3A_590 = vector.broadcast %broadcast_in_dim3A_589 : i1 to vector<16xi1>
      %masked_cumsum3A_591 = tpu.scan <sum>, %get3A_588 masked %broadcast_in_dim3A_590 : vector<16xi32>, vector<16xi1> -> vector<16xi32>
      %sub3A_592 = arith.subi %masked_cumsum3A_591, %get3A_588 : vector<16xi32>
      %broadcast_in_dim3A_593 = vector.broadcast %add3A_586 : i32 to vector<16xi32>
      %add3A_594 = arith.addi %sub3A_592, %broadcast_in_dim3A_593 : vector<16xi32>
      %swap3A_595 = arith.constant 288 : index
      %swap3A_596 = tpu.vector_load %arg12[%swap3A_595] {strides = array<i32>} : memref<512xi32, #tpu.memory_space<vmem>>, vector<16xi32>,
      tpu.vector_store %arg12[%swap3A_595], %add3A_594 {strides = array<i32>} : memref<512xi32, #tpu.memory_space<vmem>>, vector<16xi32>,
      %swap3A_597 = arith.constant 288 : index
      %swap3A_598 = tpu.vector_load %arg13[%swap3A_597] {strides = array<i32>} : memref<512xi32, #tpu.memory_space<vmem>>, vector<16xi32>,
      tpu.vector_store %arg13[%swap3A_597], %add3A_594 {strides = array<i32>} : memref<512xi32, #tpu.memory_space<vmem>>, vector<16xi32>,
      %reduce_max3A_599 = arith.constant true
      %reduce_max3A_600 = vector.broadcast %reduce_max3A_599 : i1 to vector<16xi1>
      %reduce_max3A_601 = arith.constant -2147483648 : i32
      %reduce_max3A_602 = vector.broadcast %reduce_max3A_601 : i32 to vector<16xi32>
      %reduce_max3A_603 = arith.xori %masked_cumsum3A_591, %reduce_max3A_602 : vector<16xi32>
      %reduce_max3A_604 = tpu.scan <max>, %reduce_max3A_603 masked %reduce_max3A_600 : vector<16xi32>, vector<16xi1> -> vector<16xi32>
      %reduce_max3A_605 = arith.xori %reduce_max3A_604, %reduce_max3A_602 : vector<16xi32>
      %reduce_max3A_606 = vector.extract %reduce_max3A_605[15] : i32 from vector<16xi32>
      %add3A_607 = arith.addi %add3A_586, %reduce_max3A_606 : i32
      %get3A_608 = arith.constant 304 : index
      %get3A_609 = tpu.vector_load %arg12[%get3A_608] {strides = array<i32>} : memref<512xi32, #tpu.memory_space<vmem>>, vector<16xi32>,
      %broadcast_in_dim3A_610 = arith.constant true
      %broadcast_in_dim3A_611 = vector.broadcast %broadcast_in_dim3A_610 : i1 to vector<16xi1>
      %masked_cumsum3A_612 = tpu.scan <sum>, %get3A_609 masked %broadcast_in_dim3A_611 : vector<16xi32>, vector<16xi1> -> vector<16xi32>
      %sub3A_613 = arith.subi %masked_cumsum3A_612, %get3A_609 : vector<16xi32>
      %broadcast_in_dim3A_614 = vector.broadcast %add3A_607 : i32 to vector<16xi32>
      %add3A_615 = arith.addi %sub3A_613, %broadcast_in_dim3A_614 : vector<16xi32>
      %swap3A_616 = arith.constant 304 : index
      %swap3A_617 = tpu.vector_load %arg12[%swap3A_616] {strides = array<i32>} : memref<512xi32, #tpu.memory_space<vmem>>, vector<16xi32>,
      tpu.vector_store %arg12[%swap3A_616], %add3A_615 {strides = array<i32>} : memref<512xi32, #tpu.memory_space<vmem>>, vector<16xi32>,
      %swap3A_618 = arith.constant 304 : index
      %swap3A_619 = tpu.vector_load %arg13[%swap3A_618] {strides = array<i32>} : memref<512xi32, #tpu.memory_space<vmem>>, vector<16xi32>,
      tpu.vector_store %arg13[%swap3A_618], %add3A_615 {strides = array<i32>} : memref<512xi32, #tpu.memory_space<vmem>>, vector<16xi32>,
      %reduce_max3A_620 = arith.constant true
      %reduce_max3A_621 = vector.broadcast %reduce_max3A_620 : i1 to vector<16xi1>
      %reduce_max3A_622 = arith.constant -2147483648 : i32
      %reduce_max3A_623 = vector.broadcast %reduce_max3A_622 : i32 to vector<16xi32>
      %reduce_max3A_624 = arith.xori %masked_cumsum3A_612, %reduce_max3A_623 : vector<16xi32>
      %reduce_max3A_625 = tpu.scan <max>, %reduce_max3A_624 masked %reduce_max3A_621 : vector<16xi32>, vector<16xi1> -> vector<16xi32>
      %reduce_max3A_626 = arith.xori %reduce_max3A_625, %reduce_max3A_623 : vector<16xi32>
      %reduce_max3A_627 = vector.extract %reduce_max3A_626[15] : i32 from vector<16xi32>
      %add3A_628 = arith.addi %add3A_607, %reduce_max3A_627 : i32
      %get3A_629 = arith.constant 320 : index
      %get3A_630 = tpu.vector_load %arg12[%get3A_629] {strides = array<i32>} : memref<512xi32, #tpu.memory_space<vmem>>, vector<16xi32>,
      %broadcast_in_dim3A_631 = arith.constant true
      %broadcast_in_dim3A_632 = vector.broadcast %broadcast_in_dim3A_631 : i1 to vector<16xi1>
      %masked_cumsum3A_633 = tpu.scan <sum>, %get3A_630 masked %broadcast_in_dim3A_632 : vector<16xi32>, vector<16xi1> -> vector<16xi32>
      %sub3A_634 = arith.subi %masked_cumsum3A_633, %get3A_630 : vector<16xi32>
      %broadcast_in_dim3A_635 = vector.broadcast %add3A_628 : i32 to vector<16xi32>
      %add3A_636 = arith.addi %sub3A_634, %broadcast_in_dim3A_635 : vector<16xi32>
      %swap3A_637 = arith.constant 320 : index
      %swap3A_638 = tpu.vector_load %arg12[%swap3A_637] {strides = array<i32>} : memref<512xi32, #tpu.memory_space<vmem>>, vector<16xi32>,
      tpu.vector_store %arg12[%swap3A_637], %add3A_636 {strides = array<i32>} : memref<512xi32, #tpu.memory_space<vmem>>, vector<16xi32>,
      %swap3A_639 = arith.constant 320 : index
      %swap3A_640 = tpu.vector_load %arg13[%swap3A_639] {strides = array<i32>} : memref<512xi32, #tpu.memory_space<vmem>>, vector<16xi32>,
      tpu.vector_store %arg13[%swap3A_639], %add3A_636 {strides = array<i32>} : memref<512xi32, #tpu.memory_space<vmem>>, vector<16xi32>,
      %reduce_max3A_641 = arith.constant true
      %reduce_max3A_642 = vector.broadcast %reduce_max3A_641 : i1 to vector<16xi1>
      %reduce_max3A_643 = arith.constant -2147483648 : i32
      %reduce_max3A_644 = vector.broadcast %reduce_max3A_643 : i32 to vector<16xi32>
      %reduce_max3A_645 = arith.xori %masked_cumsum3A_633, %reduce_max3A_644 : vector<16xi32>
      %reduce_max3A_646 = tpu.scan <max>, %reduce_max3A_645 masked %reduce_max3A_642 : vector<16xi32>, vector<16xi1> -> vector<16xi32>
      %reduce_max3A_647 = arith.xori %reduce_max3A_646, %reduce_max3A_644 : vector<16xi32>
      %reduce_max3A_648 = vector.extract %reduce_max3A_647[15] : i32 from vector<16xi32>
      %add3A_649 = arith.addi %add3A_628, %reduce_max3A_648 : i32
      %get3A_650 = arith.constant 336 : index
      %get3A_651 = tpu.vector_load %arg12[%get3A_650] {strides = array<i32>} : memref<512xi32, #tpu.memory_space<vmem>>, vector<16xi32>,
      %broadcast_in_dim3A_652 = arith.constant true
      %broadcast_in_dim3A_653 = vector.broadcast %broadcast_in_dim3A_652 : i1 to vector<16xi1>
      %masked_cumsum3A_654 = tpu.scan <sum>, %get3A_651 masked %broadcast_in_dim3A_653 : vector<16xi32>, vector<16xi1> -> vector<16xi32>
      %sub3A_655 = arith.subi %masked_cumsum3A_654, %get3A_651 : vector<16xi32>
      %broadcast_in_dim3A_656 = vector.broadcast %add3A_649 : i32 to vector<16xi32>
      %add3A_657 = arith.addi %sub3A_655, %broadcast_in_dim3A_656 : vector<16xi32>
      %swap3A_658 = arith.constant 336 : index
      %swap3A_659 = tpu.vector_load %arg12[%swap3A_658] {strides = array<i32>} : memref<512xi32, #tpu.memory_space<vmem>>, vector<16xi32>,
      tpu.vector_store %arg12[%swap3A_658], %add3A_657 {strides = array<i32>} : memref<512xi32, #tpu.memory_space<vmem>>, vector<16xi32>,
      %swap3A_660 = arith.constant 336 : index
      %swap3A_661 = tpu.vector_load %arg13[%swap3A_660] {strides = array<i32>} : memref<512xi32, #tpu.memory_space<vmem>>, vector<16xi32>,
      tpu.vector_store %arg13[%swap3A_660], %add3A_657 {strides = array<i32>} : memref<512xi32, #tpu.memory_space<vmem>>, vector<16xi32>,
      %reduce_max3A_662 = arith.constant true
      %reduce_max3A_663 = vector.broadcast %reduce_max3A_662 : i1 to vector<16xi1>
      %reduce_max3A_664 = arith.constant -2147483648 : i32
      %reduce_max3A_665 = vector.broadcast %reduce_max3A_664 : i32 to vector<16xi32>
      %reduce_max3A_666 = arith.xori %masked_cumsum3A_654, %reduce_max3A_665 : vector<16xi32>
      %reduce_max3A_667 = tpu.scan <max>, %reduce_max3A_666 masked %reduce_max3A_663 : vector<16xi32>, vector<16xi1> -> vector<16xi32>
      %reduce_max3A_668 = arith.xori %reduce_max3A_667, %reduce_max3A_665 : vector<16xi32>
      %reduce_max3A_669 = vector.extract %reduce_max3A_668[15] : i32 from vector<16xi32>
      %add3A_670 = arith.addi %add3A_649, %reduce_max3A_669 : i32
      %get3A_671 = arith.constant 352 : index
      %get3A_672 = tpu.vector_load %arg12[%get3A_671] {strides = array<i32>} : memref<512xi32, #tpu.memory_space<vmem>>, vector<16xi32>,
      %broadcast_in_dim3A_673 = arith.constant true
      %broadcast_in_dim3A_674 = vector.broadcast %broadcast_in_dim3A_673 : i1 to vector<16xi1>
      %masked_cumsum3A_675 = tpu.scan <sum>, %get3A_672 masked %broadcast_in_dim3A_674 : vector<16xi32>, vector<16xi1> -> vector<16xi32>
      %sub3A_676 = arith.subi %masked_cumsum3A_675, %get3A_672 : vector<16xi32>
      %broadcast_in_dim3A_677 = vector.broadcast %add3A_670 : i32 to vector<16xi32>
      %add3A_678 = arith.addi %sub3A_676, %broadcast_in_dim3A_677 : vector<16xi32>
      %swap3A_679 = arith.constant 352 : index
      %swap3A_680 = tpu.vector_load %arg12[%swap3A_679] {strides = array<i32>} : memref<512xi32, #tpu.memory_space<vmem>>, vector<16xi32>,
      tpu.vector_store %arg12[%swap3A_679], %add3A_678 {strides = array<i32>} : memref<512xi32, #tpu.memory_space<vmem>>, vector<16xi32>,
      %swap3A_681 = arith.constant 352 : index
      %swap3A_682 = tpu.vector_load %arg13[%swap3A_681] {strides = array<i32>} : memref<512xi32, #tpu.memory_space<vmem>>, vector<16xi32>,
      tpu.vector_store %arg13[%swap3A_681], %add3A_678 {strides = array<i32>} : memref<512xi32, #tpu.memory_space<vmem>>, vector<16xi32>,
      %reduce_max3A_683 = arith.constant true
      %reduce_max3A_684 = vector.broadcast %reduce_max3A_683 : i1 to vector<16xi1>
      %reduce_max3A_685 = arith.constant -2147483648 : i32
      %reduce_max3A_686 = vector.broadcast %reduce_max3A_685 : i32 to vector<16xi32>
      %reduce_max3A_687 = arith.xori %masked_cumsum3A_675, %reduce_max3A_686 : vector<16xi32>
      %reduce_max3A_688 = tpu.scan <max>, %reduce_max3A_687 masked %reduce_max3A_684 : vector<16xi32>, vector<16xi1> -> vector<16xi32>
      %reduce_max3A_689 = arith.xori %reduce_max3A_688, %reduce_max3A_686 : vector<16xi32>
      %reduce_max3A_690 = vector.extract %reduce_max3A_689[15] : i32 from vector<16xi32>
      %add3A_691 = arith.addi %add3A_670, %reduce_max3A_690 : i32
      %get3A_692 = arith.constant 368 : index
      %get3A_693 = tpu.vector_load %arg12[%get3A_692] {strides = array<i32>} : memref<512xi32, #tpu.memory_space<vmem>>, vector<16xi32>,
      %broadcast_in_dim3A_694 = arith.constant true
      %broadcast_in_dim3A_695 = vector.broadcast %broadcast_in_dim3A_694 : i1 to vector<16xi1>
      %masked_cumsum3A_696 = tpu.scan <sum>, %get3A_693 masked %broadcast_in_dim3A_695 : vector<16xi32>, vector<16xi1> -> vector<16xi32>
      %sub3A_697 = arith.subi %masked_cumsum3A_696, %get3A_693 : vector<16xi32>
      %broadcast_in_dim3A_698 = vector.broadcast %add3A_691 : i32 to vector<16xi32>
      %add3A_699 = arith.addi %sub3A_697, %broadcast_in_dim3A_698 : vector<16xi32>
      %swap3A_700 = arith.constant 368 : index
      %swap3A_701 = tpu.vector_load %arg12[%swap3A_700] {strides = array<i32>} : memref<512xi32, #tpu.memory_space<vmem>>, vector<16xi32>,
      tpu.vector_store %arg12[%swap3A_700], %add3A_699 {strides = array<i32>} : memref<512xi32, #tpu.memory_space<vmem>>, vector<16xi32>,
      %swap3A_702 = arith.constant 368 : index
      %swap3A_703 = tpu.vector_load %arg13[%swap3A_702] {strides = array<i32>} : memref<512xi32, #tpu.memory_space<vmem>>, vector<16xi32>,
      tpu.vector_store %arg13[%swap3A_702], %add3A_699 {strides = array<i32>} : memref<512xi32, #tpu.memory_space<vmem>>, vector<16xi32>,
      %reduce_max3A_704 = arith.constant true
      %reduce_max3A_705 = vector.broadcast %reduce_max3A_704 : i1 to vector<16xi1>
      %reduce_max3A_706 = arith.constant -2147483648 : i32
      %reduce_max3A_707 = vector.broadcast %reduce_max3A_706 : i32 to vector<16xi32>
      %reduce_max3A_708 = arith.xori %masked_cumsum3A_696, %reduce_max3A_707 : vector<16xi32>
      %reduce_max3A_709 = tpu.scan <max>, %reduce_max3A_708 masked %reduce_max3A_705 : vector<16xi32>, vector<16xi1> -> vector<16xi32>
      %reduce_max3A_710 = arith.xori %reduce_max3A_709, %reduce_max3A_707 : vector<16xi32>
      %reduce_max3A_711 = vector.extract %reduce_max3A_710[15] : i32 from vector<16xi32>
      %add3A_712 = arith.addi %add3A_691, %reduce_max3A_711 : i32
      %get3A_713 = arith.constant 384 : index
      %get3A_714 = tpu.vector_load %arg12[%get3A_713] {strides = array<i32>} : memref<512xi32, #tpu.memory_space<vmem>>, vector<16xi32>,
      %broadcast_in_dim3A_715 = arith.constant true
      %broadcast_in_dim3A_716 = vector.broadcast %broadcast_in_dim3A_715 : i1 to vector<16xi1>
      %masked_cumsum3A_717 = tpu.scan <sum>, %get3A_714 masked %broadcast_in_dim3A_716 : vector<16xi32>, vector<16xi1> -> vector<16xi32>
      %sub3A_718 = arith.subi %masked_cumsum3A_717, %get3A_714 : vector<16xi32>
      %broadcast_in_dim3A_719 = vector.broadcast %add3A_712 : i32 to vector<16xi32>
      %add3A_720 = arith.addi %sub3A_718, %broadcast_in_dim3A_719 : vector<16xi32>
      %swap3A_721 = arith.constant 384 : index
      %swap3A_722 = tpu.vector_load %arg12[%swap3A_721] {strides = array<i32>} : memref<512xi32, #tpu.memory_space<vmem>>, vector<16xi32>,
      tpu.vector_store %arg12[%swap3A_721], %add3A_720 {strides = array<i32>} : memref<512xi32, #tpu.memory_space<vmem>>, vector<16xi32>,
      %swap3A_723 = arith.constant 384 : index
      %swap3A_724 = tpu.vector_load %arg13[%swap3A_723] {strides = array<i32>} : memref<512xi32, #tpu.memory_space<vmem>>, vector<16xi32>,
      tpu.vector_store %arg13[%swap3A_723], %add3A_720 {strides = array<i32>} : memref<512xi32, #tpu.memory_space<vmem>>, vector<16xi32>,
      %reduce_max3A_725 = arith.constant true
      %reduce_max3A_726 = vector.broadcast %reduce_max3A_725 : i1 to vector<16xi1>
      %reduce_max3A_727 = arith.constant -2147483648 : i32
      %reduce_max3A_728 = vector.broadcast %reduce_max3A_727 : i32 to vector<16xi32>
      %reduce_max3A_729 = arith.xori %masked_cumsum3A_717, %reduce_max3A_728 : vector<16xi32>
      %reduce_max3A_730 = tpu.scan <max>, %reduce_max3A_729 masked %reduce_max3A_726 : vector<16xi32>, vector<16xi1> -> vector<16xi32>
      %reduce_max3A_731 = arith.xori %reduce_max3A_730, %reduce_max3A_728 : vector<16xi32>
      %reduce_max3A_732 = vector.extract %reduce_max3A_731[15] : i32 from vector<16xi32>
      %add3A_733 = arith.addi %add3A_712, %reduce_max3A_732 : i32
      %get3A_734 = arith.constant 400 : index
      %get3A_735 = tpu.vector_load %arg12[%get3A_734] {strides = array<i32>} : memref<512xi32, #tpu.memory_space<vmem>>, vector<16xi32>,
      %broadcast_in_dim3A_736 = arith.constant true
      %broadcast_in_dim3A_737 = vector.broadcast %broadcast_in_dim3A_736 : i1 to vector<16xi1>
      %masked_cumsum3A_738 = tpu.scan <sum>, %get3A_735 masked %broadcast_in_dim3A_737 : vector<16xi32>, vector<16xi1> -> vector<16xi32>
      %sub3A_739 = arith.subi %masked_cumsum3A_738, %get3A_735 : vector<16xi32>
      %broadcast_in_dim3A_740 = vector.broadcast %add3A_733 : i32 to vector<16xi32>
      %add3A_741 = arith.addi %sub3A_739, %broadcast_in_dim3A_740 : vector<16xi32>
      %swap3A_742 = arith.constant 400 : index
      %swap3A_743 = tpu.vector_load %arg12[%swap3A_742] {strides = array<i32>} : memref<512xi32, #tpu.memory_space<vmem>>, vector<16xi32>,
      tpu.vector_store %arg12[%swap3A_742], %add3A_741 {strides = array<i32>} : memref<512xi32, #tpu.memory_space<vmem>>, vector<16xi32>,
      %swap3A_744 = arith.constant 400 : index
      %swap3A_745 = tpu.vector_load %arg13[%swap3A_744] {strides = array<i32>} : memref<512xi32, #tpu.memory_space<vmem>>, vector<16xi32>,
      tpu.vector_store %arg13[%swap3A_744], %add3A_741 {strides = array<i32>} : memref<512xi32, #tpu.memory_space<vmem>>, vector<16xi32>,
      %reduce_max3A_746 = arith.constant true
      %reduce_max3A_747 = vector.broadcast %reduce_max3A_746 : i1 to vector<16xi1>
      %reduce_max3A_748 = arith.constant -2147483648 : i32
      %reduce_max3A_749 = vector.broadcast %reduce_max3A_748 : i32 to vector<16xi32>
      %reduce_max3A_750 = arith.xori %masked_cumsum3A_738, %reduce_max3A_749 : vector<16xi32>
      %reduce_max3A_751 = tpu.scan <max>, %reduce_max3A_750 masked %reduce_max3A_747 : vector<16xi32>, vector<16xi1> -> vector<16xi32>
      %reduce_max3A_752 = arith.xori %reduce_max3A_751, %reduce_max3A_749 : vector<16xi32>
      %reduce_max3A_753 = vector.extract %reduce_max3A_752[15] : i32 from vector<16xi32>
      %add3A_754 = arith.addi %add3A_733, %reduce_max3A_753 : i32
      %get3A_755 = arith.constant 416 : index
      %get3A_756 = tpu.vector_load %arg12[%get3A_755] {strides = array<i32>} : memref<512xi32, #tpu.memory_space<vmem>>, vector<16xi32>,
      %broadcast_in_dim3A_757 = arith.constant true
      %broadcast_in_dim3A_758 = vector.broadcast %broadcast_in_dim3A_757 : i1 to vector<16xi1>
      %masked_cumsum3A_759 = tpu.scan <sum>, %get3A_756 masked %broadcast_in_dim3A_758 : vector<16xi32>, vector<16xi1> -> vector<16xi32>
      %sub3A_760 = arith.subi %masked_cumsum3A_759, %get3A_756 : vector<16xi32>
      %broadcast_in_dim3A_761 = vector.broadcast %add3A_754 : i32 to vector<16xi32>
      %add3A_762 = arith.addi %sub3A_760, %broadcast_in_dim3A_761 : vector<16xi32>
      %swap3A_763 = arith.constant 416 : index
      %swap3A_764 = tpu.vector_load %arg12[%swap3A_763] {strides = array<i32>} : memref<512xi32, #tpu.memory_space<vmem>>, vector<16xi32>,
      tpu.vector_store %arg12[%swap3A_763], %add3A_762 {strides = array<i32>} : memref<512xi32, #tpu.memory_space<vmem>>, vector<16xi32>,
      %swap3A_765 = arith.constant 416 : index
      %swap3A_766 = tpu.vector_load %arg13[%swap3A_765] {strides = array<i32>} : memref<512xi32, #tpu.memory_space<vmem>>, vector<16xi32>,
      tpu.vector_store %arg13[%swap3A_765], %add3A_762 {strides = array<i32>} : memref<512xi32, #tpu.memory_space<vmem>>, vector<16xi32>,
      %reduce_max3A_767 = arith.constant true
      %reduce_max3A_768 = vector.broadcast %reduce_max3A_767 : i1 to vector<16xi1>
      %reduce_max3A_769 = arith.constant -2147483648 : i32
      %reduce_max3A_770 = vector.broadcast %reduce_max3A_769 : i32 to vector<16xi32>
      %reduce_max3A_771 = arith.xori %masked_cumsum3A_759, %reduce_max3A_770 : vector<16xi32>
      %reduce_max3A_772 = tpu.scan <max>, %reduce_max3A_771 masked %reduce_max3A_768 : vector<16xi32>, vector<16xi1> -> vector<16xi32>
      %reduce_max3A_773 = arith.xori %reduce_max3A_772, %reduce_max3A_770 : vector<16xi32>
      %reduce_max3A_774 = vector.extract %reduce_max3A_773[15] : i32 from vector<16xi32>
      %add3A_775 = arith.addi %add3A_754, %reduce_max3A_774 : i32
      %get3A_776 = arith.constant 432 : index
      %get3A_777 = tpu.vector_load %arg12[%get3A_776] {strides = array<i32>} : memref<512xi32, #tpu.memory_space<vmem>>, vector<16xi32>,
      %broadcast_in_dim3A_778 = arith.constant true
      %broadcast_in_dim3A_779 = vector.broadcast %broadcast_in_dim3A_778 : i1 to vector<16xi1>
      %masked_cumsum3A_780 = tpu.scan <sum>, %get3A_777 masked %broadcast_in_dim3A_779 : vector<16xi32>, vector<16xi1> -> vector<16xi32>
      %sub3A_781 = arith.subi %masked_cumsum3A_780, %get3A_777 : vector<16xi32>
      %broadcast_in_dim3A_782 = vector.broadcast %add3A_775 : i32 to vector<16xi32>
      %add3A_783 = arith.addi %sub3A_781, %broadcast_in_dim3A_782 : vector<16xi32>
      %swap3A_784 = arith.constant 432 : index
      %swap3A_785 = tpu.vector_load %arg12[%swap3A_784] {strides = array<i32>} : memref<512xi32, #tpu.memory_space<vmem>>, vector<16xi32>,
      tpu.vector_store %arg12[%swap3A_784], %add3A_783 {strides = array<i32>} : memref<512xi32, #tpu.memory_space<vmem>>, vector<16xi32>,
      %swap3A_786 = arith.constant 432 : index
      %swap3A_787 = tpu.vector_load %arg13[%swap3A_786] {strides = array<i32>} : memref<512xi32, #tpu.memory_space<vmem>>, vector<16xi32>,
      tpu.vector_store %arg13[%swap3A_786], %add3A_783 {strides = array<i32>} : memref<512xi32, #tpu.memory_space<vmem>>, vector<16xi32>,
      %reduce_max3A_788 = arith.constant true
      %reduce_max3A_789 = vector.broadcast %reduce_max3A_788 : i1 to vector<16xi1>
      %reduce_max3A_790 = arith.constant -2147483648 : i32
      %reduce_max3A_791 = vector.broadcast %reduce_max3A_790 : i32 to vector<16xi32>
      %reduce_max3A_792 = arith.xori %masked_cumsum3A_780, %reduce_max3A_791 : vector<16xi32>
      %reduce_max3A_793 = tpu.scan <max>, %reduce_max3A_792 masked %reduce_max3A_789 : vector<16xi32>, vector<16xi1> -> vector<16xi32>
      %reduce_max3A_794 = arith.xori %reduce_max3A_793, %reduce_max3A_791 : vector<16xi32>
      %reduce_max3A_795 = vector.extract %reduce_max3A_794[15] : i32 from vector<16xi32>
      %add3A_796 = arith.addi %add3A_775, %reduce_max3A_795 : i32
      %get3A_797 = arith.constant 448 : index
      %get3A_798 = tpu.vector_load %arg12[%get3A_797] {strides = array<i32>} : memref<512xi32, #tpu.memory_space<vmem>>, vector<16xi32>,
      %broadcast_in_dim3A_799 = arith.constant true
      %broadcast_in_dim3A_800 = vector.broadcast %broadcast_in_dim3A_799 : i1 to vector<16xi1>
      %masked_cumsum3A_801 = tpu.scan <sum>, %get3A_798 masked %broadcast_in_dim3A_800 : vector<16xi32>, vector<16xi1> -> vector<16xi32>
      %sub3A_802 = arith.subi %masked_cumsum3A_801, %get3A_798 : vector<16xi32>
      %broadcast_in_dim3A_803 = vector.broadcast %add3A_796 : i32 to vector<16xi32>
      %add3A_804 = arith.addi %sub3A_802, %broadcast_in_dim3A_803 : vector<16xi32>
      %swap3A_805 = arith.constant 448 : index
      %swap3A_806 = tpu.vector_load %arg12[%swap3A_805] {strides = array<i32>} : memref<512xi32, #tpu.memory_space<vmem>>, vector<16xi32>,
      tpu.vector_store %arg12[%swap3A_805], %add3A_804 {strides = array<i32>} : memref<512xi32, #tpu.memory_space<vmem>>, vector<16xi32>,
      %swap3A_807 = arith.constant 448 : index
      %swap3A_808 = tpu.vector_load %arg13[%swap3A_807] {strides = array<i32>} : memref<512xi32, #tpu.memory_space<vmem>>, vector<16xi32>,
      tpu.vector_store %arg13[%swap3A_807], %add3A_804 {strides = array<i32>} : memref<512xi32, #tpu.memory_space<vmem>>, vector<16xi32>,
      %reduce_max3A_809 = arith.constant true
      %reduce_max3A_810 = vector.broadcast %reduce_max3A_809 : i1 to vector<16xi1>
      %reduce_max3A_811 = arith.constant -2147483648 : i32
      %reduce_max3A_812 = vector.broadcast %reduce_max3A_811 : i32 to vector<16xi32>
      %reduce_max3A_813 = arith.xori %masked_cumsum3A_801, %reduce_max3A_812 : vector<16xi32>
      %reduce_max3A_814 = tpu.scan <max>, %reduce_max3A_813 masked %reduce_max3A_810 : vector<16xi32>, vector<16xi1> -> vector<16xi32>
      %reduce_max3A_815 = arith.xori %reduce_max3A_814, %reduce_max3A_812 : vector<16xi32>
      %reduce_max3A_816 = vector.extract %reduce_max3A_815[15] : i32 from vector<16xi32>
      %add3A_817 = arith.addi %add3A_796, %reduce_max3A_816 : i32
      %get3A_818 = arith.constant 464 : index
      %get3A_819 = tpu.vector_load %arg12[%get3A_818] {strides = array<i32>} : memref<512xi32, #tpu.memory_space<vmem>>, vector<16xi32>,
      %broadcast_in_dim3A_820 = arith.constant true
      %broadcast_in_dim3A_821 = vector.broadcast %broadcast_in_dim3A_820 : i1 to vector<16xi1>
      %masked_cumsum3A_822 = tpu.scan <sum>, %get3A_819 masked %broadcast_in_dim3A_821 : vector<16xi32>, vector<16xi1> -> vector<16xi32>
      %sub3A_823 = arith.subi %masked_cumsum3A_822, %get3A_819 : vector<16xi32>
      %broadcast_in_dim3A_824 = vector.broadcast %add3A_817 : i32 to vector<16xi32>
      %add3A_825 = arith.addi %sub3A_823, %broadcast_in_dim3A_824 : vector<16xi32>
      %swap3A_826 = arith.constant 464 : index
      %swap3A_827 = tpu.vector_load %arg12[%swap3A_826] {strides = array<i32>} : memref<512xi32, #tpu.memory_space<vmem>>, vector<16xi32>,
      tpu.vector_store %arg12[%swap3A_826], %add3A_825 {strides = array<i32>} : memref<512xi32, #tpu.memory_space<vmem>>, vector<16xi32>,
      %swap3A_828 = arith.constant 464 : index
      %swap3A_829 = tpu.vector_load %arg13[%swap3A_828] {strides = array<i32>} : memref<512xi32, #tpu.memory_space<vmem>>, vector<16xi32>,
      tpu.vector_store %arg13[%swap3A_828], %add3A_825 {strides = array<i32>} : memref<512xi32, #tpu.memory_space<vmem>>, vector<16xi32>,
      %reduce_max3A_830 = arith.constant true
      %reduce_max3A_831 = vector.broadcast %reduce_max3A_830 : i1 to vector<16xi1>
      %reduce_max3A_832 = arith.constant -2147483648 : i32
      %reduce_max3A_833 = vector.broadcast %reduce_max3A_832 : i32 to vector<16xi32>
      %reduce_max3A_834 = arith.xori %masked_cumsum3A_822, %reduce_max3A_833 : vector<16xi32>
      %reduce_max3A_835 = tpu.scan <max>, %reduce_max3A_834 masked %reduce_max3A_831 : vector<16xi32>, vector<16xi1> -> vector<16xi32>
      %reduce_max3A_836 = arith.xori %reduce_max3A_835, %reduce_max3A_833 : vector<16xi32>
      %reduce_max3A_837 = vector.extract %reduce_max3A_836[15] : i32 from vector<16xi32>
      %add3A_838 = arith.addi %add3A_817, %reduce_max3A_837 : i32
      %get3A_839 = arith.constant 480 : index
      %get3A_840 = tpu.vector_load %arg12[%get3A_839] {strides = array<i32>} : memref<512xi32, #tpu.memory_space<vmem>>, vector<16xi32>,
      %broadcast_in_dim3A_841 = arith.constant true
      %broadcast_in_dim3A_842 = vector.broadcast %broadcast_in_dim3A_841 : i1 to vector<16xi1>
      %masked_cumsum3A_843 = tpu.scan <sum>, %get3A_840 masked %broadcast_in_dim3A_842 : vector<16xi32>, vector<16xi1> -> vector<16xi32>
      %sub3A_844 = arith.subi %masked_cumsum3A_843, %get3A_840 : vector<16xi32>
      %broadcast_in_dim3A_845 = vector.broadcast %add3A_838 : i32 to vector<16xi32>
      %add3A_846 = arith.addi %sub3A_844, %broadcast_in_dim3A_845 : vector<16xi32>
      %swap3A_847 = arith.constant 480 : index
      %swap3A_848 = tpu.vector_load %arg12[%swap3A_847] {strides = array<i32>} : memref<512xi32, #tpu.memory_space<vmem>>, vector<16xi32>,
      tpu.vector_store %arg12[%swap3A_847], %add3A_846 {strides = array<i32>} : memref<512xi32, #tpu.memory_space<vmem>>, vector<16xi32>,
      %swap3A_849 = arith.constant 480 : index
      %swap3A_850 = tpu.vector_load %arg13[%swap3A_849] {strides = array<i32>} : memref<512xi32, #tpu.memory_space<vmem>>, vector<16xi32>,
      tpu.vector_store %arg13[%swap3A_849], %add3A_846 {strides = array<i32>} : memref<512xi32, #tpu.memory_space<vmem>>, vector<16xi32>,
      %reduce_max3A_851 = arith.constant true
      %reduce_max3A_852 = vector.broadcast %reduce_max3A_851 : i1 to vector<16xi1>
      %reduce_max3A_853 = arith.constant -2147483648 : i32
      %reduce_max3A_854 = vector.broadcast %reduce_max3A_853 : i32 to vector<16xi32>
      %reduce_max3A_855 = arith.xori %masked_cumsum3A_843, %reduce_max3A_854 : vector<16xi32>
      %reduce_max3A_856 = tpu.scan <max>, %reduce_max3A_855 masked %reduce_max3A_852 : vector<16xi32>, vector<16xi1> -> vector<16xi32>
      %reduce_max3A_857 = arith.xori %reduce_max3A_856, %reduce_max3A_854 : vector<16xi32>
      %reduce_max3A_858 = vector.extract %reduce_max3A_857[15] : i32 from vector<16xi32>
      %add3A_859 = arith.addi %add3A_838, %reduce_max3A_858 : i32
      %get3A_860 = arith.constant 496 : index
      %get3A_861 = tpu.vector_load %arg12[%get3A_860] {strides = array<i32>} : memref<512xi32, #tpu.memory_space<vmem>>, vector<16xi32>,
      %broadcast_in_dim3A_862 = arith.constant true
      %broadcast_in_dim3A_863 = vector.broadcast %broadcast_in_dim3A_862 : i1 to vector<16xi1>
      %masked_cumsum3A_864 = tpu.scan <sum>, %get3A_861 masked %broadcast_in_dim3A_863 : vector<16xi32>, vector<16xi1> -> vector<16xi32>
      %sub3A_865 = arith.subi %masked_cumsum3A_864, %get3A_861 : vector<16xi32>
      %broadcast_in_dim3A_866 = vector.broadcast %add3A_859 : i32 to vector<16xi32>
      %add3A_867 = arith.addi %sub3A_865, %broadcast_in_dim3A_866 : vector<16xi32>
      %swap3A_868 = arith.constant 496 : index
      %swap3A_869 = tpu.vector_load %arg12[%swap3A_868] {strides = array<i32>} : memref<512xi32, #tpu.memory_space<vmem>>, vector<16xi32>,
      tpu.vector_store %arg12[%swap3A_868], %add3A_867 {strides = array<i32>} : memref<512xi32, #tpu.memory_space<vmem>>, vector<16xi32>,
      %swap3A_870 = arith.constant 496 : index
      %swap3A_871 = tpu.vector_load %arg13[%swap3A_870] {strides = array<i32>} : memref<512xi32, #tpu.memory_space<vmem>>, vector<16xi32>,
      tpu.vector_store %arg13[%swap3A_870], %add3A_867 {strides = array<i32>} : memref<512xi32, #tpu.memory_space<vmem>>, vector<16xi32>,
      %reduce_max3A_872 = arith.constant true
      %reduce_max3A_873 = vector.broadcast %reduce_max3A_872 : i1 to vector<16xi1>
      %reduce_max3A_874 = arith.constant -2147483648 : i32
      %reduce_max3A_875 = vector.broadcast %reduce_max3A_874 : i32 to vector<16xi32>
      %reduce_max3A_876 = arith.xori %masked_cumsum3A_864, %reduce_max3A_875 : vector<16xi32>
      %reduce_max3A_877 = tpu.scan <max>, %reduce_max3A_876 masked %reduce_max3A_873 : vector<16xi32>, vector<16xi1> -> vector<16xi32>
      %reduce_max3A_878 = arith.xori %reduce_max3A_877, %reduce_max3A_875 : vector<16xi32>
      %reduce_max3A_879 = vector.extract %reduce_max3A_878[15] : i32 from vector<16xi32>
      %add3A_880 = arith.addi %add3A_859, %reduce_max3A_879 : i32
      %scan3A_881 = arith.constant 0 : i32
      %scan3A_882 = arith.constant 0 : i32
      %scan3A_883 = arith.constant 256 : i32
      %scan3A_884 = arith.addi %scan3A_882, %scan3A_883 : i32
      %scan3A_885 = arith.constant 1 : i32
      scf.for %scan3A_978 = %scan3A_882 to %scan3A_884 step %scan3A_885  : i32 {
        %mul3A_979 = arith.constant 16 : i32
        %mul3A_980 = arith.muli %scan3A_978, %mul3A_979 : i32
        %multiple_of3A = tpu.assume_multiple %mul3A_980, 8 : i32
        %get3A_981 = arith.index_cast %multiple_of3A : i32 to index
        %get3A_982 = tpu.vector_load %arg9[%get3A_981] {strides = array<i32>} : memref<4096xi32, #tpu.memory_space<vmem>>, vector<16xi32>,
        %jit3A_983 = arith.constant 0 : i32
        %jit3A_984 = arith.constant 510 : i32
        %max3A = vector.broadcast %jit3A_983 : i32 to vector<16xi32>
        %max3A_985 = arith.maxsi %max3A, %get3A_982 : vector<16xi32>
        %min3A_986 = vector.broadcast %jit3A_984 : i32 to vector<16xi32>
        %min3A_987 = arith.minsi %min3A_986, %max3A_985 : vector<16xi32>
        %broadcast_in_dim3A_988 = arith.constant true
        %broadcast_in_dim3A_989 = vector.broadcast %broadcast_in_dim3A_988 : i1 to vector<16xi1>
        %unique3A, %unique3A_990 = tpu.scan_count mask(%broadcast_in_dim3A_989 : vector<16xi1>) value(%min3A_987 : vector<16xi32>) : vector<16xi1>, vector<16xi32>
        %gather3A_991 = tpu.vector_load_idx %arg13[%min3A_987] : memref<512xi32, #tpu.memory_space<vmem>>[vector<16xi32>], vector<16xi32>,
        %add3A_992 = arith.addi %gather3A_991, %unique3A_990 : vector<16xi32>
        %sub3A_993 = arith.constant 1 : i32
        %sub3A_994 = vector.broadcast %sub3A_993 : i32 to vector<16xi32>
        %sub3A_995 = arith.subi %add3A_992, %sub3A_994 : vector<16xi32>
        %jit3A_996 = arith.constant 0 : i32
        %jit3A_997 = arith.constant 4095 : i32
        %max3A_998 = vector.broadcast %jit3A_996 : i32 to vector<16xi32>
        %max3A_999 = arith.maxsi %max3A_998, %sub3A_995 : vector<16xi32>
        %min3A_1000 = vector.broadcast %jit3A_997 : i32 to vector<16xi32>
        %min3A_1001 = arith.minsi %min3A_1000, %max3A_999 : vector<16xi32>
        %get3A_1002 = arith.index_cast %multiple_of3A : i32 to index
        %get3A_1003 = tpu.vector_load %arg8[%get3A_1002] {strides = array<i32>} : memref<4096xi32, #tpu.memory_space<vmem>>, vector<16xi32>,
        tpu.vector_store_idx %arg10[%min3A_1001], %get3A_1003 : memref<4096xi32, #tpu.memory_space<vmem>>[vector<16xi32>], vector<16xi32>,
        %mul3A_1004 = arith.constant 16 : i32
        %mul3A_1005 = arith.muli %scan3A_978, %mul3A_1004 : i32
        %broadcast_in_dim3A_1006 = vector.broadcast %mul3A_1005 : i32 to vector<16xi32>
        %add3A_1007 = arith.addi %broadcast_in_dim3A_1006, %iota3A : vector<16xi32>
        tpu.vector_store_idx %arg11[%min3A_1001], %add3A_1007 : memref<4096xi32, #tpu.memory_space<vmem>>[vector<16xi32>], vector<16xi32>,
        %add3A_1008 = arith.addi %gather3A_991, %unique3A_990 : vector<16xi32>
        tpu.vector_store_idx %arg13[%min3A_987], %add3A_1008 masked %unique3A : memref<512xi32, #tpu.memory_space<vmem>>[vector<16xi32>], vector<16xi32>, vector<16xi1>
      }
      %scan3A_886 = arith.constant 256 : i32
      %scan3A_887 = arith.constant 0 : i32
      %scan3A_888 = arith.constant 0 : i32
      %scan3A_889 = arith.constant 256 : i32
      %scan3A_890 = arith.addi %scan3A_888, %scan3A_889 : i32
      %scan3A_891 = arith.constant 1 : i32
      scf.for %scan3A_978 = %scan3A_888 to %scan3A_890 step %scan3A_891  : i32 {
        %mul3A_979 = arith.constant 16 : i32
        %mul3A_980 = arith.muli %scan3A_978, %mul3A_979 : i32
        %multiple_of3A = tpu.assume_multiple %mul3A_980, 8 : i32
        %get3A_981 = arith.index_cast %multiple_of3A : i32 to index
        %get3A_982 = tpu.vector_load %arg10[%get3A_981] {strides = array<i32>} : memref<4096xi32, #tpu.memory_space<vmem>>, vector<16xi32>,
        %and3A_983 = arith.constant 255 : i32
        %and3A_984 = vector.broadcast %and3A_983 : i32 to vector<16xi32>
        %and3A_985 = arith.andi %get3A_982, %and3A_984 : vector<16xi32>
        %swap3A_986 = arith.index_cast %multiple_of3A : i32 to index
        %swap3A_987 = tpu.vector_load %arg9[%swap3A_986] {strides = array<i32>} : memref<4096xi32, #tpu.memory_space<vmem>>, vector<16xi32>,
        tpu.vector_store %arg9[%swap3A_986], %and3A_985 {strides = array<i32>} : memref<4096xi32, #tpu.memory_space<vmem>>, vector<16xi32>,
      }
      %scan3A_892 = arith.constant 256 : i32
      %scan3A_893 = arith.constant 0 : i32
      %scan3A_894 = arith.constant 0 : i32
      %scan3A_895 = arith.constant 32 : i32
      %scan3A_896 = arith.addi %scan3A_894, %scan3A_895 : i32
      %scan3A_897 = arith.constant 1 : i32
      scf.for %scan3A_978 = %scan3A_894 to %scan3A_896 step %scan3A_897  : i32 {
        %mul3A_979 = arith.constant 128 : i32
        %mul3A_980 = arith.muli %scan3A_978, %mul3A_979 : i32
        %add3A_981 = arith.constant 0 : i32
        %add3A_982 = arith.addi %mul3A_980, %add3A_981 : i32
        %multiple_of3A = tpu.assume_multiple %add3A_982, 8 : i32
        %get3A_983 = arith.index_cast %multiple_of3A : i32 to index
        %get3A_984 = tpu.vector_load %arg11[%get3A_983] {strides = array<i32>} : memref<4096xi32, #tpu.memory_space<vmem>>, vector<16xi32>,
        %mul3A_985 = arith.constant 26 : i32
        %mul3A_986 = vector.broadcast %mul3A_985 : i32 to vector<16xi32>
        %mul3A_987 = arith.muli %get3A_984, %mul3A_986 : vector<16xi32>
        %broadcast_in_dim3A_988 = vector.broadcast %add3A : i32 to vector<16xi32>
        %add3A_989 = arith.addi %mul3A_987, %broadcast_in_dim3A_988 : vector<16xi32>
        %jit3A_990 = arith.constant 0 : i32
        %jit3A_991 = arith.constant 106495 : i32
        %max3A = vector.broadcast %jit3A_990 : i32 to vector<16xi32>
        %max3A_992 = arith.maxsi %max3A, %add3A_989 : vector<16xi32>
        %min3A_993 = vector.broadcast %jit3A_991 : i32 to vector<16xi32>
        %min3A_994 = arith.minsi %min3A_993, %max3A_992 : vector<16xi32>
        %swap3A_995 = arith.index_cast %scan3A_978 : i32 to index
        %swap3A_996 = arith.constant 0 : index
        %swap3A_997 = tpu.vector_load %arg14[%swap3A_995, %swap3A_996] {strides = array<i32>} : memref<32x128xi32, #tpu.memory_space<vmem>>, vector<16xi32>,
        tpu.vector_store %arg14[%swap3A_995, %swap3A_996], %min3A_994 {strides = array<i32>} : memref<32x128xi32, #tpu.memory_space<vmem>>, vector<16xi32>,
        %mul3A_998 = arith.constant 128 : i32
        %mul3A_999 = arith.muli %scan3A_978, %mul3A_998 : i32
        %add3A_1000 = arith.constant 16 : i32
        %add3A_1001 = arith.addi %mul3A_999, %add3A_1000 : i32
        %multiple_of3A_1002 = tpu.assume_multiple %add3A_1001, 8 : i32
        %get3A_1003 = arith.index_cast %multiple_of3A_1002 : i32 to index
        %get3A_1004 = tpu.vector_load %arg11[%get3A_1003] {strides = array<i32>} : memref<4096xi32, #tpu.memory_space<vmem>>, vector<16xi32>,
        %mul3A_1005 = arith.constant 26 : i32
        %mul3A_1006 = vector.broadcast %mul3A_1005 : i32 to vector<16xi32>
        %mul3A_1007 = arith.muli %get3A_1004, %mul3A_1006 : vector<16xi32>
        %broadcast_in_dim3A_1008 = vector.broadcast %add3A : i32 to vector<16xi32>
        %add3A_1009 = arith.addi %mul3A_1007, %broadcast_in_dim3A_1008 : vector<16xi32>
        %jit3A_1010 = arith.constant 0 : i32
        %jit3A_1011 = arith.constant 106495 : i32
        %max3A_1012 = vector.broadcast %jit3A_1010 : i32 to vector<16xi32>
        %max3A_1013 = arith.maxsi %max3A_1012, %add3A_1009 : vector<16xi32>
        %min3A_1014 = vector.broadcast %jit3A_1011 : i32 to vector<16xi32>
        %min3A_1015 = arith.minsi %min3A_1014, %max3A_1013 : vector<16xi32>
        %swap3A_1016 = arith.index_cast %scan3A_978 : i32 to index
        %swap3A_1017 = arith.constant 16 : index
        %swap3A_1018 = tpu.vector_load %arg14[%swap3A_1016, %swap3A_1017] {strides = array<i32>} : memref<32x128xi32, #tpu.memory_space<vmem>>, vector<16xi32>,
        tpu.vector_store %arg14[%swap3A_1016, %swap3A_1017], %min3A_1015 {strides = array<i32>} : memref<32x128xi32, #tpu.memory_space<vmem>>, vector<16xi32>,
        %mul3A_1019 = arith.constant 128 : i32
        %mul3A_1020 = arith.muli %scan3A_978, %mul3A_1019 : i32
        %add3A_1021 = arith.constant 32 : i32
        %add3A_1022 = arith.addi %mul3A_1020, %add3A_1021 : i32
        %multiple_of3A_1023 = tpu.assume_multiple %add3A_1022, 8 : i32
        %get3A_1024 = arith.index_cast %multiple_of3A_1023 : i32 to index
        %get3A_1025 = tpu.vector_load %arg11[%get3A_1024] {strides = array<i32>} : memref<4096xi32, #tpu.memory_space<vmem>>, vector<16xi32>,
        %mul3A_1026 = arith.constant 26 : i32
        %mul3A_1027 = vector.broadcast %mul3A_1026 : i32 to vector<16xi32>
        %mul3A_1028 = arith.muli %get3A_1025, %mul3A_1027 : vector<16xi32>
        %broadcast_in_dim3A_1029 = vector.broadcast %add3A : i32 to vector<16xi32>
        %add3A_1030 = arith.addi %mul3A_1028, %broadcast_in_dim3A_1029 : vector<16xi32>
        %jit3A_1031 = arith.constant 0 : i32
        %jit3A_1032 = arith.constant 106495 : i32
        %max3A_1033 = vector.broadcast %jit3A_1031 : i32 to vector<16xi32>
        %max3A_1034 = arith.maxsi %max3A_1033, %add3A_1030 : vector<16xi32>
        %min3A_1035 = vector.broadcast %jit3A_1032 : i32 to vector<16xi32>
        %min3A_1036 = arith.minsi %min3A_1035, %max3A_1034 : vector<16xi32>
        %swap3A_1037 = arith.index_cast %scan3A_978 : i32 to index
        %swap3A_1038 = arith.constant 32 : index
        %swap3A_1039 = tpu.vector_load %arg14[%swap3A_1037, %swap3A_1038] {strides = array<i32>} : memref<32x128xi32, #tpu.memory_space<vmem>>, vector<16xi32>,
        tpu.vector_store %arg14[%swap3A_1037, %swap3A_1038], %min3A_1036 {strides = array<i32>} : memref<32x128xi32, #tpu.memory_space<vmem>>, vector<16xi32>,
        %mul3A_1040 = arith.constant 128 : i32
        %mul3A_1041 = arith.muli %scan3A_978, %mul3A_1040 : i32
        %add3A_1042 = arith.constant 48 : i32
        %add3A_1043 = arith.addi %mul3A_1041, %add3A_1042 : i32
        %multiple_of3A_1044 = tpu.assume_multiple %add3A_1043, 8 : i32
        %get3A_1045 = arith.index_cast %multiple_of3A_1044 : i32 to index
        %get3A_1046 = tpu.vector_load %arg11[%get3A_1045] {strides = array<i32>} : memref<4096xi32, #tpu.memory_space<vmem>>, vector<16xi32>,
        %mul3A_1047 = arith.constant 26 : i32
        %mul3A_1048 = vector.broadcast %mul3A_1047 : i32 to vector<16xi32>
        %mul3A_1049 = arith.muli %get3A_1046, %mul3A_1048 : vector<16xi32>
        %broadcast_in_dim3A_1050 = vector.broadcast %add3A : i32 to vector<16xi32>
        %add3A_1051 = arith.addi %mul3A_1049, %broadcast_in_dim3A_1050 : vector<16xi32>
        %jit3A_1052 = arith.constant 0 : i32
        %jit3A_1053 = arith.constant 106495 : i32
        %max3A_1054 = vector.broadcast %jit3A_1052 : i32 to vector<16xi32>
        %max3A_1055 = arith.maxsi %max3A_1054, %add3A_1051 : vector<16xi32>
        %min3A_1056 = vector.broadcast %jit3A_1053 : i32 to vector<16xi32>
        %min3A_1057 = arith.minsi %min3A_1056, %max3A_1055 : vector<16xi32>
        %swap3A_1058 = arith.index_cast %scan3A_978 : i32 to index
        %swap3A_1059 = arith.constant 48 : index
        %swap3A_1060 = tpu.vector_load %arg14[%swap3A_1058, %swap3A_1059] {strides = array<i32>} : memref<32x128xi32, #tpu.memory_space<vmem>>, vector<16xi32>,
        tpu.vector_store %arg14[%swap3A_1058, %swap3A_1059], %min3A_1057 {strides = array<i32>} : memref<32x128xi32, #tpu.memory_space<vmem>>, vector<16xi32>,
        %mul3A_1061 = arith.constant 128 : i32
        %mul3A_1062 = arith.muli %scan3A_978, %mul3A_1061 : i32
        %add3A_1063 = arith.constant 64 : i32
        %add3A_1064 = arith.addi %mul3A_1062, %add3A_1063 : i32
        %multiple_of3A_1065 = tpu.assume_multiple %add3A_1064, 8 : i32
        %get3A_1066 = arith.index_cast %multiple_of3A_1065 : i32 to index
        %get3A_1067 = tpu.vector_load %arg11[%get3A_1066] {strides = array<i32>} : memref<4096xi32, #tpu.memory_space<vmem>>, vector<16xi32>,
        %mul3A_1068 = arith.constant 26 : i32
        %mul3A_1069 = vector.broadcast %mul3A_1068 : i32 to vector<16xi32>
        %mul3A_1070 = arith.muli %get3A_1067, %mul3A_1069 : vector<16xi32>
        %broadcast_in_dim3A_1071 = vector.broadcast %add3A : i32 to vector<16xi32>
        %add3A_1072 = arith.addi %mul3A_1070, %broadcast_in_dim3A_1071 : vector<16xi32>
        %jit3A_1073 = arith.constant 0 : i32
        %jit3A_1074 = arith.constant 106495 : i32
        %max3A_1075 = vector.broadcast %jit3A_1073 : i32 to vector<16xi32>
        %max3A_1076 = arith.maxsi %max3A_1075, %add3A_1072 : vector<16xi32>
        %min3A_1077 = vector.broadcast %jit3A_1074 : i32 to vector<16xi32>
        %min3A_1078 = arith.minsi %min3A_1077, %max3A_1076 : vector<16xi32>
        %swap3A_1079 = arith.index_cast %scan3A_978 : i32 to index
        %swap3A_1080 = arith.constant 64 : index
        %swap3A_1081 = tpu.vector_load %arg14[%swap3A_1079, %swap3A_1080] {strides = array<i32>} : memref<32x128xi32, #tpu.memory_space<vmem>>, vector<16xi32>,
        tpu.vector_store %arg14[%swap3A_1079, %swap3A_1080], %min3A_1078 {strides = array<i32>} : memref<32x128xi32, #tpu.memory_space<vmem>>, vector<16xi32>,
        %mul3A_1082 = arith.constant 128 : i32
        %mul3A_1083 = arith.muli %scan3A_978, %mul3A_1082 : i32
        %add3A_1084 = arith.constant 80 : i32
        %add3A_1085 = arith.addi %mul3A_1083, %add3A_1084 : i32
        %multiple_of3A_1086 = tpu.assume_multiple %add3A_1085, 8 : i32
        %get3A_1087 = arith.index_cast %multiple_of3A_1086 : i32 to index
        %get3A_1088 = tpu.vector_load %arg11[%get3A_1087] {strides = array<i32>} : memref<4096xi32, #tpu.memory_space<vmem>>, vector<16xi32>,
        %mul3A_1089 = arith.constant 26 : i32
        %mul3A_1090 = vector.broadcast %mul3A_1089 : i32 to vector<16xi32>
        %mul3A_1091 = arith.muli %get3A_1088, %mul3A_1090 : vector<16xi32>
        %broadcast_in_dim3A_1092 = vector.broadcast %add3A : i32 to vector<16xi32>
        %add3A_1093 = arith.addi %mul3A_1091, %broadcast_in_dim3A_1092 : vector<16xi32>
        %jit3A_1094 = arith.constant 0 : i32
        %jit3A_1095 = arith.constant 106495 : i32
        %max3A_1096 = vector.broadcast %jit3A_1094 : i32 to vector<16xi32>
        %max3A_1097 = arith.maxsi %max3A_1096, %add3A_1093 : vector<16xi32>
        %min3A_1098 = vector.broadcast %jit3A_1095 : i32 to vector<16xi32>
        %min3A_1099 = arith.minsi %min3A_1098, %max3A_1097 : vector<16xi32>
        %swap3A_1100 = arith.index_cast %scan3A_978 : i32 to index
        %swap3A_1101 = arith.constant 80 : index
        %swap3A_1102 = tpu.vector_load %arg14[%swap3A_1100, %swap3A_1101] {strides = array<i32>} : memref<32x128xi32, #tpu.memory_space<vmem>>, vector<16xi32>,
        tpu.vector_store %arg14[%swap3A_1100, %swap3A_1101], %min3A_1099 {strides = array<i32>} : memref<32x128xi32, #tpu.memory_space<vmem>>, vector<16xi32>,
        %mul3A_1103 = arith.constant 128 : i32
        %mul3A_1104 = arith.muli %scan3A_978, %mul3A_1103 : i32
        %add3A_1105 = arith.constant 96 : i32
        %add3A_1106 = arith.addi %mul3A_1104, %add3A_1105 : i32
        %multiple_of3A_1107 = tpu.assume_multiple %add3A_1106, 8 : i32
        %get3A_1108 = arith.index_cast %multiple_of3A_1107 : i32 to index
        %get3A_1109 = tpu.vector_load %arg11[%get3A_1108] {strides = array<i32>} : memref<4096xi32, #tpu.memory_space<vmem>>, vector<16xi32>,
        %mul3A_1110 = arith.constant 26 : i32
        %mul3A_1111 = vector.broadcast %mul3A_1110 : i32 to vector<16xi32>
        %mul3A_1112 = arith.muli %get3A_1109, %mul3A_1111 : vector<16xi32>
        %broadcast_in_dim3A_1113 = vector.broadcast %add3A : i32 to vector<16xi32>
        %add3A_1114 = arith.addi %mul3A_1112, %broadcast_in_dim3A_1113 : vector<16xi32>
        %jit3A_1115 = arith.constant 0 : i32
        %jit3A_1116 = arith.constant 106495 : i32
        %max3A_1117 = vector.broadcast %jit3A_1115 : i32 to vector<16xi32>
        %max3A_1118 = arith.maxsi %max3A_1117, %add3A_1114 : vector<16xi32>
        %min3A_1119 = vector.broadcast %jit3A_1116 : i32 to vector<16xi32>
        %min3A_1120 = arith.minsi %min3A_1119, %max3A_1118 : vector<16xi32>
        %swap3A_1121 = arith.index_cast %scan3A_978 : i32 to index
        %swap3A_1122 = arith.constant 96 : index
        %swap3A_1123 = tpu.vector_load %arg14[%swap3A_1121, %swap3A_1122] {strides = array<i32>} : memref<32x128xi32, #tpu.memory_space<vmem>>, vector<16xi32>,
        tpu.vector_store %arg14[%swap3A_1121, %swap3A_1122], %min3A_1120 {strides = array<i32>} : memref<32x128xi32, #tpu.memory_space<vmem>>, vector<16xi32>,
        %mul3A_1124 = arith.constant 128 : i32
        %mul3A_1125 = arith.muli %scan3A_978, %mul3A_1124 : i32
        %add3A_1126 = arith.constant 112 : i32
        %add3A_1127 = arith.addi %mul3A_1125, %add3A_1126 : i32
        %multiple_of3A_1128 = tpu.assume_multiple %add3A_1127, 8 : i32
        %get3A_1129 = arith.index_cast %multiple_of3A_1128 : i32 to index
        %get3A_1130 = tpu.vector_load %arg11[%get3A_1129] {strides = array<i32>} : memref<4096xi32, #tpu.memory_space<vmem>>, vector<16xi32>,
        %mul3A_1131 = arith.constant 26 : i32
        %mul3A_1132 = vector.broadcast %mul3A_1131 : i32 to vector<16xi32>
        %mul3A_1133 = arith.muli %get3A_1130, %mul3A_1132 : vector<16xi32>
        %broadcast_in_dim3A_1134 = vector.broadcast %add3A : i32 to vector<16xi32>
        %add3A_1135 = arith.addi %mul3A_1133, %broadcast_in_dim3A_1134 : vector<16xi32>
        %jit3A_1136 = arith.constant 0 : i32
        %jit3A_1137 = arith.constant 106495 : i32
        %max3A_1138 = vector.broadcast %jit3A_1136 : i32 to vector<16xi32>
        %max3A_1139 = arith.maxsi %max3A_1138, %add3A_1135 : vector<16xi32>
        %min3A_1140 = vector.broadcast %jit3A_1137 : i32 to vector<16xi32>
        %min3A_1141 = arith.minsi %min3A_1140, %max3A_1139 : vector<16xi32>
        %swap3A_1142 = arith.index_cast %scan3A_978 : i32 to index
        %swap3A_1143 = arith.constant 112 : index
        %swap3A_1144 = tpu.vector_load %arg14[%swap3A_1142, %swap3A_1143] {strides = array<i32>} : memref<32x128xi32, #tpu.memory_space<vmem>>, vector<16xi32>,
        tpu.vector_store %arg14[%swap3A_1142, %swap3A_1143], %min3A_1141 {strides = array<i32>} : memref<32x128xi32, #tpu.memory_space<vmem>>, vector<16xi32>,
      }
      %scan3A_898 = arith.constant 32 : i32
      %lt3A_899 = arith.constant 0 : i32
      %lt3A_900 = arith.cmpi slt, %lt3A_899, %add3A_33 : i32
      %convert_element_type3A_901 = arith.extui %lt3A_900 : i1 to i32
      %cond3A_902 = arith.constant 0 : i32
      %cond3A_903 = arith.constant 0 : i32
      %cond3A_904 = arith.cmpi ne, %convert_element_type3A_901, %cond3A_903 : i32
      scf.if %cond3A_904 {
        %sub3A_978 = arith.constant 1 : i32
        %sub3A_979 = arith.subi %add3A_33, %sub3A_978 : i32
        %eq3A = arith.cmpi eq, %cond3A_902, %sub3A_979 : i32
        %and3A_980 = arith.andi %gt3A_38, %eq3A : i1
        %convert_element_type3A_981 = arith.extui %and3A_980 : i1 to i32
        %cond3A_982 = arith.constant 0 : i32
        %cond3A_983 = arith.cmpi ne, %convert_element_type3A_981, %cond3A_982 : i32
        scf.if %cond3A_983 {
          %dma_start3A = arith.constant 0 : i32
          %dma_start3A_988 = arith.constant 0 : i32
          %dma_start3A_989 = arith.constant 0 : i32
          %dma_start3A_990 = tpu.memref_slice %arg17[%dma_start3A, %dma_start3A_988, %dma_start3A_989] : memref<4x64x256xf32, #tpu.memory_space<vmem>> -> memref<1x64x256xf32, #tpu.memory_space<vmem>>
          %dma_start3A_991 = tpu.memref_squeeze %dma_start3A_990 : memref<1x64x256xf32, #tpu.memory_space<vmem>> -> memref<64x256xf32, #tpu.memory_space<vmem>>
          %dma_start3A_992 = arith.constant 0 : i32
          %dma_start3A_993 = arith.constant 0 : i32
          %dma_start3A_994 = tpu.memref_slice %arg17[%dma_start3A, %dma_start3A_992, %dma_start3A_993] : memref<4x64x256xf32, #tpu.memory_space<vmem>> -> memref<1x64x256xf32, #tpu.memory_space<vmem>>
          %dma_start3A_995 = tpu.memref_squeeze %dma_start3A_994 : memref<1x64x256xf32, #tpu.memory_space<vmem>> -> memref<64x256xf32, #tpu.memory_space<vmem>>
          tpu.enqueue_dma source(%arg5 : memref<64x256xf32, #tpu.memory_space<hbm>>) target(%dma_start3A_995 : memref<64x256xf32, #tpu.memory_space<vmem>>) target_semaphore(%arg19 : memref<!tpu.dma_semaphore, #tpu.memory_space<semaphore_mem>>)
        } else {
        }
        %not3A = arith.constant true
        %not3A_984 = arith.xori %and3A_980, %not3A : i1
        %convert_element_type3A_985 = arith.extui %not3A_984 : i1 to i32
        %cond3A_986 = arith.constant 0 : i32
        %cond3A_987 = arith.cmpi ne, %convert_element_type3A_985, %cond3A_986 : i32
        scf.if %cond3A_987 {
          %add3A_988 = arith.addi %shift_right_logical3A_27, %cond3A_902 : i32
          %mul3A_989 = arith.constant 256 : i32
          %mul3A_990 = arith.muli %add3A_988, %mul3A_989 : i32
          %multiple_of3A = tpu.assume_multiple %mul3A_990, 128 : i32
          %dma_start3A = arith.constant 0 : i32
          %dma_start3A_991 = arith.constant 0 : i32
          %dma_start3A_992 = arith.constant 0 : i32
          %dma_start3A_993 = tpu.memref_slice %arg17[%dma_start3A, %dma_start3A_991, %dma_start3A_992] : memref<4x64x256xf32, #tpu.memory_space<vmem>> -> memref<1x64x256xf32, #tpu.memory_space<vmem>>
          %dma_start3A_994 = tpu.memref_squeeze %dma_start3A_993 : memref<1x64x256xf32, #tpu.memory_space<vmem>> -> memref<64x256xf32, #tpu.memory_space<vmem>>
          %dma_start3A_995 = arith.constant 0 : i32
          %dma_start3A_996 = tpu.memref_slice %arg4[%dma_start3A_995, %multiple_of3A] : memref<64x2600000xf32, #tpu.memory_space<hbm>> -> memref<64x256xf32, #tpu.memory_space<hbm>>
          %dma_start3A_997 = arith.constant 0 : i32
          %dma_start3A_998 = arith.constant 0 : i32
          %dma_start3A_999 = tpu.memref_slice %arg17[%dma_start3A, %dma_start3A_997, %dma_start3A_998] : memref<4x64x256xf32, #tpu.memory_space<vmem>> -> memref<1x64x256xf32, #tpu.memory_space<vmem>>
          %dma_start3A_1000 = tpu.memref_squeeze %dma_start3A_999 : memref<1x64x256xf32, #tpu.memory_space<vmem>> -> memref<64x256xf32, #tpu.memory_space<vmem>>
          %dma_start3A_1001 = arith.constant 0 : i32
          %dma_start3A_1002 = tpu.memref_slice %arg4[%dma_start3A_1001, %multiple_of3A] : memref<64x2600000xf32, #tpu.memory_space<hbm>> -> memref<64x256xf32, #tpu.memory_space<hbm>>
          tpu.enqueue_dma source(%dma_start3A_1002 : memref<64x256xf32, #tpu.memory_space<hbm>>) target(%dma_start3A_1000 : memref<64x256xf32, #tpu.memory_space<vmem>>) target_semaphore(%arg19 : memref<!tpu.dma_semaphore, #tpu.memory_space<semaphore_mem>>)
        } else {
        }
      } else {
      }
      %lt3A_905 = arith.constant 1 : i32
      %lt3A_906 = arith.cmpi slt, %lt3A_905, %add3A_33 : i32
      %convert_element_type3A_907 = arith.extui %lt3A_906 : i1 to i32
      %cond3A_908 = arith.constant 1 : i32
      %cond3A_909 = arith.constant 0 : i32
      %cond3A_910 = arith.cmpi ne, %convert_element_type3A_907, %cond3A_909 : i32
      scf.if %cond3A_910 {
        %sub3A_978 = arith.constant 1 : i32
        %sub3A_979 = arith.subi %add3A_33, %sub3A_978 : i32
        %eq3A = arith.cmpi eq, %cond3A_908, %sub3A_979 : i32
        %and3A_980 = arith.andi %gt3A_38, %eq3A : i1
        %convert_element_type3A_981 = arith.extui %and3A_980 : i1 to i32
        %cond3A_982 = arith.constant 0 : i32
        %cond3A_983 = arith.cmpi ne, %convert_element_type3A_981, %cond3A_982 : i32
        scf.if %cond3A_983 {
          %dma_start3A = arith.constant 1 : i32
          %dma_start3A_988 = arith.constant 0 : i32
          %dma_start3A_989 = arith.constant 0 : i32
          %dma_start3A_990 = tpu.memref_slice %arg17[%dma_start3A, %dma_start3A_988, %dma_start3A_989] : memref<4x64x256xf32, #tpu.memory_space<vmem>> -> memref<1x64x256xf32, #tpu.memory_space<vmem>>
          %dma_start3A_991 = tpu.memref_squeeze %dma_start3A_990 : memref<1x64x256xf32, #tpu.memory_space<vmem>> -> memref<64x256xf32, #tpu.memory_space<vmem>>
          %dma_start3A_992 = arith.constant 0 : i32
          %dma_start3A_993 = arith.constant 0 : i32
          %dma_start3A_994 = tpu.memref_slice %arg17[%dma_start3A, %dma_start3A_992, %dma_start3A_993] : memref<4x64x256xf32, #tpu.memory_space<vmem>> -> memref<1x64x256xf32, #tpu.memory_space<vmem>>
          %dma_start3A_995 = tpu.memref_squeeze %dma_start3A_994 : memref<1x64x256xf32, #tpu.memory_space<vmem>> -> memref<64x256xf32, #tpu.memory_space<vmem>>
          tpu.enqueue_dma source(%arg5 : memref<64x256xf32, #tpu.memory_space<hbm>>) target(%dma_start3A_995 : memref<64x256xf32, #tpu.memory_space<vmem>>) target_semaphore(%arg20 : memref<!tpu.dma_semaphore, #tpu.memory_space<semaphore_mem>>)
        } else {
        }
        %not3A = arith.constant true
        %not3A_984 = arith.xori %and3A_980, %not3A : i1
        %convert_element_type3A_985 = arith.extui %not3A_984 : i1 to i32
        %cond3A_986 = arith.constant 0 : i32
        %cond3A_987 = arith.cmpi ne, %convert_element_type3A_985, %cond3A_986 : i32
        scf.if %cond3A_987 {
          %add3A_988 = arith.addi %shift_right_logical3A_27, %cond3A_908 : i32
          %mul3A_989 = arith.constant 256 : i32
          %mul3A_990 = arith.muli %add3A_988, %mul3A_989 : i32
          %multiple_of3A = tpu.assume_multiple %mul3A_990, 128 : i32
          %dma_start3A = arith.constant 1 : i32
          %dma_start3A_991 = arith.constant 0 : i32
          %dma_start3A_992 = arith.constant 0 : i32
          %dma_start3A_993 = tpu.memref_slice %arg17[%dma_start3A, %dma_start3A_991, %dma_start3A_992] : memref<4x64x256xf32, #tpu.memory_space<vmem>> -> memref<1x64x256xf32, #tpu.memory_space<vmem>>
          %dma_start3A_994 = tpu.memref_squeeze %dma_start3A_993 : memref<1x64x256xf32, #tpu.memory_space<vmem>> -> memref<64x256xf32, #tpu.memory_space<vmem>>
          %dma_start3A_995 = arith.constant 0 : i32
          %dma_start3A_996 = tpu.memref_slice %arg4[%dma_start3A_995, %multiple_of3A] : memref<64x2600000xf32, #tpu.memory_space<hbm>> -> memref<64x256xf32, #tpu.memory_space<hbm>>
          %dma_start3A_997 = arith.constant 0 : i32
          %dma_start3A_998 = arith.constant 0 : i32
          %dma_start3A_999 = tpu.memref_slice %arg17[%dma_start3A, %dma_start3A_997, %dma_start3A_998] : memref<4x64x256xf32, #tpu.memory_space<vmem>> -> memref<1x64x256xf32, #tpu.memory_space<vmem>>
          %dma_start3A_1000 = tpu.memref_squeeze %dma_start3A_999 : memref<1x64x256xf32, #tpu.memory_space<vmem>> -> memref<64x256xf32, #tpu.memory_space<vmem>>
          %dma_start3A_1001 = arith.constant 0 : i32
          %dma_start3A_1002 = tpu.memref_slice %arg4[%dma_start3A_1001, %multiple_of3A] : memref<64x2600000xf32, #tpu.memory_space<hbm>> -> memref<64x256xf32, #tpu.memory_space<hbm>>
          tpu.enqueue_dma source(%dma_start3A_1002 : memref<64x256xf32, #tpu.memory_space<hbm>>) target(%dma_start3A_1000 : memref<64x256xf32, #tpu.memory_space<vmem>>) target_semaphore(%arg20 : memref<!tpu.dma_semaphore, #tpu.memory_space<semaphore_mem>>)
        } else {
        }
      } else {
      }
      %lt3A_911 = arith.constant 2 : i32
      %lt3A_912 = arith.cmpi slt, %lt3A_911, %add3A_33 : i32
      %convert_element_type3A_913 = arith.extui %lt3A_912 : i1 to i32
      %cond3A_914 = arith.constant 2 : i32
      %cond3A_915 = arith.constant 0 : i32
      %cond3A_916 = arith.cmpi ne, %convert_element_type3A_913, %cond3A_915 : i32
      scf.if %cond3A_916 {
        %sub3A_978 = arith.constant 1 : i32
        %sub3A_979 = arith.subi %add3A_33, %sub3A_978 : i32
        %eq3A = arith.cmpi eq, %cond3A_914, %sub3A_979 : i32
        %and3A_980 = arith.andi %gt3A_38, %eq3A : i1
        %convert_element_type3A_981 = arith.extui %and3A_980 : i1 to i32
        %cond3A_982 = arith.constant 0 : i32
        %cond3A_983 = arith.cmpi ne, %convert_element_type3A_981, %cond3A_982 : i32
        scf.if %cond3A_983 {
          %dma_start3A = arith.constant 2 : i32
          %dma_start3A_988 = arith.constant 0 : i32
          %dma_start3A_989 = arith.constant 0 : i32
          %dma_start3A_990 = tpu.memref_slice %arg17[%dma_start3A, %dma_start3A_988, %dma_start3A_989] : memref<4x64x256xf32, #tpu.memory_space<vmem>> -> memref<1x64x256xf32, #tpu.memory_space<vmem>>
          %dma_start3A_991 = tpu.memref_squeeze %dma_start3A_990 : memref<1x64x256xf32, #tpu.memory_space<vmem>> -> memref<64x256xf32, #tpu.memory_space<vmem>>
          %dma_start3A_992 = arith.constant 0 : i32
          %dma_start3A_993 = arith.constant 0 : i32
          %dma_start3A_994 = tpu.memref_slice %arg17[%dma_start3A, %dma_start3A_992, %dma_start3A_993] : memref<4x64x256xf32, #tpu.memory_space<vmem>> -> memref<1x64x256xf32, #tpu.memory_space<vmem>>
          %dma_start3A_995 = tpu.memref_squeeze %dma_start3A_994 : memref<1x64x256xf32, #tpu.memory_space<vmem>> -> memref<64x256xf32, #tpu.memory_space<vmem>>
          tpu.enqueue_dma source(%arg5 : memref<64x256xf32, #tpu.memory_space<hbm>>) target(%dma_start3A_995 : memref<64x256xf32, #tpu.memory_space<vmem>>) target_semaphore(%arg21 : memref<!tpu.dma_semaphore, #tpu.memory_space<semaphore_mem>>)
        } else {
        }
        %not3A = arith.constant true
        %not3A_984 = arith.xori %and3A_980, %not3A : i1
        %convert_element_type3A_985 = arith.extui %not3A_984 : i1 to i32
        %cond3A_986 = arith.constant 0 : i32
        %cond3A_987 = arith.cmpi ne, %convert_element_type3A_985, %cond3A_986 : i32
        scf.if %cond3A_987 {
          %add3A_988 = arith.addi %shift_right_logical3A_27, %cond3A_914 : i32
          %mul3A_989 = arith.constant 256 : i32
          %mul3A_990 = arith.muli %add3A_988, %mul3A_989 : i32
          %multiple_of3A = tpu.assume_multiple %mul3A_990, 128 : i32
          %dma_start3A = arith.constant 2 : i32
          %dma_start3A_991 = arith.constant 0 : i32
          %dma_start3A_992 = arith.constant 0 : i32
          %dma_start3A_993 = tpu.memref_slice %arg17[%dma_start3A, %dma_start3A_991, %dma_start3A_992] : memref<4x64x256xf32, #tpu.memory_space<vmem>> -> memref<1x64x256xf32, #tpu.memory_space<vmem>>
          %dma_start3A_994 = tpu.memref_squeeze %dma_start3A_993 : memref<1x64x256xf32, #tpu.memory_space<vmem>> -> memref<64x256xf32, #tpu.memory_space<vmem>>
          %dma_start3A_995 = arith.constant 0 : i32
          %dma_start3A_996 = tpu.memref_slice %arg4[%dma_start3A_995, %multiple_of3A] : memref<64x2600000xf32, #tpu.memory_space<hbm>> -> memref<64x256xf32, #tpu.memory_space<hbm>>
          %dma_start3A_997 = arith.constant 0 : i32
          %dma_start3A_998 = arith.constant 0 : i32
          %dma_start3A_999 = tpu.memref_slice %arg17[%dma_start3A, %dma_start3A_997, %dma_start3A_998] : memref<4x64x256xf32, #tpu.memory_space<vmem>> -> memref<1x64x256xf32, #tpu.memory_space<vmem>>
          %dma_start3A_1000 = tpu.memref_squeeze %dma_start3A_999 : memref<1x64x256xf32, #tpu.memory_space<vmem>> -> memref<64x256xf32, #tpu.memory_space<vmem>>
          %dma_start3A_1001 = arith.constant 0 : i32
          %dma_start3A_1002 = tpu.memref_slice %arg4[%dma_start3A_1001, %multiple_of3A] : memref<64x2600000xf32, #tpu.memory_space<hbm>> -> memref<64x256xf32, #tpu.memory_space<hbm>>
          tpu.enqueue_dma source(%dma_start3A_1002 : memref<64x256xf32, #tpu.memory_space<hbm>>) target(%dma_start3A_1000 : memref<64x256xf32, #tpu.memory_space<vmem>>) target_semaphore(%arg21 : memref<!tpu.dma_semaphore, #tpu.memory_space<semaphore_mem>>)
        } else {
        }
      } else {
      }
      %lt3A_917 = arith.constant 3 : i32
      %lt3A_918 = arith.cmpi slt, %lt3A_917, %add3A_33 : i32
      %convert_element_type3A_919 = arith.extui %lt3A_918 : i1 to i32
      %cond3A_920 = arith.constant 3 : i32
      %cond3A_921 = arith.constant 0 : i32
      %cond3A_922 = arith.cmpi ne, %convert_element_type3A_919, %cond3A_921 : i32
      scf.if %cond3A_922 {
        %sub3A_978 = arith.constant 1 : i32
        %sub3A_979 = arith.subi %add3A_33, %sub3A_978 : i32
        %eq3A = arith.cmpi eq, %cond3A_920, %sub3A_979 : i32
        %and3A_980 = arith.andi %gt3A_38, %eq3A : i1
        %convert_element_type3A_981 = arith.extui %and3A_980 : i1 to i32
        %cond3A_982 = arith.constant 0 : i32
        %cond3A_983 = arith.cmpi ne, %convert_element_type3A_981, %cond3A_982 : i32
        scf.if %cond3A_983 {
          %dma_start3A = arith.constant 3 : i32
          %dma_start3A_988 = arith.constant 0 : i32
          %dma_start3A_989 = arith.constant 0 : i32
          %dma_start3A_990 = tpu.memref_slice %arg17[%dma_start3A, %dma_start3A_988, %dma_start3A_989] : memref<4x64x256xf32, #tpu.memory_space<vmem>> -> memref<1x64x256xf32, #tpu.memory_space<vmem>>
          %dma_start3A_991 = tpu.memref_squeeze %dma_start3A_990 : memref<1x64x256xf32, #tpu.memory_space<vmem>> -> memref<64x256xf32, #tpu.memory_space<vmem>>
          %dma_start3A_992 = arith.constant 0 : i32
          %dma_start3A_993 = arith.constant 0 : i32
          %dma_start3A_994 = tpu.memref_slice %arg17[%dma_start3A, %dma_start3A_992, %dma_start3A_993] : memref<4x64x256xf32, #tpu.memory_space<vmem>> -> memref<1x64x256xf32, #tpu.memory_space<vmem>>
          %dma_start3A_995 = tpu.memref_squeeze %dma_start3A_994 : memref<1x64x256xf32, #tpu.memory_space<vmem>> -> memref<64x256xf32, #tpu.memory_space<vmem>>
          tpu.enqueue_dma source(%arg5 : memref<64x256xf32, #tpu.memory_space<hbm>>) target(%dma_start3A_995 : memref<64x256xf32, #tpu.memory_space<vmem>>) target_semaphore(%arg22 : memref<!tpu.dma_semaphore, #tpu.memory_space<semaphore_mem>>)
        } else {
        }
        %not3A = arith.constant true
        %not3A_984 = arith.xori %and3A_980, %not3A : i1
        %convert_element_type3A_985 = arith.extui %not3A_984 : i1 to i32
        %cond3A_986 = arith.constant 0 : i32
        %cond3A_987 = arith.cmpi ne, %convert_element_type3A_985, %cond3A_986 : i32
        scf.if %cond3A_987 {
          %add3A_988 = arith.addi %shift_right_logical3A_27, %cond3A_920 : i32
          %mul3A_989 = arith.constant 256 : i32
          %mul3A_990 = arith.muli %add3A_988, %mul3A_989 : i32
          %multiple_of3A = tpu.assume_multiple %mul3A_990, 128 : i32
          %dma_start3A = arith.constant 3 : i32
          %dma_start3A_991 = arith.constant 0 : i32
          %dma_start3A_992 = arith.constant 0 : i32
          %dma_start3A_993 = tpu.memref_slice %arg17[%dma_start3A, %dma_start3A_991, %dma_start3A_992] : memref<4x64x256xf32, #tpu.memory_space<vmem>> -> memref<1x64x256xf32, #tpu.memory_space<vmem>>
          %dma_start3A_994 = tpu.memref_squeeze %dma_start3A_993 : memref<1x64x256xf32, #tpu.memory_space<vmem>> -> memref<64x256xf32, #tpu.memory_space<vmem>>
          %dma_start3A_995 = arith.constant 0 : i32
          %dma_start3A_996 = tpu.memref_slice %arg4[%dma_start3A_995, %multiple_of3A] : memref<64x2600000xf32, #tpu.memory_space<hbm>> -> memref<64x256xf32, #tpu.memory_space<hbm>>
          %dma_start3A_997 = arith.constant 0 : i32
          %dma_start3A_998 = arith.constant 0 : i32
          %dma_start3A_999 = tpu.memref_slice %arg17[%dma_start3A, %dma_start3A_997, %dma_start3A_998] : memref<4x64x256xf32, #tpu.memory_space<vmem>> -> memref<1x64x256xf32, #tpu.memory_space<vmem>>
          %dma_start3A_1000 = tpu.memref_squeeze %dma_start3A_999 : memref<1x64x256xf32, #tpu.memory_space<vmem>> -> memref<64x256xf32, #tpu.memory_space<vmem>>
          %dma_start3A_1001 = arith.constant 0 : i32
          %dma_start3A_1002 = tpu.memref_slice %arg4[%dma_start3A_1001, %multiple_of3A] : memref<64x2600000xf32, #tpu.memory_space<hbm>> -> memref<64x256xf32, #tpu.memory_space<hbm>>
          tpu.enqueue_dma source(%dma_start3A_1002 : memref<64x256xf32, #tpu.memory_space<hbm>>) target(%dma_start3A_1000 : memref<64x256xf32, #tpu.memory_space<vmem>>) target_semaphore(%arg22 : memref<!tpu.dma_semaphore, #tpu.memory_space<semaphore_mem>>)
        } else {
        }
      } else {
      }
      %add3A_923 = arith.constant 4 : i32
      %add3A_924 = arith.addi %add3A_33, %add3A_923 : i32
      %sub3A_925 = arith.constant 1 : i32
      %sub3A_926 = arith.subi %add3A_924, %sub3A_925 : i32
      %jit3A_927 = arith.constant 4 : i32
      %div3A = arith.divsi %sub3A_926, %jit3A_927 : i32
      %sign3A = arith.constant 0 : i32
      %sign3A_928 = arith.cmpi sgt, %sub3A_926, %sign3A : i32
      %sign3A_929 = arith.extui %sign3A_928 : i1 to i32
      %sign3A_930 = arith.constant 0 : i32
      %sign3A_931 = arith.cmpi slt, %sub3A_926, %sign3A_930 : i32
      %sign3A_932 = arith.extui %sign3A_931 : i1 to i32
      %sign3A_933 = arith.subi %sign3A_929, %sign3A_932 : i32
      %sign3A_934 = arith.constant 0 : i32
      %sign3A_935 = arith.cmpi sgt, %jit3A_927, %sign3A_934 : i32
      %sign3A_936 = arith.extui %sign3A_935 : i1 to i32
      %sign3A_937 = arith.constant 0 : i32
      %sign3A_938 = arith.cmpi slt, %jit3A_927, %sign3A_937 : i32
      %sign3A_939 = arith.extui %sign3A_938 : i1 to i32
      %sign3A_940 = arith.subi %sign3A_936, %sign3A_939 : i32
      %ne3A = arith.cmpi ne, %sign3A_933, %sign3A_940 : i32
      %rem3A = arith.remsi %sub3A_926, %jit3A_927 : i32
      %ne3A_941 = arith.constant 0 : i32
      %ne3A_942 = arith.cmpi ne, %rem3A, %ne3A_941 : i32
      %and3A = arith.andi %ne3A, %ne3A_942 : i1
      %sub3A_943 = arith.constant 1 : i32
      %sub3A_944 = arith.subi %div3A, %sub3A_943 : i32
      %select_n3A_945 = arith.select %and3A, %sub3A_944, %div3A : i32
      %while3A = arith.constant 0 : i32
      %while3A_946 = arith.constant 0 : i32
      %while3A_947 = arith.subi %select_n3A_945, %while3A_946 : i32
      %while3A_948 = arith.addi %while3A_946, %while3A_947 : i32
      %while3A_949 = arith.constant 1 : i32
      %while3A_950 = arith.divsi %while3A_947, %while3A_949 : i32
      %while3A_951 = arith.muli %while3A_950, %while3A_949 : i32
      %while3A_952 = arith.addi %while3A_946, %while3A_951 : i32
      %while3A_953 = arith.constant 1 : i32
      scf.for %while3A_978 = %while3A_946 to %while3A_952 step %while3A_953  : i32 {
        %mul3A_979 = arith.constant 4 : i32
        %mul3A_980 = arith.muli %while3A_978, %mul3A_979 : i32
        %add3A_981 = arith.constant 0 : i32
        %add3A_982 = arith.addi %mul3A_980, %add3A_981 : i32
        %lt3A_983 = arith.cmpi slt, %add3A_982, %add3A_33 : i32
        %convert_element_type3A_984 = arith.extui %lt3A_983 : i1 to i32
        %cond3A_985 = arith.constant 0 : i32
        %cond3A_986 = arith.cmpi ne, %convert_element_type3A_984, %cond3A_985 : i32
        scf.if %cond3A_986 {
          %multiple_of3A = arith.constant 0 : i32
          %multiple_of3A_1011 = tpu.assume_multiple %multiple_of3A, 128 : i32
          %dma_wait3A_1012 = arith.constant 0 : i32
          %dma_wait3A_1013 = arith.constant 0 : i32
          %dma_wait3A_1014 = arith.constant 0 : i32
          %dma_wait3A_1015 = tpu.memref_slice %arg17[%dma_wait3A_1012, %dma_wait3A_1013, %dma_wait3A_1014] : memref<4x64x256xf32, #tpu.memory_space<vmem>> -> memref<1x64x256xf32, #tpu.memory_space<vmem>>
          %dma_wait3A_1016 = tpu.memref_squeeze %dma_wait3A_1015 : memref<1x64x256xf32, #tpu.memory_space<vmem>> -> memref<64x256xf32, #tpu.memory_space<vmem>>
          %dma_wait3A_1017 = arith.constant 0 : i32
          %dma_wait3A_1018 = tpu.memref_slice %arg4[%dma_wait3A_1017, %multiple_of3A_1011] : memref<64x2600000xf32, #tpu.memory_space<hbm>> -> memref<64x256xf32, #tpu.memory_space<hbm>>
          %dma_wait3A_1019 = arith.constant 0 : i32
          %dma_wait3A_1020 = arith.constant 0 : i32
          %dma_wait3A_1021 = tpu.memref_slice %arg17[%dma_wait3A_1012, %dma_wait3A_1019, %dma_wait3A_1020] : memref<4x64x256xf32, #tpu.memory_space<vmem>> -> memref<1x64x256xf32, #tpu.memory_space<vmem>>
          %dma_wait3A_1022 = tpu.memref_squeeze %dma_wait3A_1021 : memref<1x64x256xf32, #tpu.memory_space<vmem>> -> memref<64x256xf32, #tpu.memory_space<vmem>>
          %dma_wait3A_1023 = arith.constant 0 : i32
          %dma_wait3A_1024 = tpu.memref_slice %arg4[%dma_wait3A_1023, %multiple_of3A_1011] : memref<64x2600000xf32, #tpu.memory_space<hbm>> -> memref<64x256xf32, #tpu.memory_space<hbm>>
          tpu.wait_dma2 semaphore(%arg19 : memref<!tpu.dma_semaphore, #tpu.memory_space<semaphore_mem>>) src(%dma_wait3A_1024 : memref<64x256xf32, #tpu.memory_space<hbm>>) dst(%dma_wait3A_1022 : memref<64x256xf32, #tpu.memory_space<vmem>>)
          %add3A_1025 = arith.constant 1 : i32
          %add3A_1026 = arith.addi %add3A_982, %add3A_1025 : i32
          %broadcast_in_dim3A_1027 = vector.broadcast %add3A_1026 : i32 to vector<16xi32>
          %gather3A_1028 = tpu.vector_load_idx %arg12[%broadcast_in_dim3A_1027] : memref<512xi32, #tpu.memory_space<vmem>>[vector<16xi32>], vector<16xi32>,
          %reduce_max3A_1029 = arith.constant true
          %reduce_max3A_1030 = vector.broadcast %reduce_max3A_1029 : i1 to vector<16xi1>
          %reduce_max3A_1031 = arith.constant -2147483648 : i32
          %reduce_max3A_1032 = vector.broadcast %reduce_max3A_1031 : i32 to vector<16xi32>
          %reduce_max3A_1033 = arith.xori %gather3A_1028, %reduce_max3A_1032 : vector<16xi32>
          %reduce_max3A_1034 = tpu.scan <max>, %reduce_max3A_1033 masked %reduce_max3A_1030 : vector<16xi32>, vector<16xi1> -> vector<16xi32>
          %reduce_max3A_1035 = arith.xori %reduce_max3A_1034, %reduce_max3A_1032 : vector<16xi32>
          %reduce_max3A_1036 = vector.extract %reduce_max3A_1035[15] : i32 from vector<16xi32>
          %min3A_1037 = arith.constant 4096 : i32
          %min3A_1038 = arith.minsi %reduce_max3A_1036, %min3A_1037 : i32
          %broadcast_in_dim3A_1039 = vector.broadcast %add3A_982 : i32 to vector<16xi32>
          %gather3A_1040 = tpu.vector_load_idx %arg12[%broadcast_in_dim3A_1039] : memref<512xi32, #tpu.memory_space<vmem>>[vector<16xi32>], vector<16xi32>,
          %reduce_max3A_1041 = arith.constant true
          %reduce_max3A_1042 = vector.broadcast %reduce_max3A_1041 : i1 to vector<16xi1>
          %reduce_max3A_1043 = arith.constant -2147483648 : i32
          %reduce_max3A_1044 = vector.broadcast %reduce_max3A_1043 : i32 to vector<16xi32>
          %reduce_max3A_1045 = arith.xori %gather3A_1040, %reduce_max3A_1044 : vector<16xi32>
          %reduce_max3A_1046 = tpu.scan <max>, %reduce_max3A_1045 masked %reduce_max3A_1042 : vector<16xi32>, vector<16xi1> -> vector<16xi32>
          %reduce_max3A_1047 = arith.xori %reduce_max3A_1046, %reduce_max3A_1044 : vector<16xi32>
          %reduce_max3A_1048 = vector.extract %reduce_max3A_1047[15] : i32 from vector<16xi32>
          %min3A_1049 = arith.minsi %reduce_max3A_1048, %min3A_1038 : i32
          %while3A_1050 = scf.while (%while3A_1057 = %min3A_1049) : (i32) -> i32 {
            %lt3A_1058 = arith.cmpi slt, %while3A_1057, %min3A_1038 : i32
            scf.condition(%lt3A_1058) %while3A_1057 : i32
          } do {
          ^bb0(%while3A_1057: i32):
            %broadcast_in_dim3A_1058 = vector.broadcast %while3A_1057 : i32 to vector<16xi32>
            %jit3A_1059 = arith.constant 0 : i32
            %jit3A_1060 = arith.constant 4095 : i32
            %max3A = vector.broadcast %jit3A_1059 : i32 to vector<16xi32>
            %max3A_1061 = arith.maxsi %max3A, %broadcast_in_dim3A_1058 : vector<16xi32>
            %min3A_1062 = vector.broadcast %jit3A_1060 : i32 to vector<16xi32>
            %min3A_1063 = arith.minsi %min3A_1062, %max3A_1061 : vector<16xi32>
            %gather3A_1064 = tpu.vector_load_idx %arg9[%min3A_1063] : memref<4096xi32, #tpu.memory_space<vmem>>[vector<16xi32>], vector<16xi32>,
            %shift_right_logical3A_1065 = arith.constant 7 : i32
            %shift_right_logical3A_1066 = arith.shrui %while3A_1057, %shift_right_logical3A_1065 : i32
            %and3A_1067 = arith.constant 1 : i32
            %and3A_1068 = arith.andi %shift_right_logical3A_1066, %and3A_1067 : i32
            %and3A_1069 = arith.constant 127 : i32
            %and3A_1070 = arith.andi %while3A_1057, %and3A_1069 : i32
            %eq3A = arith.constant 0 : i32
            %eq3A_1071 = arith.cmpi eq, %and3A_1070, %eq3A : i32
            %ge3A = arith.constant 2 : i32
            %ge3A_1072 = arith.cmpi sge, %shift_right_logical3A_1066, %ge3A : i32
            %and3A_1073 = arith.andi %eq3A_1071, %ge3A_1072 : i1
            %eq3A_1074 = arith.constant 0 : i32
            %eq3A_1075 = arith.cmpi eq, %and3A_1068, %eq3A_1074 : i32
            %and3A_1076 = arith.andi %and3A_1073, %eq3A_1075 : i1
            %convert_element_type3A_1077 = arith.extui %and3A_1076 : i1 to i32
            %cond3A_1078 = arith.constant 0 : i32
            %cond3A_1079 = arith.cmpi ne, %convert_element_type3A_1077, %cond3A_1078 : i32
            scf.if %cond3A_1079 {
              %dma_wait3A_1165 = arith.constant 0 : i32
              %dma_wait3A_1166 = arith.constant 0 : i32
              %dma_wait3A_1167 = arith.constant 0 : i32
              %dma_wait3A_1168 = arith.constant 0 : i32
              %dma_wait3A_1169 = tpu.memref_slice %arg18[%dma_wait3A_1165, %dma_wait3A_1167, %dma_wait3A_1168] : memref<2x128x128xf32, #tpu.memory_space<vmem>> -> memref<1x128x128xf32, #tpu.memory_space<vmem>>
              %dma_wait3A_1170 = tpu.memref_squeeze %dma_wait3A_1169 : memref<1x128x128xf32, #tpu.memory_space<vmem>> -> memref<128x128xf32, #tpu.memory_space<vmem>>
              %dma_wait3A_1171 = arith.constant 0 : i32
              %dma_wait3A_1172 = tpu.memref_slice %arg14[%dma_wait3A_1166, %dma_wait3A_1171] : memref<32x128xi32, #tpu.memory_space<vmem>> -> memref<1x128xi32, #tpu.memory_space<vmem>>
              %dma_wait3A_1173 = tpu.memref_squeeze %dma_wait3A_1172 : memref<1x128xi32, #tpu.memory_space<vmem>> -> memref<128xi32, #tpu.memory_space<vmem>>
              %dma_wait3A_1174 = arith.constant 0 : i32
              %dma_wait3A_1175 = arith.constant 0 : i32
              %dma_wait3A_1176 = tpu.memref_slice %arg7[%dma_wait3A_1174, %dma_wait3A_1175] : memref<106496x128xf32, #tpu.memory_space<hbm>> -> memref<106496x128xf32, #tpu.memory_space<hbm>>
              tpu.wait_indirect_dma semaphore(%arg23 : memref<!tpu.dma_semaphore, #tpu.memory_space<semaphore_mem>>) src(%dma_wait3A_1170 : memref<128x128xf32, #tpu.memory_space<vmem>>) dst(%dma_wait3A_1176 : memref<106496x128xf32, #tpu.memory_space<hbm>>)
            } else {
            }
            %eq3A_1080 = arith.constant 0 : i32
            %eq3A_1081 = arith.cmpi eq, %and3A_1070, %eq3A_1080 : i32
            %ge3A_1082 = arith.constant 2 : i32
            %ge3A_1083 = arith.cmpi sge, %shift_right_logical3A_1066, %ge3A_1082 : i32
            %and3A_1084 = arith.andi %eq3A_1081, %ge3A_1083 : i1
            %eq3A_1085 = arith.constant 1 : i32
            %eq3A_1086 = arith.cmpi eq, %and3A_1068, %eq3A_1085 : i32
            %and3A_1087 = arith.andi %and3A_1084, %eq3A_1086 : i1
            %convert_element_type3A_1088 = arith.extui %and3A_1087 : i1 to i32
            %cond3A_1089 = arith.constant 0 : i32
            %cond3A_1090 = arith.cmpi ne, %convert_element_type3A_1088, %cond3A_1089 : i32
            scf.if %cond3A_1090 {
              %dma_wait3A_1165 = arith.constant 1 : i32
              %dma_wait3A_1166 = arith.constant 0 : i32
              %dma_wait3A_1167 = arith.constant 0 : i32
              %dma_wait3A_1168 = arith.constant 0 : i32
              %dma_wait3A_1169 = tpu.memref_slice %arg18[%dma_wait3A_1165, %dma_wait3A_1167, %dma_wait3A_1168] : memref<2x128x128xf32, #tpu.memory_space<vmem>> -> memref<1x128x128xf32, #tpu.memory_space<vmem>>
              %dma_wait3A_1170 = tpu.memref_squeeze %dma_wait3A_1169 : memref<1x128x128xf32, #tpu.memory_space<vmem>> -> memref<128x128xf32, #tpu.memory_space<vmem>>
              %dma_wait3A_1171 = arith.constant 0 : i32
              %dma_wait3A_1172 = tpu.memref_slice %arg14[%dma_wait3A_1166, %dma_wait3A_1171] : memref<32x128xi32, #tpu.memory_space<vmem>> -> memref<1x128xi32, #tpu.memory_space<vmem>>
              %dma_wait3A_1173 = tpu.memref_squeeze %dma_wait3A_1172 : memref<1x128xi32, #tpu.memory_space<vmem>> -> memref<128xi32, #tpu.memory_space<vmem>>
              %dma_wait3A_1174 = arith.constant 0 : i32
              %dma_wait3A_1175 = arith.constant 0 : i32
              %dma_wait3A_1176 = tpu.memref_slice %arg7[%dma_wait3A_1174, %dma_wait3A_1175] : memref<106496x128xf32, #tpu.memory_space<hbm>> -> memref<106496x128xf32, #tpu.memory_space<hbm>>
              tpu.wait_indirect_dma semaphore(%arg24 : memref<!tpu.dma_semaphore, #tpu.memory_space<semaphore_mem>>) src(%dma_wait3A_1170 : memref<128x128xf32, #tpu.memory_space<vmem>>) dst(%dma_wait3A_1176 : memref<106496x128xf32, #tpu.memory_space<hbm>>)
            } else {
            }
            %add3A_1091 = arith.constant 0 : i32
            %add3A_1092 = vector.broadcast %add3A_1091 : i32 to vector<16xi32>
            %add3A_1093 = arith.addi %iota3A, %add3A_1092 : vector<16xi32>
            %gather3A_1094 = arith.constant 0 : i32
            %gather3A_1095 = arith.constant 0 : i32
            %gather3A_1096 = arith.constant 0 : i32
            %gather3A_1097 = tpu.memref_slice %arg17[%gather3A_1094, %gather3A_1095, %gather3A_1096] : memref<4x64x256xf32, #tpu.memory_space<vmem>> -> memref<1x64x256xf32, #tpu.memory_space<vmem>>
            %gather3A_1098 = tpu.memref_squeeze %gather3A_1097 : memref<1x64x256xf32, #tpu.memory_space<vmem>> -> memref<64x256xf32, #tpu.memory_space<vmem>>
            %gather3A_1099 = tpu.vector_load_idx %gather3A_1098[%add3A_1093, %gather3A_1064] : memref<64x256xf32, #tpu.memory_space<vmem>>[vector<16xi32>, vector<16xi32>], vector<16xf32>,
            %add3A_1100 = arith.addf %gather3A_1099, %gather3A_46 : vector<16xf32>
            %swap3A_1101 = arith.index_cast %and3A_1068 : i32 to index
            %swap3A_1102 = arith.index_cast %and3A_1070 : i32 to index
            %swap3A_1103 = arith.constant 0 : index
            %swap3A_1104 = tpu.vector_load %arg18[%swap3A_1101, %swap3A_1102, %swap3A_1103] {strides = array<i32>} : memref<2x128x128xf32, #tpu.memory_space<vmem>>, vector<16xf32>,
            tpu.vector_store %arg18[%swap3A_1101, %swap3A_1102, %swap3A_1103], %add3A_1100 {strides = array<i32>} : memref<2x128x128xf32, #tpu.memory_space<vmem>>, vector<16xf32>,
            %add3A_1105 = arith.constant 16 : i32
            %add3A_1106 = vector.broadcast %add3A_1105 : i32 to vector<16xi32>
            %add3A_1107 = arith.addi %iota3A, %add3A_1106 : vector<16xi32>
            %gather3A_1108 = arith.constant 0 : i32
            %gather3A_1109 = arith.constant 0 : i32
            %gather3A_1110 = arith.constant 0 : i32
            %gather3A_1111 = tpu.memref_slice %arg17[%gather3A_1108, %gather3A_1109, %gather3A_1110] : memref<4x64x256xf32, #tpu.memory_space<vmem>> -> memref<1x64x256xf32, #tpu.memory_space<vmem>>
            %gather3A_1112 = tpu.memref_squeeze %gather3A_1111 : memref<1x64x256xf32, #tpu.memory_space<vmem>> -> memref<64x256xf32, #tpu.memory_space<vmem>>
            %gather3A_1113 = tpu.vector_load_idx %gather3A_1112[%add3A_1107, %gather3A_1064] : memref<64x256xf32, #tpu.memory_space<vmem>>[vector<16xi32>, vector<16xi32>], vector<16xf32>,
            %add3A_1114 = arith.addf %gather3A_1113, %gather3A_54 : vector<16xf32>
            %swap3A_1115 = arith.index_cast %and3A_1068 : i32 to index
            %swap3A_1116 = arith.index_cast %and3A_1070 : i32 to index
            %swap3A_1117 = arith.constant 16 : index
            %swap3A_1118 = tpu.vector_load %arg18[%swap3A_1115, %swap3A_1116, %swap3A_1117] {strides = array<i32>} : memref<2x128x128xf32, #tpu.memory_space<vmem>>, vector<16xf32>,
            tpu.vector_store %arg18[%swap3A_1115, %swap3A_1116, %swap3A_1117], %add3A_1114 {strides = array<i32>} : memref<2x128x128xf32, #tpu.memory_space<vmem>>, vector<16xf32>,
            %add3A_1119 = arith.constant 32 : i32
            %add3A_1120 = vector.broadcast %add3A_1119 : i32 to vector<16xi32>
            %add3A_1121 = arith.addi %iota3A, %add3A_1120 : vector<16xi32>
            %gather3A_1122 = arith.constant 0 : i32
            %gather3A_1123 = arith.constant 0 : i32
            %gather3A_1124 = arith.constant 0 : i32
            %gather3A_1125 = tpu.memref_slice %arg17[%gather3A_1122, %gather3A_1123, %gather3A_1124] : memref<4x64x256xf32, #tpu.memory_space<vmem>> -> memref<1x64x256xf32, #tpu.memory_space<vmem>>
            %gather3A_1126 = tpu.memref_squeeze %gather3A_1125 : memref<1x64x256xf32, #tpu.memory_space<vmem>> -> memref<64x256xf32, #tpu.memory_space<vmem>>
            %gather3A_1127 = tpu.vector_load_idx %gather3A_1126[%add3A_1121, %gather3A_1064] : memref<64x256xf32, #tpu.memory_space<vmem>>[vector<16xi32>, vector<16xi32>], vector<16xf32>,
            %add3A_1128 = arith.addf %gather3A_1127, %gather3A_62 : vector<16xf32>
            %swap3A_1129 = arith.index_cast %and3A_1068 : i32 to index
            %swap3A_1130 = arith.index_cast %and3A_1070 : i32 to index
            %swap3A_1131 = arith.constant 32 : index
            %swap3A_1132 = tpu.vector_load %arg18[%swap3A_1129, %swap3A_1130, %swap3A_1131] {strides = array<i32>} : memref<2x128x128xf32, #tpu.memory_space<vmem>>, vector<16xf32>,
            tpu.vector_store %arg18[%swap3A_1129, %swap3A_1130, %swap3A_1131], %add3A_1128 {strides = array<i32>} : memref<2x128x128xf32, #tpu.memory_space<vmem>>, vector<16xf32>,
            %add3A_1133 = arith.constant 48 : i32
            %add3A_1134 = vector.broadcast %add3A_1133 : i32 to vector<16xi32>
            %add3A_1135 = arith.addi %iota3A, %add3A_1134 : vector<16xi32>
            %gather3A_1136 = arith.constant 0 : i32
            %gather3A_1137 = arith.constant 0 : i32
            %gather3A_1138 = arith.constant 0 : i32
            %gather3A_1139 = tpu.memref_slice %arg17[%gather3A_1136, %gather3A_1137, %gather3A_1138] : memref<4x64x256xf32, #tpu.memory_space<vmem>> -> memref<1x64x256xf32, #tpu.memory_space<vmem>>
            %gather3A_1140 = tpu.memref_squeeze %gather3A_1139 : memref<1x64x256xf32, #tpu.memory_space<vmem>> -> memref<64x256xf32, #tpu.memory_space<vmem>>
            %gather3A_1141 = tpu.vector_load_idx %gather3A_1140[%add3A_1135, %gather3A_1064] : memref<64x256xf32, #tpu.memory_space<vmem>>[vector<16xi32>, vector<16xi32>], vector<16xf32>,
            %add3A_1142 = arith.addf %gather3A_1141, %gather3A_70 : vector<16xf32>
            %swap3A_1143 = arith.index_cast %and3A_1068 : i32 to index
            %swap3A_1144 = arith.index_cast %and3A_1070 : i32 to index
            %swap3A_1145 = arith.constant 48 : index
            %swap3A_1146 = tpu.vector_load %arg18[%swap3A_1143, %swap3A_1144, %swap3A_1145] {strides = array<i32>} : memref<2x128x128xf32, #tpu.memory_space<vmem>>, vector<16xf32>,
            tpu.vector_store %arg18[%swap3A_1143, %swap3A_1144, %swap3A_1145], %add3A_1142 {strides = array<i32>} : memref<2x128x128xf32, #tpu.memory_space<vmem>>, vector<16xf32>,
            %eq3A_1147 = arith.constant 127 : i32
            %eq3A_1148 = arith.cmpi eq, %and3A_1070, %eq3A_1147 : i32
            %eq3A_1149 = arith.constant 0 : i32
            %eq3A_1150 = arith.cmpi eq, %and3A_1068, %eq3A_1149 : i32
            %and3A_1151 = arith.andi %eq3A_1148, %eq3A_1150 : i1
            %convert_element_type3A_1152 = arith.extui %and3A_1151 : i1 to i32
            %cond3A_1153 = arith.constant 0 : i32
            %cond3A_1154 = arith.cmpi ne, %convert_element_type3A_1152, %cond3A_1153 : i32
            scf.if %cond3A_1154 {
              %dma_start3A = arith.constant 0 : i32
              %dma_start3A_1165 = arith.constant 0 : i32
              %dma_start3A_1166 = arith.constant 0 : i32
              %dma_start3A_1167 = tpu.memref_slice %arg18[%dma_start3A, %dma_start3A_1165, %dma_start3A_1166] : memref<2x128x128xf32, #tpu.memory_space<vmem>> -> memref<1x128x128xf32, #tpu.memory_space<vmem>>
              %dma_start3A_1168 = tpu.memref_squeeze %dma_start3A_1167 : memref<1x128x128xf32, #tpu.memory_space<vmem>> -> memref<128x128xf32, #tpu.memory_space<vmem>>
              %dma_start3A_1169 = arith.constant 0 : i32
              %dma_start3A_1170 = tpu.memref_slice %arg14[%shift_right_logical3A_1066, %dma_start3A_1169] : memref<32x128xi32, #tpu.memory_space<vmem>> -> memref<1x128xi32, #tpu.memory_space<vmem>>
              %dma_start3A_1171 = tpu.memref_squeeze %dma_start3A_1170 : memref<1x128xi32, #tpu.memory_space<vmem>> -> memref<128xi32, #tpu.memory_space<vmem>>
              %dma_start3A_1172 = arith.constant 0 : i32
              %dma_start3A_1173 = arith.constant 0 : i32
              %dma_start3A_1174 = tpu.memref_slice %arg7[%dma_start3A_1172, %dma_start3A_1173] : memref<106496x128xf32, #tpu.memory_space<hbm>> -> memref<106496x128xf32, #tpu.memory_space<hbm>>
              tpu.enqueue_indirect_dma source(%dma_start3A_1168 : memref<128x128xf32, #tpu.memory_space<vmem>>) target(%dma_start3A_1174 : memref<106496x128xf32, #tpu.memory_space<hbm>>) offsets(%dma_start3A_1171 : memref<128xi32, #tpu.memory_space<vmem>>) semaphore(%arg23 : memref<!tpu.dma_semaphore, #tpu.memory_space<semaphore_mem>>)
            } else {
            }
            %eq3A_1155 = arith.constant 127 : i32
            %eq3A_1156 = arith.cmpi eq, %and3A_1070, %eq3A_1155 : i32
            %eq3A_1157 = arith.constant 1 : i32
            %eq3A_1158 = arith.cmpi eq, %and3A_1068, %eq3A_1157 : i32
            %and3A_1159 = arith.andi %eq3A_1156, %eq3A_1158 : i1
            %convert_element_type3A_1160 = arith.extui %and3A_1159 : i1 to i32
            %cond3A_1161 = arith.constant 0 : i32
            %cond3A_1162 = arith.cmpi ne, %convert_element_type3A_1160, %cond3A_1161 : i32
            scf.if %cond3A_1162 {
              %dma_start3A = arith.constant 1 : i32
              %dma_start3A_1165 = arith.constant 0 : i32
              %dma_start3A_1166 = arith.constant 0 : i32
              %dma_start3A_1167 = tpu.memref_slice %arg18[%dma_start3A, %dma_start3A_1165, %dma_start3A_1166] : memref<2x128x128xf32, #tpu.memory_space<vmem>> -> memref<1x128x128xf32, #tpu.memory_space<vmem>>
              %dma_start3A_1168 = tpu.memref_squeeze %dma_start3A_1167 : memref<1x128x128xf32, #tpu.memory_space<vmem>> -> memref<128x128xf32, #tpu.memory_space<vmem>>
              %dma_start3A_1169 = arith.constant 0 : i32
              %dma_start3A_1170 = tpu.memref_slice %arg14[%shift_right_logical3A_1066, %dma_start3A_1169] : memref<32x128xi32, #tpu.memory_space<vmem>> -> memref<1x128xi32, #tpu.memory_space<vmem>>
              %dma_start3A_1171 = tpu.memref_squeeze %dma_start3A_1170 : memref<1x128xi32, #tpu.memory_space<vmem>> -> memref<128xi32, #tpu.memory_space<vmem>>
              %dma_start3A_1172 = arith.constant 0 : i32
              %dma_start3A_1173 = arith.constant 0 : i32
              %dma_start3A_1174 = tpu.memref_slice %arg7[%dma_start3A_1172, %dma_start3A_1173] : memref<106496x128xf32, #tpu.memory_space<hbm>> -> memref<106496x128xf32, #tpu.memory_space<hbm>>
              tpu.enqueue_indirect_dma source(%dma_start3A_1168 : memref<128x128xf32, #tpu.memory_space<vmem>>) target(%dma_start3A_1174 : memref<106496x128xf32, #tpu.memory_space<hbm>>) offsets(%dma_start3A_1171 : memref<128xi32, #tpu.memory_space<vmem>>) semaphore(%arg24 : memref<!tpu.dma_semaphore, #tpu.memory_space<semaphore_mem>>)
            } else {
            }
            %add3A_1163 = arith.constant 1 : i32
            %add3A_1164 = arith.addi %while3A_1057, %add3A_1163 : i32
            scf.yield %add3A_1164 : i32
          }
          %add3A_1051 = arith.constant 4 : i32
          %add3A_1052 = arith.addi %add3A_982, %add3A_1051 : i32
          %lt3A_1053 = arith.cmpi slt, %add3A_1052, %add3A_33 : i32
          %convert_element_type3A_1054 = arith.extui %lt3A_1053 : i1 to i32
          %cond3A_1055 = arith.constant 0 : i32
          %cond3A_1056 = arith.cmpi ne, %convert_element_type3A_1054, %cond3A_1055 : i32
          scf.if %cond3A_1056 {
            %sub3A_1057 = arith.constant 1 : i32
            %sub3A_1058 = arith.subi %add3A_33, %sub3A_1057 : i32
            %eq3A = arith.cmpi eq, %add3A_1052, %sub3A_1058 : i32
            %and3A_1059 = arith.andi %gt3A_38, %eq3A : i1
            %convert_element_type3A_1060 = arith.extui %and3A_1059 : i1 to i32
            %cond3A_1061 = arith.constant 0 : i32
            %cond3A_1062 = arith.cmpi ne, %convert_element_type3A_1060, %cond3A_1061 : i32
            scf.if %cond3A_1062 {
              %dma_start3A = arith.constant 0 : i32
              %dma_start3A_1067 = arith.constant 0 : i32
              %dma_start3A_1068 = arith.constant 0 : i32
              %dma_start3A_1069 = tpu.memref_slice %arg17[%dma_start3A, %dma_start3A_1067, %dma_start3A_1068] : memref<4x64x256xf32, #tpu.memory_space<vmem>> -> memref<1x64x256xf32, #tpu.memory_space<vmem>>
              %dma_start3A_1070 = tpu.memref_squeeze %dma_start3A_1069 : memref<1x64x256xf32, #tpu.memory_space<vmem>> -> memref<64x256xf32, #tpu.memory_space<vmem>>
              %dma_start3A_1071 = arith.constant 0 : i32
              %dma_start3A_1072 = arith.constant 0 : i32
              %dma_start3A_1073 = tpu.memref_slice %arg17[%dma_start3A, %dma_start3A_1071, %dma_start3A_1072] : memref<4x64x256xf32, #tpu.memory_space<vmem>> -> memref<1x64x256xf32, #tpu.memory_space<vmem>>
              %dma_start3A_1074 = tpu.memref_squeeze %dma_start3A_1073 : memref<1x64x256xf32, #tpu.memory_space<vmem>> -> memref<64x256xf32, #tpu.memory_space<vmem>>
              tpu.enqueue_dma source(%arg5 : memref<64x256xf32, #tpu.memory_space<hbm>>) target(%dma_start3A_1074 : memref<64x256xf32, #tpu.memory_space<vmem>>) target_semaphore(%arg19 : memref<!tpu.dma_semaphore, #tpu.memory_space<semaphore_mem>>)
            } else {
            }
            %not3A = arith.constant true
            %not3A_1063 = arith.xori %and3A_1059, %not3A : i1
            %convert_element_type3A_1064 = arith.extui %not3A_1063 : i1 to i32
            %cond3A_1065 = arith.constant 0 : i32
            %cond3A_1066 = arith.cmpi ne, %convert_element_type3A_1064, %cond3A_1065 : i32
            scf.if %cond3A_1066 {
              %add3A_1067 = arith.addi %shift_right_logical3A_27, %add3A_1052 : i32
              %mul3A_1068 = arith.constant 256 : i32
              %mul3A_1069 = arith.muli %add3A_1067, %mul3A_1068 : i32
              %multiple_of3A_1070 = tpu.assume_multiple %mul3A_1069, 128 : i32
              %dma_start3A = arith.constant 0 : i32
              %dma_start3A_1071 = arith.constant 0 : i32
              %dma_start3A_1072 = arith.constant 0 : i32
              %dma_start3A_1073 = tpu.memref_slice %arg17[%dma_start3A, %dma_start3A_1071, %dma_start3A_1072] : memref<4x64x256xf32, #tpu.memory_space<vmem>> -> memref<1x64x256xf32, #tpu.memory_space<vmem>>
              %dma_start3A_1074 = tpu.memref_squeeze %dma_start3A_1073 : memref<1x64x256xf32, #tpu.memory_space<vmem>> -> memref<64x256xf32, #tpu.memory_space<vmem>>
              %dma_start3A_1075 = arith.constant 0 : i32
              %dma_start3A_1076 = tpu.memref_slice %arg4[%dma_start3A_1075, %multiple_of3A_1070] : memref<64x2600000xf32, #tpu.memory_space<hbm>> -> memref<64x256xf32, #tpu.memory_space<hbm>>
              %dma_start3A_1077 = arith.constant 0 : i32
              %dma_start3A_1078 = arith.constant 0 : i32
              %dma_start3A_1079 = tpu.memref_slice %arg17[%dma_start3A, %dma_start3A_1077, %dma_start3A_1078] : memref<4x64x256xf32, #tpu.memory_space<vmem>> -> memref<1x64x256xf32, #tpu.memory_space<vmem>>
              %dma_start3A_1080 = tpu.memref_squeeze %dma_start3A_1079 : memref<1x64x256xf32, #tpu.memory_space<vmem>> -> memref<64x256xf32, #tpu.memory_space<vmem>>
              %dma_start3A_1081 = arith.constant 0 : i32
              %dma_start3A_1082 = tpu.memref_slice %arg4[%dma_start3A_1081, %multiple_of3A_1070] : memref<64x2600000xf32, #tpu.memory_space<hbm>> -> memref<64x256xf32, #tpu.memory_space<hbm>>
              tpu.enqueue_dma source(%dma_start3A_1082 : memref<64x256xf32, #tpu.memory_space<hbm>>) target(%dma_start3A_1080 : memref<64x256xf32, #tpu.memory_space<vmem>>) target_semaphore(%arg19 : memref<!tpu.dma_semaphore, #tpu.memory_space<semaphore_mem>>)
            } else {
            }
          } else {
          }
        } else {
        }
        %mul3A_987 = arith.constant 4 : i32
        %mul3A_988 = arith.muli %while3A_978, %mul3A_987 : i32
        %add3A_989 = arith.constant 1 : i32
        %add3A_990 = arith.addi %mul3A_988, %add3A_989 : i32
        %lt3A_991 = arith.cmpi slt, %add3A_990, %add3A_33 : i32
        %convert_element_type3A_992 = arith.extui %lt3A_991 : i1 to i32
        %cond3A_993 = arith.constant 0 : i32
        %cond3A_994 = arith.cmpi ne, %convert_element_type3A_992, %cond3A_993 : i32
        scf.if %cond3A_994 {
          %multiple_of3A = arith.constant 0 : i32
          %multiple_of3A_1011 = tpu.assume_multiple %multiple_of3A, 128 : i32
          %dma_wait3A_1012 = arith.constant 1 : i32
          %dma_wait3A_1013 = arith.constant 0 : i32
          %dma_wait3A_1014 = arith.constant 0 : i32
          %dma_wait3A_1015 = tpu.memref_slice %arg17[%dma_wait3A_1012, %dma_wait3A_1013, %dma_wait3A_1014] : memref<4x64x256xf32, #tpu.memory_space<vmem>> -> memref<1x64x256xf32, #tpu.memory_space<vmem>>
          %dma_wait3A_1016 = tpu.memref_squeeze %dma_wait3A_1015 : memref<1x64x256xf32, #tpu.memory_space<vmem>> -> memref<64x256xf32, #tpu.memory_space<vmem>>
          %dma_wait3A_1017 = arith.constant 0 : i32
          %dma_wait3A_1018 = tpu.memref_slice %arg4[%dma_wait3A_1017, %multiple_of3A_1011] : memref<64x2600000xf32, #tpu.memory_space<hbm>> -> memref<64x256xf32, #tpu.memory_space<hbm>>
          %dma_wait3A_1019 = arith.constant 0 : i32
          %dma_wait3A_1020 = arith.constant 0 : i32
          %dma_wait3A_1021 = tpu.memref_slice %arg17[%dma_wait3A_1012, %dma_wait3A_1019, %dma_wait3A_1020] : memref<4x64x256xf32, #tpu.memory_space<vmem>> -> memref<1x64x256xf32, #tpu.memory_space<vmem>>
          %dma_wait3A_1022 = tpu.memref_squeeze %dma_wait3A_1021 : memref<1x64x256xf32, #tpu.memory_space<vmem>> -> memref<64x256xf32, #tpu.memory_space<vmem>>
          %dma_wait3A_1023 = arith.constant 0 : i32
          %dma_wait3A_1024 = tpu.memref_slice %arg4[%dma_wait3A_1023, %multiple_of3A_1011] : memref<64x2600000xf32, #tpu.memory_space<hbm>> -> memref<64x256xf32, #tpu.memory_space<hbm>>
          tpu.wait_dma2 semaphore(%arg20 : memref<!tpu.dma_semaphore, #tpu.memory_space<semaphore_mem>>) src(%dma_wait3A_1024 : memref<64x256xf32, #tpu.memory_space<hbm>>) dst(%dma_wait3A_1022 : memref<64x256xf32, #tpu.memory_space<vmem>>)
          %add3A_1025 = arith.constant 1 : i32
          %add3A_1026 = arith.addi %add3A_990, %add3A_1025 : i32
          %broadcast_in_dim3A_1027 = vector.broadcast %add3A_1026 : i32 to vector<16xi32>
          %gather3A_1028 = tpu.vector_load_idx %arg12[%broadcast_in_dim3A_1027] : memref<512xi32, #tpu.memory_space<vmem>>[vector<16xi32>], vector<16xi32>,
          %reduce_max3A_1029 = arith.constant true
          %reduce_max3A_1030 = vector.broadcast %reduce_max3A_1029 : i1 to vector<16xi1>
          %reduce_max3A_1031 = arith.constant -2147483648 : i32
          %reduce_max3A_1032 = vector.broadcast %reduce_max3A_1031 : i32 to vector<16xi32>
          %reduce_max3A_1033 = arith.xori %gather3A_1028, %reduce_max3A_1032 : vector<16xi32>
          %reduce_max3A_1034 = tpu.scan <max>, %reduce_max3A_1033 masked %reduce_max3A_1030 : vector<16xi32>, vector<16xi1> -> vector<16xi32>
          %reduce_max3A_1035 = arith.xori %reduce_max3A_1034, %reduce_max3A_1032 : vector<16xi32>
          %reduce_max3A_1036 = vector.extract %reduce_max3A_1035[15] : i32 from vector<16xi32>
          %min3A_1037 = arith.constant 4096 : i32
          %min3A_1038 = arith.minsi %reduce_max3A_1036, %min3A_1037 : i32
          %broadcast_in_dim3A_1039 = vector.broadcast %add3A_990 : i32 to vector<16xi32>
          %gather3A_1040 = tpu.vector_load_idx %arg12[%broadcast_in_dim3A_1039] : memref<512xi32, #tpu.memory_space<vmem>>[vector<16xi32>], vector<16xi32>,
          %reduce_max3A_1041 = arith.constant true
          %reduce_max3A_1042 = vector.broadcast %reduce_max3A_1041 : i1 to vector<16xi1>
          %reduce_max3A_1043 = arith.constant -2147483648 : i32
          %reduce_max3A_1044 = vector.broadcast %reduce_max3A_1043 : i32 to vector<16xi32>
          %reduce_max3A_1045 = arith.xori %gather3A_1040, %reduce_max3A_1044 : vector<16xi32>
          %reduce_max3A_1046 = tpu.scan <max>, %reduce_max3A_1045 masked %reduce_max3A_1042 : vector<16xi32>, vector<16xi1> -> vector<16xi32>
          %reduce_max3A_1047 = arith.xori %reduce_max3A_1046, %reduce_max3A_1044 : vector<16xi32>
          %reduce_max3A_1048 = vector.extract %reduce_max3A_1047[15] : i32 from vector<16xi32>
          %min3A_1049 = arith.minsi %reduce_max3A_1048, %min3A_1038 : i32
          %while3A_1050 = scf.while (%while3A_1057 = %min3A_1049) : (i32) -> i32 {
            %lt3A_1058 = arith.cmpi slt, %while3A_1057, %min3A_1038 : i32
            scf.condition(%lt3A_1058) %while3A_1057 : i32
          } do {
          ^bb0(%while3A_1057: i32):
            %broadcast_in_dim3A_1058 = vector.broadcast %while3A_1057 : i32 to vector<16xi32>
            %jit3A_1059 = arith.constant 0 : i32
            %jit3A_1060 = arith.constant 4095 : i32
            %max3A = vector.broadcast %jit3A_1059 : i32 to vector<16xi32>
            %max3A_1061 = arith.maxsi %max3A, %broadcast_in_dim3A_1058 : vector<16xi32>
            %min3A_1062 = vector.broadcast %jit3A_1060 : i32 to vector<16xi32>
            %min3A_1063 = arith.minsi %min3A_1062, %max3A_1061 : vector<16xi32>
            %gather3A_1064 = tpu.vector_load_idx %arg9[%min3A_1063] : memref<4096xi32, #tpu.memory_space<vmem>>[vector<16xi32>], vector<16xi32>,
            %shift_right_logical3A_1065 = arith.constant 7 : i32
            %shift_right_logical3A_1066 = arith.shrui %while3A_1057, %shift_right_logical3A_1065 : i32
            %and3A_1067 = arith.constant 1 : i32
            %and3A_1068 = arith.andi %shift_right_logical3A_1066, %and3A_1067 : i32
            %and3A_1069 = arith.constant 127 : i32
            %and3A_1070 = arith.andi %while3A_1057, %and3A_1069 : i32
            %eq3A = arith.constant 0 : i32
            %eq3A_1071 = arith.cmpi eq, %and3A_1070, %eq3A : i32
            %ge3A = arith.constant 2 : i32
            %ge3A_1072 = arith.cmpi sge, %shift_right_logical3A_1066, %ge3A : i32
            %and3A_1073 = arith.andi %eq3A_1071, %ge3A_1072 : i1
            %eq3A_1074 = arith.constant 0 : i32
            %eq3A_1075 = arith.cmpi eq, %and3A_1068, %eq3A_1074 : i32
            %and3A_1076 = arith.andi %and3A_1073, %eq3A_1075 : i1
            %convert_element_type3A_1077 = arith.extui %and3A_1076 : i1 to i32
            %cond3A_1078 = arith.constant 0 : i32
            %cond3A_1079 = arith.cmpi ne, %convert_element_type3A_1077, %cond3A_1078 : i32
            scf.if %cond3A_1079 {
              %dma_wait3A_1165 = arith.constant 0 : i32
              %dma_wait3A_1166 = arith.constant 0 : i32
              %dma_wait3A_1167 = arith.constant 0 : i32
              %dma_wait3A_1168 = arith.constant 0 : i32
              %dma_wait3A_1169 = tpu.memref_slice %arg18[%dma_wait3A_1165, %dma_wait3A_1167, %dma_wait3A_1168] : memref<2x128x128xf32, #tpu.memory_space<vmem>> -> memref<1x128x128xf32, #tpu.memory_space<vmem>>
              %dma_wait3A_1170 = tpu.memref_squeeze %dma_wait3A_1169 : memref<1x128x128xf32, #tpu.memory_space<vmem>> -> memref<128x128xf32, #tpu.memory_space<vmem>>
              %dma_wait3A_1171 = arith.constant 0 : i32
              %dma_wait3A_1172 = tpu.memref_slice %arg14[%dma_wait3A_1166, %dma_wait3A_1171] : memref<32x128xi32, #tpu.memory_space<vmem>> -> memref<1x128xi32, #tpu.memory_space<vmem>>
              %dma_wait3A_1173 = tpu.memref_squeeze %dma_wait3A_1172 : memref<1x128xi32, #tpu.memory_space<vmem>> -> memref<128xi32, #tpu.memory_space<vmem>>
              %dma_wait3A_1174 = arith.constant 0 : i32
              %dma_wait3A_1175 = arith.constant 0 : i32
              %dma_wait3A_1176 = tpu.memref_slice %arg7[%dma_wait3A_1174, %dma_wait3A_1175] : memref<106496x128xf32, #tpu.memory_space<hbm>> -> memref<106496x128xf32, #tpu.memory_space<hbm>>
              tpu.wait_indirect_dma semaphore(%arg23 : memref<!tpu.dma_semaphore, #tpu.memory_space<semaphore_mem>>) src(%dma_wait3A_1170 : memref<128x128xf32, #tpu.memory_space<vmem>>) dst(%dma_wait3A_1176 : memref<106496x128xf32, #tpu.memory_space<hbm>>)
            } else {
            }
            %eq3A_1080 = arith.constant 0 : i32
            %eq3A_1081 = arith.cmpi eq, %and3A_1070, %eq3A_1080 : i32
            %ge3A_1082 = arith.constant 2 : i32
            %ge3A_1083 = arith.cmpi sge, %shift_right_logical3A_1066, %ge3A_1082 : i32
            %and3A_1084 = arith.andi %eq3A_1081, %ge3A_1083 : i1
            %eq3A_1085 = arith.constant 1 : i32
            %eq3A_1086 = arith.cmpi eq, %and3A_1068, %eq3A_1085 : i32
            %and3A_1087 = arith.andi %and3A_1084, %eq3A_1086 : i1
            %convert_element_type3A_1088 = arith.extui %and3A_1087 : i1 to i32
            %cond3A_1089 = arith.constant 0 : i32
            %cond3A_1090 = arith.cmpi ne, %convert_element_type3A_1088, %cond3A_1089 : i32
            scf.if %cond3A_1090 {
              %dma_wait3A_1165 = arith.constant 1 : i32
              %dma_wait3A_1166 = arith.constant 0 : i32
              %dma_wait3A_1167 = arith.constant 0 : i32
              %dma_wait3A_1168 = arith.constant 0 : i32
              %dma_wait3A_1169 = tpu.memref_slice %arg18[%dma_wait3A_1165, %dma_wait3A_1167, %dma_wait3A_1168] : memref<2x128x128xf32, #tpu.memory_space<vmem>> -> memref<1x128x128xf32, #tpu.memory_space<vmem>>
              %dma_wait3A_1170 = tpu.memref_squeeze %dma_wait3A_1169 : memref<1x128x128xf32, #tpu.memory_space<vmem>> -> memref<128x128xf32, #tpu.memory_space<vmem>>
              %dma_wait3A_1171 = arith.constant 0 : i32
              %dma_wait3A_1172 = tpu.memref_slice %arg14[%dma_wait3A_1166, %dma_wait3A_1171] : memref<32x128xi32, #tpu.memory_space<vmem>> -> memref<1x128xi32, #tpu.memory_space<vmem>>
              %dma_wait3A_1173 = tpu.memref_squeeze %dma_wait3A_1172 : memref<1x128xi32, #tpu.memory_space<vmem>> -> memref<128xi32, #tpu.memory_space<vmem>>
              %dma_wait3A_1174 = arith.constant 0 : i32
              %dma_wait3A_1175 = arith.constant 0 : i32
              %dma_wait3A_1176 = tpu.memref_slice %arg7[%dma_wait3A_1174, %dma_wait3A_1175] : memref<106496x128xf32, #tpu.memory_space<hbm>> -> memref<106496x128xf32, #tpu.memory_space<hbm>>
              tpu.wait_indirect_dma semaphore(%arg24 : memref<!tpu.dma_semaphore, #tpu.memory_space<semaphore_mem>>) src(%dma_wait3A_1170 : memref<128x128xf32, #tpu.memory_space<vmem>>) dst(%dma_wait3A_1176 : memref<106496x128xf32, #tpu.memory_space<hbm>>)
            } else {
            }
            %add3A_1091 = arith.constant 0 : i32
            %add3A_1092 = vector.broadcast %add3A_1091 : i32 to vector<16xi32>
            %add3A_1093 = arith.addi %iota3A, %add3A_1092 : vector<16xi32>
            %gather3A_1094 = arith.constant 1 : i32
            %gather3A_1095 = arith.constant 0 : i32
            %gather3A_1096 = arith.constant 0 : i32
            %gather3A_1097 = tpu.memref_slice %arg17[%gather3A_1094, %gather3A_1095, %gather3A_1096] : memref<4x64x256xf32, #tpu.memory_space<vmem>> -> memref<1x64x256xf32, #tpu.memory_space<vmem>>
            %gather3A_1098 = tpu.memref_squeeze %gather3A_1097 : memref<1x64x256xf32, #tpu.memory_space<vmem>> -> memref<64x256xf32, #tpu.memory_space<vmem>>
            %gather3A_1099 = tpu.vector_load_idx %gather3A_1098[%add3A_1093, %gather3A_1064] : memref<64x256xf32, #tpu.memory_space<vmem>>[vector<16xi32>, vector<16xi32>], vector<16xf32>,
            %add3A_1100 = arith.addf %gather3A_1099, %gather3A_46 : vector<16xf32>
            %swap3A_1101 = arith.index_cast %and3A_1068 : i32 to index
            %swap3A_1102 = arith.index_cast %and3A_1070 : i32 to index
            %swap3A_1103 = arith.constant 0 : index
            %swap3A_1104 = tpu.vector_load %arg18[%swap3A_1101, %swap3A_1102, %swap3A_1103] {strides = array<i32>} : memref<2x128x128xf32, #tpu.memory_space<vmem>>, vector<16xf32>,
            tpu.vector_store %arg18[%swap3A_1101, %swap3A_1102, %swap3A_1103], %add3A_1100 {strides = array<i32>} : memref<2x128x128xf32, #tpu.memory_space<vmem>>, vector<16xf32>,
            %add3A_1105 = arith.constant 16 : i32
            %add3A_1106 = vector.broadcast %add3A_1105 : i32 to vector<16xi32>
            %add3A_1107 = arith.addi %iota3A, %add3A_1106 : vector<16xi32>
            %gather3A_1108 = arith.constant 1 : i32
            %gather3A_1109 = arith.constant 0 : i32
            %gather3A_1110 = arith.constant 0 : i32
            %gather3A_1111 = tpu.memref_slice %arg17[%gather3A_1108, %gather3A_1109, %gather3A_1110] : memref<4x64x256xf32, #tpu.memory_space<vmem>> -> memref<1x64x256xf32, #tpu.memory_space<vmem>>
            %gather3A_1112 = tpu.memref_squeeze %gather3A_1111 : memref<1x64x256xf32, #tpu.memory_space<vmem>> -> memref<64x256xf32, #tpu.memory_space<vmem>>
            %gather3A_1113 = tpu.vector_load_idx %gather3A_1112[%add3A_1107, %gather3A_1064] : memref<64x256xf32, #tpu.memory_space<vmem>>[vector<16xi32>, vector<16xi32>], vector<16xf32>,
            %add3A_1114 = arith.addf %gather3A_1113, %gather3A_54 : vector<16xf32>
            %swap3A_1115 = arith.index_cast %and3A_1068 : i32 to index
            %swap3A_1116 = arith.index_cast %and3A_1070 : i32 to index
            %swap3A_1117 = arith.constant 16 : index
            %swap3A_1118 = tpu.vector_load %arg18[%swap3A_1115, %swap3A_1116, %swap3A_1117] {strides = array<i32>} : memref<2x128x128xf32, #tpu.memory_space<vmem>>, vector<16xf32>,
            tpu.vector_store %arg18[%swap3A_1115, %swap3A_1116, %swap3A_1117], %add3A_1114 {strides = array<i32>} : memref<2x128x128xf32, #tpu.memory_space<vmem>>, vector<16xf32>,
            %add3A_1119 = arith.constant 32 : i32
            %add3A_1120 = vector.broadcast %add3A_1119 : i32 to vector<16xi32>
            %add3A_1121 = arith.addi %iota3A, %add3A_1120 : vector<16xi32>
            %gather3A_1122 = arith.constant 1 : i32
            %gather3A_1123 = arith.constant 0 : i32
            %gather3A_1124 = arith.constant 0 : i32
            %gather3A_1125 = tpu.memref_slice %arg17[%gather3A_1122, %gather3A_1123, %gather3A_1124] : memref<4x64x256xf32, #tpu.memory_space<vmem>> -> memref<1x64x256xf32, #tpu.memory_space<vmem>>
            %gather3A_1126 = tpu.memref_squeeze %gather3A_1125 : memref<1x64x256xf32, #tpu.memory_space<vmem>> -> memref<64x256xf32, #tpu.memory_space<vmem>>
            %gather3A_1127 = tpu.vector_load_idx %gather3A_1126[%add3A_1121, %gather3A_1064] : memref<64x256xf32, #tpu.memory_space<vmem>>[vector<16xi32>, vector<16xi32>], vector<16xf32>,
            %add3A_1128 = arith.addf %gather3A_1127, %gather3A_62 : vector<16xf32>
            %swap3A_1129 = arith.index_cast %and3A_1068 : i32 to index
            %swap3A_1130 = arith.index_cast %and3A_1070 : i32 to index
            %swap3A_1131 = arith.constant 32 : index
            %swap3A_1132 = tpu.vector_load %arg18[%swap3A_1129, %swap3A_1130, %swap3A_1131] {strides = array<i32>} : memref<2x128x128xf32, #tpu.memory_space<vmem>>, vector<16xf32>,
            tpu.vector_store %arg18[%swap3A_1129, %swap3A_1130, %swap3A_1131], %add3A_1128 {strides = array<i32>} : memref<2x128x128xf32, #tpu.memory_space<vmem>>, vector<16xf32>,
            %add3A_1133 = arith.constant 48 : i32
            %add3A_1134 = vector.broadcast %add3A_1133 : i32 to vector<16xi32>
            %add3A_1135 = arith.addi %iota3A, %add3A_1134 : vector<16xi32>
            %gather3A_1136 = arith.constant 1 : i32
            %gather3A_1137 = arith.constant 0 : i32
            %gather3A_1138 = arith.constant 0 : i32
            %gather3A_1139 = tpu.memref_slice %arg17[%gather3A_1136, %gather3A_1137, %gather3A_1138] : memref<4x64x256xf32, #tpu.memory_space<vmem>> -> memref<1x64x256xf32, #tpu.memory_space<vmem>>
            %gather3A_1140 = tpu.memref_squeeze %gather3A_1139 : memref<1x64x256xf32, #tpu.memory_space<vmem>> -> memref<64x256xf32, #tpu.memory_space<vmem>>
            %gather3A_1141 = tpu.vector_load_idx %gather3A_1140[%add3A_1135, %gather3A_1064] : memref<64x256xf32, #tpu.memory_space<vmem>>[vector<16xi32>, vector<16xi32>], vector<16xf32>,
            %add3A_1142 = arith.addf %gather3A_1141, %gather3A_70 : vector<16xf32>
            %swap3A_1143 = arith.index_cast %and3A_1068 : i32 to index
            %swap3A_1144 = arith.index_cast %and3A_1070 : i32 to index
            %swap3A_1145 = arith.constant 48 : index
            %swap3A_1146 = tpu.vector_load %arg18[%swap3A_1143, %swap3A_1144, %swap3A_1145] {strides = array<i32>} : memref<2x128x128xf32, #tpu.memory_space<vmem>>, vector<16xf32>,
            tpu.vector_store %arg18[%swap3A_1143, %swap3A_1144, %swap3A_1145], %add3A_1142 {strides = array<i32>} : memref<2x128x128xf32, #tpu.memory_space<vmem>>, vector<16xf32>,
            %eq3A_1147 = arith.constant 127 : i32
            %eq3A_1148 = arith.cmpi eq, %and3A_1070, %eq3A_1147 : i32
            %eq3A_1149 = arith.constant 0 : i32
            %eq3A_1150 = arith.cmpi eq, %and3A_1068, %eq3A_1149 : i32
            %and3A_1151 = arith.andi %eq3A_1148, %eq3A_1150 : i1
            %convert_element_type3A_1152 = arith.extui %and3A_1151 : i1 to i32
            %cond3A_1153 = arith.constant 0 : i32
            %cond3A_1154 = arith.cmpi ne, %convert_element_type3A_1152, %cond3A_1153 : i32
            scf.if %cond3A_1154 {
              %dma_start3A = arith.constant 0 : i32
              %dma_start3A_1165 = arith.constant 0 : i32
              %dma_start3A_1166 = arith.constant 0 : i32
              %dma_start3A_1167 = tpu.memref_slice %arg18[%dma_start3A, %dma_start3A_1165, %dma_start3A_1166] : memref<2x128x128xf32, #tpu.memory_space<vmem>> -> memref<1x128x128xf32, #tpu.memory_space<vmem>>
              %dma_start3A_1168 = tpu.memref_squeeze %dma_start3A_1167 : memref<1x128x128xf32, #tpu.memory_space<vmem>> -> memref<128x128xf32, #tpu.memory_space<vmem>>
              %dma_start3A_1169 = arith.constant 0 : i32
              %dma_start3A_1170 = tpu.memref_slice %arg14[%shift_right_logical3A_1066, %dma_start3A_1169] : memref<32x128xi32, #tpu.memory_space<vmem>> -> memref<1x128xi32, #tpu.memory_space<vmem>>
              %dma_start3A_1171 = tpu.memref_squeeze %dma_start3A_1170 : memref<1x128xi32, #tpu.memory_space<vmem>> -> memref<128xi32, #tpu.memory_space<vmem>>
              %dma_start3A_1172 = arith.constant 0 : i32
              %dma_start3A_1173 = arith.constant 0 : i32
              %dma_start3A_1174 = tpu.memref_slice %arg7[%dma_start3A_1172, %dma_start3A_1173] : memref<106496x128xf32, #tpu.memory_space<hbm>> -> memref<106496x128xf32, #tpu.memory_space<hbm>>
              tpu.enqueue_indirect_dma source(%dma_start3A_1168 : memref<128x128xf32, #tpu.memory_space<vmem>>) target(%dma_start3A_1174 : memref<106496x128xf32, #tpu.memory_space<hbm>>) offsets(%dma_start3A_1171 : memref<128xi32, #tpu.memory_space<vmem>>) semaphore(%arg23 : memref<!tpu.dma_semaphore, #tpu.memory_space<semaphore_mem>>)
            } else {
            }
            %eq3A_1155 = arith.constant 127 : i32
            %eq3A_1156 = arith.cmpi eq, %and3A_1070, %eq3A_1155 : i32
            %eq3A_1157 = arith.constant 1 : i32
            %eq3A_1158 = arith.cmpi eq, %and3A_1068, %eq3A_1157 : i32
            %and3A_1159 = arith.andi %eq3A_1156, %eq3A_1158 : i1
            %convert_element_type3A_1160 = arith.extui %and3A_1159 : i1 to i32
            %cond3A_1161 = arith.constant 0 : i32
            %cond3A_1162 = arith.cmpi ne, %convert_element_type3A_1160, %cond3A_1161 : i32
            scf.if %cond3A_1162 {
              %dma_start3A = arith.constant 1 : i32
              %dma_start3A_1165 = arith.constant 0 : i32
              %dma_start3A_1166 = arith.constant 0 : i32
              %dma_start3A_1167 = tpu.memref_slice %arg18[%dma_start3A, %dma_start3A_1165, %dma_start3A_1166] : memref<2x128x128xf32, #tpu.memory_space<vmem>> -> memref<1x128x128xf32, #tpu.memory_space<vmem>>
              %dma_start3A_1168 = tpu.memref_squeeze %dma_start3A_1167 : memref<1x128x128xf32, #tpu.memory_space<vmem>> -> memref<128x128xf32, #tpu.memory_space<vmem>>
              %dma_start3A_1169 = arith.constant 0 : i32
              %dma_start3A_1170 = tpu.memref_slice %arg14[%shift_right_logical3A_1066, %dma_start3A_1169] : memref<32x128xi32, #tpu.memory_space<vmem>> -> memref<1x128xi32, #tpu.memory_space<vmem>>
              %dma_start3A_1171 = tpu.memref_squeeze %dma_start3A_1170 : memref<1x128xi32, #tpu.memory_space<vmem>> -> memref<128xi32, #tpu.memory_space<vmem>>
              %dma_start3A_1172 = arith.constant 0 : i32
              %dma_start3A_1173 = arith.constant 0 : i32
              %dma_start3A_1174 = tpu.memref_slice %arg7[%dma_start3A_1172, %dma_start3A_1173] : memref<106496x128xf32, #tpu.memory_space<hbm>> -> memref<106496x128xf32, #tpu.memory_space<hbm>>
              tpu.enqueue_indirect_dma source(%dma_start3A_1168 : memref<128x128xf32, #tpu.memory_space<vmem>>) target(%dma_start3A_1174 : memref<106496x128xf32, #tpu.memory_space<hbm>>) offsets(%dma_start3A_1171 : memref<128xi32, #tpu.memory_space<vmem>>) semaphore(%arg24 : memref<!tpu.dma_semaphore, #tpu.memory_space<semaphore_mem>>)
            } else {
            }
            %add3A_1163 = arith.constant 1 : i32
            %add3A_1164 = arith.addi %while3A_1057, %add3A_1163 : i32
            scf.yield %add3A_1164 : i32
          }
          %add3A_1051 = arith.constant 4 : i32
          %add3A_1052 = arith.addi %add3A_990, %add3A_1051 : i32
          %lt3A_1053 = arith.cmpi slt, %add3A_1052, %add3A_33 : i32
          %convert_element_type3A_1054 = arith.extui %lt3A_1053 : i1 to i32
          %cond3A_1055 = arith.constant 0 : i32
          %cond3A_1056 = arith.cmpi ne, %convert_element_type3A_1054, %cond3A_1055 : i32
          scf.if %cond3A_1056 {
            %sub3A_1057 = arith.constant 1 : i32
            %sub3A_1058 = arith.subi %add3A_33, %sub3A_1057 : i32
            %eq3A = arith.cmpi eq, %add3A_1052, %sub3A_1058 : i32
            %and3A_1059 = arith.andi %gt3A_38, %eq3A : i1
            %convert_element_type3A_1060 = arith.extui %and3A_1059 : i1 to i32
            %cond3A_1061 = arith.constant 0 : i32
            %cond3A_1062 = arith.cmpi ne, %convert_element_type3A_1060, %cond3A_1061 : i32
            scf.if %cond3A_1062 {
              %dma_start3A = arith.constant 1 : i32
              %dma_start3A_1067 = arith.constant 0 : i32
              %dma_start3A_1068 = arith.constant 0 : i32
              %dma_start3A_1069 = tpu.memref_slice %arg17[%dma_start3A, %dma_start3A_1067, %dma_start3A_1068] : memref<4x64x256xf32, #tpu.memory_space<vmem>> -> memref<1x64x256xf32, #tpu.memory_space<vmem>>
              %dma_start3A_1070 = tpu.memref_squeeze %dma_start3A_1069 : memref<1x64x256xf32, #tpu.memory_space<vmem>> -> memref<64x256xf32, #tpu.memory_space<vmem>>
              %dma_start3A_1071 = arith.constant 0 : i32
              %dma_start3A_1072 = arith.constant 0 : i32
              %dma_start3A_1073 = tpu.memref_slice %arg17[%dma_start3A, %dma_start3A_1071, %dma_start3A_1072] : memref<4x64x256xf32, #tpu.memory_space<vmem>> -> memref<1x64x256xf32, #tpu.memory_space<vmem>>
              %dma_start3A_1074 = tpu.memref_squeeze %dma_start3A_1073 : memref<1x64x256xf32, #tpu.memory_space<vmem>> -> memref<64x256xf32, #tpu.memory_space<vmem>>
              tpu.enqueue_dma source(%arg5 : memref<64x256xf32, #tpu.memory_space<hbm>>) target(%dma_start3A_1074 : memref<64x256xf32, #tpu.memory_space<vmem>>) target_semaphore(%arg20 : memref<!tpu.dma_semaphore, #tpu.memory_space<semaphore_mem>>)
            } else {
            }
            %not3A = arith.constant true
            %not3A_1063 = arith.xori %and3A_1059, %not3A : i1
            %convert_element_type3A_1064 = arith.extui %not3A_1063 : i1 to i32
            %cond3A_1065 = arith.constant 0 : i32
            %cond3A_1066 = arith.cmpi ne, %convert_element_type3A_1064, %cond3A_1065 : i32
            scf.if %cond3A_1066 {
              %add3A_1067 = arith.addi %shift_right_logical3A_27, %add3A_1052 : i32
              %mul3A_1068 = arith.constant 256 : i32
              %mul3A_1069 = arith.muli %add3A_1067, %mul3A_1068 : i32
              %multiple_of3A_1070 = tpu.assume_multiple %mul3A_1069, 128 : i32
              %dma_start3A = arith.constant 1 : i32
              %dma_start3A_1071 = arith.constant 0 : i32
              %dma_start3A_1072 = arith.constant 0 : i32
              %dma_start3A_1073 = tpu.memref_slice %arg17[%dma_start3A, %dma_start3A_1071, %dma_start3A_1072] : memref<4x64x256xf32, #tpu.memory_space<vmem>> -> memref<1x64x256xf32, #tpu.memory_space<vmem>>
              %dma_start3A_1074 = tpu.memref_squeeze %dma_start3A_1073 : memref<1x64x256xf32, #tpu.memory_space<vmem>> -> memref<64x256xf32, #tpu.memory_space<vmem>>
              %dma_start3A_1075 = arith.constant 0 : i32
              %dma_start3A_1076 = tpu.memref_slice %arg4[%dma_start3A_1075, %multiple_of3A_1070] : memref<64x2600000xf32, #tpu.memory_space<hbm>> -> memref<64x256xf32, #tpu.memory_space<hbm>>
              %dma_start3A_1077 = arith.constant 0 : i32
              %dma_start3A_1078 = arith.constant 0 : i32
              %dma_start3A_1079 = tpu.memref_slice %arg17[%dma_start3A, %dma_start3A_1077, %dma_start3A_1078] : memref<4x64x256xf32, #tpu.memory_space<vmem>> -> memref<1x64x256xf32, #tpu.memory_space<vmem>>
              %dma_start3A_1080 = tpu.memref_squeeze %dma_start3A_1079 : memref<1x64x256xf32, #tpu.memory_space<vmem>> -> memref<64x256xf32, #tpu.memory_space<vmem>>
              %dma_start3A_1081 = arith.constant 0 : i32
              %dma_start3A_1082 = tpu.memref_slice %arg4[%dma_start3A_1081, %multiple_of3A_1070] : memref<64x2600000xf32, #tpu.memory_space<hbm>> -> memref<64x256xf32, #tpu.memory_space<hbm>>
              tpu.enqueue_dma source(%dma_start3A_1082 : memref<64x256xf32, #tpu.memory_space<hbm>>) target(%dma_start3A_1080 : memref<64x256xf32, #tpu.memory_space<vmem>>) target_semaphore(%arg20 : memref<!tpu.dma_semaphore, #tpu.memory_space<semaphore_mem>>)
            } else {
            }
          } else {
          }
        } else {
        }
        %mul3A_995 = arith.constant 4 : i32
        %mul3A_996 = arith.muli %while3A_978, %mul3A_995 : i32
        %add3A_997 = arith.constant 2 : i32
        %add3A_998 = arith.addi %mul3A_996, %add3A_997 : i32
        %lt3A_999 = arith.cmpi slt, %add3A_998, %add3A_33 : i32
        %convert_element_type3A_1000 = arith.extui %lt3A_999 : i1 to i32
        %cond3A_1001 = arith.constant 0 : i32
        %cond3A_1002 = arith.cmpi ne, %convert_element_type3A_1000, %cond3A_1001 : i32
        scf.if %cond3A_1002 {
          %multiple_of3A = arith.constant 0 : i32
          %multiple_of3A_1011 = tpu.assume_multiple %multiple_of3A, 128 : i32
          %dma_wait3A_1012 = arith.constant 2 : i32
          %dma_wait3A_1013 = arith.constant 0 : i32
          %dma_wait3A_1014 = arith.constant 0 : i32
          %dma_wait3A_1015 = tpu.memref_slice %arg17[%dma_wait3A_1012, %dma_wait3A_1013, %dma_wait3A_1014] : memref<4x64x256xf32, #tpu.memory_space<vmem>> -> memref<1x64x256xf32, #tpu.memory_space<vmem>>
          %dma_wait3A_1016 = tpu.memref_squeeze %dma_wait3A_1015 : memref<1x64x256xf32, #tpu.memory_space<vmem>> -> memref<64x256xf32, #tpu.memory_space<vmem>>
          %dma_wait3A_1017 = arith.constant 0 : i32
          %dma_wait3A_1018 = tpu.memref_slice %arg4[%dma_wait3A_1017, %multiple_of3A_1011] : memref<64x2600000xf32, #tpu.memory_space<hbm>> -> memref<64x256xf32, #tpu.memory_space<hbm>>
          %dma_wait3A_1019 = arith.constant 0 : i32
          %dma_wait3A_1020 = arith.constant 0 : i32
          %dma_wait3A_1021 = tpu.memref_slice %arg17[%dma_wait3A_1012, %dma_wait3A_1019, %dma_wait3A_1020] : memref<4x64x256xf32, #tpu.memory_space<vmem>> -> memref<1x64x256xf32, #tpu.memory_space<vmem>>
          %dma_wait3A_1022 = tpu.memref_squeeze %dma_wait3A_1021 : memref<1x64x256xf32, #tpu.memory_space<vmem>> -> memref<64x256xf32, #tpu.memory_space<vmem>>
          %dma_wait3A_1023 = arith.constant 0 : i32
          %dma_wait3A_1024 = tpu.memref_slice %arg4[%dma_wait3A_1023, %multiple_of3A_1011] : memref<64x2600000xf32, #tpu.memory_space<hbm>> -> memref<64x256xf32, #tpu.memory_space<hbm>>
          tpu.wait_dma2 semaphore(%arg21 : memref<!tpu.dma_semaphore, #tpu.memory_space<semaphore_mem>>) src(%dma_wait3A_1024 : memref<64x256xf32, #tpu.memory_space<hbm>>) dst(%dma_wait3A_1022 : memref<64x256xf32, #tpu.memory_space<vmem>>)
          %add3A_1025 = arith.constant 1 : i32
          %add3A_1026 = arith.addi %add3A_998, %add3A_1025 : i32
          %broadcast_in_dim3A_1027 = vector.broadcast %add3A_1026 : i32 to vector<16xi32>
          %gather3A_1028 = tpu.vector_load_idx %arg12[%broadcast_in_dim3A_1027] : memref<512xi32, #tpu.memory_space<vmem>>[vector<16xi32>], vector<16xi32>,
          %reduce_max3A_1029 = arith.constant true
          %reduce_max3A_1030 = vector.broadcast %reduce_max3A_1029 : i1 to vector<16xi1>
          %reduce_max3A_1031 = arith.constant -2147483648 : i32
          %reduce_max3A_1032 = vector.broadcast %reduce_max3A_1031 : i32 to vector<16xi32>
          %reduce_max3A_1033 = arith.xori %gather3A_1028, %reduce_max3A_1032 : vector<16xi32>
          %reduce_max3A_1034 = tpu.scan <max>, %reduce_max3A_1033 masked %reduce_max3A_1030 : vector<16xi32>, vector<16xi1> -> vector<16xi32>
          %reduce_max3A_1035 = arith.xori %reduce_max3A_1034, %reduce_max3A_1032 : vector<16xi32>
          %reduce_max3A_1036 = vector.extract %reduce_max3A_1035[15] : i32 from vector<16xi32>
          %min3A_1037 = arith.constant 4096 : i32
          %min3A_1038 = arith.minsi %reduce_max3A_1036, %min3A_1037 : i32
          %broadcast_in_dim3A_1039 = vector.broadcast %add3A_998 : i32 to vector<16xi32>
          %gather3A_1040 = tpu.vector_load_idx %arg12[%broadcast_in_dim3A_1039] : memref<512xi32, #tpu.memory_space<vmem>>[vector<16xi32>], vector<16xi32>,
          %reduce_max3A_1041 = arith.constant true
          %reduce_max3A_1042 = vector.broadcast %reduce_max3A_1041 : i1 to vector<16xi1>
          %reduce_max3A_1043 = arith.constant -2147483648 : i32
          %reduce_max3A_1044 = vector.broadcast %reduce_max3A_1043 : i32 to vector<16xi32>
          %reduce_max3A_1045 = arith.xori %gather3A_1040, %reduce_max3A_1044 : vector<16xi32>
          %reduce_max3A_1046 = tpu.scan <max>, %reduce_max3A_1045 masked %reduce_max3A_1042 : vector<16xi32>, vector<16xi1> -> vector<16xi32>
          %reduce_max3A_1047 = arith.xori %reduce_max3A_1046, %reduce_max3A_1044 : vector<16xi32>
          %reduce_max3A_1048 = vector.extract %reduce_max3A_1047[15] : i32 from vector<16xi32>
          %min3A_1049 = arith.minsi %reduce_max3A_1048, %min3A_1038 : i32
          %while3A_1050 = scf.while (%while3A_1057 = %min3A_1049) : (i32) -> i32 {
            %lt3A_1058 = arith.cmpi slt, %while3A_1057, %min3A_1038 : i32
            scf.condition(%lt3A_1058) %while3A_1057 : i32
          } do {
          ^bb0(%while3A_1057: i32):
            %broadcast_in_dim3A_1058 = vector.broadcast %while3A_1057 : i32 to vector<16xi32>
            %jit3A_1059 = arith.constant 0 : i32
            %jit3A_1060 = arith.constant 4095 : i32
            %max3A = vector.broadcast %jit3A_1059 : i32 to vector<16xi32>
            %max3A_1061 = arith.maxsi %max3A, %broadcast_in_dim3A_1058 : vector<16xi32>
            %min3A_1062 = vector.broadcast %jit3A_1060 : i32 to vector<16xi32>
            %min3A_1063 = arith.minsi %min3A_1062, %max3A_1061 : vector<16xi32>
            %gather3A_1064 = tpu.vector_load_idx %arg9[%min3A_1063] : memref<4096xi32, #tpu.memory_space<vmem>>[vector<16xi32>], vector<16xi32>,
            %shift_right_logical3A_1065 = arith.constant 7 : i32
            %shift_right_logical3A_1066 = arith.shrui %while3A_1057, %shift_right_logical3A_1065 : i32
            %and3A_1067 = arith.constant 1 : i32
            %and3A_1068 = arith.andi %shift_right_logical3A_1066, %and3A_1067 : i32
            %and3A_1069 = arith.constant 127 : i32
            %and3A_1070 = arith.andi %while3A_1057, %and3A_1069 : i32
            %eq3A = arith.constant 0 : i32
            %eq3A_1071 = arith.cmpi eq, %and3A_1070, %eq3A : i32
            %ge3A = arith.constant 2 : i32
            %ge3A_1072 = arith.cmpi sge, %shift_right_logical3A_1066, %ge3A : i32
            %and3A_1073 = arith.andi %eq3A_1071, %ge3A_1072 : i1
            %eq3A_1074 = arith.constant 0 : i32
            %eq3A_1075 = arith.cmpi eq, %and3A_1068, %eq3A_1074 : i32
            %and3A_1076 = arith.andi %and3A_1073, %eq3A_1075 : i1
            %convert_element_type3A_1077 = arith.extui %and3A_1076 : i1 to i32
            %cond3A_1078 = arith.constant 0 : i32
            %cond3A_1079 = arith.cmpi ne, %convert_element_type3A_1077, %cond3A_1078 : i32
            scf.if %cond3A_1079 {
              %dma_wait3A_1165 = arith.constant 0 : i32
              %dma_wait3A_1166 = arith.constant 0 : i32
              %dma_wait3A_1167 = arith.constant 0 : i32
              %dma_wait3A_1168 = arith.constant 0 : i32
              %dma_wait3A_1169 = tpu.memref_slice %arg18[%dma_wait3A_1165, %dma_wait3A_1167, %dma_wait3A_1168] : memref<2x128x128xf32, #tpu.memory_space<vmem>> -> memref<1x128x128xf32, #tpu.memory_space<vmem>>
              %dma_wait3A_1170 = tpu.memref_squeeze %dma_wait3A_1169 : memref<1x128x128xf32, #tpu.memory_space<vmem>> -> memref<128x128xf32, #tpu.memory_space<vmem>>
              %dma_wait3A_1171 = arith.constant 0 : i32
              %dma_wait3A_1172 = tpu.memref_slice %arg14[%dma_wait3A_1166, %dma_wait3A_1171] : memref<32x128xi32, #tpu.memory_space<vmem>> -> memref<1x128xi32, #tpu.memory_space<vmem>>
              %dma_wait3A_1173 = tpu.memref_squeeze %dma_wait3A_1172 : memref<1x128xi32, #tpu.memory_space<vmem>> -> memref<128xi32, #tpu.memory_space<vmem>>
              %dma_wait3A_1174 = arith.constant 0 : i32
              %dma_wait3A_1175 = arith.constant 0 : i32
              %dma_wait3A_1176 = tpu.memref_slice %arg7[%dma_wait3A_1174, %dma_wait3A_1175] : memref<106496x128xf32, #tpu.memory_space<hbm>> -> memref<106496x128xf32, #tpu.memory_space<hbm>>
              tpu.wait_indirect_dma semaphore(%arg23 : memref<!tpu.dma_semaphore, #tpu.memory_space<semaphore_mem>>) src(%dma_wait3A_1170 : memref<128x128xf32, #tpu.memory_space<vmem>>) dst(%dma_wait3A_1176 : memref<106496x128xf32, #tpu.memory_space<hbm>>)
            } else {
            }
            %eq3A_1080 = arith.constant 0 : i32
            %eq3A_1081 = arith.cmpi eq, %and3A_1070, %eq3A_1080 : i32
            %ge3A_1082 = arith.constant 2 : i32
            %ge3A_1083 = arith.cmpi sge, %shift_right_logical3A_1066, %ge3A_1082 : i32
            %and3A_1084 = arith.andi %eq3A_1081, %ge3A_1083 : i1
            %eq3A_1085 = arith.constant 1 : i32
            %eq3A_1086 = arith.cmpi eq, %and3A_1068, %eq3A_1085 : i32
            %and3A_1087 = arith.andi %and3A_1084, %eq3A_1086 : i1
            %convert_element_type3A_1088 = arith.extui %and3A_1087 : i1 to i32
            %cond3A_1089 = arith.constant 0 : i32
            %cond3A_1090 = arith.cmpi ne, %convert_element_type3A_1088, %cond3A_1089 : i32
            scf.if %cond3A_1090 {
              %dma_wait3A_1165 = arith.constant 1 : i32
              %dma_wait3A_1166 = arith.constant 0 : i32
              %dma_wait3A_1167 = arith.constant 0 : i32
              %dma_wait3A_1168 = arith.constant 0 : i32
              %dma_wait3A_1169 = tpu.memref_slice %arg18[%dma_wait3A_1165, %dma_wait3A_1167, %dma_wait3A_1168] : memref<2x128x128xf32, #tpu.memory_space<vmem>> -> memref<1x128x128xf32, #tpu.memory_space<vmem>>
              %dma_wait3A_1170 = tpu.memref_squeeze %dma_wait3A_1169 : memref<1x128x128xf32, #tpu.memory_space<vmem>> -> memref<128x128xf32, #tpu.memory_space<vmem>>
              %dma_wait3A_1171 = arith.constant 0 : i32
              %dma_wait3A_1172 = tpu.memref_slice %arg14[%dma_wait3A_1166, %dma_wait3A_1171] : memref<32x128xi32, #tpu.memory_space<vmem>> -> memref<1x128xi32, #tpu.memory_space<vmem>>
              %dma_wait3A_1173 = tpu.memref_squeeze %dma_wait3A_1172 : memref<1x128xi32, #tpu.memory_space<vmem>> -> memref<128xi32, #tpu.memory_space<vmem>>
              %dma_wait3A_1174 = arith.constant 0 : i32
              %dma_wait3A_1175 = arith.constant 0 : i32
              %dma_wait3A_1176 = tpu.memref_slice %arg7[%dma_wait3A_1174, %dma_wait3A_1175] : memref<106496x128xf32, #tpu.memory_space<hbm>> -> memref<106496x128xf32, #tpu.memory_space<hbm>>
              tpu.wait_indirect_dma semaphore(%arg24 : memref<!tpu.dma_semaphore, #tpu.memory_space<semaphore_mem>>) src(%dma_wait3A_1170 : memref<128x128xf32, #tpu.memory_space<vmem>>) dst(%dma_wait3A_1176 : memref<106496x128xf32, #tpu.memory_space<hbm>>)
            } else {
            }
            %add3A_1091 = arith.constant 0 : i32
            %add3A_1092 = vector.broadcast %add3A_1091 : i32 to vector<16xi32>
            %add3A_1093 = arith.addi %iota3A, %add3A_1092 : vector<16xi32>
            %gather3A_1094 = arith.constant 2 : i32
            %gather3A_1095 = arith.constant 0 : i32
            %gather3A_1096 = arith.constant 0 : i32
            %gather3A_1097 = tpu.memref_slice %arg17[%gather3A_1094, %gather3A_1095, %gather3A_1096] : memref<4x64x256xf32, #tpu.memory_space<vmem>> -> memref<1x64x256xf32, #tpu.memory_space<vmem>>
            %gather3A_1098 = tpu.memref_squeeze %gather3A_1097 : memref<1x64x256xf32, #tpu.memory_space<vmem>> -> memref<64x256xf32, #tpu.memory_space<vmem>>
            %gather3A_1099 = tpu.vector_load_idx %gather3A_1098[%add3A_1093, %gather3A_1064] : memref<64x256xf32, #tpu.memory_space<vmem>>[vector<16xi32>, vector<16xi32>], vector<16xf32>,
            %add3A_1100 = arith.addf %gather3A_1099, %gather3A_46 : vector<16xf32>
            %swap3A_1101 = arith.index_cast %and3A_1068 : i32 to index
            %swap3A_1102 = arith.index_cast %and3A_1070 : i32 to index
            %swap3A_1103 = arith.constant 0 : index
            %swap3A_1104 = tpu.vector_load %arg18[%swap3A_1101, %swap3A_1102, %swap3A_1103] {strides = array<i32>} : memref<2x128x128xf32, #tpu.memory_space<vmem>>, vector<16xf32>,
            tpu.vector_store %arg18[%swap3A_1101, %swap3A_1102, %swap3A_1103], %add3A_1100 {strides = array<i32>} : memref<2x128x128xf32, #tpu.memory_space<vmem>>, vector<16xf32>,
            %add3A_1105 = arith.constant 16 : i32
            %add3A_1106 = vector.broadcast %add3A_1105 : i32 to vector<16xi32>
            %add3A_1107 = arith.addi %iota3A, %add3A_1106 : vector<16xi32>
            %gather3A_1108 = arith.constant 2 : i32
            %gather3A_1109 = arith.constant 0 : i32
            %gather3A_1110 = arith.constant 0 : i32
            %gather3A_1111 = tpu.memref_slice %arg17[%gather3A_1108, %gather3A_1109, %gather3A_1110] : memref<4x64x256xf32, #tpu.memory_space<vmem>> -> memref<1x64x256xf32, #tpu.memory_space<vmem>>
            %gather3A_1112 = tpu.memref_squeeze %gather3A_1111 : memref<1x64x256xf32, #tpu.memory_space<vmem>> -> memref<64x256xf32, #tpu.memory_space<vmem>>
            %gather3A_1113 = tpu.vector_load_idx %gather3A_1112[%add3A_1107, %gather3A_1064] : memref<64x256xf32, #tpu.memory_space<vmem>>[vector<16xi32>, vector<16xi32>], vector<16xf32>,
            %add3A_1114 = arith.addf %gather3A_1113, %gather3A_54 : vector<16xf32>
            %swap3A_1115 = arith.index_cast %and3A_1068 : i32 to index
            %swap3A_1116 = arith.index_cast %and3A_1070 : i32 to index
            %swap3A_1117 = arith.constant 16 : index
            %swap3A_1118 = tpu.vector_load %arg18[%swap3A_1115, %swap3A_1116, %swap3A_1117] {strides = array<i32>} : memref<2x128x128xf32, #tpu.memory_space<vmem>>, vector<16xf32>,
            tpu.vector_store %arg18[%swap3A_1115, %swap3A_1116, %swap3A_1117], %add3A_1114 {strides = array<i32>} : memref<2x128x128xf32, #tpu.memory_space<vmem>>, vector<16xf32>,
            %add3A_1119 = arith.constant 32 : i32
            %add3A_1120 = vector.broadcast %add3A_1119 : i32 to vector<16xi32>
            %add3A_1121 = arith.addi %iota3A, %add3A_1120 : vector<16xi32>
            %gather3A_1122 = arith.constant 2 : i32
            %gather3A_1123 = arith.constant 0 : i32
            %gather3A_1124 = arith.constant 0 : i32
            %gather3A_1125 = tpu.memref_slice %arg17[%gather3A_1122, %gather3A_1123, %gather3A_1124] : memref<4x64x256xf32, #tpu.memory_space<vmem>> -> memref<1x64x256xf32, #tpu.memory_space<vmem>>
            %gather3A_1126 = tpu.memref_squeeze %gather3A_1125 : memref<1x64x256xf32, #tpu.memory_space<vmem>> -> memref<64x256xf32, #tpu.memory_space<vmem>>
            %gather3A_1127 = tpu.vector_load_idx %gather3A_1126[%add3A_1121, %gather3A_1064] : memref<64x256xf32, #tpu.memory_space<vmem>>[vector<16xi32>, vector<16xi32>], vector<16xf32>,
            %add3A_1128 = arith.addf %gather3A_1127, %gather3A_62 : vector<16xf32>
            %swap3A_1129 = arith.index_cast %and3A_1068 : i32 to index
            %swap3A_1130 = arith.index_cast %and3A_1070 : i32 to index
            %swap3A_1131 = arith.constant 32 : index
            %swap3A_1132 = tpu.vector_load %arg18[%swap3A_1129, %swap3A_1130, %swap3A_1131] {strides = array<i32>} : memref<2x128x128xf32, #tpu.memory_space<vmem>>, vector<16xf32>,
            tpu.vector_store %arg18[%swap3A_1129, %swap3A_1130, %swap3A_1131], %add3A_1128 {strides = array<i32>} : memref<2x128x128xf32, #tpu.memory_space<vmem>>, vector<16xf32>,
            %add3A_1133 = arith.constant 48 : i32
            %add3A_1134 = vector.broadcast %add3A_1133 : i32 to vector<16xi32>
            %add3A_1135 = arith.addi %iota3A, %add3A_1134 : vector<16xi32>
            %gather3A_1136 = arith.constant 2 : i32
            %gather3A_1137 = arith.constant 0 : i32
            %gather3A_1138 = arith.constant 0 : i32
            %gather3A_1139 = tpu.memref_slice %arg17[%gather3A_1136, %gather3A_1137, %gather3A_1138] : memref<4x64x256xf32, #tpu.memory_space<vmem>> -> memref<1x64x256xf32, #tpu.memory_space<vmem>>
            %gather3A_1140 = tpu.memref_squeeze %gather3A_1139 : memref<1x64x256xf32, #tpu.memory_space<vmem>> -> memref<64x256xf32, #tpu.memory_space<vmem>>
            %gather3A_1141 = tpu.vector_load_idx %gather3A_1140[%add3A_1135, %gather3A_1064] : memref<64x256xf32, #tpu.memory_space<vmem>>[vector<16xi32>, vector<16xi32>], vector<16xf32>,
            %add3A_1142 = arith.addf %gather3A_1141, %gather3A_70 : vector<16xf32>
            %swap3A_1143 = arith.index_cast %and3A_1068 : i32 to index
            %swap3A_1144 = arith.index_cast %and3A_1070 : i32 to index
            %swap3A_1145 = arith.constant 48 : index
            %swap3A_1146 = tpu.vector_load %arg18[%swap3A_1143, %swap3A_1144, %swap3A_1145] {strides = array<i32>} : memref<2x128x128xf32, #tpu.memory_space<vmem>>, vector<16xf32>,
            tpu.vector_store %arg18[%swap3A_1143, %swap3A_1144, %swap3A_1145], %add3A_1142 {strides = array<i32>} : memref<2x128x128xf32, #tpu.memory_space<vmem>>, vector<16xf32>,
            %eq3A_1147 = arith.constant 127 : i32
            %eq3A_1148 = arith.cmpi eq, %and3A_1070, %eq3A_1147 : i32
            %eq3A_1149 = arith.constant 0 : i32
            %eq3A_1150 = arith.cmpi eq, %and3A_1068, %eq3A_1149 : i32
            %and3A_1151 = arith.andi %eq3A_1148, %eq3A_1150 : i1
            %convert_element_type3A_1152 = arith.extui %and3A_1151 : i1 to i32
            %cond3A_1153 = arith.constant 0 : i32
            %cond3A_1154 = arith.cmpi ne, %convert_element_type3A_1152, %cond3A_1153 : i32
            scf.if %cond3A_1154 {
              %dma_start3A = arith.constant 0 : i32
              %dma_start3A_1165 = arith.constant 0 : i32
              %dma_start3A_1166 = arith.constant 0 : i32
              %dma_start3A_1167 = tpu.memref_slice %arg18[%dma_start3A, %dma_start3A_1165, %dma_start3A_1166] : memref<2x128x128xf32, #tpu.memory_space<vmem>> -> memref<1x128x128xf32, #tpu.memory_space<vmem>>
              %dma_start3A_1168 = tpu.memref_squeeze %dma_start3A_1167 : memref<1x128x128xf32, #tpu.memory_space<vmem>> -> memref<128x128xf32, #tpu.memory_space<vmem>>
              %dma_start3A_1169 = arith.constant 0 : i32
              %dma_start3A_1170 = tpu.memref_slice %arg14[%shift_right_logical3A_1066, %dma_start3A_1169] : memref<32x128xi32, #tpu.memory_space<vmem>> -> memref<1x128xi32, #tpu.memory_space<vmem>>
              %dma_start3A_1171 = tpu.memref_squeeze %dma_start3A_1170 : memref<1x128xi32, #tpu.memory_space<vmem>> -> memref<128xi32, #tpu.memory_space<vmem>>
              %dma_start3A_1172 = arith.constant 0 : i32
              %dma_start3A_1173 = arith.constant 0 : i32
              %dma_start3A_1174 = tpu.memref_slice %arg7[%dma_start3A_1172, %dma_start3A_1173] : memref<106496x128xf32, #tpu.memory_space<hbm>> -> memref<106496x128xf32, #tpu.memory_space<hbm>>
              tpu.enqueue_indirect_dma source(%dma_start3A_1168 : memref<128x128xf32, #tpu.memory_space<vmem>>) target(%dma_start3A_1174 : memref<106496x128xf32, #tpu.memory_space<hbm>>) offsets(%dma_start3A_1171 : memref<128xi32, #tpu.memory_space<vmem>>) semaphore(%arg23 : memref<!tpu.dma_semaphore, #tpu.memory_space<semaphore_mem>>)
            } else {
            }
            %eq3A_1155 = arith.constant 127 : i32
            %eq3A_1156 = arith.cmpi eq, %and3A_1070, %eq3A_1155 : i32
            %eq3A_1157 = arith.constant 1 : i32
            %eq3A_1158 = arith.cmpi eq, %and3A_1068, %eq3A_1157 : i32
            %and3A_1159 = arith.andi %eq3A_1156, %eq3A_1158 : i1
            %convert_element_type3A_1160 = arith.extui %and3A_1159 : i1 to i32
            %cond3A_1161 = arith.constant 0 : i32
            %cond3A_1162 = arith.cmpi ne, %convert_element_type3A_1160, %cond3A_1161 : i32
            scf.if %cond3A_1162 {
              %dma_start3A = arith.constant 1 : i32
              %dma_start3A_1165 = arith.constant 0 : i32
              %dma_start3A_1166 = arith.constant 0 : i32
              %dma_start3A_1167 = tpu.memref_slice %arg18[%dma_start3A, %dma_start3A_1165, %dma_start3A_1166] : memref<2x128x128xf32, #tpu.memory_space<vmem>> -> memref<1x128x128xf32, #tpu.memory_space<vmem>>
              %dma_start3A_1168 = tpu.memref_squeeze %dma_start3A_1167 : memref<1x128x128xf32, #tpu.memory_space<vmem>> -> memref<128x128xf32, #tpu.memory_space<vmem>>
              %dma_start3A_1169 = arith.constant 0 : i32
              %dma_start3A_1170 = tpu.memref_slice %arg14[%shift_right_logical3A_1066, %dma_start3A_1169] : memref<32x128xi32, #tpu.memory_space<vmem>> -> memref<1x128xi32, #tpu.memory_space<vmem>>
              %dma_start3A_1171 = tpu.memref_squeeze %dma_start3A_1170 : memref<1x128xi32, #tpu.memory_space<vmem>> -> memref<128xi32, #tpu.memory_space<vmem>>
              %dma_start3A_1172 = arith.constant 0 : i32
              %dma_start3A_1173 = arith.constant 0 : i32
              %dma_start3A_1174 = tpu.memref_slice %arg7[%dma_start3A_1172, %dma_start3A_1173] : memref<106496x128xf32, #tpu.memory_space<hbm>> -> memref<106496x128xf32, #tpu.memory_space<hbm>>
              tpu.enqueue_indirect_dma source(%dma_start3A_1168 : memref<128x128xf32, #tpu.memory_space<vmem>>) target(%dma_start3A_1174 : memref<106496x128xf32, #tpu.memory_space<hbm>>) offsets(%dma_start3A_1171 : memref<128xi32, #tpu.memory_space<vmem>>) semaphore(%arg24 : memref<!tpu.dma_semaphore, #tpu.memory_space<semaphore_mem>>)
            } else {
            }
            %add3A_1163 = arith.constant 1 : i32
            %add3A_1164 = arith.addi %while3A_1057, %add3A_1163 : i32
            scf.yield %add3A_1164 : i32
          }
          %add3A_1051 = arith.constant 4 : i32
          %add3A_1052 = arith.addi %add3A_998, %add3A_1051 : i32
          %lt3A_1053 = arith.cmpi slt, %add3A_1052, %add3A_33 : i32
          %convert_element_type3A_1054 = arith.extui %lt3A_1053 : i1 to i32
          %cond3A_1055 = arith.constant 0 : i32
          %cond3A_1056 = arith.cmpi ne, %convert_element_type3A_1054, %cond3A_1055 : i32
          scf.if %cond3A_1056 {
            %sub3A_1057 = arith.constant 1 : i32
            %sub3A_1058 = arith.subi %add3A_33, %sub3A_1057 : i32
            %eq3A = arith.cmpi eq, %add3A_1052, %sub3A_1058 : i32
            %and3A_1059 = arith.andi %gt3A_38, %eq3A : i1
            %convert_element_type3A_1060 = arith.extui %and3A_1059 : i1 to i32
            %cond3A_1061 = arith.constant 0 : i32
            %cond3A_1062 = arith.cmpi ne, %convert_element_type3A_1060, %cond3A_1061 : i32
            scf.if %cond3A_1062 {
              %dma_start3A = arith.constant 2 : i32
              %dma_start3A_1067 = arith.constant 0 : i32
              %dma_start3A_1068 = arith.constant 0 : i32
              %dma_start3A_1069 = tpu.memref_slice %arg17[%dma_start3A, %dma_start3A_1067, %dma_start3A_1068] : memref<4x64x256xf32, #tpu.memory_space<vmem>> -> memref<1x64x256xf32, #tpu.memory_space<vmem>>
              %dma_start3A_1070 = tpu.memref_squeeze %dma_start3A_1069 : memref<1x64x256xf32, #tpu.memory_space<vmem>> -> memref<64x256xf32, #tpu.memory_space<vmem>>
              %dma_start3A_1071 = arith.constant 0 : i32
              %dma_start3A_1072 = arith.constant 0 : i32
              %dma_start3A_1073 = tpu.memref_slice %arg17[%dma_start3A, %dma_start3A_1071, %dma_start3A_1072] : memref<4x64x256xf32, #tpu.memory_space<vmem>> -> memref<1x64x256xf32, #tpu.memory_space<vmem>>
              %dma_start3A_1074 = tpu.memref_squeeze %dma_start3A_1073 : memref<1x64x256xf32, #tpu.memory_space<vmem>> -> memref<64x256xf32, #tpu.memory_space<vmem>>
              tpu.enqueue_dma source(%arg5 : memref<64x256xf32, #tpu.memory_space<hbm>>) target(%dma_start3A_1074 : memref<64x256xf32, #tpu.memory_space<vmem>>) target_semaphore(%arg21 : memref<!tpu.dma_semaphore, #tpu.memory_space<semaphore_mem>>)
            } else {
            }
            %not3A = arith.constant true
            %not3A_1063 = arith.xori %and3A_1059, %not3A : i1
            %convert_element_type3A_1064 = arith.extui %not3A_1063 : i1 to i32
            %cond3A_1065 = arith.constant 0 : i32
            %cond3A_1066 = arith.cmpi ne, %convert_element_type3A_1064, %cond3A_1065 : i32
            scf.if %cond3A_1066 {
              %add3A_1067 = arith.addi %shift_right_logical3A_27, %add3A_1052 : i32
              %mul3A_1068 = arith.constant 256 : i32
              %mul3A_1069 = arith.muli %add3A_1067, %mul3A_1068 : i32
              %multiple_of3A_1070 = tpu.assume_multiple %mul3A_1069, 128 : i32
              %dma_start3A = arith.constant 2 : i32
              %dma_start3A_1071 = arith.constant 0 : i32
              %dma_start3A_1072 = arith.constant 0 : i32
              %dma_start3A_1073 = tpu.memref_slice %arg17[%dma_start3A, %dma_start3A_1071, %dma_start3A_1072] : memref<4x64x256xf32, #tpu.memory_space<vmem>> -> memref<1x64x256xf32, #tpu.memory_space<vmem>>
              %dma_start3A_1074 = tpu.memref_squeeze %dma_start3A_1073 : memref<1x64x256xf32, #tpu.memory_space<vmem>> -> memref<64x256xf32, #tpu.memory_space<vmem>>
              %dma_start3A_1075 = arith.constant 0 : i32
              %dma_start3A_1076 = tpu.memref_slice %arg4[%dma_start3A_1075, %multiple_of3A_1070] : memref<64x2600000xf32, #tpu.memory_space<hbm>> -> memref<64x256xf32, #tpu.memory_space<hbm>>
              %dma_start3A_1077 = arith.constant 0 : i32
              %dma_start3A_1078 = arith.constant 0 : i32
              %dma_start3A_1079 = tpu.memref_slice %arg17[%dma_start3A, %dma_start3A_1077, %dma_start3A_1078] : memref<4x64x256xf32, #tpu.memory_space<vmem>> -> memref<1x64x256xf32, #tpu.memory_space<vmem>>
              %dma_start3A_1080 = tpu.memref_squeeze %dma_start3A_1079 : memref<1x64x256xf32, #tpu.memory_space<vmem>> -> memref<64x256xf32, #tpu.memory_space<vmem>>
              %dma_start3A_1081 = arith.constant 0 : i32
              %dma_start3A_1082 = tpu.memref_slice %arg4[%dma_start3A_1081, %multiple_of3A_1070] : memref<64x2600000xf32, #tpu.memory_space<hbm>> -> memref<64x256xf32, #tpu.memory_space<hbm>>
              tpu.enqueue_dma source(%dma_start3A_1082 : memref<64x256xf32, #tpu.memory_space<hbm>>) target(%dma_start3A_1080 : memref<64x256xf32, #tpu.memory_space<vmem>>) target_semaphore(%arg21 : memref<!tpu.dma_semaphore, #tpu.memory_space<semaphore_mem>>)
            } else {
            }
          } else {
          }
        } else {
        }
        %mul3A_1003 = arith.constant 4 : i32
        %mul3A_1004 = arith.muli %while3A_978, %mul3A_1003 : i32
        %add3A_1005 = arith.constant 3 : i32
        %add3A_1006 = arith.addi %mul3A_1004, %add3A_1005 : i32
        %lt3A_1007 = arith.cmpi slt, %add3A_1006, %add3A_33 : i32
        %convert_element_type3A_1008 = arith.extui %lt3A_1007 : i1 to i32
        %cond3A_1009 = arith.constant 0 : i32
        %cond3A_1010 = arith.cmpi ne, %convert_element_type3A_1008, %cond3A_1009 : i32
        scf.if %cond3A_1010 {
          %multiple_of3A = arith.constant 0 : i32
          %multiple_of3A_1011 = tpu.assume_multiple %multiple_of3A, 128 : i32
          %dma_wait3A_1012 = arith.constant 3 : i32
          %dma_wait3A_1013 = arith.constant 0 : i32
          %dma_wait3A_1014 = arith.constant 0 : i32
          %dma_wait3A_1015 = tpu.memref_slice %arg17[%dma_wait3A_1012, %dma_wait3A_1013, %dma_wait3A_1014] : memref<4x64x256xf32, #tpu.memory_space<vmem>> -> memref<1x64x256xf32, #tpu.memory_space<vmem>>
          %dma_wait3A_1016 = tpu.memref_squeeze %dma_wait3A_1015 : memref<1x64x256xf32, #tpu.memory_space<vmem>> -> memref<64x256xf32, #tpu.memory_space<vmem>>
          %dma_wait3A_1017 = arith.constant 0 : i32
          %dma_wait3A_1018 = tpu.memref_slice %arg4[%dma_wait3A_1017, %multiple_of3A_1011] : memref<64x2600000xf32, #tpu.memory_space<hbm>> -> memref<64x256xf32, #tpu.memory_space<hbm>>
          %dma_wait3A_1019 = arith.constant 0 : i32
          %dma_wait3A_1020 = arith.constant 0 : i32
          %dma_wait3A_1021 = tpu.memref_slice %arg17[%dma_wait3A_1012, %dma_wait3A_1019, %dma_wait3A_1020] : memref<4x64x256xf32, #tpu.memory_space<vmem>> -> memref<1x64x256xf32, #tpu.memory_space<vmem>>
          %dma_wait3A_1022 = tpu.memref_squeeze %dma_wait3A_1021 : memref<1x64x256xf32, #tpu.memory_space<vmem>> -> memref<64x256xf32, #tpu.memory_space<vmem>>
          %dma_wait3A_1023 = arith.constant 0 : i32
          %dma_wait3A_1024 = tpu.memref_slice %arg4[%dma_wait3A_1023, %multiple_of3A_1011] : memref<64x2600000xf32, #tpu.memory_space<hbm>> -> memref<64x256xf32, #tpu.memory_space<hbm>>
          tpu.wait_dma2 semaphore(%arg22 : memref<!tpu.dma_semaphore, #tpu.memory_space<semaphore_mem>>) src(%dma_wait3A_1024 : memref<64x256xf32, #tpu.memory_space<hbm>>) dst(%dma_wait3A_1022 : memref<64x256xf32, #tpu.memory_space<vmem>>)
          %add3A_1025 = arith.constant 1 : i32
          %add3A_1026 = arith.addi %add3A_1006, %add3A_1025 : i32
          %broadcast_in_dim3A_1027 = vector.broadcast %add3A_1026 : i32 to vector<16xi32>
          %gather3A_1028 = tpu.vector_load_idx %arg12[%broadcast_in_dim3A_1027] : memref<512xi32, #tpu.memory_space<vmem>>[vector<16xi32>], vector<16xi32>,
          %reduce_max3A_1029 = arith.constant true
          %reduce_max3A_1030 = vector.broadcast %reduce_max3A_1029 : i1 to vector<16xi1>
          %reduce_max3A_1031 = arith.constant -2147483648 : i32
          %reduce_max3A_1032 = vector.broadcast %reduce_max3A_1031 : i32 to vector<16xi32>
          %reduce_max3A_1033 = arith.xori %gather3A_1028, %reduce_max3A_1032 : vector<16xi32>
          %reduce_max3A_1034 = tpu.scan <max>, %reduce_max3A_1033 masked %reduce_max3A_1030 : vector<16xi32>, vector<16xi1> -> vector<16xi32>
          %reduce_max3A_1035 = arith.xori %reduce_max3A_1034, %reduce_max3A_1032 : vector<16xi32>
          %reduce_max3A_1036 = vector.extract %reduce_max3A_1035[15] : i32 from vector<16xi32>
          %min3A_1037 = arith.constant 4096 : i32
          %min3A_1038 = arith.minsi %reduce_max3A_1036, %min3A_1037 : i32
          %broadcast_in_dim3A_1039 = vector.broadcast %add3A_1006 : i32 to vector<16xi32>
          %gather3A_1040 = tpu.vector_load_idx %arg12[%broadcast_in_dim3A_1039] : memref<512xi32, #tpu.memory_space<vmem>>[vector<16xi32>], vector<16xi32>,
          %reduce_max3A_1041 = arith.constant true
          %reduce_max3A_1042 = vector.broadcast %reduce_max3A_1041 : i1 to vector<16xi1>
          %reduce_max3A_1043 = arith.constant -2147483648 : i32
          %reduce_max3A_1044 = vector.broadcast %reduce_max3A_1043 : i32 to vector<16xi32>
          %reduce_max3A_1045 = arith.xori %gather3A_1040, %reduce_max3A_1044 : vector<16xi32>
          %reduce_max3A_1046 = tpu.scan <max>, %reduce_max3A_1045 masked %reduce_max3A_1042 : vector<16xi32>, vector<16xi1> -> vector<16xi32>
          %reduce_max3A_1047 = arith.xori %reduce_max3A_1046, %reduce_max3A_1044 : vector<16xi32>
          %reduce_max3A_1048 = vector.extract %reduce_max3A_1047[15] : i32 from vector<16xi32>
          %min3A_1049 = arith.minsi %reduce_max3A_1048, %min3A_1038 : i32
          %while3A_1050 = scf.while (%while3A_1057 = %min3A_1049) : (i32) -> i32 {
            %lt3A_1058 = arith.cmpi slt, %while3A_1057, %min3A_1038 : i32
            scf.condition(%lt3A_1058) %while3A_1057 : i32
          } do {
          ^bb0(%while3A_1057: i32):
            %broadcast_in_dim3A_1058 = vector.broadcast %while3A_1057 : i32 to vector<16xi32>
            %jit3A_1059 = arith.constant 0 : i32
            %jit3A_1060 = arith.constant 4095 : i32
            %max3A = vector.broadcast %jit3A_1059 : i32 to vector<16xi32>
            %max3A_1061 = arith.maxsi %max3A, %broadcast_in_dim3A_1058 : vector<16xi32>
            %min3A_1062 = vector.broadcast %jit3A_1060 : i32 to vector<16xi32>
            %min3A_1063 = arith.minsi %min3A_1062, %max3A_1061 : vector<16xi32>
            %gather3A_1064 = tpu.vector_load_idx %arg9[%min3A_1063] : memref<4096xi32, #tpu.memory_space<vmem>>[vector<16xi32>], vector<16xi32>,
            %shift_right_logical3A_1065 = arith.constant 7 : i32
            %shift_right_logical3A_1066 = arith.shrui %while3A_1057, %shift_right_logical3A_1065 : i32
            %and3A_1067 = arith.constant 1 : i32
            %and3A_1068 = arith.andi %shift_right_logical3A_1066, %and3A_1067 : i32
            %and3A_1069 = arith.constant 127 : i32
            %and3A_1070 = arith.andi %while3A_1057, %and3A_1069 : i32
            %eq3A = arith.constant 0 : i32
            %eq3A_1071 = arith.cmpi eq, %and3A_1070, %eq3A : i32
            %ge3A = arith.constant 2 : i32
            %ge3A_1072 = arith.cmpi sge, %shift_right_logical3A_1066, %ge3A : i32
            %and3A_1073 = arith.andi %eq3A_1071, %ge3A_1072 : i1
            %eq3A_1074 = arith.constant 0 : i32
            %eq3A_1075 = arith.cmpi eq, %and3A_1068, %eq3A_1074 : i32
            %and3A_1076 = arith.andi %and3A_1073, %eq3A_1075 : i1
            %convert_element_type3A_1077 = arith.extui %and3A_1076 : i1 to i32
            %cond3A_1078 = arith.constant 0 : i32
            %cond3A_1079 = arith.cmpi ne, %convert_element_type3A_1077, %cond3A_1078 : i32
            scf.if %cond3A_1079 {
              %dma_wait3A_1165 = arith.constant 0 : i32
              %dma_wait3A_1166 = arith.constant 0 : i32
              %dma_wait3A_1167 = arith.constant 0 : i32
              %dma_wait3A_1168 = arith.constant 0 : i32
              %dma_wait3A_1169 = tpu.memref_slice %arg18[%dma_wait3A_1165, %dma_wait3A_1167, %dma_wait3A_1168] : memref<2x128x128xf32, #tpu.memory_space<vmem>> -> memref<1x128x128xf32, #tpu.memory_space<vmem>>
              %dma_wait3A_1170 = tpu.memref_squeeze %dma_wait3A_1169 : memref<1x128x128xf32, #tpu.memory_space<vmem>> -> memref<128x128xf32, #tpu.memory_space<vmem>>
              %dma_wait3A_1171 = arith.constant 0 : i32
              %dma_wait3A_1172 = tpu.memref_slice %arg14[%dma_wait3A_1166, %dma_wait3A_1171] : memref<32x128xi32, #tpu.memory_space<vmem>> -> memref<1x128xi32, #tpu.memory_space<vmem>>
              %dma_wait3A_1173 = tpu.memref_squeeze %dma_wait3A_1172 : memref<1x128xi32, #tpu.memory_space<vmem>> -> memref<128xi32, #tpu.memory_space<vmem>>
              %dma_wait3A_1174 = arith.constant 0 : i32
              %dma_wait3A_1175 = arith.constant 0 : i32
              %dma_wait3A_1176 = tpu.memref_slice %arg7[%dma_wait3A_1174, %dma_wait3A_1175] : memref<106496x128xf32, #tpu.memory_space<hbm>> -> memref<106496x128xf32, #tpu.memory_space<hbm>>
              tpu.wait_indirect_dma semaphore(%arg23 : memref<!tpu.dma_semaphore, #tpu.memory_space<semaphore_mem>>) src(%dma_wait3A_1170 : memref<128x128xf32, #tpu.memory_space<vmem>>) dst(%dma_wait3A_1176 : memref<106496x128xf32, #tpu.memory_space<hbm>>)
            } else {
            }
            %eq3A_1080 = arith.constant 0 : i32
            %eq3A_1081 = arith.cmpi eq, %and3A_1070, %eq3A_1080 : i32
            %ge3A_1082 = arith.constant 2 : i32
            %ge3A_1083 = arith.cmpi sge, %shift_right_logical3A_1066, %ge3A_1082 : i32
            %and3A_1084 = arith.andi %eq3A_1081, %ge3A_1083 : i1
            %eq3A_1085 = arith.constant 1 : i32
            %eq3A_1086 = arith.cmpi eq, %and3A_1068, %eq3A_1085 : i32
            %and3A_1087 = arith.andi %and3A_1084, %eq3A_1086 : i1
            %convert_element_type3A_1088 = arith.extui %and3A_1087 : i1 to i32
            %cond3A_1089 = arith.constant 0 : i32
            %cond3A_1090 = arith.cmpi ne, %convert_element_type3A_1088, %cond3A_1089 : i32
            scf.if %cond3A_1090 {
              %dma_wait3A_1165 = arith.constant 1 : i32
              %dma_wait3A_1166 = arith.constant 0 : i32
              %dma_wait3A_1167 = arith.constant 0 : i32
              %dma_wait3A_1168 = arith.constant 0 : i32
              %dma_wait3A_1169 = tpu.memref_slice %arg18[%dma_wait3A_1165, %dma_wait3A_1167, %dma_wait3A_1168] : memref<2x128x128xf32, #tpu.memory_space<vmem>> -> memref<1x128x128xf32, #tpu.memory_space<vmem>>
              %dma_wait3A_1170 = tpu.memref_squeeze %dma_wait3A_1169 : memref<1x128x128xf32, #tpu.memory_space<vmem>> -> memref<128x128xf32, #tpu.memory_space<vmem>>
              %dma_wait3A_1171 = arith.constant 0 : i32
              %dma_wait3A_1172 = tpu.memref_slice %arg14[%dma_wait3A_1166, %dma_wait3A_1171] : memref<32x128xi32, #tpu.memory_space<vmem>> -> memref<1x128xi32, #tpu.memory_space<vmem>>
              %dma_wait3A_1173 = tpu.memref_squeeze %dma_wait3A_1172 : memref<1x128xi32, #tpu.memory_space<vmem>> -> memref<128xi32, #tpu.memory_space<vmem>>
              %dma_wait3A_1174 = arith.constant 0 : i32
              %dma_wait3A_1175 = arith.constant 0 : i32
              %dma_wait3A_1176 = tpu.memref_slice %arg7[%dma_wait3A_1174, %dma_wait3A_1175] : memref<106496x128xf32, #tpu.memory_space<hbm>> -> memref<106496x128xf32, #tpu.memory_space<hbm>>
              tpu.wait_indirect_dma semaphore(%arg24 : memref<!tpu.dma_semaphore, #tpu.memory_space<semaphore_mem>>) src(%dma_wait3A_1170 : memref<128x128xf32, #tpu.memory_space<vmem>>) dst(%dma_wait3A_1176 : memref<106496x128xf32, #tpu.memory_space<hbm>>)
            } else {
            }
            %add3A_1091 = arith.constant 0 : i32
            %add3A_1092 = vector.broadcast %add3A_1091 : i32 to vector<16xi32>
            %add3A_1093 = arith.addi %iota3A, %add3A_1092 : vector<16xi32>
            %gather3A_1094 = arith.constant 3 : i32
            %gather3A_1095 = arith.constant 0 : i32
            %gather3A_1096 = arith.constant 0 : i32
            %gather3A_1097 = tpu.memref_slice %arg17[%gather3A_1094, %gather3A_1095, %gather3A_1096] : memref<4x64x256xf32, #tpu.memory_space<vmem>> -> memref<1x64x256xf32, #tpu.memory_space<vmem>>
            %gather3A_1098 = tpu.memref_squeeze %gather3A_1097 : memref<1x64x256xf32, #tpu.memory_space<vmem>> -> memref<64x256xf32, #tpu.memory_space<vmem>>
            %gather3A_1099 = tpu.vector_load_idx %gather3A_1098[%add3A_1093, %gather3A_1064] : memref<64x256xf32, #tpu.memory_space<vmem>>[vector<16xi32>, vector<16xi32>], vector<16xf32>,
            %add3A_1100 = arith.addf %gather3A_1099, %gather3A_46 : vector<16xf32>
            %swap3A_1101 = arith.index_cast %and3A_1068 : i32 to index
            %swap3A_1102 = arith.index_cast %and3A_1070 : i32 to index
            %swap3A_1103 = arith.constant 0 : index
            %swap3A_1104 = tpu.vector_load %arg18[%swap3A_1101, %swap3A_1102, %swap3A_1103] {strides = array<i32>} : memref<2x128x128xf32, #tpu.memory_space<vmem>>, vector<16xf32>,
            tpu.vector_store %arg18[%swap3A_1101, %swap3A_1102, %swap3A_1103], %add3A_1100 {strides = array<i32>} : memref<2x128x128xf32, #tpu.memory_space<vmem>>, vector<16xf32>,
            %add3A_1105 = arith.constant 16 : i32
            %add3A_1106 = vector.broadcast %add3A_1105 : i32 to vector<16xi32>
            %add3A_1107 = arith.addi %iota3A, %add3A_1106 : vector<16xi32>
            %gather3A_1108 = arith.constant 3 : i32
            %gather3A_1109 = arith.constant 0 : i32
            %gather3A_1110 = arith.constant 0 : i32
            %gather3A_1111 = tpu.memref_slice %arg17[%gather3A_1108, %gather3A_1109, %gather3A_1110] : memref<4x64x256xf32, #tpu.memory_space<vmem>> -> memref<1x64x256xf32, #tpu.memory_space<vmem>>
            %gather3A_1112 = tpu.memref_squeeze %gather3A_1111 : memref<1x64x256xf32, #tpu.memory_space<vmem>> -> memref<64x256xf32, #tpu.memory_space<vmem>>
            %gather3A_1113 = tpu.vector_load_idx %gather3A_1112[%add3A_1107, %gather3A_1064] : memref<64x256xf32, #tpu.memory_space<vmem>>[vector<16xi32>, vector<16xi32>], vector<16xf32>,
            %add3A_1114 = arith.addf %gather3A_1113, %gather3A_54 : vector<16xf32>
            %swap3A_1115 = arith.index_cast %and3A_1068 : i32 to index
            %swap3A_1116 = arith.index_cast %and3A_1070 : i32 to index
            %swap3A_1117 = arith.constant 16 : index
            %swap3A_1118 = tpu.vector_load %arg18[%swap3A_1115, %swap3A_1116, %swap3A_1117] {strides = array<i32>} : memref<2x128x128xf32, #tpu.memory_space<vmem>>, vector<16xf32>,
            tpu.vector_store %arg18[%swap3A_1115, %swap3A_1116, %swap3A_1117], %add3A_1114 {strides = array<i32>} : memref<2x128x128xf32, #tpu.memory_space<vmem>>, vector<16xf32>,
            %add3A_1119 = arith.constant 32 : i32
            %add3A_1120 = vector.broadcast %add3A_1119 : i32 to vector<16xi32>
            %add3A_1121 = arith.addi %iota3A, %add3A_1120 : vector<16xi32>
            %gather3A_1122 = arith.constant 3 : i32
            %gather3A_1123 = arith.constant 0 : i32
            %gather3A_1124 = arith.constant 0 : i32
            %gather3A_1125 = tpu.memref_slice %arg17[%gather3A_1122, %gather3A_1123, %gather3A_1124] : memref<4x64x256xf32, #tpu.memory_space<vmem>> -> memref<1x64x256xf32, #tpu.memory_space<vmem>>
            %gather3A_1126 = tpu.memref_squeeze %gather3A_1125 : memref<1x64x256xf32, #tpu.memory_space<vmem>> -> memref<64x256xf32, #tpu.memory_space<vmem>>
            %gather3A_1127 = tpu.vector_load_idx %gather3A_1126[%add3A_1121, %gather3A_1064] : memref<64x256xf32, #tpu.memory_space<vmem>>[vector<16xi32>, vector<16xi32>], vector<16xf32>,
            %add3A_1128 = arith.addf %gather3A_1127, %gather3A_62 : vector<16xf32>
            %swap3A_1129 = arith.index_cast %and3A_1068 : i32 to index
            %swap3A_1130 = arith.index_cast %and3A_1070 : i32 to index
            %swap3A_1131 = arith.constant 32 : index
            %swap3A_1132 = tpu.vector_load %arg18[%swap3A_1129, %swap3A_1130, %swap3A_1131] {strides = array<i32>} : memref<2x128x128xf32, #tpu.memory_space<vmem>>, vector<16xf32>,
            tpu.vector_store %arg18[%swap3A_1129, %swap3A_1130, %swap3A_1131], %add3A_1128 {strides = array<i32>} : memref<2x128x128xf32, #tpu.memory_space<vmem>>, vector<16xf32>,
            %add3A_1133 = arith.constant 48 : i32
            %add3A_1134 = vector.broadcast %add3A_1133 : i32 to vector<16xi32>
            %add3A_1135 = arith.addi %iota3A, %add3A_1134 : vector<16xi32>
            %gather3A_1136 = arith.constant 3 : i32
            %gather3A_1137 = arith.constant 0 : i32
            %gather3A_1138 = arith.constant 0 : i32
            %gather3A_1139 = tpu.memref_slice %arg17[%gather3A_1136, %gather3A_1137, %gather3A_1138] : memref<4x64x256xf32, #tpu.memory_space<vmem>> -> memref<1x64x256xf32, #tpu.memory_space<vmem>>
            %gather3A_1140 = tpu.memref_squeeze %gather3A_1139 : memref<1x64x256xf32, #tpu.memory_space<vmem>> -> memref<64x256xf32, #tpu.memory_space<vmem>>
            %gather3A_1141 = tpu.vector_load_idx %gather3A_1140[%add3A_1135, %gather3A_1064] : memref<64x256xf32, #tpu.memory_space<vmem>>[vector<16xi32>, vector<16xi32>], vector<16xf32>,
            %add3A_1142 = arith.addf %gather3A_1141, %gather3A_70 : vector<16xf32>
            %swap3A_1143 = arith.index_cast %and3A_1068 : i32 to index
            %swap3A_1144 = arith.index_cast %and3A_1070 : i32 to index
            %swap3A_1145 = arith.constant 48 : index
            %swap3A_1146 = tpu.vector_load %arg18[%swap3A_1143, %swap3A_1144, %swap3A_1145] {strides = array<i32>} : memref<2x128x128xf32, #tpu.memory_space<vmem>>, vector<16xf32>,
            tpu.vector_store %arg18[%swap3A_1143, %swap3A_1144, %swap3A_1145], %add3A_1142 {strides = array<i32>} : memref<2x128x128xf32, #tpu.memory_space<vmem>>, vector<16xf32>,
            %eq3A_1147 = arith.constant 127 : i32
            %eq3A_1148 = arith.cmpi eq, %and3A_1070, %eq3A_1147 : i32
            %eq3A_1149 = arith.constant 0 : i32
            %eq3A_1150 = arith.cmpi eq, %and3A_1068, %eq3A_1149 : i32
            %and3A_1151 = arith.andi %eq3A_1148, %eq3A_1150 : i1
            %convert_element_type3A_1152 = arith.extui %and3A_1151 : i1 to i32
            %cond3A_1153 = arith.constant 0 : i32
            %cond3A_1154 = arith.cmpi ne, %convert_element_type3A_1152, %cond3A_1153 : i32
            scf.if %cond3A_1154 {
              %dma_start3A = arith.constant 0 : i32
              %dma_start3A_1165 = arith.constant 0 : i32
              %dma_start3A_1166 = arith.constant 0 : i32
              %dma_start3A_1167 = tpu.memref_slice %arg18[%dma_start3A, %dma_start3A_1165, %dma_start3A_1166] : memref<2x128x128xf32, #tpu.memory_space<vmem>> -> memref<1x128x128xf32, #tpu.memory_space<vmem>>
              %dma_start3A_1168 = tpu.memref_squeeze %dma_start3A_1167 : memref<1x128x128xf32, #tpu.memory_space<vmem>> -> memref<128x128xf32, #tpu.memory_space<vmem>>
              %dma_start3A_1169 = arith.constant 0 : i32
              %dma_start3A_1170 = tpu.memref_slice %arg14[%shift_right_logical3A_1066, %dma_start3A_1169] : memref<32x128xi32, #tpu.memory_space<vmem>> -> memref<1x128xi32, #tpu.memory_space<vmem>>
              %dma_start3A_1171 = tpu.memref_squeeze %dma_start3A_1170 : memref<1x128xi32, #tpu.memory_space<vmem>> -> memref<128xi32, #tpu.memory_space<vmem>>
              %dma_start3A_1172 = arith.constant 0 : i32
              %dma_start3A_1173 = arith.constant 0 : i32
              %dma_start3A_1174 = tpu.memref_slice %arg7[%dma_start3A_1172, %dma_start3A_1173] : memref<106496x128xf32, #tpu.memory_space<hbm>> -> memref<106496x128xf32, #tpu.memory_space<hbm>>
              tpu.enqueue_indirect_dma source(%dma_start3A_1168 : memref<128x128xf32, #tpu.memory_space<vmem>>) target(%dma_start3A_1174 : memref<106496x128xf32, #tpu.memory_space<hbm>>) offsets(%dma_start3A_1171 : memref<128xi32, #tpu.memory_space<vmem>>) semaphore(%arg23 : memref<!tpu.dma_semaphore, #tpu.memory_space<semaphore_mem>>)
            } else {
            }
            %eq3A_1155 = arith.constant 127 : i32
            %eq3A_1156 = arith.cmpi eq, %and3A_1070, %eq3A_1155 : i32
            %eq3A_1157 = arith.constant 1 : i32
            %eq3A_1158 = arith.cmpi eq, %and3A_1068, %eq3A_1157 : i32
            %and3A_1159 = arith.andi %eq3A_1156, %eq3A_1158 : i1
            %convert_element_type3A_1160 = arith.extui %and3A_1159 : i1 to i32
            %cond3A_1161 = arith.constant 0 : i32
            %cond3A_1162 = arith.cmpi ne, %convert_element_type3A_1160, %cond3A_1161 : i32
            scf.if %cond3A_1162 {
              %dma_start3A = arith.constant 1 : i32
              %dma_start3A_1165 = arith.constant 0 : i32
              %dma_start3A_1166 = arith.constant 0 : i32
              %dma_start3A_1167 = tpu.memref_slice %arg18[%dma_start3A, %dma_start3A_1165, %dma_start3A_1166] : memref<2x128x128xf32, #tpu.memory_space<vmem>> -> memref<1x128x128xf32, #tpu.memory_space<vmem>>
              %dma_start3A_1168 = tpu.memref_squeeze %dma_start3A_1167 : memref<1x128x128xf32, #tpu.memory_space<vmem>> -> memref<128x128xf32, #tpu.memory_space<vmem>>
              %dma_start3A_1169 = arith.constant 0 : i32
              %dma_start3A_1170 = tpu.memref_slice %arg14[%shift_right_logical3A_1066, %dma_start3A_1169] : memref<32x128xi32, #tpu.memory_space<vmem>> -> memref<1x128xi32, #tpu.memory_space<vmem>>
              %dma_start3A_1171 = tpu.memref_squeeze %dma_start3A_1170 : memref<1x128xi32, #tpu.memory_space<vmem>> -> memref<128xi32, #tpu.memory_space<vmem>>
              %dma_start3A_1172 = arith.constant 0 : i32
              %dma_start3A_1173 = arith.constant 0 : i32
              %dma_start3A_1174 = tpu.memref_slice %arg7[%dma_start3A_1172, %dma_start3A_1173] : memref<106496x128xf32, #tpu.memory_space<hbm>> -> memref<106496x128xf32, #tpu.memory_space<hbm>>
              tpu.enqueue_indirect_dma source(%dma_start3A_1168 : memref<128x128xf32, #tpu.memory_space<vmem>>) target(%dma_start3A_1174 : memref<106496x128xf32, #tpu.memory_space<hbm>>) offsets(%dma_start3A_1171 : memref<128xi32, #tpu.memory_space<vmem>>) semaphore(%arg24 : memref<!tpu.dma_semaphore, #tpu.memory_space<semaphore_mem>>)
            } else {
            }
            %add3A_1163 = arith.constant 1 : i32
            %add3A_1164 = arith.addi %while3A_1057, %add3A_1163 : i32
            scf.yield %add3A_1164 : i32
          }
          %add3A_1051 = arith.constant 4 : i32
          %add3A_1052 = arith.addi %add3A_1006, %add3A_1051 : i32
          %lt3A_1053 = arith.cmpi slt, %add3A_1052, %add3A_33 : i32
          %convert_element_type3A_1054 = arith.extui %lt3A_1053 : i1 to i32
          %cond3A_1055 = arith.constant 0 : i32
          %cond3A_1056 = arith.cmpi ne, %convert_element_type3A_1054, %cond3A_1055 : i32
          scf.if %cond3A_1056 {
            %sub3A_1057 = arith.constant 1 : i32
            %sub3A_1058 = arith.subi %add3A_33, %sub3A_1057 : i32
            %eq3A = arith.cmpi eq, %add3A_1052, %sub3A_1058 : i32
            %and3A_1059 = arith.andi %gt3A_38, %eq3A : i1
            %convert_element_type3A_1060 = arith.extui %and3A_1059 : i1 to i32
            %cond3A_1061 = arith.constant 0 : i32
            %cond3A_1062 = arith.cmpi ne, %convert_element_type3A_1060, %cond3A_1061 : i32
            scf.if %cond3A_1062 {
              %dma_start3A = arith.constant 3 : i32
              %dma_start3A_1067 = arith.constant 0 : i32
              %dma_start3A_1068 = arith.constant 0 : i32
              %dma_start3A_1069 = tpu.memref_slice %arg17[%dma_start3A, %dma_start3A_1067, %dma_start3A_1068] : memref<4x64x256xf32, #tpu.memory_space<vmem>> -> memref<1x64x256xf32, #tpu.memory_space<vmem>>
              %dma_start3A_1070 = tpu.memref_squeeze %dma_start3A_1069 : memref<1x64x256xf32, #tpu.memory_space<vmem>> -> memref<64x256xf32, #tpu.memory_space<vmem>>
              %dma_start3A_1071 = arith.constant 0 : i32
              %dma_start3A_1072 = arith.constant 0 : i32
              %dma_start3A_1073 = tpu.memref_slice %arg17[%dma_start3A, %dma_start3A_1071, %dma_start3A_1072] : memref<4x64x256xf32, #tpu.memory_space<vmem>> -> memref<1x64x256xf32, #tpu.memory_space<vmem>>
              %dma_start3A_1074 = tpu.memref_squeeze %dma_start3A_1073 : memref<1x64x256xf32, #tpu.memory_space<vmem>> -> memref<64x256xf32, #tpu.memory_space<vmem>>
              tpu.enqueue_dma source(%arg5 : memref<64x256xf32, #tpu.memory_space<hbm>>) target(%dma_start3A_1074 : memref<64x256xf32, #tpu.memory_space<vmem>>) target_semaphore(%arg22 : memref<!tpu.dma_semaphore, #tpu.memory_space<semaphore_mem>>)
            } else {
            }
            %not3A = arith.constant true
            %not3A_1063 = arith.xori %and3A_1059, %not3A : i1
            %convert_element_type3A_1064 = arith.extui %not3A_1063 : i1 to i32
            %cond3A_1065 = arith.constant 0 : i32
            %cond3A_1066 = arith.cmpi ne, %convert_element_type3A_1064, %cond3A_1065 : i32
            scf.if %cond3A_1066 {
              %add3A_1067 = arith.addi %shift_right_logical3A_27, %add3A_1052 : i32
              %mul3A_1068 = arith.constant 256 : i32
              %mul3A_1069 = arith.muli %add3A_1067, %mul3A_1068 : i32
              %multiple_of3A_1070 = tpu.assume_multiple %mul3A_1069, 128 : i32
              %dma_start3A = arith.constant 3 : i32
              %dma_start3A_1071 = arith.constant 0 : i32
              %dma_start3A_1072 = arith.constant 0 : i32
              %dma_start3A_1073 = tpu.memref_slice %arg17[%dma_start3A, %dma_start3A_1071, %dma_start3A_1072] : memref<4x64x256xf32, #tpu.memory_space<vmem>> -> memref<1x64x256xf32, #tpu.memory_space<vmem>>
              %dma_start3A_1074 = tpu.memref_squeeze %dma_start3A_1073 : memref<1x64x256xf32, #tpu.memory_space<vmem>> -> memref<64x256xf32, #tpu.memory_space<vmem>>
              %dma_start3A_1075 = arith.constant 0 : i32
              %dma_start3A_1076 = tpu.memref_slice %arg4[%dma_start3A_1075, %multiple_of3A_1070] : memref<64x2600000xf32, #tpu.memory_space<hbm>> -> memref<64x256xf32, #tpu.memory_space<hbm>>
              %dma_start3A_1077 = arith.constant 0 : i32
              %dma_start3A_1078 = arith.constant 0 : i32
              %dma_start3A_1079 = tpu.memref_slice %arg17[%dma_start3A, %dma_start3A_1077, %dma_start3A_1078] : memref<4x64x256xf32, #tpu.memory_space<vmem>> -> memref<1x64x256xf32, #tpu.memory_space<vmem>>
              %dma_start3A_1080 = tpu.memref_squeeze %dma_start3A_1079 : memref<1x64x256xf32, #tpu.memory_space<vmem>> -> memref<64x256xf32, #tpu.memory_space<vmem>>
              %dma_start3A_1081 = arith.constant 0 : i32
              %dma_start3A_1082 = tpu.memref_slice %arg4[%dma_start3A_1081, %multiple_of3A_1070] : memref<64x2600000xf32, #tpu.memory_space<hbm>> -> memref<64x256xf32, #tpu.memory_space<hbm>>
              tpu.enqueue_dma source(%dma_start3A_1082 : memref<64x256xf32, #tpu.memory_space<hbm>>) target(%dma_start3A_1080 : memref<64x256xf32, #tpu.memory_space<vmem>>) target_semaphore(%arg22 : memref<!tpu.dma_semaphore, #tpu.memory_space<semaphore_mem>>)
            } else {
            }
          } else {
          }
        } else {
        }
      }
      %while3A_954 = arith.constant 1 : i32
      scf.for %while3A_978 = %while3A_952 to %while3A_948 step %while3A_954  : i32 {
        %mul3A_979 = arith.constant 4 : i32
        %mul3A_980 = arith.muli %while3A_978, %mul3A_979 : i32
        %add3A_981 = arith.constant 0 : i32
        %add3A_982 = arith.addi %mul3A_980, %add3A_981 : i32
        %lt3A_983 = arith.cmpi slt, %add3A_982, %add3A_33 : i32
        %convert_element_type3A_984 = arith.extui %lt3A_983 : i1 to i32
        %cond3A_985 = arith.constant 0 : i32
        %cond3A_986 = arith.cmpi ne, %convert_element_type3A_984, %cond3A_985 : i32
        scf.if %cond3A_986 {
          %multiple_of3A = arith.constant 0 : i32
          %multiple_of3A_1011 = tpu.assume_multiple %multiple_of3A, 128 : i32
          %dma_wait3A_1012 = arith.constant 0 : i32
          %dma_wait3A_1013 = arith.constant 0 : i32
          %dma_wait3A_1014 = arith.constant 0 : i32
          %dma_wait3A_1015 = tpu.memref_slice %arg17[%dma_wait3A_1012, %dma_wait3A_1013, %dma_wait3A_1014] : memref<4x64x256xf32, #tpu.memory_space<vmem>> -> memref<1x64x256xf32, #tpu.memory_space<vmem>>
          %dma_wait3A_1016 = tpu.memref_squeeze %dma_wait3A_1015 : memref<1x64x256xf32, #tpu.memory_space<vmem>> -> memref<64x256xf32, #tpu.memory_space<vmem>>
          %dma_wait3A_1017 = arith.constant 0 : i32
          %dma_wait3A_1018 = tpu.memref_slice %arg4[%dma_wait3A_1017, %multiple_of3A_1011] : memref<64x2600000xf32, #tpu.memory_space<hbm>> -> memref<64x256xf32, #tpu.memory_space<hbm>>
          %dma_wait3A_1019 = arith.constant 0 : i32
          %dma_wait3A_1020 = arith.constant 0 : i32
          %dma_wait3A_1021 = tpu.memref_slice %arg17[%dma_wait3A_1012, %dma_wait3A_1019, %dma_wait3A_1020] : memref<4x64x256xf32, #tpu.memory_space<vmem>> -> memref<1x64x256xf32, #tpu.memory_space<vmem>>
          %dma_wait3A_1022 = tpu.memref_squeeze %dma_wait3A_1021 : memref<1x64x256xf32, #tpu.memory_space<vmem>> -> memref<64x256xf32, #tpu.memory_space<vmem>>
          %dma_wait3A_1023 = arith.constant 0 : i32
          %dma_wait3A_1024 = tpu.memref_slice %arg4[%dma_wait3A_1023, %multiple_of3A_1011] : memref<64x2600000xf32, #tpu.memory_space<hbm>> -> memref<64x256xf32, #tpu.memory_space<hbm>>
          tpu.wait_dma2 semaphore(%arg19 : memref<!tpu.dma_semaphore, #tpu.memory_space<semaphore_mem>>) src(%dma_wait3A_1024 : memref<64x256xf32, #tpu.memory_space<hbm>>) dst(%dma_wait3A_1022 : memref<64x256xf32, #tpu.memory_space<vmem>>)
          %add3A_1025 = arith.constant 1 : i32
          %add3A_1026 = arith.addi %add3A_982, %add3A_1025 : i32
          %broadcast_in_dim3A_1027 = vector.broadcast %add3A_1026 : i32 to vector<16xi32>
          %gather3A_1028 = tpu.vector_load_idx %arg12[%broadcast_in_dim3A_1027] : memref<512xi32, #tpu.memory_space<vmem>>[vector<16xi32>], vector<16xi32>,
          %reduce_max3A_1029 = arith.constant true
          %reduce_max3A_1030 = vector.broadcast %reduce_max3A_1029 : i1 to vector<16xi1>
          %reduce_max3A_1031 = arith.constant -2147483648 : i32
          %reduce_max3A_1032 = vector.broadcast %reduce_max3A_1031 : i32 to vector<16xi32>
          %reduce_max3A_1033 = arith.xori %gather3A_1028, %reduce_max3A_1032 : vector<16xi32>
          %reduce_max3A_1034 = tpu.scan <max>, %reduce_max3A_1033 masked %reduce_max3A_1030 : vector<16xi32>, vector<16xi1> -> vector<16xi32>
          %reduce_max3A_1035 = arith.xori %reduce_max3A_1034, %reduce_max3A_1032 : vector<16xi32>
          %reduce_max3A_1036 = vector.extract %reduce_max3A_1035[15] : i32 from vector<16xi32>
          %min3A_1037 = arith.constant 4096 : i32
          %min3A_1038 = arith.minsi %reduce_max3A_1036, %min3A_1037 : i32
          %broadcast_in_dim3A_1039 = vector.broadcast %add3A_982 : i32 to vector<16xi32>
          %gather3A_1040 = tpu.vector_load_idx %arg12[%broadcast_in_dim3A_1039] : memref<512xi32, #tpu.memory_space<vmem>>[vector<16xi32>], vector<16xi32>,
          %reduce_max3A_1041 = arith.constant true
          %reduce_max3A_1042 = vector.broadcast %reduce_max3A_1041 : i1 to vector<16xi1>
          %reduce_max3A_1043 = arith.constant -2147483648 : i32
          %reduce_max3A_1044 = vector.broadcast %reduce_max3A_1043 : i32 to vector<16xi32>
          %reduce_max3A_1045 = arith.xori %gather3A_1040, %reduce_max3A_1044 : vector<16xi32>
          %reduce_max3A_1046 = tpu.scan <max>, %reduce_max3A_1045 masked %reduce_max3A_1042 : vector<16xi32>, vector<16xi1> -> vector<16xi32>
          %reduce_max3A_1047 = arith.xori %reduce_max3A_1046, %reduce_max3A_1044 : vector<16xi32>
          %reduce_max3A_1048 = vector.extract %reduce_max3A_1047[15] : i32 from vector<16xi32>
          %min3A_1049 = arith.minsi %reduce_max3A_1048, %min3A_1038 : i32
          %while3A_1050 = scf.while (%while3A_1057 = %min3A_1049) : (i32) -> i32 {
            %lt3A_1058 = arith.cmpi slt, %while3A_1057, %min3A_1038 : i32
            scf.condition(%lt3A_1058) %while3A_1057 : i32
          } do {
          ^bb0(%while3A_1057: i32):
            %broadcast_in_dim3A_1058 = vector.broadcast %while3A_1057 : i32 to vector<16xi32>
            %jit3A_1059 = arith.constant 0 : i32
            %jit3A_1060 = arith.constant 4095 : i32
            %max3A = vector.broadcast %jit3A_1059 : i32 to vector<16xi32>
            %max3A_1061 = arith.maxsi %max3A, %broadcast_in_dim3A_1058 : vector<16xi32>
            %min3A_1062 = vector.broadcast %jit3A_1060 : i32 to vector<16xi32>
            %min3A_1063 = arith.minsi %min3A_1062, %max3A_1061 : vector<16xi32>
            %gather3A_1064 = tpu.vector_load_idx %arg9[%min3A_1063] : memref<4096xi32, #tpu.memory_space<vmem>>[vector<16xi32>], vector<16xi32>,
            %shift_right_logical3A_1065 = arith.constant 7 : i32
            %shift_right_logical3A_1066 = arith.shrui %while3A_1057, %shift_right_logical3A_1065 : i32
            %and3A_1067 = arith.constant 1 : i32
            %and3A_1068 = arith.andi %shift_right_logical3A_1066, %and3A_1067 : i32
            %and3A_1069 = arith.constant 127 : i32
            %and3A_1070 = arith.andi %while3A_1057, %and3A_1069 : i32
            %eq3A = arith.constant 0 : i32
            %eq3A_1071 = arith.cmpi eq, %and3A_1070, %eq3A : i32
            %ge3A = arith.constant 2 : i32
            %ge3A_1072 = arith.cmpi sge, %shift_right_logical3A_1066, %ge3A : i32
            %and3A_1073 = arith.andi %eq3A_1071, %ge3A_1072 : i1
            %eq3A_1074 = arith.constant 0 : i32
            %eq3A_1075 = arith.cmpi eq, %and3A_1068, %eq3A_1074 : i32
            %and3A_1076 = arith.andi %and3A_1073, %eq3A_1075 : i1
            %convert_element_type3A_1077 = arith.extui %and3A_1076 : i1 to i32
            %cond3A_1078 = arith.constant 0 : i32
            %cond3A_1079 = arith.cmpi ne, %convert_element_type3A_1077, %cond3A_1078 : i32
            scf.if %cond3A_1079 {
              %dma_wait3A_1165 = arith.constant 0 : i32
              %dma_wait3A_1166 = arith.constant 0 : i32
              %dma_wait3A_1167 = arith.constant 0 : i32
              %dma_wait3A_1168 = arith.constant 0 : i32
              %dma_wait3A_1169 = tpu.memref_slice %arg18[%dma_wait3A_1165, %dma_wait3A_1167, %dma_wait3A_1168] : memref<2x128x128xf32, #tpu.memory_space<vmem>> -> memref<1x128x128xf32, #tpu.memory_space<vmem>>
              %dma_wait3A_1170 = tpu.memref_squeeze %dma_wait3A_1169 : memref<1x128x128xf32, #tpu.memory_space<vmem>> -> memref<128x128xf32, #tpu.memory_space<vmem>>
              %dma_wait3A_1171 = arith.constant 0 : i32
              %dma_wait3A_1172 = tpu.memref_slice %arg14[%dma_wait3A_1166, %dma_wait3A_1171] : memref<32x128xi32, #tpu.memory_space<vmem>> -> memref<1x128xi32, #tpu.memory_space<vmem>>
              %dma_wait3A_1173 = tpu.memref_squeeze %dma_wait3A_1172 : memref<1x128xi32, #tpu.memory_space<vmem>> -> memref<128xi32, #tpu.memory_space<vmem>>
              %dma_wait3A_1174 = arith.constant 0 : i32
              %dma_wait3A_1175 = arith.constant 0 : i32
              %dma_wait3A_1176 = tpu.memref_slice %arg7[%dma_wait3A_1174, %dma_wait3A_1175] : memref<106496x128xf32, #tpu.memory_space<hbm>> -> memref<106496x128xf32, #tpu.memory_space<hbm>>
              tpu.wait_indirect_dma semaphore(%arg23 : memref<!tpu.dma_semaphore, #tpu.memory_space<semaphore_mem>>) src(%dma_wait3A_1170 : memref<128x128xf32, #tpu.memory_space<vmem>>) dst(%dma_wait3A_1176 : memref<106496x128xf32, #tpu.memory_space<hbm>>)
            } else {
            }
            %eq3A_1080 = arith.constant 0 : i32
            %eq3A_1081 = arith.cmpi eq, %and3A_1070, %eq3A_1080 : i32
            %ge3A_1082 = arith.constant 2 : i32
            %ge3A_1083 = arith.cmpi sge, %shift_right_logical3A_1066, %ge3A_1082 : i32
            %and3A_1084 = arith.andi %eq3A_1081, %ge3A_1083 : i1
            %eq3A_1085 = arith.constant 1 : i32
            %eq3A_1086 = arith.cmpi eq, %and3A_1068, %eq3A_1085 : i32
            %and3A_1087 = arith.andi %and3A_1084, %eq3A_1086 : i1
            %convert_element_type3A_1088 = arith.extui %and3A_1087 : i1 to i32
            %cond3A_1089 = arith.constant 0 : i32
            %cond3A_1090 = arith.cmpi ne, %convert_element_type3A_1088, %cond3A_1089 : i32
            scf.if %cond3A_1090 {
              %dma_wait3A_1165 = arith.constant 1 : i32
              %dma_wait3A_1166 = arith.constant 0 : i32
              %dma_wait3A_1167 = arith.constant 0 : i32
              %dma_wait3A_1168 = arith.constant 0 : i32
              %dma_wait3A_1169 = tpu.memref_slice %arg18[%dma_wait3A_1165, %dma_wait3A_1167, %dma_wait3A_1168] : memref<2x128x128xf32, #tpu.memory_space<vmem>> -> memref<1x128x128xf32, #tpu.memory_space<vmem>>
              %dma_wait3A_1170 = tpu.memref_squeeze %dma_wait3A_1169 : memref<1x128x128xf32, #tpu.memory_space<vmem>> -> memref<128x128xf32, #tpu.memory_space<vmem>>
              %dma_wait3A_1171 = arith.constant 0 : i32
              %dma_wait3A_1172 = tpu.memref_slice %arg14[%dma_wait3A_1166, %dma_wait3A_1171] : memref<32x128xi32, #tpu.memory_space<vmem>> -> memref<1x128xi32, #tpu.memory_space<vmem>>
              %dma_wait3A_1173 = tpu.memref_squeeze %dma_wait3A_1172 : memref<1x128xi32, #tpu.memory_space<vmem>> -> memref<128xi32, #tpu.memory_space<vmem>>
              %dma_wait3A_1174 = arith.constant 0 : i32
              %dma_wait3A_1175 = arith.constant 0 : i32
              %dma_wait3A_1176 = tpu.memref_slice %arg7[%dma_wait3A_1174, %dma_wait3A_1175] : memref<106496x128xf32, #tpu.memory_space<hbm>> -> memref<106496x128xf32, #tpu.memory_space<hbm>>
              tpu.wait_indirect_dma semaphore(%arg24 : memref<!tpu.dma_semaphore, #tpu.memory_space<semaphore_mem>>) src(%dma_wait3A_1170 : memref<128x128xf32, #tpu.memory_space<vmem>>) dst(%dma_wait3A_1176 : memref<106496x128xf32, #tpu.memory_space<hbm>>)
            } else {
            }
            %add3A_1091 = arith.constant 0 : i32
            %add3A_1092 = vector.broadcast %add3A_1091 : i32 to vector<16xi32>
            %add3A_1093 = arith.addi %iota3A, %add3A_1092 : vector<16xi32>
            %gather3A_1094 = arith.constant 0 : i32
            %gather3A_1095 = arith.constant 0 : i32
            %gather3A_1096 = arith.constant 0 : i32
            %gather3A_1097 = tpu.memref_slice %arg17[%gather3A_1094, %gather3A_1095, %gather3A_1096] : memref<4x64x256xf32, #tpu.memory_space<vmem>> -> memref<1x64x256xf32, #tpu.memory_space<vmem>>
            %gather3A_1098 = tpu.memref_squeeze %gather3A_1097 : memref<1x64x256xf32, #tpu.memory_space<vmem>> -> memref<64x256xf32, #tpu.memory_space<vmem>>
            %gather3A_1099 = tpu.vector_load_idx %gather3A_1098[%add3A_1093, %gather3A_1064] : memref<64x256xf32, #tpu.memory_space<vmem>>[vector<16xi32>, vector<16xi32>], vector<16xf32>,
            %add3A_1100 = arith.addf %gather3A_1099, %gather3A_46 : vector<16xf32>
            %swap3A_1101 = arith.index_cast %and3A_1068 : i32 to index
            %swap3A_1102 = arith.index_cast %and3A_1070 : i32 to index
            %swap3A_1103 = arith.constant 0 : index
            %swap3A_1104 = tpu.vector_load %arg18[%swap3A_1101, %swap3A_1102, %swap3A_1103] {strides = array<i32>} : memref<2x128x128xf32, #tpu.memory_space<vmem>>, vector<16xf32>,
            tpu.vector_store %arg18[%swap3A_1101, %swap3A_1102, %swap3A_1103], %add3A_1100 {strides = array<i32>} : memref<2x128x128xf32, #tpu.memory_space<vmem>>, vector<16xf32>,
            %add3A_1105 = arith.constant 16 : i32
            %add3A_1106 = vector.broadcast %add3A_1105 : i32 to vector<16xi32>
            %add3A_1107 = arith.addi %iota3A, %add3A_1106 : vector<16xi32>
            %gather3A_1108 = arith.constant 0 : i32
            %gather3A_1109 = arith.constant 0 : i32
            %gather3A_1110 = arith.constant 0 : i32
            %gather3A_1111 = tpu.memref_slice %arg17[%gather3A_1108, %gather3A_1109, %gather3A_1110] : memref<4x64x256xf32, #tpu.memory_space<vmem>> -> memref<1x64x256xf32, #tpu.memory_space<vmem>>
            %gather3A_1112 = tpu.memref_squeeze %gather3A_1111 : memref<1x64x256xf32, #tpu.memory_space<vmem>> -> memref<64x256xf32, #tpu.memory_space<vmem>>
            %gather3A_1113 = tpu.vector_load_idx %gather3A_1112[%add3A_1107, %gather3A_1064] : memref<64x256xf32, #tpu.memory_space<vmem>>[vector<16xi32>, vector<16xi32>], vector<16xf32>,
            %add3A_1114 = arith.addf %gather3A_1113, %gather3A_54 : vector<16xf32>
            %swap3A_1115 = arith.index_cast %and3A_1068 : i32 to index
            %swap3A_1116 = arith.index_cast %and3A_1070 : i32 to index
            %swap3A_1117 = arith.constant 16 : index
            %swap3A_1118 = tpu.vector_load %arg18[%swap3A_1115, %swap3A_1116, %swap3A_1117] {strides = array<i32>} : memref<2x128x128xf32, #tpu.memory_space<vmem>>, vector<16xf32>,
            tpu.vector_store %arg18[%swap3A_1115, %swap3A_1116, %swap3A_1117], %add3A_1114 {strides = array<i32>} : memref<2x128x128xf32, #tpu.memory_space<vmem>>, vector<16xf32>,
            %add3A_1119 = arith.constant 32 : i32
            %add3A_1120 = vector.broadcast %add3A_1119 : i32 to vector<16xi32>
            %add3A_1121 = arith.addi %iota3A, %add3A_1120 : vector<16xi32>
            %gather3A_1122 = arith.constant 0 : i32
            %gather3A_1123 = arith.constant 0 : i32
            %gather3A_1124 = arith.constant 0 : i32
            %gather3A_1125 = tpu.memref_slice %arg17[%gather3A_1122, %gather3A_1123, %gather3A_1124] : memref<4x64x256xf32, #tpu.memory_space<vmem>> -> memref<1x64x256xf32, #tpu.memory_space<vmem>>
            %gather3A_1126 = tpu.memref_squeeze %gather3A_1125 : memref<1x64x256xf32, #tpu.memory_space<vmem>> -> memref<64x256xf32, #tpu.memory_space<vmem>>
            %gather3A_1127 = tpu.vector_load_idx %gather3A_1126[%add3A_1121, %gather3A_1064] : memref<64x256xf32, #tpu.memory_space<vmem>>[vector<16xi32>, vector<16xi32>], vector<16xf32>,
            %add3A_1128 = arith.addf %gather3A_1127, %gather3A_62 : vector<16xf32>
            %swap3A_1129 = arith.index_cast %and3A_1068 : i32 to index
            %swap3A_1130 = arith.index_cast %and3A_1070 : i32 to index
            %swap3A_1131 = arith.constant 32 : index
            %swap3A_1132 = tpu.vector_load %arg18[%swap3A_1129, %swap3A_1130, %swap3A_1131] {strides = array<i32>} : memref<2x128x128xf32, #tpu.memory_space<vmem>>, vector<16xf32>,
            tpu.vector_store %arg18[%swap3A_1129, %swap3A_1130, %swap3A_1131], %add3A_1128 {strides = array<i32>} : memref<2x128x128xf32, #tpu.memory_space<vmem>>, vector<16xf32>,
            %add3A_1133 = arith.constant 48 : i32
            %add3A_1134 = vector.broadcast %add3A_1133 : i32 to vector<16xi32>
            %add3A_1135 = arith.addi %iota3A, %add3A_1134 : vector<16xi32>
            %gather3A_1136 = arith.constant 0 : i32
            %gather3A_1137 = arith.constant 0 : i32
            %gather3A_1138 = arith.constant 0 : i32
            %gather3A_1139 = tpu.memref_slice %arg17[%gather3A_1136, %gather3A_1137, %gather3A_1138] : memref<4x64x256xf32, #tpu.memory_space<vmem>> -> memref<1x64x256xf32, #tpu.memory_space<vmem>>
            %gather3A_1140 = tpu.memref_squeeze %gather3A_1139 : memref<1x64x256xf32, #tpu.memory_space<vmem>> -> memref<64x256xf32, #tpu.memory_space<vmem>>
            %gather3A_1141 = tpu.vector_load_idx %gather3A_1140[%add3A_1135, %gather3A_1064] : memref<64x256xf32, #tpu.memory_space<vmem>>[vector<16xi32>, vector<16xi32>], vector<16xf32>,
            %add3A_1142 = arith.addf %gather3A_1141, %gather3A_70 : vector<16xf32>
            %swap3A_1143 = arith.index_cast %and3A_1068 : i32 to index
            %swap3A_1144 = arith.index_cast %and3A_1070 : i32 to index
            %swap3A_1145 = arith.constant 48 : index
            %swap3A_1146 = tpu.vector_load %arg18[%swap3A_1143, %swap3A_1144, %swap3A_1145] {strides = array<i32>} : memref<2x128x128xf32, #tpu.memory_space<vmem>>, vector<16xf32>,
            tpu.vector_store %arg18[%swap3A_1143, %swap3A_1144, %swap3A_1145], %add3A_1142 {strides = array<i32>} : memref<2x128x128xf32, #tpu.memory_space<vmem>>, vector<16xf32>,
            %eq3A_1147 = arith.constant 127 : i32
            %eq3A_1148 = arith.cmpi eq, %and3A_1070, %eq3A_1147 : i32
            %eq3A_1149 = arith.constant 0 : i32
            %eq3A_1150 = arith.cmpi eq, %and3A_1068, %eq3A_1149 : i32
            %and3A_1151 = arith.andi %eq3A_1148, %eq3A_1150 : i1
            %convert_element_type3A_1152 = arith.extui %and3A_1151 : i1 to i32
            %cond3A_1153 = arith.constant 0 : i32
            %cond3A_1154 = arith.cmpi ne, %convert_element_type3A_1152, %cond3A_1153 : i32
            scf.if %cond3A_1154 {
              %dma_start3A = arith.constant 0 : i32
              %dma_start3A_1165 = arith.constant 0 : i32
              %dma_start3A_1166 = arith.constant 0 : i32
              %dma_start3A_1167 = tpu.memref_slice %arg18[%dma_start3A, %dma_start3A_1165, %dma_start3A_1166] : memref<2x128x128xf32, #tpu.memory_space<vmem>> -> memref<1x128x128xf32, #tpu.memory_space<vmem>>
              %dma_start3A_1168 = tpu.memref_squeeze %dma_start3A_1167 : memref<1x128x128xf32, #tpu.memory_space<vmem>> -> memref<128x128xf32, #tpu.memory_space<vmem>>
              %dma_start3A_1169 = arith.constant 0 : i32
              %dma_start3A_1170 = tpu.memref_slice %arg14[%shift_right_logical3A_1066, %dma_start3A_1169] : memref<32x128xi32, #tpu.memory_space<vmem>> -> memref<1x128xi32, #tpu.memory_space<vmem>>
              %dma_start3A_1171 = tpu.memref_squeeze %dma_start3A_1170 : memref<1x128xi32, #tpu.memory_space<vmem>> -> memref<128xi32, #tpu.memory_space<vmem>>
              %dma_start3A_1172 = arith.constant 0 : i32
              %dma_start3A_1173 = arith.constant 0 : i32
              %dma_start3A_1174 = tpu.memref_slice %arg7[%dma_start3A_1172, %dma_start3A_1173] : memref<106496x128xf32, #tpu.memory_space<hbm>> -> memref<106496x128xf32, #tpu.memory_space<hbm>>
              tpu.enqueue_indirect_dma source(%dma_start3A_1168 : memref<128x128xf32, #tpu.memory_space<vmem>>) target(%dma_start3A_1174 : memref<106496x128xf32, #tpu.memory_space<hbm>>) offsets(%dma_start3A_1171 : memref<128xi32, #tpu.memory_space<vmem>>) semaphore(%arg23 : memref<!tpu.dma_semaphore, #tpu.memory_space<semaphore_mem>>)
            } else {
            }
            %eq3A_1155 = arith.constant 127 : i32
            %eq3A_1156 = arith.cmpi eq, %and3A_1070, %eq3A_1155 : i32
            %eq3A_1157 = arith.constant 1 : i32
            %eq3A_1158 = arith.cmpi eq, %and3A_1068, %eq3A_1157 : i32
            %and3A_1159 = arith.andi %eq3A_1156, %eq3A_1158 : i1
            %convert_element_type3A_1160 = arith.extui %and3A_1159 : i1 to i32
            %cond3A_1161 = arith.constant 0 : i32
            %cond3A_1162 = arith.cmpi ne, %convert_element_type3A_1160, %cond3A_1161 : i32
            scf.if %cond3A_1162 {
              %dma_start3A = arith.constant 1 : i32
              %dma_start3A_1165 = arith.constant 0 : i32
              %dma_start3A_1166 = arith.constant 0 : i32
              %dma_start3A_1167 = tpu.memref_slice %arg18[%dma_start3A, %dma_start3A_1165, %dma_start3A_1166] : memref<2x128x128xf32, #tpu.memory_space<vmem>> -> memref<1x128x128xf32, #tpu.memory_space<vmem>>
              %dma_start3A_1168 = tpu.memref_squeeze %dma_start3A_1167 : memref<1x128x128xf32, #tpu.memory_space<vmem>> -> memref<128x128xf32, #tpu.memory_space<vmem>>
              %dma_start3A_1169 = arith.constant 0 : i32
              %dma_start3A_1170 = tpu.memref_slice %arg14[%shift_right_logical3A_1066, %dma_start3A_1169] : memref<32x128xi32, #tpu.memory_space<vmem>> -> memref<1x128xi32, #tpu.memory_space<vmem>>
              %dma_start3A_1171 = tpu.memref_squeeze %dma_start3A_1170 : memref<1x128xi32, #tpu.memory_space<vmem>> -> memref<128xi32, #tpu.memory_space<vmem>>
              %dma_start3A_1172 = arith.constant 0 : i32
              %dma_start3A_1173 = arith.constant 0 : i32
              %dma_start3A_1174 = tpu.memref_slice %arg7[%dma_start3A_1172, %dma_start3A_1173] : memref<106496x128xf32, #tpu.memory_space<hbm>> -> memref<106496x128xf32, #tpu.memory_space<hbm>>
              tpu.enqueue_indirect_dma source(%dma_start3A_1168 : memref<128x128xf32, #tpu.memory_space<vmem>>) target(%dma_start3A_1174 : memref<106496x128xf32, #tpu.memory_space<hbm>>) offsets(%dma_start3A_1171 : memref<128xi32, #tpu.memory_space<vmem>>) semaphore(%arg24 : memref<!tpu.dma_semaphore, #tpu.memory_space<semaphore_mem>>)
            } else {
            }
            %add3A_1163 = arith.constant 1 : i32
            %add3A_1164 = arith.addi %while3A_1057, %add3A_1163 : i32
            scf.yield %add3A_1164 : i32
          }
          %add3A_1051 = arith.constant 4 : i32
          %add3A_1052 = arith.addi %add3A_982, %add3A_1051 : i32
          %lt3A_1053 = arith.cmpi slt, %add3A_1052, %add3A_33 : i32
          %convert_element_type3A_1054 = arith.extui %lt3A_1053 : i1 to i32
          %cond3A_1055 = arith.constant 0 : i32
          %cond3A_1056 = arith.cmpi ne, %convert_element_type3A_1054, %cond3A_1055 : i32
          scf.if %cond3A_1056 {
            %sub3A_1057 = arith.constant 1 : i32
            %sub3A_1058 = arith.subi %add3A_33, %sub3A_1057 : i32
            %eq3A = arith.cmpi eq, %add3A_1052, %sub3A_1058 : i32
            %and3A_1059 = arith.andi %gt3A_38, %eq3A : i1
            %convert_element_type3A_1060 = arith.extui %and3A_1059 : i1 to i32
            %cond3A_1061 = arith.constant 0 : i32
            %cond3A_1062 = arith.cmpi ne, %convert_element_type3A_1060, %cond3A_1061 : i32
            scf.if %cond3A_1062 {
              %dma_start3A = arith.constant 0 : i32
              %dma_start3A_1067 = arith.constant 0 : i32
              %dma_start3A_1068 = arith.constant 0 : i32
              %dma_start3A_1069 = tpu.memref_slice %arg17[%dma_start3A, %dma_start3A_1067, %dma_start3A_1068] : memref<4x64x256xf32, #tpu.memory_space<vmem>> -> memref<1x64x256xf32, #tpu.memory_space<vmem>>
              %dma_start3A_1070 = tpu.memref_squeeze %dma_start3A_1069 : memref<1x64x256xf32, #tpu.memory_space<vmem>> -> memref<64x256xf32, #tpu.memory_space<vmem>>
              %dma_start3A_1071 = arith.constant 0 : i32
              %dma_start3A_1072 = arith.constant 0 : i32
              %dma_start3A_1073 = tpu.memref_slice %arg17[%dma_start3A, %dma_start3A_1071, %dma_start3A_1072] : memref<4x64x256xf32, #tpu.memory_space<vmem>> -> memref<1x64x256xf32, #tpu.memory_space<vmem>>
              %dma_start3A_1074 = tpu.memref_squeeze %dma_start3A_1073 : memref<1x64x256xf32, #tpu.memory_space<vmem>> -> memref<64x256xf32, #tpu.memory_space<vmem>>
              tpu.enqueue_dma source(%arg5 : memref<64x256xf32, #tpu.memory_space<hbm>>) target(%dma_start3A_1074 : memref<64x256xf32, #tpu.memory_space<vmem>>) target_semaphore(%arg19 : memref<!tpu.dma_semaphore, #tpu.memory_space<semaphore_mem>>)
            } else {
            }
            %not3A = arith.constant true
            %not3A_1063 = arith.xori %and3A_1059, %not3A : i1
            %convert_element_type3A_1064 = arith.extui %not3A_1063 : i1 to i32
            %cond3A_1065 = arith.constant 0 : i32
            %cond3A_1066 = arith.cmpi ne, %convert_element_type3A_1064, %cond3A_1065 : i32
            scf.if %cond3A_1066 {
              %add3A_1067 = arith.addi %shift_right_logical3A_27, %add3A_1052 : i32
              %mul3A_1068 = arith.constant 256 : i32
              %mul3A_1069 = arith.muli %add3A_1067, %mul3A_1068 : i32
              %multiple_of3A_1070 = tpu.assume_multiple %mul3A_1069, 128 : i32
              %dma_start3A = arith.constant 0 : i32
              %dma_start3A_1071 = arith.constant 0 : i32
              %dma_start3A_1072 = arith.constant 0 : i32
              %dma_start3A_1073 = tpu.memref_slice %arg17[%dma_start3A, %dma_start3A_1071, %dma_start3A_1072] : memref<4x64x256xf32, #tpu.memory_space<vmem>> -> memref<1x64x256xf32, #tpu.memory_space<vmem>>
              %dma_start3A_1074 = tpu.memref_squeeze %dma_start3A_1073 : memref<1x64x256xf32, #tpu.memory_space<vmem>> -> memref<64x256xf32, #tpu.memory_space<vmem>>
              %dma_start3A_1075 = arith.constant 0 : i32
              %dma_start3A_1076 = tpu.memref_slice %arg4[%dma_start3A_1075, %multiple_of3A_1070] : memref<64x2600000xf32, #tpu.memory_space<hbm>> -> memref<64x256xf32, #tpu.memory_space<hbm>>
              %dma_start3A_1077 = arith.constant 0 : i32
              %dma_start3A_1078 = arith.constant 0 : i32
              %dma_start3A_1079 = tpu.memref_slice %arg17[%dma_start3A, %dma_start3A_1077, %dma_start3A_1078] : memref<4x64x256xf32, #tpu.memory_space<vmem>> -> memref<1x64x256xf32, #tpu.memory_space<vmem>>
              %dma_start3A_1080 = tpu.memref_squeeze %dma_start3A_1079 : memref<1x64x256xf32, #tpu.memory_space<vmem>> -> memref<64x256xf32, #tpu.memory_space<vmem>>
              %dma_start3A_1081 = arith.constant 0 : i32
              %dma_start3A_1082 = tpu.memref_slice %arg4[%dma_start3A_1081, %multiple_of3A_1070] : memref<64x2600000xf32, #tpu.memory_space<hbm>> -> memref<64x256xf32, #tpu.memory_space<hbm>>
              tpu.enqueue_dma source(%dma_start3A_1082 : memref<64x256xf32, #tpu.memory_space<hbm>>) target(%dma_start3A_1080 : memref<64x256xf32, #tpu.memory_space<vmem>>) target_semaphore(%arg19 : memref<!tpu.dma_semaphore, #tpu.memory_space<semaphore_mem>>)
            } else {
            }
          } else {
          }
        } else {
        }
        %mul3A_987 = arith.constant 4 : i32
        %mul3A_988 = arith.muli %while3A_978, %mul3A_987 : i32
        %add3A_989 = arith.constant 1 : i32
        %add3A_990 = arith.addi %mul3A_988, %add3A_989 : i32
        %lt3A_991 = arith.cmpi slt, %add3A_990, %add3A_33 : i32
        %convert_element_type3A_992 = arith.extui %lt3A_991 : i1 to i32
        %cond3A_993 = arith.constant 0 : i32
        %cond3A_994 = arith.cmpi ne, %convert_element_type3A_992, %cond3A_993 : i32
        scf.if %cond3A_994 {
          %multiple_of3A = arith.constant 0 : i32
          %multiple_of3A_1011 = tpu.assume_multiple %multiple_of3A, 128 : i32
          %dma_wait3A_1012 = arith.constant 1 : i32
          %dma_wait3A_1013 = arith.constant 0 : i32
          %dma_wait3A_1014 = arith.constant 0 : i32
          %dma_wait3A_1015 = tpu.memref_slice %arg17[%dma_wait3A_1012, %dma_wait3A_1013, %dma_wait3A_1014] : memref<4x64x256xf32, #tpu.memory_space<vmem>> -> memref<1x64x256xf32, #tpu.memory_space<vmem>>
          %dma_wait3A_1016 = tpu.memref_squeeze %dma_wait3A_1015 : memref<1x64x256xf32, #tpu.memory_space<vmem>> -> memref<64x256xf32, #tpu.memory_space<vmem>>
          %dma_wait3A_1017 = arith.constant 0 : i32
          %dma_wait3A_1018 = tpu.memref_slice %arg4[%dma_wait3A_1017, %multiple_of3A_1011] : memref<64x2600000xf32, #tpu.memory_space<hbm>> -> memref<64x256xf32, #tpu.memory_space<hbm>>
          %dma_wait3A_1019 = arith.constant 0 : i32
          %dma_wait3A_1020 = arith.constant 0 : i32
          %dma_wait3A_1021 = tpu.memref_slice %arg17[%dma_wait3A_1012, %dma_wait3A_1019, %dma_wait3A_1020] : memref<4x64x256xf32, #tpu.memory_space<vmem>> -> memref<1x64x256xf32, #tpu.memory_space<vmem>>
          %dma_wait3A_1022 = tpu.memref_squeeze %dma_wait3A_1021 : memref<1x64x256xf32, #tpu.memory_space<vmem>> -> memref<64x256xf32, #tpu.memory_space<vmem>>
          %dma_wait3A_1023 = arith.constant 0 : i32
          %dma_wait3A_1024 = tpu.memref_slice %arg4[%dma_wait3A_1023, %multiple_of3A_1011] : memref<64x2600000xf32, #tpu.memory_space<hbm>> -> memref<64x256xf32, #tpu.memory_space<hbm>>
          tpu.wait_dma2 semaphore(%arg20 : memref<!tpu.dma_semaphore, #tpu.memory_space<semaphore_mem>>) src(%dma_wait3A_1024 : memref<64x256xf32, #tpu.memory_space<hbm>>) dst(%dma_wait3A_1022 : memref<64x256xf32, #tpu.memory_space<vmem>>)
          %add3A_1025 = arith.constant 1 : i32
          %add3A_1026 = arith.addi %add3A_990, %add3A_1025 : i32
          %broadcast_in_dim3A_1027 = vector.broadcast %add3A_1026 : i32 to vector<16xi32>
          %gather3A_1028 = tpu.vector_load_idx %arg12[%broadcast_in_dim3A_1027] : memref<512xi32, #tpu.memory_space<vmem>>[vector<16xi32>], vector<16xi32>,
          %reduce_max3A_1029 = arith.constant true
          %reduce_max3A_1030 = vector.broadcast %reduce_max3A_1029 : i1 to vector<16xi1>
          %reduce_max3A_1031 = arith.constant -2147483648 : i32
          %reduce_max3A_1032 = vector.broadcast %reduce_max3A_1031 : i32 to vector<16xi32>
          %reduce_max3A_1033 = arith.xori %gather3A_1028, %reduce_max3A_1032 : vector<16xi32>
          %reduce_max3A_1034 = tpu.scan <max>, %reduce_max3A_1033 masked %reduce_max3A_1030 : vector<16xi32>, vector<16xi1> -> vector<16xi32>
          %reduce_max3A_1035 = arith.xori %reduce_max3A_1034, %reduce_max3A_1032 : vector<16xi32>
          %reduce_max3A_1036 = vector.extract %reduce_max3A_1035[15] : i32 from vector<16xi32>
          %min3A_1037 = arith.constant 4096 : i32
          %min3A_1038 = arith.minsi %reduce_max3A_1036, %min3A_1037 : i32
          %broadcast_in_dim3A_1039 = vector.broadcast %add3A_990 : i32 to vector<16xi32>
          %gather3A_1040 = tpu.vector_load_idx %arg12[%broadcast_in_dim3A_1039] : memref<512xi32, #tpu.memory_space<vmem>>[vector<16xi32>], vector<16xi32>,
          %reduce_max3A_1041 = arith.constant true
          %reduce_max3A_1042 = vector.broadcast %reduce_max3A_1041 : i1 to vector<16xi1>
          %reduce_max3A_1043 = arith.constant -2147483648 : i32
          %reduce_max3A_1044 = vector.broadcast %reduce_max3A_1043 : i32 to vector<16xi32>
          %reduce_max3A_1045 = arith.xori %gather3A_1040, %reduce_max3A_1044 : vector<16xi32>
          %reduce_max3A_1046 = tpu.scan <max>, %reduce_max3A_1045 masked %reduce_max3A_1042 : vector<16xi32>, vector<16xi1> -> vector<16xi32>
          %reduce_max3A_1047 = arith.xori %reduce_max3A_1046, %reduce_max3A_1044 : vector<16xi32>
          %reduce_max3A_1048 = vector.extract %reduce_max3A_1047[15] : i32 from vector<16xi32>
          %min3A_1049 = arith.minsi %reduce_max3A_1048, %min3A_1038 : i32
          %while3A_1050 = scf.while (%while3A_1057 = %min3A_1049) : (i32) -> i32 {
            %lt3A_1058 = arith.cmpi slt, %while3A_1057, %min3A_1038 : i32
            scf.condition(%lt3A_1058) %while3A_1057 : i32
          } do {
          ^bb0(%while3A_1057: i32):
            %broadcast_in_dim3A_1058 = vector.broadcast %while3A_1057 : i32 to vector<16xi32>
            %jit3A_1059 = arith.constant 0 : i32
            %jit3A_1060 = arith.constant 4095 : i32
            %max3A = vector.broadcast %jit3A_1059 : i32 to vector<16xi32>
            %max3A_1061 = arith.maxsi %max3A, %broadcast_in_dim3A_1058 : vector<16xi32>
            %min3A_1062 = vector.broadcast %jit3A_1060 : i32 to vector<16xi32>
            %min3A_1063 = arith.minsi %min3A_1062, %max3A_1061 : vector<16xi32>
            %gather3A_1064 = tpu.vector_load_idx %arg9[%min3A_1063] : memref<4096xi32, #tpu.memory_space<vmem>>[vector<16xi32>], vector<16xi32>,
            %shift_right_logical3A_1065 = arith.constant 7 : i32
            %shift_right_logical3A_1066 = arith.shrui %while3A_1057, %shift_right_logical3A_1065 : i32
            %and3A_1067 = arith.constant 1 : i32
            %and3A_1068 = arith.andi %shift_right_logical3A_1066, %and3A_1067 : i32
            %and3A_1069 = arith.constant 127 : i32
            %and3A_1070 = arith.andi %while3A_1057, %and3A_1069 : i32
            %eq3A = arith.constant 0 : i32
            %eq3A_1071 = arith.cmpi eq, %and3A_1070, %eq3A : i32
            %ge3A = arith.constant 2 : i32
            %ge3A_1072 = arith.cmpi sge, %shift_right_logical3A_1066, %ge3A : i32
            %and3A_1073 = arith.andi %eq3A_1071, %ge3A_1072 : i1
            %eq3A_1074 = arith.constant 0 : i32
            %eq3A_1075 = arith.cmpi eq, %and3A_1068, %eq3A_1074 : i32
            %and3A_1076 = arith.andi %and3A_1073, %eq3A_1075 : i1
            %convert_element_type3A_1077 = arith.extui %and3A_1076 : i1 to i32
            %cond3A_1078 = arith.constant 0 : i32
            %cond3A_1079 = arith.cmpi ne, %convert_element_type3A_1077, %cond3A_1078 : i32
            scf.if %cond3A_1079 {
              %dma_wait3A_1165 = arith.constant 0 : i32
              %dma_wait3A_1166 = arith.constant 0 : i32
              %dma_wait3A_1167 = arith.constant 0 : i32
              %dma_wait3A_1168 = arith.constant 0 : i32
              %dma_wait3A_1169 = tpu.memref_slice %arg18[%dma_wait3A_1165, %dma_wait3A_1167, %dma_wait3A_1168] : memref<2x128x128xf32, #tpu.memory_space<vmem>> -> memref<1x128x128xf32, #tpu.memory_space<vmem>>
              %dma_wait3A_1170 = tpu.memref_squeeze %dma_wait3A_1169 : memref<1x128x128xf32, #tpu.memory_space<vmem>> -> memref<128x128xf32, #tpu.memory_space<vmem>>
              %dma_wait3A_1171 = arith.constant 0 : i32
              %dma_wait3A_1172 = tpu.memref_slice %arg14[%dma_wait3A_1166, %dma_wait3A_1171] : memref<32x128xi32, #tpu.memory_space<vmem>> -> memref<1x128xi32, #tpu.memory_space<vmem>>
              %dma_wait3A_1173 = tpu.memref_squeeze %dma_wait3A_1172 : memref<1x128xi32, #tpu.memory_space<vmem>> -> memref<128xi32, #tpu.memory_space<vmem>>
              %dma_wait3A_1174 = arith.constant 0 : i32
              %dma_wait3A_1175 = arith.constant 0 : i32
              %dma_wait3A_1176 = tpu.memref_slice %arg7[%dma_wait3A_1174, %dma_wait3A_1175] : memref<106496x128xf32, #tpu.memory_space<hbm>> -> memref<106496x128xf32, #tpu.memory_space<hbm>>
              tpu.wait_indirect_dma semaphore(%arg23 : memref<!tpu.dma_semaphore, #tpu.memory_space<semaphore_mem>>) src(%dma_wait3A_1170 : memref<128x128xf32, #tpu.memory_space<vmem>>) dst(%dma_wait3A_1176 : memref<106496x128xf32, #tpu.memory_space<hbm>>)
            } else {
            }
            %eq3A_1080 = arith.constant 0 : i32
            %eq3A_1081 = arith.cmpi eq, %and3A_1070, %eq3A_1080 : i32
            %ge3A_1082 = arith.constant 2 : i32
            %ge3A_1083 = arith.cmpi sge, %shift_right_logical3A_1066, %ge3A_1082 : i32
            %and3A_1084 = arith.andi %eq3A_1081, %ge3A_1083 : i1
            %eq3A_1085 = arith.constant 1 : i32
            %eq3A_1086 = arith.cmpi eq, %and3A_1068, %eq3A_1085 : i32
            %and3A_1087 = arith.andi %and3A_1084, %eq3A_1086 : i1
            %convert_element_type3A_1088 = arith.extui %and3A_1087 : i1 to i32
            %cond3A_1089 = arith.constant 0 : i32
            %cond3A_1090 = arith.cmpi ne, %convert_element_type3A_1088, %cond3A_1089 : i32
            scf.if %cond3A_1090 {
              %dma_wait3A_1165 = arith.constant 1 : i32
              %dma_wait3A_1166 = arith.constant 0 : i32
              %dma_wait3A_1167 = arith.constant 0 : i32
              %dma_wait3A_1168 = arith.constant 0 : i32
              %dma_wait3A_1169 = tpu.memref_slice %arg18[%dma_wait3A_1165, %dma_wait3A_1167, %dma_wait3A_1168] : memref<2x128x128xf32, #tpu.memory_space<vmem>> -> memref<1x128x128xf32, #tpu.memory_space<vmem>>
              %dma_wait3A_1170 = tpu.memref_squeeze %dma_wait3A_1169 : memref<1x128x128xf32, #tpu.memory_space<vmem>> -> memref<128x128xf32, #tpu.memory_space<vmem>>
              %dma_wait3A_1171 = arith.constant 0 : i32
              %dma_wait3A_1172 = tpu.memref_slice %arg14[%dma_wait3A_1166, %dma_wait3A_1171] : memref<32x128xi32, #tpu.memory_space<vmem>> -> memref<1x128xi32, #tpu.memory_space<vmem>>
              %dma_wait3A_1173 = tpu.memref_squeeze %dma_wait3A_1172 : memref<1x128xi32, #tpu.memory_space<vmem>> -> memref<128xi32, #tpu.memory_space<vmem>>
              %dma_wait3A_1174 = arith.constant 0 : i32
              %dma_wait3A_1175 = arith.constant 0 : i32
              %dma_wait3A_1176 = tpu.memref_slice %arg7[%dma_wait3A_1174, %dma_wait3A_1175] : memref<106496x128xf32, #tpu.memory_space<hbm>> -> memref<106496x128xf32, #tpu.memory_space<hbm>>
              tpu.wait_indirect_dma semaphore(%arg24 : memref<!tpu.dma_semaphore, #tpu.memory_space<semaphore_mem>>) src(%dma_wait3A_1170 : memref<128x128xf32, #tpu.memory_space<vmem>>) dst(%dma_wait3A_1176 : memref<106496x128xf32, #tpu.memory_space<hbm>>)
            } else {
            }
            %add3A_1091 = arith.constant 0 : i32
            %add3A_1092 = vector.broadcast %add3A_1091 : i32 to vector<16xi32>
            %add3A_1093 = arith.addi %iota3A, %add3A_1092 : vector<16xi32>
            %gather3A_1094 = arith.constant 1 : i32
            %gather3A_1095 = arith.constant 0 : i32
            %gather3A_1096 = arith.constant 0 : i32
            %gather3A_1097 = tpu.memref_slice %arg17[%gather3A_1094, %gather3A_1095, %gather3A_1096] : memref<4x64x256xf32, #tpu.memory_space<vmem>> -> memref<1x64x256xf32, #tpu.memory_space<vmem>>
            %gather3A_1098 = tpu.memref_squeeze %gather3A_1097 : memref<1x64x256xf32, #tpu.memory_space<vmem>> -> memref<64x256xf32, #tpu.memory_space<vmem>>
            %gather3A_1099 = tpu.vector_load_idx %gather3A_1098[%add3A_1093, %gather3A_1064] : memref<64x256xf32, #tpu.memory_space<vmem>>[vector<16xi32>, vector<16xi32>], vector<16xf32>,
            %add3A_1100 = arith.addf %gather3A_1099, %gather3A_46 : vector<16xf32>
            %swap3A_1101 = arith.index_cast %and3A_1068 : i32 to index
            %swap3A_1102 = arith.index_cast %and3A_1070 : i32 to index
            %swap3A_1103 = arith.constant 0 : index
            %swap3A_1104 = tpu.vector_load %arg18[%swap3A_1101, %swap3A_1102, %swap3A_1103] {strides = array<i32>} : memref<2x128x128xf32, #tpu.memory_space<vmem>>, vector<16xf32>,
            tpu.vector_store %arg18[%swap3A_1101, %swap3A_1102, %swap3A_1103], %add3A_1100 {strides = array<i32>} : memref<2x128x128xf32, #tpu.memory_space<vmem>>, vector<16xf32>,
            %add3A_1105 = arith.constant 16 : i32
            %add3A_1106 = vector.broadcast %add3A_1105 : i32 to vector<16xi32>
            %add3A_1107 = arith.addi %iota3A, %add3A_1106 : vector<16xi32>
            %gather3A_1108 = arith.constant 1 : i32
            %gather3A_1109 = arith.constant 0 : i32
            %gather3A_1110 = arith.constant 0 : i32
            %gather3A_1111 = tpu.memref_slice %arg17[%gather3A_1108, %gather3A_1109, %gather3A_1110] : memref<4x64x256xf32, #tpu.memory_space<vmem>> -> memref<1x64x256xf32, #tpu.memory_space<vmem>>
            %gather3A_1112 = tpu.memref_squeeze %gather3A_1111 : memref<1x64x256xf32, #tpu.memory_space<vmem>> -> memref<64x256xf32, #tpu.memory_space<vmem>>
            %gather3A_1113 = tpu.vector_load_idx %gather3A_1112[%add3A_1107, %gather3A_1064] : memref<64x256xf32, #tpu.memory_space<vmem>>[vector<16xi32>, vector<16xi32>], vector<16xf32>,
            %add3A_1114 = arith.addf %gather3A_1113, %gather3A_54 : vector<16xf32>
            %swap3A_1115 = arith.index_cast %and3A_1068 : i32 to index
            %swap3A_1116 = arith.index_cast %and3A_1070 : i32 to index
            %swap3A_1117 = arith.constant 16 : index
            %swap3A_1118 = tpu.vector_load %arg18[%swap3A_1115, %swap3A_1116, %swap3A_1117] {strides = array<i32>} : memref<2x128x128xf32, #tpu.memory_space<vmem>>, vector<16xf32>,
            tpu.vector_store %arg18[%swap3A_1115, %swap3A_1116, %swap3A_1117], %add3A_1114 {strides = array<i32>} : memref<2x128x128xf32, #tpu.memory_space<vmem>>, vector<16xf32>,
            %add3A_1119 = arith.constant 32 : i32
            %add3A_1120 = vector.broadcast %add3A_1119 : i32 to vector<16xi32>
            %add3A_1121 = arith.addi %iota3A, %add3A_1120 : vector<16xi32>
            %gather3A_1122 = arith.constant 1 : i32
            %gather3A_1123 = arith.constant 0 : i32
            %gather3A_1124 = arith.constant 0 : i32
            %gather3A_1125 = tpu.memref_slice %arg17[%gather3A_1122, %gather3A_1123, %gather3A_1124] : memref<4x64x256xf32, #tpu.memory_space<vmem>> -> memref<1x64x256xf32, #tpu.memory_space<vmem>>
            %gather3A_1126 = tpu.memref_squeeze %gather3A_1125 : memref<1x64x256xf32, #tpu.memory_space<vmem>> -> memref<64x256xf32, #tpu.memory_space<vmem>>
            %gather3A_1127 = tpu.vector_load_idx %gather3A_1126[%add3A_1121, %gather3A_1064] : memref<64x256xf32, #tpu.memory_space<vmem>>[vector<16xi32>, vector<16xi32>], vector<16xf32>,
            %add3A_1128 = arith.addf %gather3A_1127, %gather3A_62 : vector<16xf32>
            %swap3A_1129 = arith.index_cast %and3A_1068 : i32 to index
            %swap3A_1130 = arith.index_cast %and3A_1070 : i32 to index
            %swap3A_1131 = arith.constant 32 : index
            %swap3A_1132 = tpu.vector_load %arg18[%swap3A_1129, %swap3A_1130, %swap3A_1131] {strides = array<i32>} : memref<2x128x128xf32, #tpu.memory_space<vmem>>, vector<16xf32>,
            tpu.vector_store %arg18[%swap3A_1129, %swap3A_1130, %swap3A_1131], %add3A_1128 {strides = array<i32>} : memref<2x128x128xf32, #tpu.memory_space<vmem>>, vector<16xf32>,
            %add3A_1133 = arith.constant 48 : i32
            %add3A_1134 = vector.broadcast %add3A_1133 : i32 to vector<16xi32>
            %add3A_1135 = arith.addi %iota3A, %add3A_1134 : vector<16xi32>
            %gather3A_1136 = arith.constant 1 : i32
            %gather3A_1137 = arith.constant 0 : i32
            %gather3A_1138 = arith.constant 0 : i32
            %gather3A_1139 = tpu.memref_slice %arg17[%gather3A_1136, %gather3A_1137, %gather3A_1138] : memref<4x64x256xf32, #tpu.memory_space<vmem>> -> memref<1x64x256xf32, #tpu.memory_space<vmem>>
            %gather3A_1140 = tpu.memref_squeeze %gather3A_1139 : memref<1x64x256xf32, #tpu.memory_space<vmem>> -> memref<64x256xf32, #tpu.memory_space<vmem>>
            %gather3A_1141 = tpu.vector_load_idx %gather3A_1140[%add3A_1135, %gather3A_1064] : memref<64x256xf32, #tpu.memory_space<vmem>>[vector<16xi32>, vector<16xi32>], vector<16xf32>,
            %add3A_1142 = arith.addf %gather3A_1141, %gather3A_70 : vector<16xf32>
            %swap3A_1143 = arith.index_cast %and3A_1068 : i32 to index
            %swap3A_1144 = arith.index_cast %and3A_1070 : i32 to index
            %swap3A_1145 = arith.constant 48 : index
            %swap3A_1146 = tpu.vector_load %arg18[%swap3A_1143, %swap3A_1144, %swap3A_1145] {strides = array<i32>} : memref<2x128x128xf32, #tpu.memory_space<vmem>>, vector<16xf32>,
            tpu.vector_store %arg18[%swap3A_1143, %swap3A_1144, %swap3A_1145], %add3A_1142 {strides = array<i32>} : memref<2x128x128xf32, #tpu.memory_space<vmem>>, vector<16xf32>,
            %eq3A_1147 = arith.constant 127 : i32
            %eq3A_1148 = arith.cmpi eq, %and3A_1070, %eq3A_1147 : i32
            %eq3A_1149 = arith.constant 0 : i32
            %eq3A_1150 = arith.cmpi eq, %and3A_1068, %eq3A_1149 : i32
            %and3A_1151 = arith.andi %eq3A_1148, %eq3A_1150 : i1
            %convert_element_type3A_1152 = arith.extui %and3A_1151 : i1 to i32
            %cond3A_1153 = arith.constant 0 : i32
            %cond3A_1154 = arith.cmpi ne, %convert_element_type3A_1152, %cond3A_1153 : i32
            scf.if %cond3A_1154 {
              %dma_start3A = arith.constant 0 : i32
              %dma_start3A_1165 = arith.constant 0 : i32
              %dma_start3A_1166 = arith.constant 0 : i32
              %dma_start3A_1167 = tpu.memref_slice %arg18[%dma_start3A, %dma_start3A_1165, %dma_start3A_1166] : memref<2x128x128xf32, #tpu.memory_space<vmem>> -> memref<1x128x128xf32, #tpu.memory_space<vmem>>
              %dma_start3A_1168 = tpu.memref_squeeze %dma_start3A_1167 : memref<1x128x128xf32, #tpu.memory_space<vmem>> -> memref<128x128xf32, #tpu.memory_space<vmem>>
              %dma_start3A_1169 = arith.constant 0 : i32
              %dma_start3A_1170 = tpu.memref_slice %arg14[%shift_right_logical3A_1066, %dma_start3A_1169] : memref<32x128xi32, #tpu.memory_space<vmem>> -> memref<1x128xi32, #tpu.memory_space<vmem>>
              %dma_start3A_1171 = tpu.memref_squeeze %dma_start3A_1170 : memref<1x128xi32, #tpu.memory_space<vmem>> -> memref<128xi32, #tpu.memory_space<vmem>>
              %dma_start3A_1172 = arith.constant 0 : i32
              %dma_start3A_1173 = arith.constant 0 : i32
              %dma_start3A_1174 = tpu.memref_slice %arg7[%dma_start3A_1172, %dma_start3A_1173] : memref<106496x128xf32, #tpu.memory_space<hbm>> -> memref<106496x128xf32, #tpu.memory_space<hbm>>
              tpu.enqueue_indirect_dma source(%dma_start3A_1168 : memref<128x128xf32, #tpu.memory_space<vmem>>) target(%dma_start3A_1174 : memref<106496x128xf32, #tpu.memory_space<hbm>>) offsets(%dma_start3A_1171 : memref<128xi32, #tpu.memory_space<vmem>>) semaphore(%arg23 : memref<!tpu.dma_semaphore, #tpu.memory_space<semaphore_mem>>)
            } else {
            }
            %eq3A_1155 = arith.constant 127 : i32
            %eq3A_1156 = arith.cmpi eq, %and3A_1070, %eq3A_1155 : i32
            %eq3A_1157 = arith.constant 1 : i32
            %eq3A_1158 = arith.cmpi eq, %and3A_1068, %eq3A_1157 : i32
            %and3A_1159 = arith.andi %eq3A_1156, %eq3A_1158 : i1
            %convert_element_type3A_1160 = arith.extui %and3A_1159 : i1 to i32
            %cond3A_1161 = arith.constant 0 : i32
            %cond3A_1162 = arith.cmpi ne, %convert_element_type3A_1160, %cond3A_1161 : i32
            scf.if %cond3A_1162 {
              %dma_start3A = arith.constant 1 : i32
              %dma_start3A_1165 = arith.constant 0 : i32
              %dma_start3A_1166 = arith.constant 0 : i32
              %dma_start3A_1167 = tpu.memref_slice %arg18[%dma_start3A, %dma_start3A_1165, %dma_start3A_1166] : memref<2x128x128xf32, #tpu.memory_space<vmem>> -> memref<1x128x128xf32, #tpu.memory_space<vmem>>
              %dma_start3A_1168 = tpu.memref_squeeze %dma_start3A_1167 : memref<1x128x128xf32, #tpu.memory_space<vmem>> -> memref<128x128xf32, #tpu.memory_space<vmem>>
              %dma_start3A_1169 = arith.constant 0 : i32
              %dma_start3A_1170 = tpu.memref_slice %arg14[%shift_right_logical3A_1066, %dma_start3A_1169] : memref<32x128xi32, #tpu.memory_space<vmem>> -> memref<1x128xi32, #tpu.memory_space<vmem>>
              %dma_start3A_1171 = tpu.memref_squeeze %dma_start3A_1170 : memref<1x128xi32, #tpu.memory_space<vmem>> -> memref<128xi32, #tpu.memory_space<vmem>>
              %dma_start3A_1172 = arith.constant 0 : i32
              %dma_start3A_1173 = arith.constant 0 : i32
              %dma_start3A_1174 = tpu.memref_slice %arg7[%dma_start3A_1172, %dma_start3A_1173] : memref<106496x128xf32, #tpu.memory_space<hbm>> -> memref<106496x128xf32, #tpu.memory_space<hbm>>
              tpu.enqueue_indirect_dma source(%dma_start3A_1168 : memref<128x128xf32, #tpu.memory_space<vmem>>) target(%dma_start3A_1174 : memref<106496x128xf32, #tpu.memory_space<hbm>>) offsets(%dma_start3A_1171 : memref<128xi32, #tpu.memory_space<vmem>>) semaphore(%arg24 : memref<!tpu.dma_semaphore, #tpu.memory_space<semaphore_mem>>)
            } else {
            }
            %add3A_1163 = arith.constant 1 : i32
            %add3A_1164 = arith.addi %while3A_1057, %add3A_1163 : i32
            scf.yield %add3A_1164 : i32
          }
          %add3A_1051 = arith.constant 4 : i32
          %add3A_1052 = arith.addi %add3A_990, %add3A_1051 : i32
          %lt3A_1053 = arith.cmpi slt, %add3A_1052, %add3A_33 : i32
          %convert_element_type3A_1054 = arith.extui %lt3A_1053 : i1 to i32
          %cond3A_1055 = arith.constant 0 : i32
          %cond3A_1056 = arith.cmpi ne, %convert_element_type3A_1054, %cond3A_1055 : i32
          scf.if %cond3A_1056 {
            %sub3A_1057 = arith.constant 1 : i32
            %sub3A_1058 = arith.subi %add3A_33, %sub3A_1057 : i32
            %eq3A = arith.cmpi eq, %add3A_1052, %sub3A_1058 : i32
            %and3A_1059 = arith.andi %gt3A_38, %eq3A : i1
            %convert_element_type3A_1060 = arith.extui %and3A_1059 : i1 to i32
            %cond3A_1061 = arith.constant 0 : i32
            %cond3A_1062 = arith.cmpi ne, %convert_element_type3A_1060, %cond3A_1061 : i32
            scf.if %cond3A_1062 {
              %dma_start3A = arith.constant 1 : i32
              %dma_start3A_1067 = arith.constant 0 : i32
              %dma_start3A_1068 = arith.constant 0 : i32
              %dma_start3A_1069 = tpu.memref_slice %arg17[%dma_start3A, %dma_start3A_1067, %dma_start3A_1068] : memref<4x64x256xf32, #tpu.memory_space<vmem>> -> memref<1x64x256xf32, #tpu.memory_space<vmem>>
              %dma_start3A_1070 = tpu.memref_squeeze %dma_start3A_1069 : memref<1x64x256xf32, #tpu.memory_space<vmem>> -> memref<64x256xf32, #tpu.memory_space<vmem>>
              %dma_start3A_1071 = arith.constant 0 : i32
              %dma_start3A_1072 = arith.constant 0 : i32
              %dma_start3A_1073 = tpu.memref_slice %arg17[%dma_start3A, %dma_start3A_1071, %dma_start3A_1072] : memref<4x64x256xf32, #tpu.memory_space<vmem>> -> memref<1x64x256xf32, #tpu.memory_space<vmem>>
              %dma_start3A_1074 = tpu.memref_squeeze %dma_start3A_1073 : memref<1x64x256xf32, #tpu.memory_space<vmem>> -> memref<64x256xf32, #tpu.memory_space<vmem>>
              tpu.enqueue_dma source(%arg5 : memref<64x256xf32, #tpu.memory_space<hbm>>) target(%dma_start3A_1074 : memref<64x256xf32, #tpu.memory_space<vmem>>) target_semaphore(%arg20 : memref<!tpu.dma_semaphore, #tpu.memory_space<semaphore_mem>>)
            } else {
            }
            %not3A = arith.constant true
            %not3A_1063 = arith.xori %and3A_1059, %not3A : i1
            %convert_element_type3A_1064 = arith.extui %not3A_1063 : i1 to i32
            %cond3A_1065 = arith.constant 0 : i32
            %cond3A_1066 = arith.cmpi ne, %convert_element_type3A_1064, %cond3A_1065 : i32
            scf.if %cond3A_1066 {
              %add3A_1067 = arith.addi %shift_right_logical3A_27, %add3A_1052 : i32
              %mul3A_1068 = arith.constant 256 : i32
              %mul3A_1069 = arith.muli %add3A_1067, %mul3A_1068 : i32
              %multiple_of3A_1070 = tpu.assume_multiple %mul3A_1069, 128 : i32
              %dma_start3A = arith.constant 1 : i32
              %dma_start3A_1071 = arith.constant 0 : i32
              %dma_start3A_1072 = arith.constant 0 : i32
              %dma_start3A_1073 = tpu.memref_slice %arg17[%dma_start3A, %dma_start3A_1071, %dma_start3A_1072] : memref<4x64x256xf32, #tpu.memory_space<vmem>> -> memref<1x64x256xf32, #tpu.memory_space<vmem>>
              %dma_start3A_1074 = tpu.memref_squeeze %dma_start3A_1073 : memref<1x64x256xf32, #tpu.memory_space<vmem>> -> memref<64x256xf32, #tpu.memory_space<vmem>>
              %dma_start3A_1075 = arith.constant 0 : i32
              %dma_start3A_1076 = tpu.memref_slice %arg4[%dma_start3A_1075, %multiple_of3A_1070] : memref<64x2600000xf32, #tpu.memory_space<hbm>> -> memref<64x256xf32, #tpu.memory_space<hbm>>
              %dma_start3A_1077 = arith.constant 0 : i32
              %dma_start3A_1078 = arith.constant 0 : i32
              %dma_start3A_1079 = tpu.memref_slice %arg17[%dma_start3A, %dma_start3A_1077, %dma_start3A_1078] : memref<4x64x256xf32, #tpu.memory_space<vmem>> -> memref<1x64x256xf32, #tpu.memory_space<vmem>>
              %dma_start3A_1080 = tpu.memref_squeeze %dma_start3A_1079 : memref<1x64x256xf32, #tpu.memory_space<vmem>> -> memref<64x256xf32, #tpu.memory_space<vmem>>
              %dma_start3A_1081 = arith.constant 0 : i32
              %dma_start3A_1082 = tpu.memref_slice %arg4[%dma_start3A_1081, %multiple_of3A_1070] : memref<64x2600000xf32, #tpu.memory_space<hbm>> -> memref<64x256xf32, #tpu.memory_space<hbm>>
              tpu.enqueue_dma source(%dma_start3A_1082 : memref<64x256xf32, #tpu.memory_space<hbm>>) target(%dma_start3A_1080 : memref<64x256xf32, #tpu.memory_space<vmem>>) target_semaphore(%arg20 : memref<!tpu.dma_semaphore, #tpu.memory_space<semaphore_mem>>)
            } else {
            }
          } else {
          }
        } else {
        }
        %mul3A_995 = arith.constant 4 : i32
        %mul3A_996 = arith.muli %while3A_978, %mul3A_995 : i32
        %add3A_997 = arith.constant 2 : i32
        %add3A_998 = arith.addi %mul3A_996, %add3A_997 : i32
        %lt3A_999 = arith.cmpi slt, %add3A_998, %add3A_33 : i32
        %convert_element_type3A_1000 = arith.extui %lt3A_999 : i1 to i32
        %cond3A_1001 = arith.constant 0 : i32
        %cond3A_1002 = arith.cmpi ne, %convert_element_type3A_1000, %cond3A_1001 : i32
        scf.if %cond3A_1002 {
          %multiple_of3A = arith.constant 0 : i32
          %multiple_of3A_1011 = tpu.assume_multiple %multiple_of3A, 128 : i32
          %dma_wait3A_1012 = arith.constant 2 : i32
          %dma_wait3A_1013 = arith.constant 0 : i32
          %dma_wait3A_1014 = arith.constant 0 : i32
          %dma_wait3A_1015 = tpu.memref_slice %arg17[%dma_wait3A_1012, %dma_wait3A_1013, %dma_wait3A_1014] : memref<4x64x256xf32, #tpu.memory_space<vmem>> -> memref<1x64x256xf32, #tpu.memory_space<vmem>>
          %dma_wait3A_1016 = tpu.memref_squeeze %dma_wait3A_1015 : memref<1x64x256xf32, #tpu.memory_space<vmem>> -> memref<64x256xf32, #tpu.memory_space<vmem>>
          %dma_wait3A_1017 = arith.constant 0 : i32
          %dma_wait3A_1018 = tpu.memref_slice %arg4[%dma_wait3A_1017, %multiple_of3A_1011] : memref<64x2600000xf32, #tpu.memory_space<hbm>> -> memref<64x256xf32, #tpu.memory_space<hbm>>
          %dma_wait3A_1019 = arith.constant 0 : i32
          %dma_wait3A_1020 = arith.constant 0 : i32
          %dma_wait3A_1021 = tpu.memref_slice %arg17[%dma_wait3A_1012, %dma_wait3A_1019, %dma_wait3A_1020] : memref<4x64x256xf32, #tpu.memory_space<vmem>> -> memref<1x64x256xf32, #tpu.memory_space<vmem>>
          %dma_wait3A_1022 = tpu.memref_squeeze %dma_wait3A_1021 : memref<1x64x256xf32, #tpu.memory_space<vmem>> -> memref<64x256xf32, #tpu.memory_space<vmem>>
          %dma_wait3A_1023 = arith.constant 0 : i32
          %dma_wait3A_1024 = tpu.memref_slice %arg4[%dma_wait3A_1023, %multiple_of3A_1011] : memref<64x2600000xf32, #tpu.memory_space<hbm>> -> memref<64x256xf32, #tpu.memory_space<hbm>>
          tpu.wait_dma2 semaphore(%arg21 : memref<!tpu.dma_semaphore, #tpu.memory_space<semaphore_mem>>) src(%dma_wait3A_1024 : memref<64x256xf32, #tpu.memory_space<hbm>>) dst(%dma_wait3A_1022 : memref<64x256xf32, #tpu.memory_space<vmem>>)
          %add3A_1025 = arith.constant 1 : i32
          %add3A_1026 = arith.addi %add3A_998, %add3A_1025 : i32
          %broadcast_in_dim3A_1027 = vector.broadcast %add3A_1026 : i32 to vector<16xi32>
          %gather3A_1028 = tpu.vector_load_idx %arg12[%broadcast_in_dim3A_1027] : memref<512xi32, #tpu.memory_space<vmem>>[vector<16xi32>], vector<16xi32>,
          %reduce_max3A_1029 = arith.constant true
          %reduce_max3A_1030 = vector.broadcast %reduce_max3A_1029 : i1 to vector<16xi1>
          %reduce_max3A_1031 = arith.constant -2147483648 : i32
          %reduce_max3A_1032 = vector.broadcast %reduce_max3A_1031 : i32 to vector<16xi32>
          %reduce_max3A_1033 = arith.xori %gather3A_1028, %reduce_max3A_1032 : vector<16xi32>
          %reduce_max3A_1034 = tpu.scan <max>, %reduce_max3A_1033 masked %reduce_max3A_1030 : vector<16xi32>, vector<16xi1> -> vector<16xi32>
          %reduce_max3A_1035 = arith.xori %reduce_max3A_1034, %reduce_max3A_1032 : vector<16xi32>
          %reduce_max3A_1036 = vector.extract %reduce_max3A_1035[15] : i32 from vector<16xi32>
          %min3A_1037 = arith.constant 4096 : i32
          %min3A_1038 = arith.minsi %reduce_max3A_1036, %min3A_1037 : i32
          %broadcast_in_dim3A_1039 = vector.broadcast %add3A_998 : i32 to vector<16xi32>
          %gather3A_1040 = tpu.vector_load_idx %arg12[%broadcast_in_dim3A_1039] : memref<512xi32, #tpu.memory_space<vmem>>[vector<16xi32>], vector<16xi32>,
          %reduce_max3A_1041 = arith.constant true
          %reduce_max3A_1042 = vector.broadcast %reduce_max3A_1041 : i1 to vector<16xi1>
          %reduce_max3A_1043 = arith.constant -2147483648 : i32
          %reduce_max3A_1044 = vector.broadcast %reduce_max3A_1043 : i32 to vector<16xi32>
          %reduce_max3A_1045 = arith.xori %gather3A_1040, %reduce_max3A_1044 : vector<16xi32>
          %reduce_max3A_1046 = tpu.scan <max>, %reduce_max3A_1045 masked %reduce_max3A_1042 : vector<16xi32>, vector<16xi1> -> vector<16xi32>
          %reduce_max3A_1047 = arith.xori %reduce_max3A_1046, %reduce_max3A_1044 : vector<16xi32>
          %reduce_max3A_1048 = vector.extract %reduce_max3A_1047[15] : i32 from vector<16xi32>
          %min3A_1049 = arith.minsi %reduce_max3A_1048, %min3A_1038 : i32
          %while3A_1050 = scf.while (%while3A_1057 = %min3A_1049) : (i32) -> i32 {
            %lt3A_1058 = arith.cmpi slt, %while3A_1057, %min3A_1038 : i32
            scf.condition(%lt3A_1058) %while3A_1057 : i32
          } do {
          ^bb0(%while3A_1057: i32):
            %broadcast_in_dim3A_1058 = vector.broadcast %while3A_1057 : i32 to vector<16xi32>
            %jit3A_1059 = arith.constant 0 : i32
            %jit3A_1060 = arith.constant 4095 : i32
            %max3A = vector.broadcast %jit3A_1059 : i32 to vector<16xi32>
            %max3A_1061 = arith.maxsi %max3A, %broadcast_in_dim3A_1058 : vector<16xi32>
            %min3A_1062 = vector.broadcast %jit3A_1060 : i32 to vector<16xi32>
            %min3A_1063 = arith.minsi %min3A_1062, %max3A_1061 : vector<16xi32>
            %gather3A_1064 = tpu.vector_load_idx %arg9[%min3A_1063] : memref<4096xi32, #tpu.memory_space<vmem>>[vector<16xi32>], vector<16xi32>,
            %shift_right_logical3A_1065 = arith.constant 7 : i32
            %shift_right_logical3A_1066 = arith.shrui %while3A_1057, %shift_right_logical3A_1065 : i32
            %and3A_1067 = arith.constant 1 : i32
            %and3A_1068 = arith.andi %shift_right_logical3A_1066, %and3A_1067 : i32
            %and3A_1069 = arith.constant 127 : i32
            %and3A_1070 = arith.andi %while3A_1057, %and3A_1069 : i32
            %eq3A = arith.constant 0 : i32
            %eq3A_1071 = arith.cmpi eq, %and3A_1070, %eq3A : i32
            %ge3A = arith.constant 2 : i32
            %ge3A_1072 = arith.cmpi sge, %shift_right_logical3A_1066, %ge3A : i32
            %and3A_1073 = arith.andi %eq3A_1071, %ge3A_1072 : i1
            %eq3A_1074 = arith.constant 0 : i32
            %eq3A_1075 = arith.cmpi eq, %and3A_1068, %eq3A_1074 : i32
            %and3A_1076 = arith.andi %and3A_1073, %eq3A_1075 : i1
            %convert_element_type3A_1077 = arith.extui %and3A_1076 : i1 to i32
            %cond3A_1078 = arith.constant 0 : i32
            %cond3A_1079 = arith.cmpi ne, %convert_element_type3A_1077, %cond3A_1078 : i32
            scf.if %cond3A_1079 {
              %dma_wait3A_1165 = arith.constant 0 : i32
              %dma_wait3A_1166 = arith.constant 0 : i32
              %dma_wait3A_1167 = arith.constant 0 : i32
              %dma_wait3A_1168 = arith.constant 0 : i32
              %dma_wait3A_1169 = tpu.memref_slice %arg18[%dma_wait3A_1165, %dma_wait3A_1167, %dma_wait3A_1168] : memref<2x128x128xf32, #tpu.memory_space<vmem>> -> memref<1x128x128xf32, #tpu.memory_space<vmem>>
              %dma_wait3A_1170 = tpu.memref_squeeze %dma_wait3A_1169 : memref<1x128x128xf32, #tpu.memory_space<vmem>> -> memref<128x128xf32, #tpu.memory_space<vmem>>
              %dma_wait3A_1171 = arith.constant 0 : i32
              %dma_wait3A_1172 = tpu.memref_slice %arg14[%dma_wait3A_1166, %dma_wait3A_1171] : memref<32x128xi32, #tpu.memory_space<vmem>> -> memref<1x128xi32, #tpu.memory_space<vmem>>
              %dma_wait3A_1173 = tpu.memref_squeeze %dma_wait3A_1172 : memref<1x128xi32, #tpu.memory_space<vmem>> -> memref<128xi32, #tpu.memory_space<vmem>>
              %dma_wait3A_1174 = arith.constant 0 : i32
              %dma_wait3A_1175 = arith.constant 0 : i32
              %dma_wait3A_1176 = tpu.memref_slice %arg7[%dma_wait3A_1174, %dma_wait3A_1175] : memref<106496x128xf32, #tpu.memory_space<hbm>> -> memref<106496x128xf32, #tpu.memory_space<hbm>>
              tpu.wait_indirect_dma semaphore(%arg23 : memref<!tpu.dma_semaphore, #tpu.memory_space<semaphore_mem>>) src(%dma_wait3A_1170 : memref<128x128xf32, #tpu.memory_space<vmem>>) dst(%dma_wait3A_1176 : memref<106496x128xf32, #tpu.memory_space<hbm>>)
            } else {
            }
            %eq3A_1080 = arith.constant 0 : i32
            %eq3A_1081 = arith.cmpi eq, %and3A_1070, %eq3A_1080 : i32
            %ge3A_1082 = arith.constant 2 : i32
            %ge3A_1083 = arith.cmpi sge, %shift_right_logical3A_1066, %ge3A_1082 : i32
            %and3A_1084 = arith.andi %eq3A_1081, %ge3A_1083 : i1
            %eq3A_1085 = arith.constant 1 : i32
            %eq3A_1086 = arith.cmpi eq, %and3A_1068, %eq3A_1085 : i32
            %and3A_1087 = arith.andi %and3A_1084, %eq3A_1086 : i1
            %convert_element_type3A_1088 = arith.extui %and3A_1087 : i1 to i32
            %cond3A_1089 = arith.constant 0 : i32
            %cond3A_1090 = arith.cmpi ne, %convert_element_type3A_1088, %cond3A_1089 : i32
            scf.if %cond3A_1090 {
              %dma_wait3A_1165 = arith.constant 1 : i32
              %dma_wait3A_1166 = arith.constant 0 : i32
              %dma_wait3A_1167 = arith.constant 0 : i32
              %dma_wait3A_1168 = arith.constant 0 : i32
              %dma_wait3A_1169 = tpu.memref_slice %arg18[%dma_wait3A_1165, %dma_wait3A_1167, %dma_wait3A_1168] : memref<2x128x128xf32, #tpu.memory_space<vmem>> -> memref<1x128x128xf32, #tpu.memory_space<vmem>>
              %dma_wait3A_1170 = tpu.memref_squeeze %dma_wait3A_1169 : memref<1x128x128xf32, #tpu.memory_space<vmem>> -> memref<128x128xf32, #tpu.memory_space<vmem>>
              %dma_wait3A_1171 = arith.constant 0 : i32
              %dma_wait3A_1172 = tpu.memref_slice %arg14[%dma_wait3A_1166, %dma_wait3A_1171] : memref<32x128xi32, #tpu.memory_space<vmem>> -> memref<1x128xi32, #tpu.memory_space<vmem>>
              %dma_wait3A_1173 = tpu.memref_squeeze %dma_wait3A_1172 : memref<1x128xi32, #tpu.memory_space<vmem>> -> memref<128xi32, #tpu.memory_space<vmem>>
              %dma_wait3A_1174 = arith.constant 0 : i32
              %dma_wait3A_1175 = arith.constant 0 : i32
              %dma_wait3A_1176 = tpu.memref_slice %arg7[%dma_wait3A_1174, %dma_wait3A_1175] : memref<106496x128xf32, #tpu.memory_space<hbm>> -> memref<106496x128xf32, #tpu.memory_space<hbm>>
              tpu.wait_indirect_dma semaphore(%arg24 : memref<!tpu.dma_semaphore, #tpu.memory_space<semaphore_mem>>) src(%dma_wait3A_1170 : memref<128x128xf32, #tpu.memory_space<vmem>>) dst(%dma_wait3A_1176 : memref<106496x128xf32, #tpu.memory_space<hbm>>)
            } else {
            }
            %add3A_1091 = arith.constant 0 : i32
            %add3A_1092 = vector.broadcast %add3A_1091 : i32 to vector<16xi32>
            %add3A_1093 = arith.addi %iota3A, %add3A_1092 : vector<16xi32>
            %gather3A_1094 = arith.constant 2 : i32
            %gather3A_1095 = arith.constant 0 : i32
            %gather3A_1096 = arith.constant 0 : i32
            %gather3A_1097 = tpu.memref_slice %arg17[%gather3A_1094, %gather3A_1095, %gather3A_1096] : memref<4x64x256xf32, #tpu.memory_space<vmem>> -> memref<1x64x256xf32, #tpu.memory_space<vmem>>
            %gather3A_1098 = tpu.memref_squeeze %gather3A_1097 : memref<1x64x256xf32, #tpu.memory_space<vmem>> -> memref<64x256xf32, #tpu.memory_space<vmem>>
            %gather3A_1099 = tpu.vector_load_idx %gather3A_1098[%add3A_1093, %gather3A_1064] : memref<64x256xf32, #tpu.memory_space<vmem>>[vector<16xi32>, vector<16xi32>], vector<16xf32>,
            %add3A_1100 = arith.addf %gather3A_1099, %gather3A_46 : vector<16xf32>
            %swap3A_1101 = arith.index_cast %and3A_1068 : i32 to index
            %swap3A_1102 = arith.index_cast %and3A_1070 : i32 to index
            %swap3A_1103 = arith.constant 0 : index
            %swap3A_1104 = tpu.vector_load %arg18[%swap3A_1101, %swap3A_1102, %swap3A_1103] {strides = array<i32>} : memref<2x128x128xf32, #tpu.memory_space<vmem>>, vector<16xf32>,
            tpu.vector_store %arg18[%swap3A_1101, %swap3A_1102, %swap3A_1103], %add3A_1100 {strides = array<i32>} : memref<2x128x128xf32, #tpu.memory_space<vmem>>, vector<16xf32>,
            %add3A_1105 = arith.constant 16 : i32
            %add3A_1106 = vector.broadcast %add3A_1105 : i32 to vector<16xi32>
            %add3A_1107 = arith.addi %iota3A, %add3A_1106 : vector<16xi32>
            %gather3A_1108 = arith.constant 2 : i32
            %gather3A_1109 = arith.constant 0 : i32
            %gather3A_1110 = arith.constant 0 : i32
            %gather3A_1111 = tpu.memref_slice %arg17[%gather3A_1108, %gather3A_1109, %gather3A_1110] : memref<4x64x256xf32, #tpu.memory_space<vmem>> -> memref<1x64x256xf32, #tpu.memory_space<vmem>>
            %gather3A_1112 = tpu.memref_squeeze %gather3A_1111 : memref<1x64x256xf32, #tpu.memory_space<vmem>> -> memref<64x256xf32, #tpu.memory_space<vmem>>
            %gather3A_1113 = tpu.vector_load_idx %gather3A_1112[%add3A_1107, %gather3A_1064] : memref<64x256xf32, #tpu.memory_space<vmem>>[vector<16xi32>, vector<16xi32>], vector<16xf32>,
            %add3A_1114 = arith.addf %gather3A_1113, %gather3A_54 : vector<16xf32>
            %swap3A_1115 = arith.index_cast %and3A_1068 : i32 to index
            %swap3A_1116 = arith.index_cast %and3A_1070 : i32 to index
            %swap3A_1117 = arith.constant 16 : index
            %swap3A_1118 = tpu.vector_load %arg18[%swap3A_1115, %swap3A_1116, %swap3A_1117] {strides = array<i32>} : memref<2x128x128xf32, #tpu.memory_space<vmem>>, vector<16xf32>,
            tpu.vector_store %arg18[%swap3A_1115, %swap3A_1116, %swap3A_1117], %add3A_1114 {strides = array<i32>} : memref<2x128x128xf32, #tpu.memory_space<vmem>>, vector<16xf32>,
            %add3A_1119 = arith.constant 32 : i32
            %add3A_1120 = vector.broadcast %add3A_1119 : i32 to vector<16xi32>
            %add3A_1121 = arith.addi %iota3A, %add3A_1120 : vector<16xi32>
            %gather3A_1122 = arith.constant 2 : i32
            %gather3A_1123 = arith.constant 0 : i32
            %gather3A_1124 = arith.constant 0 : i32
            %gather3A_1125 = tpu.memref_slice %arg17[%gather3A_1122, %gather3A_1123, %gather3A_1124] : memref<4x64x256xf32, #tpu.memory_space<vmem>> -> memref<1x64x256xf32, #tpu.memory_space<vmem>>
            %gather3A_1126 = tpu.memref_squeeze %gather3A_1125 : memref<1x64x256xf32, #tpu.memory_space<vmem>> -> memref<64x256xf32, #tpu.memory_space<vmem>>
            %gather3A_1127 = tpu.vector_load_idx %gather3A_1126[%add3A_1121, %gather3A_1064] : memref<64x256xf32, #tpu.memory_space<vmem>>[vector<16xi32>, vector<16xi32>], vector<16xf32>,
            %add3A_1128 = arith.addf %gather3A_1127, %gather3A_62 : vector<16xf32>
            %swap3A_1129 = arith.index_cast %and3A_1068 : i32 to index
            %swap3A_1130 = arith.index_cast %and3A_1070 : i32 to index
            %swap3A_1131 = arith.constant 32 : index
            %swap3A_1132 = tpu.vector_load %arg18[%swap3A_1129, %swap3A_1130, %swap3A_1131] {strides = array<i32>} : memref<2x128x128xf32, #tpu.memory_space<vmem>>, vector<16xf32>,
            tpu.vector_store %arg18[%swap3A_1129, %swap3A_1130, %swap3A_1131], %add3A_1128 {strides = array<i32>} : memref<2x128x128xf32, #tpu.memory_space<vmem>>, vector<16xf32>,
            %add3A_1133 = arith.constant 48 : i32
            %add3A_1134 = vector.broadcast %add3A_1133 : i32 to vector<16xi32>
            %add3A_1135 = arith.addi %iota3A, %add3A_1134 : vector<16xi32>
            %gather3A_1136 = arith.constant 2 : i32
            %gather3A_1137 = arith.constant 0 : i32
            %gather3A_1138 = arith.constant 0 : i32
            %gather3A_1139 = tpu.memref_slice %arg17[%gather3A_1136, %gather3A_1137, %gather3A_1138] : memref<4x64x256xf32, #tpu.memory_space<vmem>> -> memref<1x64x256xf32, #tpu.memory_space<vmem>>
            %gather3A_1140 = tpu.memref_squeeze %gather3A_1139 : memref<1x64x256xf32, #tpu.memory_space<vmem>> -> memref<64x256xf32, #tpu.memory_space<vmem>>
            %gather3A_1141 = tpu.vector_load_idx %gather3A_1140[%add3A_1135, %gather3A_1064] : memref<64x256xf32, #tpu.memory_space<vmem>>[vector<16xi32>, vector<16xi32>], vector<16xf32>,
            %add3A_1142 = arith.addf %gather3A_1141, %gather3A_70 : vector<16xf32>
            %swap3A_1143 = arith.index_cast %and3A_1068 : i32 to index
            %swap3A_1144 = arith.index_cast %and3A_1070 : i32 to index
            %swap3A_1145 = arith.constant 48 : index
            %swap3A_1146 = tpu.vector_load %arg18[%swap3A_1143, %swap3A_1144, %swap3A_1145] {strides = array<i32>} : memref<2x128x128xf32, #tpu.memory_space<vmem>>, vector<16xf32>,
            tpu.vector_store %arg18[%swap3A_1143, %swap3A_1144, %swap3A_1145], %add3A_1142 {strides = array<i32>} : memref<2x128x128xf32, #tpu.memory_space<vmem>>, vector<16xf32>,
            %eq3A_1147 = arith.constant 127 : i32
            %eq3A_1148 = arith.cmpi eq, %and3A_1070, %eq3A_1147 : i32
            %eq3A_1149 = arith.constant 0 : i32
            %eq3A_1150 = arith.cmpi eq, %and3A_1068, %eq3A_1149 : i32
            %and3A_1151 = arith.andi %eq3A_1148, %eq3A_1150 : i1
            %convert_element_type3A_1152 = arith.extui %and3A_1151 : i1 to i32
            %cond3A_1153 = arith.constant 0 : i32
            %cond3A_1154 = arith.cmpi ne, %convert_element_type3A_1152, %cond3A_1153 : i32
            scf.if %cond3A_1154 {
              %dma_start3A = arith.constant 0 : i32
              %dma_start3A_1165 = arith.constant 0 : i32
              %dma_start3A_1166 = arith.constant 0 : i32
              %dma_start3A_1167 = tpu.memref_slice %arg18[%dma_start3A, %dma_start3A_1165, %dma_start3A_1166] : memref<2x128x128xf32, #tpu.memory_space<vmem>> -> memref<1x128x128xf32, #tpu.memory_space<vmem>>
              %dma_start3A_1168 = tpu.memref_squeeze %dma_start3A_1167 : memref<1x128x128xf32, #tpu.memory_space<vmem>> -> memref<128x128xf32, #tpu.memory_space<vmem>>
              %dma_start3A_1169 = arith.constant 0 : i32
              %dma_start3A_1170 = tpu.memref_slice %arg14[%shift_right_logical3A_1066, %dma_start3A_1169] : memref<32x128xi32, #tpu.memory_space<vmem>> -> memref<1x128xi32, #tpu.memory_space<vmem>>
              %dma_start3A_1171 = tpu.memref_squeeze %dma_start3A_1170 : memref<1x128xi32, #tpu.memory_space<vmem>> -> memref<128xi32, #tpu.memory_space<vmem>>
              %dma_start3A_1172 = arith.constant 0 : i32
              %dma_start3A_1173 = arith.constant 0 : i32
              %dma_start3A_1174 = tpu.memref_slice %arg7[%dma_start3A_1172, %dma_start3A_1173] : memref<106496x128xf32, #tpu.memory_space<hbm>> -> memref<106496x128xf32, #tpu.memory_space<hbm>>
              tpu.enqueue_indirect_dma source(%dma_start3A_1168 : memref<128x128xf32, #tpu.memory_space<vmem>>) target(%dma_start3A_1174 : memref<106496x128xf32, #tpu.memory_space<hbm>>) offsets(%dma_start3A_1171 : memref<128xi32, #tpu.memory_space<vmem>>) semaphore(%arg23 : memref<!tpu.dma_semaphore, #tpu.memory_space<semaphore_mem>>)
            } else {
            }
            %eq3A_1155 = arith.constant 127 : i32
            %eq3A_1156 = arith.cmpi eq, %and3A_1070, %eq3A_1155 : i32
            %eq3A_1157 = arith.constant 1 : i32
            %eq3A_1158 = arith.cmpi eq, %and3A_1068, %eq3A_1157 : i32
            %and3A_1159 = arith.andi %eq3A_1156, %eq3A_1158 : i1
            %convert_element_type3A_1160 = arith.extui %and3A_1159 : i1 to i32
            %cond3A_1161 = arith.constant 0 : i32
            %cond3A_1162 = arith.cmpi ne, %convert_element_type3A_1160, %cond3A_1161 : i32
            scf.if %cond3A_1162 {
              %dma_start3A = arith.constant 1 : i32
              %dma_start3A_1165 = arith.constant 0 : i32
              %dma_start3A_1166 = arith.constant 0 : i32
              %dma_start3A_1167 = tpu.memref_slice %arg18[%dma_start3A, %dma_start3A_1165, %dma_start3A_1166] : memref<2x128x128xf32, #tpu.memory_space<vmem>> -> memref<1x128x128xf32, #tpu.memory_space<vmem>>
              %dma_start3A_1168 = tpu.memref_squeeze %dma_start3A_1167 : memref<1x128x128xf32, #tpu.memory_space<vmem>> -> memref<128x128xf32, #tpu.memory_space<vmem>>
              %dma_start3A_1169 = arith.constant 0 : i32
              %dma_start3A_1170 = tpu.memref_slice %arg14[%shift_right_logical3A_1066, %dma_start3A_1169] : memref<32x128xi32, #tpu.memory_space<vmem>> -> memref<1x128xi32, #tpu.memory_space<vmem>>
              %dma_start3A_1171 = tpu.memref_squeeze %dma_start3A_1170 : memref<1x128xi32, #tpu.memory_space<vmem>> -> memref<128xi32, #tpu.memory_space<vmem>>
              %dma_start3A_1172 = arith.constant 0 : i32
              %dma_start3A_1173 = arith.constant 0 : i32
              %dma_start3A_1174 = tpu.memref_slice %arg7[%dma_start3A_1172, %dma_start3A_1173] : memref<106496x128xf32, #tpu.memory_space<hbm>> -> memref<106496x128xf32, #tpu.memory_space<hbm>>
              tpu.enqueue_indirect_dma source(%dma_start3A_1168 : memref<128x128xf32, #tpu.memory_space<vmem>>) target(%dma_start3A_1174 : memref<106496x128xf32, #tpu.memory_space<hbm>>) offsets(%dma_start3A_1171 : memref<128xi32, #tpu.memory_space<vmem>>) semaphore(%arg24 : memref<!tpu.dma_semaphore, #tpu.memory_space<semaphore_mem>>)
            } else {
            }
            %add3A_1163 = arith.constant 1 : i32
            %add3A_1164 = arith.addi %while3A_1057, %add3A_1163 : i32
            scf.yield %add3A_1164 : i32
          }
          %add3A_1051 = arith.constant 4 : i32
          %add3A_1052 = arith.addi %add3A_998, %add3A_1051 : i32
          %lt3A_1053 = arith.cmpi slt, %add3A_1052, %add3A_33 : i32
          %convert_element_type3A_1054 = arith.extui %lt3A_1053 : i1 to i32
          %cond3A_1055 = arith.constant 0 : i32
          %cond3A_1056 = arith.cmpi ne, %convert_element_type3A_1054, %cond3A_1055 : i32
          scf.if %cond3A_1056 {
            %sub3A_1057 = arith.constant 1 : i32
            %sub3A_1058 = arith.subi %add3A_33, %sub3A_1057 : i32
            %eq3A = arith.cmpi eq, %add3A_1052, %sub3A_1058 : i32
            %and3A_1059 = arith.andi %gt3A_38, %eq3A : i1
            %convert_element_type3A_1060 = arith.extui %and3A_1059 : i1 to i32
            %cond3A_1061 = arith.constant 0 : i32
            %cond3A_1062 = arith.cmpi ne, %convert_element_type3A_1060, %cond3A_1061 : i32
            scf.if %cond3A_1062 {
              %dma_start3A = arith.constant 2 : i32
              %dma_start3A_1067 = arith.constant 0 : i32
              %dma_start3A_1068 = arith.constant 0 : i32
              %dma_start3A_1069 = tpu.memref_slice %arg17[%dma_start3A, %dma_start3A_1067, %dma_start3A_1068] : memref<4x64x256xf32, #tpu.memory_space<vmem>> -> memref<1x64x256xf32, #tpu.memory_space<vmem>>
              %dma_start3A_1070 = tpu.memref_squeeze %dma_start3A_1069 : memref<1x64x256xf32, #tpu.memory_space<vmem>> -> memref<64x256xf32, #tpu.memory_space<vmem>>
              %dma_start3A_1071 = arith.constant 0 : i32
              %dma_start3A_1072 = arith.constant 0 : i32
              %dma_start3A_1073 = tpu.memref_slice %arg17[%dma_start3A, %dma_start3A_1071, %dma_start3A_1072] : memref<4x64x256xf32, #tpu.memory_space<vmem>> -> memref<1x64x256xf32, #tpu.memory_space<vmem>>
              %dma_start3A_1074 = tpu.memref_squeeze %dma_start3A_1073 : memref<1x64x256xf32, #tpu.memory_space<vmem>> -> memref<64x256xf32, #tpu.memory_space<vmem>>
              tpu.enqueue_dma source(%arg5 : memref<64x256xf32, #tpu.memory_space<hbm>>) target(%dma_start3A_1074 : memref<64x256xf32, #tpu.memory_space<vmem>>) target_semaphore(%arg21 : memref<!tpu.dma_semaphore, #tpu.memory_space<semaphore_mem>>)
            } else {
            }
            %not3A = arith.constant true
            %not3A_1063 = arith.xori %and3A_1059, %not3A : i1
            %convert_element_type3A_1064 = arith.extui %not3A_1063 : i1 to i32
            %cond3A_1065 = arith.constant 0 : i32
            %cond3A_1066 = arith.cmpi ne, %convert_element_type3A_1064, %cond3A_1065 : i32
            scf.if %cond3A_1066 {
              %add3A_1067 = arith.addi %shift_right_logical3A_27, %add3A_1052 : i32
              %mul3A_1068 = arith.constant 256 : i32
              %mul3A_1069 = arith.muli %add3A_1067, %mul3A_1068 : i32
              %multiple_of3A_1070 = tpu.assume_multiple %mul3A_1069, 128 : i32
              %dma_start3A = arith.constant 2 : i32
              %dma_start3A_1071 = arith.constant 0 : i32
              %dma_start3A_1072 = arith.constant 0 : i32
              %dma_start3A_1073 = tpu.memref_slice %arg17[%dma_start3A, %dma_start3A_1071, %dma_start3A_1072] : memref<4x64x256xf32, #tpu.memory_space<vmem>> -> memref<1x64x256xf32, #tpu.memory_space<vmem>>
              %dma_start3A_1074 = tpu.memref_squeeze %dma_start3A_1073 : memref<1x64x256xf32, #tpu.memory_space<vmem>> -> memref<64x256xf32, #tpu.memory_space<vmem>>
              %dma_start3A_1075 = arith.constant 0 : i32
              %dma_start3A_1076 = tpu.memref_slice %arg4[%dma_start3A_1075, %multiple_of3A_1070] : memref<64x2600000xf32, #tpu.memory_space<hbm>> -> memref<64x256xf32, #tpu.memory_space<hbm>>
              %dma_start3A_1077 = arith.constant 0 : i32
              %dma_start3A_1078 = arith.constant 0 : i32
              %dma_start3A_1079 = tpu.memref_slice %arg17[%dma_start3A, %dma_start3A_1077, %dma_start3A_1078] : memref<4x64x256xf32, #tpu.memory_space<vmem>> -> memref<1x64x256xf32, #tpu.memory_space<vmem>>
              %dma_start3A_1080 = tpu.memref_squeeze %dma_start3A_1079 : memref<1x64x256xf32, #tpu.memory_space<vmem>> -> memref<64x256xf32, #tpu.memory_space<vmem>>
              %dma_start3A_1081 = arith.constant 0 : i32
              %dma_start3A_1082 = tpu.memref_slice %arg4[%dma_start3A_1081, %multiple_of3A_1070] : memref<64x2600000xf32, #tpu.memory_space<hbm>> -> memref<64x256xf32, #tpu.memory_space<hbm>>
              tpu.enqueue_dma source(%dma_start3A_1082 : memref<64x256xf32, #tpu.memory_space<hbm>>) target(%dma_start3A_1080 : memref<64x256xf32, #tpu.memory_space<vmem>>) target_semaphore(%arg21 : memref<!tpu.dma_semaphore, #tpu.memory_space<semaphore_mem>>)
            } else {
            }
          } else {
          }
        } else {
        }
        %mul3A_1003 = arith.constant 4 : i32
        %mul3A_1004 = arith.muli %while3A_978, %mul3A_1003 : i32
        %add3A_1005 = arith.constant 3 : i32
        %add3A_1006 = arith.addi %mul3A_1004, %add3A_1005 : i32
        %lt3A_1007 = arith.cmpi slt, %add3A_1006, %add3A_33 : i32
        %convert_element_type3A_1008 = arith.extui %lt3A_1007 : i1 to i32
        %cond3A_1009 = arith.constant 0 : i32
        %cond3A_1010 = arith.cmpi ne, %convert_element_type3A_1008, %cond3A_1009 : i32
        scf.if %cond3A_1010 {
          %multiple_of3A = arith.constant 0 : i32
          %multiple_of3A_1011 = tpu.assume_multiple %multiple_of3A, 128 : i32
          %dma_wait3A_1012 = arith.constant 3 : i32
          %dma_wait3A_1013 = arith.constant 0 : i32
          %dma_wait3A_1014 = arith.constant 0 : i32
          %dma_wait3A_1015 = tpu.memref_slice %arg17[%dma_wait3A_1012, %dma_wait3A_1013, %dma_wait3A_1014] : memref<4x64x256xf32, #tpu.memory_space<vmem>> -> memref<1x64x256xf32, #tpu.memory_space<vmem>>
          %dma_wait3A_1016 = tpu.memref_squeeze %dma_wait3A_1015 : memref<1x64x256xf32, #tpu.memory_space<vmem>> -> memref<64x256xf32, #tpu.memory_space<vmem>>
          %dma_wait3A_1017 = arith.constant 0 : i32
          %dma_wait3A_1018 = tpu.memref_slice %arg4[%dma_wait3A_1017, %multiple_of3A_1011] : memref<64x2600000xf32, #tpu.memory_space<hbm>> -> memref<64x256xf32, #tpu.memory_space<hbm>>
          %dma_wait3A_1019 = arith.constant 0 : i32
          %dma_wait3A_1020 = arith.constant 0 : i32
          %dma_wait3A_1021 = tpu.memref_slice %arg17[%dma_wait3A_1012, %dma_wait3A_1019, %dma_wait3A_1020] : memref<4x64x256xf32, #tpu.memory_space<vmem>> -> memref<1x64x256xf32, #tpu.memory_space<vmem>>
          %dma_wait3A_1022 = tpu.memref_squeeze %dma_wait3A_1021 : memref<1x64x256xf32, #tpu.memory_space<vmem>> -> memref<64x256xf32, #tpu.memory_space<vmem>>
          %dma_wait3A_1023 = arith.constant 0 : i32
          %dma_wait3A_1024 = tpu.memref_slice %arg4[%dma_wait3A_1023, %multiple_of3A_1011] : memref<64x2600000xf32, #tpu.memory_space<hbm>> -> memref<64x256xf32, #tpu.memory_space<hbm>>
          tpu.wait_dma2 semaphore(%arg22 : memref<!tpu.dma_semaphore, #tpu.memory_space<semaphore_mem>>) src(%dma_wait3A_1024 : memref<64x256xf32, #tpu.memory_space<hbm>>) dst(%dma_wait3A_1022 : memref<64x256xf32, #tpu.memory_space<vmem>>)
          %add3A_1025 = arith.constant 1 : i32
          %add3A_1026 = arith.addi %add3A_1006, %add3A_1025 : i32
          %broadcast_in_dim3A_1027 = vector.broadcast %add3A_1026 : i32 to vector<16xi32>
          %gather3A_1028 = tpu.vector_load_idx %arg12[%broadcast_in_dim3A_1027] : memref<512xi32, #tpu.memory_space<vmem>>[vector<16xi32>], vector<16xi32>,
          %reduce_max3A_1029 = arith.constant true
          %reduce_max3A_1030 = vector.broadcast %reduce_max3A_1029 : i1 to vector<16xi1>
          %reduce_max3A_1031 = arith.constant -2147483648 : i32
          %reduce_max3A_1032 = vector.broadcast %reduce_max3A_1031 : i32 to vector<16xi32>
          %reduce_max3A_1033 = arith.xori %gather3A_1028, %reduce_max3A_1032 : vector<16xi32>
          %reduce_max3A_1034 = tpu.scan <max>, %reduce_max3A_1033 masked %reduce_max3A_1030 : vector<16xi32>, vector<16xi1> -> vector<16xi32>
          %reduce_max3A_1035 = arith.xori %reduce_max3A_1034, %reduce_max3A_1032 : vector<16xi32>
          %reduce_max3A_1036 = vector.extract %reduce_max3A_1035[15] : i32 from vector<16xi32>
          %min3A_1037 = arith.constant 4096 : i32
          %min3A_1038 = arith.minsi %reduce_max3A_1036, %min3A_1037 : i32
          %broadcast_in_dim3A_1039 = vector.broadcast %add3A_1006 : i32 to vector<16xi32>
          %gather3A_1040 = tpu.vector_load_idx %arg12[%broadcast_in_dim3A_1039] : memref<512xi32, #tpu.memory_space<vmem>>[vector<16xi32>], vector<16xi32>,
          %reduce_max3A_1041 = arith.constant true
          %reduce_max3A_1042 = vector.broadcast %reduce_max3A_1041 : i1 to vector<16xi1>
          %reduce_max3A_1043 = arith.constant -2147483648 : i32
          %reduce_max3A_1044 = vector.broadcast %reduce_max3A_1043 : i32 to vector<16xi32>
          %reduce_max3A_1045 = arith.xori %gather3A_1040, %reduce_max3A_1044 : vector<16xi32>
          %reduce_max3A_1046 = tpu.scan <max>, %reduce_max3A_1045 masked %reduce_max3A_1042 : vector<16xi32>, vector<16xi1> -> vector<16xi32>
          %reduce_max3A_1047 = arith.xori %reduce_max3A_1046, %reduce_max3A_1044 : vector<16xi32>
          %reduce_max3A_1048 = vector.extract %reduce_max3A_1047[15] : i32 from vector<16xi32>
          %min3A_1049 = arith.minsi %reduce_max3A_1048, %min3A_1038 : i32
          %while3A_1050 = scf.while (%while3A_1057 = %min3A_1049) : (i32) -> i32 {
            %lt3A_1058 = arith.cmpi slt, %while3A_1057, %min3A_1038 : i32
            scf.condition(%lt3A_1058) %while3A_1057 : i32
          } do {
          ^bb0(%while3A_1057: i32):
            %broadcast_in_dim3A_1058 = vector.broadcast %while3A_1057 : i32 to vector<16xi32>
            %jit3A_1059 = arith.constant 0 : i32
            %jit3A_1060 = arith.constant 4095 : i32
            %max3A = vector.broadcast %jit3A_1059 : i32 to vector<16xi32>
            %max3A_1061 = arith.maxsi %max3A, %broadcast_in_dim3A_1058 : vector<16xi32>
            %min3A_1062 = vector.broadcast %jit3A_1060 : i32 to vector<16xi32>
            %min3A_1063 = arith.minsi %min3A_1062, %max3A_1061 : vector<16xi32>
            %gather3A_1064 = tpu.vector_load_idx %arg9[%min3A_1063] : memref<4096xi32, #tpu.memory_space<vmem>>[vector<16xi32>], vector<16xi32>,
            %shift_right_logical3A_1065 = arith.constant 7 : i32
            %shift_right_logical3A_1066 = arith.shrui %while3A_1057, %shift_right_logical3A_1065 : i32
            %and3A_1067 = arith.constant 1 : i32
            %and3A_1068 = arith.andi %shift_right_logical3A_1066, %and3A_1067 : i32
            %and3A_1069 = arith.constant 127 : i32
            %and3A_1070 = arith.andi %while3A_1057, %and3A_1069 : i32
            %eq3A = arith.constant 0 : i32
            %eq3A_1071 = arith.cmpi eq, %and3A_1070, %eq3A : i32
            %ge3A = arith.constant 2 : i32
            %ge3A_1072 = arith.cmpi sge, %shift_right_logical3A_1066, %ge3A : i32
            %and3A_1073 = arith.andi %eq3A_1071, %ge3A_1072 : i1
            %eq3A_1074 = arith.constant 0 : i32
            %eq3A_1075 = arith.cmpi eq, %and3A_1068, %eq3A_1074 : i32
            %and3A_1076 = arith.andi %and3A_1073, %eq3A_1075 : i1
            %convert_element_type3A_1077 = arith.extui %and3A_1076 : i1 to i32
            %cond3A_1078 = arith.constant 0 : i32
            %cond3A_1079 = arith.cmpi ne, %convert_element_type3A_1077, %cond3A_1078 : i32
            scf.if %cond3A_1079 {
              %dma_wait3A_1165 = arith.constant 0 : i32
              %dma_wait3A_1166 = arith.constant 0 : i32
              %dma_wait3A_1167 = arith.constant 0 : i32
              %dma_wait3A_1168 = arith.constant 0 : i32
              %dma_wait3A_1169 = tpu.memref_slice %arg18[%dma_wait3A_1165, %dma_wait3A_1167, %dma_wait3A_1168] : memref<2x128x128xf32, #tpu.memory_space<vmem>> -> memref<1x128x128xf32, #tpu.memory_space<vmem>>
              %dma_wait3A_1170 = tpu.memref_squeeze %dma_wait3A_1169 : memref<1x128x128xf32, #tpu.memory_space<vmem>> -> memref<128x128xf32, #tpu.memory_space<vmem>>
              %dma_wait3A_1171 = arith.constant 0 : i32
              %dma_wait3A_1172 = tpu.memref_slice %arg14[%dma_wait3A_1166, %dma_wait3A_1171] : memref<32x128xi32, #tpu.memory_space<vmem>> -> memref<1x128xi32, #tpu.memory_space<vmem>>
              %dma_wait3A_1173 = tpu.memref_squeeze %dma_wait3A_1172 : memref<1x128xi32, #tpu.memory_space<vmem>> -> memref<128xi32, #tpu.memory_space<vmem>>
              %dma_wait3A_1174 = arith.constant 0 : i32
              %dma_wait3A_1175 = arith.constant 0 : i32
              %dma_wait3A_1176 = tpu.memref_slice %arg7[%dma_wait3A_1174, %dma_wait3A_1175] : memref<106496x128xf32, #tpu.memory_space<hbm>> -> memref<106496x128xf32, #tpu.memory_space<hbm>>
              tpu.wait_indirect_dma semaphore(%arg23 : memref<!tpu.dma_semaphore, #tpu.memory_space<semaphore_mem>>) src(%dma_wait3A_1170 : memref<128x128xf32, #tpu.memory_space<vmem>>) dst(%dma_wait3A_1176 : memref<106496x128xf32, #tpu.memory_space<hbm>>)
            } else {
            }
            %eq3A_1080 = arith.constant 0 : i32
            %eq3A_1081 = arith.cmpi eq, %and3A_1070, %eq3A_1080 : i32
            %ge3A_1082 = arith.constant 2 : i32
            %ge3A_1083 = arith.cmpi sge, %shift_right_logical3A_1066, %ge3A_1082 : i32
            %and3A_1084 = arith.andi %eq3A_1081, %ge3A_1083 : i1
            %eq3A_1085 = arith.constant 1 : i32
            %eq3A_1086 = arith.cmpi eq, %and3A_1068, %eq3A_1085 : i32
            %and3A_1087 = arith.andi %and3A_1084, %eq3A_1086 : i1
            %convert_element_type3A_1088 = arith.extui %and3A_1087 : i1 to i32
            %cond3A_1089 = arith.constant 0 : i32
            %cond3A_1090 = arith.cmpi ne, %convert_element_type3A_1088, %cond3A_1089 : i32
            scf.if %cond3A_1090 {
              %dma_wait3A_1165 = arith.constant 1 : i32
              %dma_wait3A_1166 = arith.constant 0 : i32
              %dma_wait3A_1167 = arith.constant 0 : i32
              %dma_wait3A_1168 = arith.constant 0 : i32
              %dma_wait3A_1169 = tpu.memref_slice %arg18[%dma_wait3A_1165, %dma_wait3A_1167, %dma_wait3A_1168] : memref<2x128x128xf32, #tpu.memory_space<vmem>> -> memref<1x128x128xf32, #tpu.memory_space<vmem>>
              %dma_wait3A_1170 = tpu.memref_squeeze %dma_wait3A_1169 : memref<1x128x128xf32, #tpu.memory_space<vmem>> -> memref<128x128xf32, #tpu.memory_space<vmem>>
              %dma_wait3A_1171 = arith.constant 0 : i32
              %dma_wait3A_1172 = tpu.memref_slice %arg14[%dma_wait3A_1166, %dma_wait3A_1171] : memref<32x128xi32, #tpu.memory_space<vmem>> -> memref<1x128xi32, #tpu.memory_space<vmem>>
              %dma_wait3A_1173 = tpu.memref_squeeze %dma_wait3A_1172 : memref<1x128xi32, #tpu.memory_space<vmem>> -> memref<128xi32, #tpu.memory_space<vmem>>
              %dma_wait3A_1174 = arith.constant 0 : i32
              %dma_wait3A_1175 = arith.constant 0 : i32
              %dma_wait3A_1176 = tpu.memref_slice %arg7[%dma_wait3A_1174, %dma_wait3A_1175] : memref<106496x128xf32, #tpu.memory_space<hbm>> -> memref<106496x128xf32, #tpu.memory_space<hbm>>
              tpu.wait_indirect_dma semaphore(%arg24 : memref<!tpu.dma_semaphore, #tpu.memory_space<semaphore_mem>>) src(%dma_wait3A_1170 : memref<128x128xf32, #tpu.memory_space<vmem>>) dst(%dma_wait3A_1176 : memref<106496x128xf32, #tpu.memory_space<hbm>>)
            } else {
            }
            %add3A_1091 = arith.constant 0 : i32
            %add3A_1092 = vector.broadcast %add3A_1091 : i32 to vector<16xi32>
            %add3A_1093 = arith.addi %iota3A, %add3A_1092 : vector<16xi32>
            %gather3A_1094 = arith.constant 3 : i32
            %gather3A_1095 = arith.constant 0 : i32
            %gather3A_1096 = arith.constant 0 : i32
            %gather3A_1097 = tpu.memref_slice %arg17[%gather3A_1094, %gather3A_1095, %gather3A_1096] : memref<4x64x256xf32, #tpu.memory_space<vmem>> -> memref<1x64x256xf32, #tpu.memory_space<vmem>>
            %gather3A_1098 = tpu.memref_squeeze %gather3A_1097 : memref<1x64x256xf32, #tpu.memory_space<vmem>> -> memref<64x256xf32, #tpu.memory_space<vmem>>
            %gather3A_1099 = tpu.vector_load_idx %gather3A_1098[%add3A_1093, %gather3A_1064] : memref<64x256xf32, #tpu.memory_space<vmem>>[vector<16xi32>, vector<16xi32>], vector<16xf32>,
            %add3A_1100 = arith.addf %gather3A_1099, %gather3A_46 : vector<16xf32>
            %swap3A_1101 = arith.index_cast %and3A_1068 : i32 to index
            %swap3A_1102 = arith.index_cast %and3A_1070 : i32 to index
            %swap3A_1103 = arith.constant 0 : index
            %swap3A_1104 = tpu.vector_load %arg18[%swap3A_1101, %swap3A_1102, %swap3A_1103] {strides = array<i32>} : memref<2x128x128xf32, #tpu.memory_space<vmem>>, vector<16xf32>,
            tpu.vector_store %arg18[%swap3A_1101, %swap3A_1102, %swap3A_1103], %add3A_1100 {strides = array<i32>} : memref<2x128x128xf32, #tpu.memory_space<vmem>>, vector<16xf32>,
            %add3A_1105 = arith.constant 16 : i32
            %add3A_1106 = vector.broadcast %add3A_1105 : i32 to vector<16xi32>
            %add3A_1107 = arith.addi %iota3A, %add3A_1106 : vector<16xi32>
            %gather3A_1108 = arith.constant 3 : i32
            %gather3A_1109 = arith.constant 0 : i32
            %gather3A_1110 = arith.constant 0 : i32
            %gather3A_1111 = tpu.memref_slice %arg17[%gather3A_1108, %gather3A_1109, %gather3A_1110] : memref<4x64x256xf32, #tpu.memory_space<vmem>> -> memref<1x64x256xf32, #tpu.memory_space<vmem>>
            %gather3A_1112 = tpu.memref_squeeze %gather3A_1111 : memref<1x64x256xf32, #tpu.memory_space<vmem>> -> memref<64x256xf32, #tpu.memory_space<vmem>>
            %gather3A_1113 = tpu.vector_load_idx %gather3A_1112[%add3A_1107, %gather3A_1064] : memref<64x256xf32, #tpu.memory_space<vmem>>[vector<16xi32>, vector<16xi32>], vector<16xf32>,
            %add3A_1114 = arith.addf %gather3A_1113, %gather3A_54 : vector<16xf32>
            %swap3A_1115 = arith.index_cast %and3A_1068 : i32 to index
            %swap3A_1116 = arith.index_cast %and3A_1070 : i32 to index
            %swap3A_1117 = arith.constant 16 : index
            %swap3A_1118 = tpu.vector_load %arg18[%swap3A_1115, %swap3A_1116, %swap3A_1117] {strides = array<i32>} : memref<2x128x128xf32, #tpu.memory_space<vmem>>, vector<16xf32>,
            tpu.vector_store %arg18[%swap3A_1115, %swap3A_1116, %swap3A_1117], %add3A_1114 {strides = array<i32>} : memref<2x128x128xf32, #tpu.memory_space<vmem>>, vector<16xf32>,
            %add3A_1119 = arith.constant 32 : i32
            %add3A_1120 = vector.broadcast %add3A_1119 : i32 to vector<16xi32>
            %add3A_1121 = arith.addi %iota3A, %add3A_1120 : vector<16xi32>
            %gather3A_1122 = arith.constant 3 : i32
            %gather3A_1123 = arith.constant 0 : i32
            %gather3A_1124 = arith.constant 0 : i32
            %gather3A_1125 = tpu.memref_slice %arg17[%gather3A_1122, %gather3A_1123, %gather3A_1124] : memref<4x64x256xf32, #tpu.memory_space<vmem>> -> memref<1x64x256xf32, #tpu.memory_space<vmem>>
            %gather3A_1126 = tpu.memref_squeeze %gather3A_1125 : memref<1x64x256xf32, #tpu.memory_space<vmem>> -> memref<64x256xf32, #tpu.memory_space<vmem>>
            %gather3A_1127 = tpu.vector_load_idx %gather3A_1126[%add3A_1121, %gather3A_1064] : memref<64x256xf32, #tpu.memory_space<vmem>>[vector<16xi32>, vector<16xi32>], vector<16xf32>,
            %add3A_1128 = arith.addf %gather3A_1127, %gather3A_62 : vector<16xf32>
            %swap3A_1129 = arith.index_cast %and3A_1068 : i32 to index
            %swap3A_1130 = arith.index_cast %and3A_1070 : i32 to index
            %swap3A_1131 = arith.constant 32 : index
            %swap3A_1132 = tpu.vector_load %arg18[%swap3A_1129, %swap3A_1130, %swap3A_1131] {strides = array<i32>} : memref<2x128x128xf32, #tpu.memory_space<vmem>>, vector<16xf32>,
            tpu.vector_store %arg18[%swap3A_1129, %swap3A_1130, %swap3A_1131], %add3A_1128 {strides = array<i32>} : memref<2x128x128xf32, #tpu.memory_space<vmem>>, vector<16xf32>,
            %add3A_1133 = arith.constant 48 : i32
            %add3A_1134 = vector.broadcast %add3A_1133 : i32 to vector<16xi32>
            %add3A_1135 = arith.addi %iota3A, %add3A_1134 : vector<16xi32>
            %gather3A_1136 = arith.constant 3 : i32
            %gather3A_1137 = arith.constant 0 : i32
            %gather3A_1138 = arith.constant 0 : i32
            %gather3A_1139 = tpu.memref_slice %arg17[%gather3A_1136, %gather3A_1137, %gather3A_1138] : memref<4x64x256xf32, #tpu.memory_space<vmem>> -> memref<1x64x256xf32, #tpu.memory_space<vmem>>
            %gather3A_1140 = tpu.memref_squeeze %gather3A_1139 : memref<1x64x256xf32, #tpu.memory_space<vmem>> -> memref<64x256xf32, #tpu.memory_space<vmem>>
            %gather3A_1141 = tpu.vector_load_idx %gather3A_1140[%add3A_1135, %gather3A_1064] : memref<64x256xf32, #tpu.memory_space<vmem>>[vector<16xi32>, vector<16xi32>], vector<16xf32>,
            %add3A_1142 = arith.addf %gather3A_1141, %gather3A_70 : vector<16xf32>
            %swap3A_1143 = arith.index_cast %and3A_1068 : i32 to index
            %swap3A_1144 = arith.index_cast %and3A_1070 : i32 to index
            %swap3A_1145 = arith.constant 48 : index
            %swap3A_1146 = tpu.vector_load %arg18[%swap3A_1143, %swap3A_1144, %swap3A_1145] {strides = array<i32>} : memref<2x128x128xf32, #tpu.memory_space<vmem>>, vector<16xf32>,
            tpu.vector_store %arg18[%swap3A_1143, %swap3A_1144, %swap3A_1145], %add3A_1142 {strides = array<i32>} : memref<2x128x128xf32, #tpu.memory_space<vmem>>, vector<16xf32>,
            %eq3A_1147 = arith.constant 127 : i32
            %eq3A_1148 = arith.cmpi eq, %and3A_1070, %eq3A_1147 : i32
            %eq3A_1149 = arith.constant 0 : i32
            %eq3A_1150 = arith.cmpi eq, %and3A_1068, %eq3A_1149 : i32
            %and3A_1151 = arith.andi %eq3A_1148, %eq3A_1150 : i1
            %convert_element_type3A_1152 = arith.extui %and3A_1151 : i1 to i32
            %cond3A_1153 = arith.constant 0 : i32
            %cond3A_1154 = arith.cmpi ne, %convert_element_type3A_1152, %cond3A_1153 : i32
            scf.if %cond3A_1154 {
              %dma_start3A = arith.constant 0 : i32
              %dma_start3A_1165 = arith.constant 0 : i32
              %dma_start3A_1166 = arith.constant 0 : i32
              %dma_start3A_1167 = tpu.memref_slice %arg18[%dma_start3A, %dma_start3A_1165, %dma_start3A_1166] : memref<2x128x128xf32, #tpu.memory_space<vmem>> -> memref<1x128x128xf32, #tpu.memory_space<vmem>>
              %dma_start3A_1168 = tpu.memref_squeeze %dma_start3A_1167 : memref<1x128x128xf32, #tpu.memory_space<vmem>> -> memref<128x128xf32, #tpu.memory_space<vmem>>
              %dma_start3A_1169 = arith.constant 0 : i32
              %dma_start3A_1170 = tpu.memref_slice %arg14[%shift_right_logical3A_1066, %dma_start3A_1169] : memref<32x128xi32, #tpu.memory_space<vmem>> -> memref<1x128xi32, #tpu.memory_space<vmem>>
              %dma_start3A_1171 = tpu.memref_squeeze %dma_start3A_1170 : memref<1x128xi32, #tpu.memory_space<vmem>> -> memref<128xi32, #tpu.memory_space<vmem>>
              %dma_start3A_1172 = arith.constant 0 : i32
              %dma_start3A_1173 = arith.constant 0 : i32
              %dma_start3A_1174 = tpu.memref_slice %arg7[%dma_start3A_1172, %dma_start3A_1173] : memref<106496x128xf32, #tpu.memory_space<hbm>> -> memref<106496x128xf32, #tpu.memory_space<hbm>>
              tpu.enqueue_indirect_dma source(%dma_start3A_1168 : memref<128x128xf32, #tpu.memory_space<vmem>>) target(%dma_start3A_1174 : memref<106496x128xf32, #tpu.memory_space<hbm>>) offsets(%dma_start3A_1171 : memref<128xi32, #tpu.memory_space<vmem>>) semaphore(%arg23 : memref<!tpu.dma_semaphore, #tpu.memory_space<semaphore_mem>>)
            } else {
            }
            %eq3A_1155 = arith.constant 127 : i32
            %eq3A_1156 = arith.cmpi eq, %and3A_1070, %eq3A_1155 : i32
            %eq3A_1157 = arith.constant 1 : i32
            %eq3A_1158 = arith.cmpi eq, %and3A_1068, %eq3A_1157 : i32
            %and3A_1159 = arith.andi %eq3A_1156, %eq3A_1158 : i1
            %convert_element_type3A_1160 = arith.extui %and3A_1159 : i1 to i32
            %cond3A_1161 = arith.constant 0 : i32
            %cond3A_1162 = arith.cmpi ne, %convert_element_type3A_1160, %cond3A_1161 : i32
            scf.if %cond3A_1162 {
              %dma_start3A = arith.constant 1 : i32
              %dma_start3A_1165 = arith.constant 0 : i32
              %dma_start3A_1166 = arith.constant 0 : i32
              %dma_start3A_1167 = tpu.memref_slice %arg18[%dma_start3A, %dma_start3A_1165, %dma_start3A_1166] : memref<2x128x128xf32, #tpu.memory_space<vmem>> -> memref<1x128x128xf32, #tpu.memory_space<vmem>>
              %dma_start3A_1168 = tpu.memref_squeeze %dma_start3A_1167 : memref<1x128x128xf32, #tpu.memory_space<vmem>> -> memref<128x128xf32, #tpu.memory_space<vmem>>
              %dma_start3A_1169 = arith.constant 0 : i32
              %dma_start3A_1170 = tpu.memref_slice %arg14[%shift_right_logical3A_1066, %dma_start3A_1169] : memref<32x128xi32, #tpu.memory_space<vmem>> -> memref<1x128xi32, #tpu.memory_space<vmem>>
              %dma_start3A_1171 = tpu.memref_squeeze %dma_start3A_1170 : memref<1x128xi32, #tpu.memory_space<vmem>> -> memref<128xi32, #tpu.memory_space<vmem>>
              %dma_start3A_1172 = arith.constant 0 : i32
              %dma_start3A_1173 = arith.constant 0 : i32
              %dma_start3A_1174 = tpu.memref_slice %arg7[%dma_start3A_1172, %dma_start3A_1173] : memref<106496x128xf32, #tpu.memory_space<hbm>> -> memref<106496x128xf32, #tpu.memory_space<hbm>>
              tpu.enqueue_indirect_dma source(%dma_start3A_1168 : memref<128x128xf32, #tpu.memory_space<vmem>>) target(%dma_start3A_1174 : memref<106496x128xf32, #tpu.memory_space<hbm>>) offsets(%dma_start3A_1171 : memref<128xi32, #tpu.memory_space<vmem>>) semaphore(%arg24 : memref<!tpu.dma_semaphore, #tpu.memory_space<semaphore_mem>>)
            } else {
            }
            %add3A_1163 = arith.constant 1 : i32
            %add3A_1164 = arith.addi %while3A_1057, %add3A_1163 : i32
            scf.yield %add3A_1164 : i32
          }
          %add3A_1051 = arith.constant 4 : i32
          %add3A_1052 = arith.addi %add3A_1006, %add3A_1051 : i32
          %lt3A_1053 = arith.cmpi slt, %add3A_1052, %add3A_33 : i32
          %convert_element_type3A_1054 = arith.extui %lt3A_1053 : i1 to i32
          %cond3A_1055 = arith.constant 0 : i32
          %cond3A_1056 = arith.cmpi ne, %convert_element_type3A_1054, %cond3A_1055 : i32
          scf.if %cond3A_1056 {
            %sub3A_1057 = arith.constant 1 : i32
            %sub3A_1058 = arith.subi %add3A_33, %sub3A_1057 : i32
            %eq3A = arith.cmpi eq, %add3A_1052, %sub3A_1058 : i32
            %and3A_1059 = arith.andi %gt3A_38, %eq3A : i1
            %convert_element_type3A_1060 = arith.extui %and3A_1059 : i1 to i32
            %cond3A_1061 = arith.constant 0 : i32
            %cond3A_1062 = arith.cmpi ne, %convert_element_type3A_1060, %cond3A_1061 : i32
            scf.if %cond3A_1062 {
              %dma_start3A = arith.constant 3 : i32
              %dma_start3A_1067 = arith.constant 0 : i32
              %dma_start3A_1068 = arith.constant 0 : i32
              %dma_start3A_1069 = tpu.memref_slice %arg17[%dma_start3A, %dma_start3A_1067, %dma_start3A_1068] : memref<4x64x256xf32, #tpu.memory_space<vmem>> -> memref<1x64x256xf32, #tpu.memory_space<vmem>>
              %dma_start3A_1070 = tpu.memref_squeeze %dma_start3A_1069 : memref<1x64x256xf32, #tpu.memory_space<vmem>> -> memref<64x256xf32, #tpu.memory_space<vmem>>
              %dma_start3A_1071 = arith.constant 0 : i32
              %dma_start3A_1072 = arith.constant 0 : i32
              %dma_start3A_1073 = tpu.memref_slice %arg17[%dma_start3A, %dma_start3A_1071, %dma_start3A_1072] : memref<4x64x256xf32, #tpu.memory_space<vmem>> -> memref<1x64x256xf32, #tpu.memory_space<vmem>>
              %dma_start3A_1074 = tpu.memref_squeeze %dma_start3A_1073 : memref<1x64x256xf32, #tpu.memory_space<vmem>> -> memref<64x256xf32, #tpu.memory_space<vmem>>
              tpu.enqueue_dma source(%arg5 : memref<64x256xf32, #tpu.memory_space<hbm>>) target(%dma_start3A_1074 : memref<64x256xf32, #tpu.memory_space<vmem>>) target_semaphore(%arg22 : memref<!tpu.dma_semaphore, #tpu.memory_space<semaphore_mem>>)
            } else {
            }
            %not3A = arith.constant true
            %not3A_1063 = arith.xori %and3A_1059, %not3A : i1
            %convert_element_type3A_1064 = arith.extui %not3A_1063 : i1 to i32
            %cond3A_1065 = arith.constant 0 : i32
            %cond3A_1066 = arith.cmpi ne, %convert_element_type3A_1064, %cond3A_1065 : i32
            scf.if %cond3A_1066 {
              %add3A_1067 = arith.addi %shift_right_logical3A_27, %add3A_1052 : i32
              %mul3A_1068 = arith.constant 256 : i32
              %mul3A_1069 = arith.muli %add3A_1067, %mul3A_1068 : i32
              %multiple_of3A_1070 = tpu.assume_multiple %mul3A_1069, 128 : i32
              %dma_start3A = arith.constant 3 : i32
              %dma_start3A_1071 = arith.constant 0 : i32
              %dma_start3A_1072 = arith.constant 0 : i32
              %dma_start3A_1073 = tpu.memref_slice %arg17[%dma_start3A, %dma_start3A_1071, %dma_start3A_1072] : memref<4x64x256xf32, #tpu.memory_space<vmem>> -> memref<1x64x256xf32, #tpu.memory_space<vmem>>
              %dma_start3A_1074 = tpu.memref_squeeze %dma_start3A_1073 : memref<1x64x256xf32, #tpu.memory_space<vmem>> -> memref<64x256xf32, #tpu.memory_space<vmem>>
              %dma_start3A_1075 = arith.constant 0 : i32
              %dma_start3A_1076 = tpu.memref_slice %arg4[%dma_start3A_1075, %multiple_of3A_1070] : memref<64x2600000xf32, #tpu.memory_space<hbm>> -> memref<64x256xf32, #tpu.memory_space<hbm>>
              %dma_start3A_1077 = arith.constant 0 : i32
              %dma_start3A_1078 = arith.constant 0 : i32
              %dma_start3A_1079 = tpu.memref_slice %arg17[%dma_start3A, %dma_start3A_1077, %dma_start3A_1078] : memref<4x64x256xf32, #tpu.memory_space<vmem>> -> memref<1x64x256xf32, #tpu.memory_space<vmem>>
              %dma_start3A_1080 = tpu.memref_squeeze %dma_start3A_1079 : memref<1x64x256xf32, #tpu.memory_space<vmem>> -> memref<64x256xf32, #tpu.memory_space<vmem>>
              %dma_start3A_1081 = arith.constant 0 : i32
              %dma_start3A_1082 = tpu.memref_slice %arg4[%dma_start3A_1081, %multiple_of3A_1070] : memref<64x2600000xf32, #tpu.memory_space<hbm>> -> memref<64x256xf32, #tpu.memory_space<hbm>>
              tpu.enqueue_dma source(%dma_start3A_1082 : memref<64x256xf32, #tpu.memory_space<hbm>>) target(%dma_start3A_1080 : memref<64x256xf32, #tpu.memory_space<vmem>>) target_semaphore(%arg22 : memref<!tpu.dma_semaphore, #tpu.memory_space<semaphore_mem>>)
            } else {
            }
          } else {
          }
        } else {
        }
      }
      %dma_wait3A = arith.constant 0 : i32
      %dma_wait3A_955 = arith.constant 0 : i32
      %dma_wait3A_956 = arith.constant 0 : i32
      %dma_wait3A_957 = arith.constant 0 : i32
      %dma_wait3A_958 = tpu.memref_slice %arg18[%dma_wait3A, %dma_wait3A_956, %dma_wait3A_957] : memref<2x128x128xf32, #tpu.memory_space<vmem>> -> memref<1x128x128xf32, #tpu.memory_space<vmem>>
      %dma_wait3A_959 = tpu.memref_squeeze %dma_wait3A_958 : memref<1x128x128xf32, #tpu.memory_space<vmem>> -> memref<128x128xf32, #tpu.memory_space<vmem>>
      %dma_wait3A_960 = arith.constant 0 : i32
      %dma_wait3A_961 = tpu.memref_slice %arg14[%dma_wait3A_955, %dma_wait3A_960] : memref<32x128xi32, #tpu.memory_space<vmem>> -> memref<1x128xi32, #tpu.memory_space<vmem>>
      %dma_wait3A_962 = tpu.memref_squeeze %dma_wait3A_961 : memref<1x128xi32, #tpu.memory_space<vmem>> -> memref<128xi32, #tpu.memory_space<vmem>>
      %dma_wait3A_963 = arith.constant 0 : i32
      %dma_wait3A_964 = arith.constant 0 : i32
      %dma_wait3A_965 = tpu.memref_slice %arg7[%dma_wait3A_963, %dma_wait3A_964] : memref<106496x128xf32, #tpu.memory_space<hbm>> -> memref<106496x128xf32, #tpu.memory_space<hbm>>
      tpu.wait_indirect_dma semaphore(%arg23 : memref<!tpu.dma_semaphore, #tpu.memory_space<semaphore_mem>>) src(%dma_wait3A_959 : memref<128x128xf32, #tpu.memory_space<vmem>>) dst(%dma_wait3A_965 : memref<106496x128xf32, #tpu.memory_space<hbm>>)
      %dma_wait3A_966 = arith.constant 1 : i32
      %dma_wait3A_967 = arith.constant 0 : i32
      %dma_wait3A_968 = arith.constant 0 : i32
      %dma_wait3A_969 = arith.constant 0 : i32
      %dma_wait3A_970 = tpu.memref_slice %arg18[%dma_wait3A_966, %dma_wait3A_968, %dma_wait3A_969] : memref<2x128x128xf32, #tpu.memory_space<vmem>> -> memref<1x128x128xf32, #tpu.memory_space<vmem>>
      %dma_wait3A_971 = tpu.memref_squeeze %dma_wait3A_970 : memref<1x128x128xf32, #tpu.memory_space<vmem>> -> memref<128x128xf32, #tpu.memory_space<vmem>>
      %dma_wait3A_972 = arith.constant 0 : i32
      %dma_wait3A_973 = tpu.memref_slice %arg14[%dma_wait3A_967, %dma_wait3A_972] : memref<32x128xi32, #tpu.memory_space<vmem>> -> memref<1x128xi32, #tpu.memory_space<vmem>>
      %dma_wait3A_974 = tpu.memref_squeeze %dma_wait3A_973 : memref<1x128xi32, #tpu.memory_space<vmem>> -> memref<128xi32, #tpu.memory_space<vmem>>
      %dma_wait3A_975 = arith.constant 0 : i32
      %dma_wait3A_976 = arith.constant 0 : i32
      %dma_wait3A_977 = tpu.memref_slice %arg7[%dma_wait3A_975, %dma_wait3A_976] : memref<106496x128xf32, #tpu.memory_space<hbm>> -> memref<106496x128xf32, #tpu.memory_space<hbm>>
      tpu.wait_indirect_dma semaphore(%arg24 : memref<!tpu.dma_semaphore, #tpu.memory_space<semaphore_mem>>) src(%dma_wait3A_971 : memref<128x128xf32, #tpu.memory_space<vmem>>) dst(%dma_wait3A_977 : memref<106496x128xf32, #tpu.memory_space<hbm>>)
    } else {
    }
    return
  }
}

</mosaic_0001>

<sc_bundles>
// kernel: kernel.3.cloned.1.call-start
scs
__scs_entry_jumppad:
0x0: {  	(pc) =	sbr.rel $0x88, $3  }
0x1: {  	(tag) =	ssettag $0x0;
	lr =	simm.s32 $0x1  }
0x2: {  	[smem:$0x3F9D] =	sst lr;
	_ =	strace $0xD0000000  }
0x3: {  	_ = 	snop  }
0x4: {  	_ = 	snop  }
0x5: {  	_ = 	snop  }
0x6: {  	_ = 	snop  }
0x7: {  	_ = 	snop  }
__scs_overlays_trampoline_lowered:
0x8: {  	[smem:$0x3FAC] =	sst s0  }
0x9: {  	[smem:$0x3FAD] =	sst s1  }
0xa: {  	[smem:$0x3FAE] =	sst s2  }
0xb: {  	[smem:$0x3FAF] =	sst s3  }
0xc: {  	[smem:$0x3FB0] =	sst s4  }
0xd: {  	[smem:$0x3FB1] =	sst s5  }
0xe: {  	[smem:$0x3FB2] =	sst s6  }
0xf: {  	[smem:$0x3FB3] =	sst s7  }
0x10: {  	[smem:$0x3FB4] =	sst s8  }
0x11: {  	[smem:$0x3FB5] =	sst s9;
	s0 =	simm.s32 @!p0 $0x0  }
0x12: {  	s1 =	sld [smem:$0x3F9B];
	s0 =	simm.s32 @p0 $0x1  }
0x13: {  	[smem:$0x3FB6] =	sst s0;
	s0 =	simm.s32 @!p1 $0x0  }
0x14: {  	s2 =	sld [smem:$0x3F9A];
	s0 =	simm.s32 @p1 $0x1  }
0x15: {  	[smem:$0x3FB7] =	sst s0;
	s0 =	simm.s32 @!p2 $0x0  }
0x16: {  	s3 =	sld [smem:$0x3FDB];
	s0 =	simm.s32 @p2 $0x1  }
0x17: {  	s4 =	simm.s32 $0x1BF5;
	[smem:$0x3FB9] =	sst s0  }
0x18: {  	s0 =	sld [smem:$0x3F9C];
	_ =	swait.ge [sflag:s4], $0x0  }
0x19: {  	s7 =	sld [smem:$0x3F9D]  }
0x1a: {  	s8 =	sadd.s32 $0xFFFFE003, lr  }
0x1b: {  	s9 =	sadd.s32 $0xFFFFFEF7, lr;
	s5 =	simm.s32 $0xFFFFFFFF;
	p2 =	slt.u32 s8, $0xFFFFF086  }
0x1c: {  	p1 =	slt.u32 s9, $0xF7A;
	s5 =	simm.s32 @!p2 $0x0  }
0x1d: {  	s5 =	simm.s32 @p1 $0x1;
	p0 =	seq.s32 s7, s2  }
0x1e: {  	s7 =	smul.u32 @!p0 $0xF7A, s2;
	p2 =	seq.s32 @!p0 s5, $0x0  }
0x1f: {  	s9 =	smul.u32 $0xF7A, s1;
	s8 =	simm.s32 @!p0 $0x1BF5;
	p2 =	por !p2, p0  }
0x20: {  	[sflag:s8] =	ssyncset.s32 @!p0 $0xFFFFF086;
	s6 =	sadd.s32 @!p0 s3, s7;
	s7 =	simm.s32 @!p0 $0x108  }
0x21: {  	s3 =	sadd.s32 s3, s9;
	s6 =	sadd.s32 @!p0 $0x88, s6;
	s7 =	simm.s32 @p2 $0x1082  }
0x22: {  	[simem:s7], [sflag:s8] =	dma.local @!p0 [hbm:s6], $0xF7A  }
0x23: {  	s9 =	sor.u32 $0xD0000000, s2;
	s6 =	simm.s32 $0x108;
	_ =	swait.ge @!p0 [sflag:s8], $0x0  }
0x24: {  	s3 =	sadd.s32 $0x88, s3;
	s6 =	simm.s32 @!p1 $0x1082;
	[sflag:s4] =	ssyncset.s32 $0xFFFFF086  }
0x25: {  	[simem:s6], [sflag:s4] =	dma.local [hbm:s3], $0xF7A  }
0x26: {  	[smem:$0x3F9D] =	sst s1;
	(tag) =	ssettag s2;
	_ =	strace s9  }
0x27: {  	s1 =	sld [smem:$0x3FAD]  }
0x28: {  	s2 =	sld [smem:$0x3FAE]  }
0x29: {  	s4 =	sld [smem:$0x3FB0]  }
0x2a: {  	p0 =	seq.s32 s5, $0x0;
	s5 =	sld [smem:$0x3FB1]  }
0x2b: {  	s6 =	sld [smem:$0x3FB2]  }
0x2c: {  	s7 =	sld [smem:$0x3FB3]  }
0x2d: {  	s3 =	simm.s32 $0x108;
	s8 =	sld [smem:$0x3FB4]  }
0x2e: {  	s3 =	simm.s32 @!p0 $0x1082;
	s9 =	sld [smem:$0x3FB5]  }
0x2f: {  	lr =	sadd.s32 s0, s3;
	s0 =	sld [smem:$0x3FAC]  }
0x30: {  	s3 =	sld [smem:$0x3FAF]  }
0x31: {  	[smem:$0x3FB8] =	sst s10  }
0x32: {  	s10 =	sld [smem:$0x3FB6];
	_ =	sdelay $0x3  }
0x33: {  	p0 =	seq.s32 s10, $0x1;
	s10 =	sld [smem:$0x3FB8];
	_ =	sdelay $0x3  }
0x34: {  	[smem:$0x3FB8] =	sst s10  }
0x35: {  	s10 =	sld [smem:$0x3FB7];
	_ =	sdelay $0x3  }
0x36: {  	p1 =	seq.s32 s10, $0x1;
	s10 =	sld [smem:$0x3FB8];
	_ =	sdelay $0x3  }
0x37: {  	[smem:$0x3FB8] =	sst s10  }
0x38: {  	s10 =	sld [smem:$0x3FB9]  }
0x39: {  	_ = 	snop;
	(pc) =	sbr.ind lr, $3  }
0x3a: {  	_ = 	snop  }
0x3b: {  	_ = 	snop  }
0x3c: {  	p2 =	seq.s32 s10, $0x1;
	s10 =	sld [smem:$0x3FB8]  }
0x3d: {  	_ =	shalt  }
0x3e: {  	_ =	shalt  }
0x3f: {  	_ =	shalt  }
0x40: {  	_ =	shalt  }
0x41: {  	_ =	shalt  }
0x42: {  	_ =	shalt  }
0x43: {  	_ =	shalt  }
0x44: {  	_ =	shalt  }
0x45: {  	_ =	shalt  }
0x46: {  	_ =	shalt  }
0x47: {  	_ =	shalt  }
0x48: {  	_ =	shalt  }
0x49: {  	_ =	shalt  }
0x4a: {  	_ =	shalt  }
0x4b: {  	_ =	shalt  }
0x4c: {  	_ =	shalt  }
0x4d: {  	_ =	shalt  }
0x4e: {  	_ =	shalt  }
0x4f: {  	_ =	shalt  }
0x50: {  	_ =	shalt  }
0x51: {  	_ =	shalt  }
0x52: {  	_ =	shalt  }
0x53: {  	_ =	shalt  }
0x54: {  	_ =	shalt  }
0x55: {  	_ =	shalt  }
0x56: {  	_ =	shalt  }
0x57: {  	_ =	shalt  }
0x58: {  	_ =	shalt  }
0x59: {  	_ =	shalt  }
0x5a: {  	_ =	shalt  }
0x5b: {  	_ =	shalt  }
0x5c: {  	_ =	shalt  }
0x5d: {  	_ =	shalt  }
0x5e: {  	_ =	shalt  }
0x5f: {  	_ =	shalt  }
0x60: {  	_ =	shalt  }
0x61: {  	_ =	shalt  }
0x62: {  	_ =	shalt  }
0x63: {  	_ =	shalt  }
0x64: {  	_ =	shalt  }
0x65: {  	_ =	shalt  }
0x66: {  	_ =	shalt  }
0x67: {  	_ =	shalt  }
0x68: {  	_ =	shalt  }
0x69: {  	_ =	shalt  }
0x6a: {  	_ =	shalt  }
0x6b: {  	_ =	shalt  }
0x6c: {  	_ =	shalt  }
0x6d: {  	_ =	shalt  }
0x6e: {  	_ =	shalt  }
0x6f: {  	_ =	shalt  }
0x70: {  	_ =	shalt  }
0x71: {  	_ =	shalt  }
0x72: {  	_ =	shalt  }
0x73: {  	_ =	shalt  }
0x74: {  	_ =	shalt  }
0x75: {  	_ =	shalt  }
0x76: {  	_ =	shalt  }
0x77: {  	_ =	shalt  }
0x78: {  	_ =	shalt  }
0x79: {  	_ =	shalt  }
0x7a: {  	_ =	shalt  }
0x7b: {  	_ =	shalt  }
0x7c: {  	_ =	shalt  }
0x7d: {  	_ =	shalt  }
0x7e: {  	_ =	shalt  }
0x7f: {  	_ =	shalt  }
0x80: {  	_ =	shalt  }
0x81: {  	_ =	shalt  }
0x82: {  	_ =	shalt  }
0x83: {  	_ =	shalt  }
0x84: {  	_ =	shalt  }
0x85: {  	_ =	shalt  }
0x86: {  	_ =	shalt  }
0x87: {  	_ =	shalt  }
.Lfunc_end0:
.L_simem_size_0:
called_computation_lowered:
.L_overlay_start_0:
0x88: {  	s2 =	sld [smem:$0x3FD9]  }
0x89: {  	s3 =	sld [smem:$0x3FFE];
	_ =	sdelay $0x1  }
0x8a: {  	s1 =	srdreg.scid  }
0x8b: {  	s0 =	sand.u32 $0x1, s1  }
0x8c: {  	s17 =	sshll.u32 s0, $0xA;
	s2 =	sadd.s32 s3, s2  }
0x8d: {  	s2 =	sadd.s32 s2, s17  }
0x8e: {  	[smem:$0x3FC4] =	sst s2  }
0x8f: {  	_ = 	snop  }
0x90: {  	s2 =	sld [smem:$0x3FC9]  }
0x91: {  	s18 =	sld [smem:$0x3FC8]  }
0x92: {  	s4 =	sld [smem:$0x3FC6]  }
0x93: {  	s5 =	sld [smem:$0x3FD0];
	(tm) =	ssettm $0x1  }
0x94: {  	s6 =	sld [smem:$0x3FFB];
	_ =	sdelay $0x3  }
0x95: {  	_ =	strace s6  }
0x96: {  	s6 =	sld [smem:$0x3FFC];
	_ =	sdelay $0x3  }
0x97: {  	_ =	strace s6  }
0x98: {  	s6 =	sld [smem:$0x3FFD];
	_ =	sdelay $0x3  }
0x99: {  	_ =	strace s6  }
0x9a: {  	_ =	strace $0x8FFFFFFF  }
0x9b: {  	s19 =	sld [smem:$0x3FDB];
	_ =	sdelay $0x1  }
0x9c: {  	s7 =	simm.s32 $_scs_section_size  }
0x9d: {  	s8 =	simm.s32 $_size__tile_overlayer_lowered;
	s9 =	simm.s32 $_tile_overlayer_lowered  }
0x9e: {  	s22 =	simm.s32 $0x1BFF;
	s21 =	sshll.u32 s9, $0x1;
	s6 =	sadd.s32 s7, s19  }
0x9f: {  	s10 =	simm.s32 $0x0;
	s20 =	sshll.u32 s8, $0x1;
	s8 =	sadd.s32 s21, s6  }
0xa0: {  	[timem:s10], [sflag:s22] =	dma.local [hbm:s8], s20  }
0xa1: {  	_ =	swait.ge [sflag:s22], s20  }
0xa2: {  	s7 =	ssub.s32 $0x0, s20;
	[sflag:s22] =	ssyncset.done $0x0  }
0xa3: {  	[sflag:s22] =	ssyncadd.s32 s7;
	_ =	sdelay $0x1  }
0xa4: {  	s23 =	simm.s32 $0x1B8B  }
0xa5: {  	_ =	swait.ge [sflag:s23], $0x1  }
0xa6: {  	[sflag:s23] =	ssyncset.done $0x0  }
0xa7: {  	s25 =	simm.s32 $0x1B8E;
	s24 =	sld [smem:$0x3FFE];
	[sflag:s23] =	ssyncadd.s32 $0xFFFFFFFF  }
0xa8: {  	s26 =	simm.s32 $execute0_lowered;
	[smem:$0x3FD2] =	sst s25  }
0xa9: {  	s8 =	sshll.u32 s26, $0x1;
	_ =	strace $0x80000046;
	[dreg:$0x1] =	wrdreg $0xFFFFFFFF  }
0xaa: {  	s28 =	simm.s32 $_size_execute0_lowered;
	s6 =	sadd.s32 s6, s8;
	[dreg:$0x0] =	wrdreg $0x0  }
0xab: {  	s8 =	sshll.u32 s28, $0x1;
	[dreg:$0x2] =	wrdreg s6  }
0xac: {  	[dreg:$0x3] =	wrdreg s8  }
0xad: {  	[dreg:$0x4] =	wrdreg $0xC0  }
0xae: {  	_ =	task [dreg:s10], $0x5FFFF  }
0xaf: {  	[dreg:$0x1] =	wrdreg $0xFFFFFFFF  }
0xb0: {  	[dreg:$0x0] =	wrdreg $0x60  }
0xb1: {  	[dreg:$0x2] =	wrdreg s2  }
0xb2: {  	[dreg:$0x3] =	wrdreg s4  }
0xb3: {  	[dreg:$0x4] =	wrdreg s18  }
0xb4: {  	[dreg:$0x5] =	wrdreg s5  }
0xb5: {  	[dreg:$0x6] =	wrdreg s24  }
0xb6: {  	[dreg:$0x7] =	wrdreg $0x9  }
0xb7: {  	_ =	task.clear_ibuf [dreg:s10], $0x8FFFF;
	_ =	strace $0x90000046  }
0xb8: {  	s29 =	simm.s32 $0x9;
	_ =	strace $0x80000048  }
0xb9: {  	_ =	swait.ge [sflag:s29], $0x1  }
0xba: {  	[sflag:s29] =	ssyncadd.s32 $0xFFFFFFFF  }
0xbb: {  	_ =	strace $0x90000048  }
0xbc: {  	_ =	sfence  }
0xbd: {  	s30 =	sld [smem:$0x0];
	_ =	sdelay $0x2  }
0xbe: {  	s31 =	sshll.u32 s1, $0xD;
	s1 =	sshrl.u32 s1, $0x2  }
0xbf: {  	s3 =	sand.u32 $0x4000, s31;
	s1 =	sadd.s32 s1, s30  }
0xc0: {  	s0 =	sor.u32 s3, s0;
	s1 =	sshll.u32 s1, $0x11  }
0xc1: {  	s0 =	sor.u32 s1, s0  }
0xc2: {  	s0 =	sadd.s32 $0x8F2B, s0  }
0xc3: {  	[sflag:s0] =	ssyncadd.remote.s32 $0x1  }
0xc4: {  	_ =	sfence.sel $0xFFFF  }
0xc5: {  	[dreg:$0x0] =	wrdreg $0xFFFFFFFF;
	(pc) =	sbr.abs _section_cstart, $3  }
0xc6: {  	[dreg:$0x1] =	wrdreg $0xFFFFFFFF  }
0xc7: {  	_ =	task.clear_ibuf [dreg:s10], $0x2FFFF;
	_ =	strace $0x9FFFFFFF  }
0xc8: {  	(tm) =	ssettm $0x7FFFFFFF  }
0xc9: {  	_ =	shalt  }
tec
execute0_lowered:
.L_overlay_start_1:
0x0: {  	(tag) =	ssettag $0x1  }
0x1: {  	s2 =	stileid.u32  }
0x2: {  	p0 =	sgt.u32 s2, $0xC  }
.Ltmp0:
0x3: {  	_ = 	snop;
	(pc) =	sbr.rel @p0 .LBB2_70-.Ltmp0, $4  }
0x4: {  	_ = 	snop  }
0x5: {  	s1 =	rddreg [dreg:$0x0];
	s3 =	simm.s32 $0x0  }
0x6: {  	[smem:$0x7FF] =	sst s3  }
0x7: {  	s0 =	rddreg [dreg:$0x4];
	_ =	strace $0x80000047  }
0x8: {  	v0 =	vimm.s32 $0xB80;
	vm14 =	vcmask $0x300  }
0x9: {  	vm12 =	vcmask $0x704;
	s2 =	srdreg.scid;
	s5 =	stileid.u32;
	v0 =	vsel vm14, $0x0, v0  }
0xa: {  	vm13 =	vcmask $0xB08;
	s3 =	sand.u32 $0x1, s2;
	s20 =	sshll.u32 s5, $0x1;
	v0 =	vsel vm12, $0x80, v0  }
0xb: {  	vm11 =	vcmask $0xF0C;
	s2 =	sor.u32 s3, s20;
	v0 =	vsel vm13, $0x100, v0  }
0xc: {  	vm10 =	vcmask $0x1310;
	vm9 =	vcmask $0x1714;
	s4 =	smin.u32 s2, $0x18;
	v0 =	vsel vm11, $0x180, v0  }
0xd: {  	vm8 =	vcmask $0x1B18;
	vm7 =	vcmask $0x1F1C;
	s4 =	sadd.s32 $0x1, s4;
	v1 =	vsel vm10, $0x200, v0  }
0xe: {  	vm6 =	vcmask $0x2320;
	v2 =	vmov s4;
	v1 =	vsel vm9, $0x280, v1  }
0xf: {  	vm5 =	vcmask $0x2724;
	s21 =	sshll.u32 s2, $0x6;
	[tilespmem:$0x1FFB0] =	vst v2;
	v2 =	vlaneseq.u32;
	v1 =	vsel vm8, $0x300, v1  }
0x10: {  	vm4 =	vcmask $0x2B28;
	v3 =	vor.u32 s21, v2;
	v1 =	vsel vm7, $0x380, v1  }
0x11: {  	vm3 =	vcmask $0x2F2C;
	[tilespmem:$0x1FFC0] =	vst v3;
	v3 =	vor.u32 $0x10, v2;
	v1 =	vsel vm6, $0x800, v1  }
0x12: {  	vm2 =	vcmask $0x3330;
	v3 =	vor.u32 s21, v3;
	v1 =	vsel vm5, $0x880, v1  }
0x13: {  	vm1 =	vcmask $0x3734;
	[tilespmem:$0x1FFD0] =	vst v3;
	v3 =	vor.u32 $0x20, v2;
	v1 =	vsel vm4, $0x900, v1  }
0x14: {  	vm0 =	vcmask $0x3B38;
	v3 =	vor.u32 s21, v3;
	v1 =	vsel vm3, $0x980, v1  }
0x15: {  	v4 =	vimm.s32 $0x3B80;
	[tilespmem:$0x1FFE0] =	vst v3;
	v3 =	vor.u32 $0x30, v2;
	v1 =	vsel vm2, $0xA00, v1  }
0x16: {  	v4 =	vsel vm14, $0x3000, v4;
	v3 =	vor.u32 s21, v3;
	v1 =	vsel vm1, $0xA80, v1  }
0x17: {  	[tilespmem:$0x1FFF0] =	vst v3;
	v3 =	vimm.s32 $0x2B80;
	v8 =	vsel vm0, $0xB00, v1;
	v1 =	vimm.s32 $0x1B80  }
0x18: {  	v4 =	vsel vm12, $0x3080, v4;
	v3 =	vsel vm14, $0x2000, v3;
	v1 =	vsel vm14, $0x1000, v1  }
0x19: {  	v4 =	vsel vm13, $0x3100, v4;
	v3 =	vsel vm12, $0x2080, v3;
	v1 =	vsel vm12, $0x1080, v1  }
0x1a: {  	v4 =	vsel vm11, $0x3180, v4;
	v3 =	vsel vm13, $0x2100, v3;
	v1 =	vsel vm13, $0x1100, v1  }
0x1b: {  	s22 =	sadd.s32 $0x400, s0;
	v0 =	vmov s2;
	v3 =	vsel vm11, $0x2180, v3;
	v1 =	vsel vm11, $0x1180, v1  }
0x1c: {  	s7 =	sadd.s32 $0x600, s0;
	s14 =	simm.s32 $0x4000;
	s15 =	simm.s32 $0x4200;
	v4 =	vsel vm10, $0x3200, v4;
	v3 =	vsel vm10, $0x2200, v3;
	v1 =	vsel vm10, $0x1200, v1  }
0x1d: {  	s16 =	simm.s32 $0x2000;
	s17 =	simm.s32 $0x3000;
	s19 =	simm.s32 $0x5B00;
	v4 =	vsel vm9, $0x3280, v4;
	v3 =	vsel vm9, $0x2280, v3;
	v1 =	vsel vm9, $0x1280, v1  }
0x1e: {  	s28 =	simm.s32 $0x1000;
	s29 =	simm.s32 $0x4;
	s30 =	simm.s32 $0x3;
	v4 =	vsel vm8, $0x3300, v4;
	v3 =	vsel vm8, $0x2300, v3;
	v1 =	vsel vm8, $0x1300, v1  }
0x1f: {  	[dreg:$0x6] =	wrdreg s22;
	s23 =	sshll.u32 s5, $0xA;
	s3 =	ssub.s32 $0x2, s3;
	v4 =	vsel vm7, $0x3380, v4;
	v3 =	vsel vm7, $0x2380, v3;
	v1 =	vsel vm7, $0x1380, v1  }
0x20: {  	s22 =	simm.s32 $0x9B00;
	s24 =	sshrl.u32 s3, $0x1;
	s6 =	sshll.u32 s2, $0x4;
	v4 =	vsel vm6, $0x3800, v4;
	v3 =	vsel vm6, $0x2800, v3;
	v1 =	vsel vm6, $0x1800, v1  }
0x21: {  	p0 =	seq.s32 s2, $0x19;
	s3 =	ssub.s32 s3, s24;
	s25 =	sand.u32 $0x70, s6;
	v4 =	vsel vm5, $0x3880, v4;
	v3 =	vsel vm5, $0x2880, v3;
	v1 =	vsel vm5, $0x1880, v1  }
.Ltmp1:
0x22: {  	s0 =	simm.s32 @!p0 $0x0;
	s24 =	simm.s32 $0x11B00;
	v4 =	vsel vm4, $0x3900, v4;
	v3 =	vsel vm4, $0x2900, v3;
	v1 =	vsel vm4, $0x1900, v1;
	(pc) =	sbr.rel .LBB2_2-.Ltmp1, $4  }
0x23: {  	s4 =	sand.u32 $0x3000, s23;
	s31 =	smax.u32 s3, $0x1;
	s0 =	simm.s32 @p0 $0x1;
	v4 =	vsel vm3, $0x3980, v4;
	v3 =	vsel vm3, $0x2980, v3;
	v1 =	vsel vm3, $0x1980, v1  }
0x24: {  	s23 =	simm.s32 $0xDB00;
	s1 =	sadd.s32 s1, s4;
	[dreg:$0x8] =	wrdreg s31;
	v4 =	vsel vm2, $0x3A00, v4;
	v3 =	vsel vm2, $0x2A00, v3;
	v1 =	vsel vm2, $0x1A00, v1  }
0x25: {  	s2 =	simm.s32 $0x0;
	[smem:$0x7FD] =	sst s0;
	s26 =	sadd.s32 s25, s1;
	v4 =	vsel vm1, $0x3A80, v4;
	v3 =	vsel vm1, $0x2A80, v3;
	v1 =	vsel vm1, $0x1A80, v1  }
0x26: {  	s25 =	simm.s32 $0x1;
	[dreg:$0x7] =	wrdreg s26;
	s26 =	simm.s32 $0x2;
	v11 =	vsel vm0, $0x3B00, v4;
	v10 =	vsel vm0, $0x2B00, v3;
	v9 =	vsel vm0, $0x1B00, v1  }
.LBB2_69:
0x27: {  	s0 =	simm.s32 $0x5  }
0x28: {  	_ =	swait.ge [sflag:s0], $0x4000  }
0x29: {  	[sflag:s0] =	ssyncset.done $0x0  }
0x2a: {  	s1 =	simm.s32 $0x6;
	[sflag:s0] =	ssyncadd.s32 $0xFFFFC000  }
0x2b: {  	_ =	swait.ge [sflag:s1], $0x4000  }
0x2c: {  	s2 =	rddreg [dreg:$0x9]  }
0x2d: {  	s31 =	rddreg [dreg:$0x8];
	s2 =	sadd.s32 $0x1, s2  }
0x2e: {  	p0 =	sne.s32 s2, s31  }
.Ltmp2:
0x2f: {  	_ = 	snop;
	(pc) =	sbr.rel @!p0 .LBB2_70-.Ltmp2, $3  }
0x30: {  	_ =	sdelay $0x1  }
0x31: {  	[sflag:s1] =	ssyncset.done $0x0  }
0x32: {  	[sflag:s1] =	ssyncadd.s32 $0xFFFFC000  }
.LBB2_2:
0x33: {  	[dreg:$0x9] =	wrdreg s2  }
0x34: {  	s0 =	simm.s32 $0x0;
	s1 =	rddreg [dreg:$0x7]  }
0x35: {  	s12 =	simm.s32 $0x80;
	s3 =	simm.s32 $0x400;
	s4 =	simm.s32 $0x7  }
0x36: {  	[tilespmem:s0], [sflag:$0x7] =	stream.strided.gather [hbm4b:s1+s12], $0x1000, s3, s12, $0x38;
	[tilespmem:$0x1DB00] =	vst v63  }
0x37: {  	_ =	swait.ge [sflag:s4], $0x1000  }
0x38: {  	[sflag:s4] =	ssyncset.done $0x0  }
0x39: {  	[sflag:s4] =	ssyncadd.s32 $0xFFFFF000  }
0x3a: {  	s18 =	simm.s32 $0x5400;
	s13 =	rddreg [dreg:$0x1]  }
0x3b: {  	[tilespmem:s18], [sflag:$0x7] =	stream.linear.gather [hbm4b:s13+s0], $0x80, $0x38;
	[tilespmem:$0x1DB00] =	vst v63  }
0x3c: {  	_ =	swait.ge [sflag:s4], $0x80  }
0x3d: {  	[sflag:s4] =	ssyncset.done $0x0  }
0x3e: {  	s21 =	simm.s32 $0x5480;
	s20 =	rddreg [dreg:$0x6];
	[sflag:s4] =	ssyncadd.s32 $0xFFFFFF80  }
0x3f: {  	[tilespmem:s21], [sflag:$0x7] =	stream.linear.gather [hbm4b:s20+s0], $0x680, $0x38;
	[tilespmem:$0x1DB00] =	vst v63  }
0x40: {  	_ =	swait.ge [sflag:s4], $0x680  }
0x41: {  	[sflag:s4] =	ssyncset.done $0x0  }
0x42: {  	[sflag:s4] =	ssyncadd.s32 $0xFFFFF980  }
0x43: {  	v1 =	vld.idx.msk [tilespmem:v0+s18+$0x0], $0xffff;
	_ =	sdelay $0x4  }
0x44: {  	v3 =	vxor.u32 $0x80000000, v1  }
0x45: {  	(xrf0) =	vmax.scan.msk.u32 $0xffff, v3;
	_ =	sdelay $0x5  }
0x46: {  	v3, _, _ =	vpop (xrf0)  }
0x47: {  	(v2sf) =	vpush v3, $0xF;
	v3 =	vld [tilespmem:$0x1FFB0];
	_ =	sdelay $0x7  }
0x48: {  	v3 =	vld.idx.msk [tilespmem:v3+s18+$0x0], $0xffff;
	_ =	sdelay $0x4  }
0x49: {  	[tilespmem:$0x1FFA0] =	vst v3;
	v3 =	vld [tilespmem:$0x1FFC0];
	_ =	sdelay $0x7  }
0x4a: {  	v12 =	vld.idx.msk [tilespmem:v3+s21+$0x0], $0xffff  }
0x4b: {  	v3 =	vld [tilespmem:$0x1FFD0];
	_ =	sdelay $0x7  }
0x4c: {  	v13 =	vld.idx.msk [tilespmem:v3+s21+$0x0], $0xffff  }
0x4d: {  	v3 =	vld [tilespmem:$0x1FFE0];
	_ =	sdelay $0x7  }
0x4e: {  	v14 =	vld.idx.msk [tilespmem:v3+s21+$0x0], $0xffff  }
0x4f: {  	v3 =	vld [tilespmem:$0x1FFF0];
	_ =	sdelay $0x2  }
0x50: {  	s0 =	simm.s32 $0x0  }
0x51: {  	v4 =	vld [tilespmem:s0+$0x0]  }
0x52: {  	s6 =	spop (v2sf)  }
0x53: {  	s31 =	sshrl.u32 s6, $0x8  }
0x54: {  	s8 =	sxor.u32 $0x800000, s31  }
0x55: {  	s2 =	simm.s32 $0x80;
	s1 =	simm.s32 $0x40;
	[dreg:$0xa] =	wrdreg s31;
	v15 =	vld.idx.msk [tilespmem:v3+s21+$0x0], $0xffff;
	v3 =	vmov s8  }
.LBB2_3:
0x56: {  	p1 =	sne.s32 s2, $0x3FC0;
	v4 =	vadd.s32 v1, v4  }
0x57: {  	s3 =	sshra.s32 s1, $0x2;
	s1 =	smov.u32 s2;
	[tilespmem:s0+$0x0] =	vst v4;
	v5 =	vshrl.u32 v4, $0x8  }
.Ltmp3:
0x58: {  	v4 =	vld [tilespmem:s3+$0x0];
	v5 =	vsub.s32 v5, v3;
	(pc) =	sbr.rel @p1 .LBB2_3-.Ltmp3, $2  }
0x59: {  	[tilespmem:s0+$0x1000] =	vst v5;
	s0 =	smov.u32 s3;
	_ =	sdelay $0x2  }
0x5a: {  	s2 =	sadd.s32 $0x40, s2  }
0x5b: {  	v4 =	vadd.s32 v1, v4  }
0x5c: {  	s1 =	sshra.s32 s1, $0x2;
	[tilespmem:s0+$0x0] =	vst v4  }
0x5d: {  	v5 =	vld [tilespmem:s1+$0x0];
	_ =	sdelay $0x3  }
0x5e: {  	v4 =	vshrl.u32 v4, $0x8  }
0x5f: {  	v4 =	vsub.s32 v4, v3;
	v1 =	vadd.s32 v1, v5  }
0x60: {  	[tilespmem:s0+$0x1000] =	vst v4;
	v63 =	vshrl.u32 v1, $0x8  }
0x61: {  	[tilespmem:s1+$0x0] =	vst v1;
	v1 =	vsub.s32 v63, v3  }
0x62: {  	[tilespmem:s1+$0x1000] =	vst v1;
	v1 =	vimm.s32 $0x0  }
0x63: {  	[tilespmem:$0x4000] =	vst v1  }
0x64: {  	[tilespmem:$0x4010] =	vst v1  }
0x65: {  	[tilespmem:$0x4020] =	vst v1  }
0x66: {  	[tilespmem:$0x4030] =	vst v1  }
0x67: {  	[tilespmem:$0x4040] =	vst v1  }
0x68: {  	[tilespmem:$0x4050] =	vst v1  }
0x69: {  	[tilespmem:$0x4060] =	vst v1  }
0x6a: {  	[tilespmem:$0x4070] =	vst v1  }
0x6b: {  	[tilespmem:$0x4080] =	vst v1  }
0x6c: {  	[tilespmem:$0x4090] =	vst v1  }
0x6d: {  	[tilespmem:$0x40A0] =	vst v1  }
0x6e: {  	[tilespmem:$0x40B0] =	vst v1  }
0x6f: {  	[tilespmem:$0x40C0] =	vst v1  }
0x70: {  	[tilespmem:$0x40D0] =	vst v1  }
0x71: {  	[tilespmem:$0x40E0] =	vst v1  }
0x72: {  	[tilespmem:$0x40F0] =	vst v1  }
0x73: {  	[tilespmem:$0x4100] =	vst v1  }
0x74: {  	[tilespmem:$0x4110] =	vst v1  }
0x75: {  	[tilespmem:$0x4120] =	vst v1  }
0x76: {  	[tilespmem:$0x4130] =	vst v1  }
0x77: {  	[tilespmem:$0x4140] =	vst v1  }
0x78: {  	[tilespmem:$0x4150] =	vst v1  }
0x79: {  	[tilespmem:$0x4160] =	vst v1  }
0x7a: {  	[tilespmem:$0x4170] =	vst v1  }
0x7b: {  	[tilespmem:$0x4180] =	vst v1  }
0x7c: {  	[tilespmem:$0x4190] =	vst v1  }
0x7d: {  	[tilespmem:$0x41A0] =	vst v1  }
0x7e: {  	[tilespmem:$0x41B0] =	vst v1  }
0x7f: {  	[tilespmem:$0x41C0] =	vst v1  }
0x80: {  	[tilespmem:$0x41D0] =	vst v1  }
0x81: {  	[tilespmem:$0x41E0] =	vst v1  }
0x82: {  	s0 =	simm.s32 $0x40;
	s1 =	simm.s32 $0x0;
	[tilespmem:$0x41F0] =	vst v1  }
.LBB2_5:
0x83: {  	p1 =	sne.s32 s0, $0x3FC0;
	v1 =	vld [tilespmem:s1+$0x1000];
	_ =	sdelay $0x4  }
0x84: {  	vm0 =	vgt.s32 v1, $0x0  }
0x85: {  	v1 =	vnsel vm0, $0x0, v1  }
0x86: {  	v1 =	vmin.u32 v1, $0x1FE  }
0x87: {  	(xrf1) =	vunique.msk.u32 $0xffff, v1;
	_ =	sdelay $0xc  }
0x88: {  	v3 =	vld.idx.msk [tilespmem:v1+s14+$0x0], $0xffff  }
0x89: {  	_, v4, vm0 =	vpop (xrf1);
	_ =	sdelay $0x1  }
.Ltmp4:
0x8a: {  	(pc) =	sbr.rel @p1 .LBB2_5-.Ltmp4, $3  }
0x8b: {  	_ =	sdelay $0x1  }
0x8c: {  	v3 =	vadd.s32 v3, v4  }
0x8d: {  	s1 =	sshra.s32 s0, $0x2;
	s0 =	sadd.s32 $0x40, s0;
	[tilespmem:v1+s14+$0x0] =	vst.idx.msk vm0, v3  }
0x8e: {  	v1 =	vld [tilespmem:s1+$0x1000];
	_ =	sdelay $0x4  }
0x8f: {  	vm0 =	vgt.s32 v1, $0x0  }
0x90: {  	v1 =	vnsel vm0, $0x0, v1  }
0x91: {  	v1 =	vmin.u32 v1, $0x1FE  }
0x92: {  	(xrf1) =	vunique.msk.u32 $0xffff, v1;
	_ =	sdelay $0xd  }
0x93: {  	v3 =	vld.idx.msk [tilespmem:v1+s14+$0x0], $0xffff;
	_, v4, vm15 =	vpop (xrf1);
	_ =	sdelay $0x4  }
0x94: {  	v3 =	vadd.s32 v3, v4  }
0x95: {  	[tilespmem:v1+s14+$0x0] =	vst.idx.msk vm15, v3  }
0x96: {  	v6 =	vld [tilespmem:$0x4000];
	_ =	sdelay $0x4  }
0x97: {  	(xrf0) =	vadd.scan.msk.s32 $0xffff, v6;
	_ =	sdelay $0x3  }
0x98: {  	v17 =	vld [tilespmem:$0x4010];
	_ =	sdelay $0x1  }
0x99: {  	v7, _, _ =	vpop (xrf0)  }
0x9a: {  	v1 =	vxor.u32 $0x80000000, v7  }
0x9b: {  	(xrf0) =	vmax.scan.msk.u32 $0xffff, v1  }
0x9c: {  	(xrf0) =	vadd.scan.msk.s32 $0xffff, v17;
	_ =	sdelay $0x3  }
0x9d: {  	v21 =	vld [tilespmem:$0x4020]  }
0x9e: {  	v1, _, _ =	vpop (xrf0)  }
0x9f: {  	v4, _, _ =	vpop (xrf0)  }
0xa0: {  	v3 =	vxor.u32 $0x80000000, v4  }
0xa1: {  	(xrf0) =	vmax.scan.msk.u32 $0xffff, v3  }
0xa2: {  	(xrf0) =	vadd.scan.msk.s32 $0xffff, v21;
	_ =	sdelay $0x3  }
0xa3: {  	v43 =	vld [tilespmem:$0x4030]  }
0xa4: {  	v36, _, _ =	vpop (xrf0)  }
0xa5: {  	v16, _, _ =	vpop (xrf0)  }
0xa6: {  	v3 =	vxor.u32 $0x80000000, v16  }
0xa7: {  	(xrf0) =	vmax.scan.msk.u32 $0xffff, v3  }
0xa8: {  	(xrf0) =	vadd.scan.msk.s32 $0xffff, v43;
	_ =	sdelay $0x3  }
0xa9: {  	v54 =	vld [tilespmem:$0x4040]  }
0xaa: {  	v35, _, _ =	vpop (xrf0)  }
0xab: {  	v5, _, _ =	vpop (xrf0)  }
0xac: {  	v3 =	vxor.u32 $0x80000000, v5  }
0xad: {  	(xrf0) =	vmax.scan.msk.u32 $0xffff, v3  }
0xae: {  	(xrf0) =	vadd.scan.msk.s32 $0xffff, v54;
	_ =	sdelay $0x3  }
0xaf: {  	v60 =	vld [tilespmem:$0x4050]  }
0xb0: {  	v31, _, _ =	vpop (xrf0)  }
0xb1: {  	v20, _, _ =	vpop (xrf0)  }
0xb2: {  	v18 =	vxor.u32 $0x80000000, v20  }
0xb3: {  	(xrf0) =	vmax.scan.msk.u32 $0xffff, v18  }
0xb4: {  	(xrf0) =	vadd.scan.msk.s32 $0xffff, v60;
	_ =	sdelay $0x3  }
0xb5: {  	v58 =	vld [tilespmem:$0x4060]  }
0xb6: {  	v32, _, _ =	vpop (xrf0)  }
0xb7: {  	v63, _, _ =	vpop (xrf0)  }
0xb8: {  	v19 =	vxor.u32 $0x80000000, v63  }
0xb9: {  	(xrf0) =	vmax.scan.msk.u32 $0xffff, v19  }
0xba: {  	(xrf0) =	vadd.scan.msk.s32 $0xffff, v58;
	_ =	sdelay $0x3  }
0xbb: {  	v56 =	vld [tilespmem:$0x4070]  }
0xbc: {  	v28, _, _ =	vpop (xrf0)  }
0xbd: {  	v62, _, _ =	vpop (xrf0)  }
0xbe: {  	v40 =	vxor.u32 $0x80000000, v62  }
0xbf: {  	(xrf0) =	vmax.scan.msk.u32 $0xffff, v40  }
0xc0: {  	(xrf0) =	vadd.scan.msk.s32 $0xffff, v56;
	_ =	sdelay $0x3  }
0xc1: {  	v53 =	vld [tilespmem:$0x4080]  }
0xc2: {  	v23, _, _ =	vpop (xrf0)  }
0xc3: {  	v61, _, _ =	vpop (xrf0)  }
0xc4: {  	v41 =	vxor.u32 $0x80000000, v61  }
0xc5: {  	(xrf0) =	vmax.scan.msk.u32 $0xffff, v41  }
0xc6: {  	(xrf0) =	vadd.scan.msk.s32 $0xffff, v53;
	_ =	sdelay $0x3  }
0xc7: {  	v50 =	vld [tilespmem:$0x4090]  }
0xc8: {  	v22, _, _ =	vpop (xrf0)  }
0xc9: {  	v59, _, _ =	vpop (xrf0)  }
0xca: {  	v42 =	vxor.u32 $0x80000000, v59  }
0xcb: {  	(xrf0) =	vmax.scan.msk.u32 $0xffff, v42  }
0xcc: {  	(xrf0) =	vadd.scan.msk.s32 $0xffff, v50;
	_ =	sdelay $0x3  }
0xcd: {  	v49 =	vld [tilespmem:$0x40A0]  }
0xce: {  	v18, _, _ =	vpop (xrf0)  }
0xcf: {  	v57, _, _ =	vpop (xrf0)  }
0xd0: {  	v44 =	vxor.u32 $0x80000000, v57  }
0xd1: {  	(xrf0) =	vmax.scan.msk.u32 $0xffff, v44  }
0xd2: {  	(xrf0) =	vadd.scan.msk.s32 $0xffff, v49;
	_ =	sdelay $0x3  }
0xd3: {  	v47 =	vld [tilespmem:$0x40B0]  }
0xd4: {  	v19, _, _ =	vpop (xrf0)  }
0xd5: {  	v55, _, _ =	vpop (xrf0)  }
0xd6: {  	v24 =	vxor.u32 $0x80000000, v55  }
0xd7: {  	(xrf0) =	vmax.scan.msk.u32 $0xffff, v24  }
0xd8: {  	(xrf0) =	vadd.scan.msk.s32 $0xffff, v47;
	_ =	sdelay $0x3  }
0xd9: {  	v46 =	vld [tilespmem:$0x40C0]  }
0xda: {  	v25, _, _ =	vpop (xrf0)  }
0xdb: {  	v52, _, _ =	vpop (xrf0)  }
0xdc: {  	v45 =	vxor.u32 $0x80000000, v52  }
0xdd: {  	(xrf0) =	vmax.scan.msk.u32 $0xffff, v45  }
0xde: {  	(xrf0) =	vadd.scan.msk.s32 $0xffff, v46;
	_ =	sdelay $0x3  }
0xdf: {  	v42 =	vld [tilespmem:$0x40D0]  }
0xe0: {  	v26, _, _ =	vpop (xrf0)  }
0xe1: {  	v51, _, _ =	vpop (xrf0)  }
0xe2: {  	v48 =	vxor.u32 $0x80000000, v51  }
0xe3: {  	(xrf0) =	vmax.scan.msk.u32 $0xffff, v48  }
0xe4: {  	(xrf0) =	vadd.scan.msk.s32 $0xffff, v42;
	_ =	sdelay $0x3  }
0xe5: {  	v40 =	vld [tilespmem:$0x40E0]  }
0xe6: {  	v24, _, _ =	vpop (xrf0)  }
0xe7: {  	v48, _, _ =	vpop (xrf0)  }
0xe8: {  	v27 =	vxor.u32 $0x80000000, v48  }
0xe9: {  	(xrf0) =	vmax.scan.msk.u32 $0xffff, v27  }
0xea: {  	(xrf0) =	vadd.scan.msk.s32 $0xffff, v40;
	_ =	sdelay $0x3  }
0xeb: {  	v38 =	vld [tilespmem:$0x40F0]  }
0xec: {  	v27, _, _ =	vpop (xrf0)  }
0xed: {  	v45, _, _ =	vpop (xrf0)  }
0xee: {  	v29 =	vxor.u32 $0x80000000, v45  }
0xef: {  	(xrf0) =	vmax.scan.msk.u32 $0xffff, v29  }
0xf0: {  	(xrf0) =	vadd.scan.msk.s32 $0xffff, v38;
	_ =	sdelay $0x3  }
0xf1: {  	[tilespmem:$0x1FE20] =	vst v1;
	v1 =	vld [tilespmem:$0x4100]  }
0xf2: {  	v29, _, _ =	vpop (xrf0)  }
0xf3: {  	v44, _, _ =	vpop (xrf0)  }
0xf4: {  	v30 =	vxor.u32 $0x80000000, v44  }
0xf5: {  	(xrf0) =	vmax.scan.msk.u32 $0xffff, v30  }
0xf6: {  	(xrf0) =	vadd.scan.msk.s32 $0xffff, v1;
	_ =	sdelay $0x3  }
0xf7: {  	[tilespmem:$0x1FEB0] =	vst v1;
	v1 =	vld [tilespmem:$0x4110]  }
0xf8: {  	v30, _, _ =	vpop (xrf0)  }
0xf9: {  	v41, _, _ =	vpop (xrf0)  }
0xfa: {  	v33 =	vxor.u32 $0x80000000, v41  }
0xfb: {  	(xrf0) =	vmax.scan.msk.u32 $0xffff, v33  }
0xfc: {  	(xrf0) =	vadd.scan.msk.s32 $0xffff, v1;
	_ =	sdelay $0x3  }
0xfd: {  	[tilespmem:$0x1FEC0] =	vst v1;
	v1 =	vld [tilespmem:$0x4120]  }
0xfe: {  	v3, _, _ =	vpop (xrf0)  }
0xff: {  	v39, _, _ =	vpop (xrf0)  }
0x100: {  	v34 =	vxor.u32 $0x80000000, v39  }
0x101: {  	(xrf0) =	vmax.scan.msk.u32 $0xffff, v34  }
0x102: {  	(xrf0) =	vadd.scan.msk.s32 $0xffff, v1;
	_ =	sdelay $0x3  }
0x103: {  	[tilespmem:$0x1FED0] =	vst v1;
	v1 =	vld [tilespmem:$0x4130]  }
0x104: {  	[tilespmem:$0x1FE30] =	vst v3;
	v3, _, _ =	vpop (xrf0)  }
0x105: {  	v37, _, _ =	vpop (xrf0)  }
0x106: {  	v34 =	vxor.u32 $0x80000000, v37  }
0x107: {  	(xrf0) =	vmax.scan.msk.u32 $0xffff, v34  }
0x108: {  	(xrf0) =	vadd.scan.msk.s32 $0xffff, v1;
	_ =	sdelay $0x3  }
0x109: {  	[tilespmem:$0x1FEE0] =	vst v1;
	v1 =	vld [tilespmem:$0x4140]  }
0x10a: {  	[tilespmem:$0x1FE40] =	vst v3;
	v3, _, _ =	vpop (xrf0)  }
0x10b: {  	v33, _, _ =	vpop (xrf0)  }
0x10c: {  	v34 =	vxor.u32 $0x80000000, v33  }
0x10d: {  	(xrf0) =	vmax.scan.msk.u32 $0xffff, v34  }
0x10e: {  	(xrf0) =	vadd.scan.msk.s32 $0xffff, v1;
	_ =	sdelay $0x3  }
0x10f: {  	[tilespmem:$0x1FEF0] =	vst v1;
	v1 =	vld [tilespmem:$0x4150]  }
0x110: {  	[tilespmem:$0x1FE50] =	vst v3;
	v3, _, _ =	vpop (xrf0)  }
0x111: {  	[tilespmem:$0x1FE60] =	vst v3;
	v3, _, _ =	vpop (xrf0)  }
0x112: {  	v34 =	vxor.u32 $0x80000000, v3  }
0x113: {  	(xrf0) =	vmax.scan.msk.u32 $0xffff, v34  }
0x114: {  	(xrf0) =	vadd.scan.msk.s32 $0xffff, v1;
	_ =	sdelay $0x3  }
0x115: {  	[tilespmem:$0x1FF10] =	vst v1;
	v1 =	vld [tilespmem:$0x4160]  }
0x116: {  	[tilespmem:$0x1FF00] =	vst v3;
	v3, _, _ =	vpop (xrf0)  }
0x117: {  	[tilespmem:$0x1FE70] =	vst v3;
	v3, _, _ =	vpop (xrf0)  }
0x118: {  	v34 =	vxor.u32 $0x80000000, v3  }
0x119: {  	(xrf0) =	vmax.scan.msk.u32 $0xffff, v34  }
0x11a: {  	(xrf0) =	vadd.scan.msk.s32 $0xffff, v1;
	_ =	sdelay $0x3  }
0x11b: {  	[tilespmem:$0x1FF30] =	vst v1;
	v1 =	vld [tilespmem:$0x4170]  }
0x11c: {  	[tilespmem:$0x1FF20] =	vst v3;
	v3, _, _ =	vpop (xrf0)  }
0x11d: {  	[tilespmem:$0x1FE80] =	vst v3;
	v3, _, _ =	vpop (xrf0)  }
0x11e: {  	v34 =	vxor.u32 $0x80000000, v3  }
0x11f: {  	(xrf0) =	vmax.scan.msk.u32 $0xffff, v34  }
0x120: {  	(xrf0) =	vadd.scan.msk.s32 $0xffff, v1;
	_ =	sdelay $0x3  }
0x121: {  	[tilespmem:$0x1FF50] =	vst v1;
	v1 =	vld [tilespmem:$0x4180]  }
0x122: {  	[tilespmem:$0x1FF40] =	vst v3;
	v3, _, _ =	vpop (xrf0)  }
0x123: {  	[tilespmem:$0x1FE90] =	vst v3;
	v3, _, _ =	vpop (xrf0)  }
0x124: {  	v34 =	vxor.u32 $0x80000000, v3  }
0x125: {  	(xrf0) =	vmax.scan.msk.u32 $0xffff, v34  }
0x126: {  	(xrf0) =	vadd.scan.msk.s32 $0xffff, v1;
	_ =	sdelay $0x4  }
0x127: {  	[tilespmem:$0x1FF70] =	vst v1;
	v1, _, _ =	vpop (xrf0)  }
0x128: {  	[tilespmem:$0x1FEA0] =	vst v1;
	v1, _, _ =	vpop (xrf0)  }
0x129: {  	[tilespmem:$0x1FF80] =	vst v1;
	v34 =	vxor.u32 $0x80000000, v1;
	v1 =	vld [tilespmem:$0x1FE20];
	_ =	sdelay $0x4  }
0x12a: {  	(v2sf) =	vpush v1, $0xF  }
0x12b: {  	(v2sf) =	vpush v36, $0xF;
	_ =	sdelay $0x1  }
0x12c: {  	(v2sf) =	vpush v35, $0xF;
	_ =	sdelay $0x1  }
0x12d: {  	(v2sf) =	vpush v31, $0xF  }
0x12e: {  	[tilespmem:$0x1FF60] =	vst v3;
	v3 =	vld [tilespmem:$0x4190]  }
0x12f: {  	(v2sf) =	vpush v32, $0xF;
	_ =	sdelay $0x1  }
0x130: {  	(v2sf) =	vpush v28, $0xF  }
0x131: {  	(xrf0) =	vmax.scan.msk.u32 $0xffff, v34  }
0x132: {  	(xrf0) =	vadd.scan.msk.s32 $0xffff, v3;
	(v2sf) =	vpush v23, $0xF;
	_ =	sdelay $0x1  }
0x133: {  	(v2sf) =	vpush v22, $0xF  }
0x134: {  	v6 =	vsub.s32 v7, v6  }
0x135: {  	[tilespmem:$0x4000] =	vst v6;
	v35 =	vld [tilespmem:$0x41A0];
	(v2sf) =	vpush v18, $0xF;
	s0 =	spop (v2sf)  }
0x136: {  	[tilespmem:$0x4200] =	vst v6;
	v1 =	vsub.s32 v4, v17;
	v36, _, _ =	vpop (xrf0);
	s0 =	sxor.u32 $0x80000000, s0;
	s18 =	spop (v2sf)  }
0x137: {  	[tilespmem:$0x1FF90] =	vst v3;
	v34, _, _ =	vpop (xrf0);
	v1 =	vadd.s32 s0, v1;
	s0 =	sadd.s32 s18, s0  }
0x138: {  	v4 =	vsub.s32 v16, v21;
	v31 =	vxor.u32 $0x80000000, v34;
	s20 =	spop (v2sf);
	[tilespmem:$0x4010] =	vst v1;
	s0 =	sadd.s32 $0x80000000, s0  }
0x139: {  	(xrf0) =	vmax.scan.msk.u32 $0xffff, v31;
	[tilespmem:$0x4210] =	vst v1;
	v1 =	vadd.s32 s0, v4;
	s0 =	sadd.s32 s20, s0  }
0x13a: {  	(xrf0) =	vadd.scan.msk.s32 $0xffff, v35;
	s21 =	spop (v2sf);
	v4 =	vsub.s32 v5, v43;
	[tilespmem:$0x4020] =	vst v1;
	s0 =	sadd.s32 $0x80000000, s0  }
0x13b: {  	[tilespmem:$0x4220] =	vst v1;
	v1 =	vadd.s32 s0, v4;
	s0 =	sadd.s32 s21, s0  }
0x13c: {  	v3 =	vsub.s32 v20, v54;
	(v2sf) =	vpush v19, $0xF;
	s31 =	spop (v2sf);
	[tilespmem:$0x4030] =	vst v1;
	s0 =	sadd.s32 $0x80000000, s0  }
0x13d: {  	[tilespmem:$0x4230] =	vst v1;
	v1 =	vadd.s32 s0, v3;
	s0 =	sadd.s32 s31, s0  }
0x13e: {  	v23 =	vld [tilespmem:$0x41B0];
	s2 =	spop (v2sf);
	v3 =	vsub.s32 v63, v60;
	[tilespmem:$0x4040] =	vst v1;
	s0 =	sadd.s32 $0x80000000, s0  }
0x13f: {  	v22, _, _ =	vpop (xrf0);
	(v2sf) =	vpush v25, $0xF;
	[tilespmem:$0x4240] =	vst v1;
	v1 =	vadd.s32 s0, v3;
	s0 =	sadd.s32 s2, s0  }
0x140: {  	v31, _, _ =	vpop (xrf0);
	s3 =	spop (v2sf);
	v3 =	vsub.s32 v62, v58;
	[tilespmem:$0x4050] =	vst v1;
	s0 =	sadd.s32 $0x80000000, s0  }
0x141: {  	v7 =	vxor.u32 $0x80000000, v31;
	[tilespmem:$0x4250] =	vst v1;
	v1 =	vadd.s32 s0, v3;
	s0 =	sadd.s32 s3, s0  }
0x142: {  	(xrf0) =	vmax.scan.msk.u32 $0xffff, v7;
	s4 =	spop (v2sf);
	v3 =	vsub.s32 v61, v56;
	[tilespmem:$0x4060] =	vst v1;
	s0 =	sadd.s32 $0x80000000, s0  }
0x143: {  	(xrf0) =	vadd.scan.msk.s32 $0xffff, v23;
	[tilespmem:$0x4260] =	vst v1;
	v1 =	vadd.s32 s0, v3;
	s0 =	sadd.s32 s4, s0  }
0x144: {  	s5 =	spop (v2sf);
	v3 =	vsub.s32 v59, v53;
	[tilespmem:$0x4070] =	vst v1;
	s0 =	sadd.s32 $0x80000000, s0  }
0x145: {  	(v2sf) =	vpush v26, $0xF;
	[tilespmem:$0x4270] =	vst v1;
	v3 =	vadd.s32 s0, v3;
	s0 =	sadd.s32 s5, s0  }
0x146: {  	v6 =	vsub.s32 v57, v50;
	v28 =	vld [tilespmem:$0x41C0];
	[tilespmem:$0x4080] =	vst v3;
	s0 =	sadd.s32 $0x80000000, s0  }
0x147: {  	(v2sf) =	vpush v24, $0xF;
	v1 =	vld [tilespmem:$0x1FE30];
	[tilespmem:$0x4280] =	vst v3;
	v3 =	vadd.s32 s0, v6  }
0x148: {  	v4, _, _ =	vpop (xrf0);
	v6 =	vld [tilespmem:$0x1FE40];
	[tilespmem:$0x4090] =	vst v3  }
0x149: {  	(v2sf) =	vpush v27, $0xF;
	v32, _, _ =	vpop (xrf0);
	[tilespmem:$0x4290] =	vst v3;
	v3 =	vld [tilespmem:$0x1FE50]  }
0x14a: {  	(v2sf) =	vpush v29, $0xF;
	v5 =	vxor.u32 $0x80000000, v32  }
0x14b: {  	(v2sf) =	vpush v30, $0xF;
	(xrf0) =	vmax.scan.msk.u32 $0xffff, v5;
	s9 =	spop (v2sf)  }
0x14c: {  	(xrf0) =	vadd.scan.msk.s32 $0xffff, v28;
	s0 =	sadd.s32 s9, s0;
	(v2sf) =	vpush v1, $0xF  }
0x14d: {  	v7 =	vsub.s32 v55, v49;
	s0 =	sadd.s32 $0x80000000, s0;
	(v2sf) =	vpush v6, $0xF  }
0x14e: {  	s10 =	spop (v2sf);
	(v2sf) =	vpush v3, $0xF;
	v3 =	vadd.s32 s0, v7  }
0x14f: {  	[tilespmem:$0x40A0] =	vst v3  }
0x150: {  	[tilespmem:$0x42A0] =	vst v3;
	v3 =	vld [tilespmem:$0x1FE60]  }
0x151: {  	v5, _, _ =	vpop (xrf0)  }
0x152: {  	v1, _, _ =	vpop (xrf0)  }
0x153: {  	v6 =	vxor.u32 $0x80000000, v1;
	s0 =	sadd.s32 s10, s0  }
0x154: {  	s11 =	spop (v2sf);
	(xrf0) =	vmax.scan.msk.u32 $0xffff, v6;
	v6 =	vsub.s32 v52, v47;
	s0 =	sadd.s32 $0x80000000, s0  }
0x155: {  	(v2sf) =	vpush v3, $0xF;
	v3 =	vadd.s32 s0, v6;
	s0 =	sadd.s32 s11, s0  }
0x156: {  	s12 =	spop (v2sf);
	v6 =	vsub.s32 v51, v46;
	[tilespmem:$0x40B0] =	vst v3;
	s0 =	sadd.s32 $0x80000000, s0  }
0x157: {  	[tilespmem:$0x42B0] =	vst v3;
	v6 =	vadd.s32 s0, v6;
	s0 =	sadd.s32 s12, s0  }
0x158: {  	v7 =	vsub.s32 v48, v42;
	[tilespmem:$0x40C0] =	vst v6;
	s0 =	sadd.s32 $0x80000000, s0  }
0x159: {  	v3 =	vld [tilespmem:$0x1FE70];
	[tilespmem:$0x42C0] =	vst v6;
	v6 =	vadd.s32 s0, v7  }
0x15a: {  	v7 =	vld [tilespmem:$0x1FE80];
	[tilespmem:$0x40D0] =	vst v6  }
0x15b: {  	[tilespmem:$0x42D0] =	vst v6;
	v6 =	vld [tilespmem:$0x1FE90];
	_ =	sdelay $0x1  }
0x15c: {  	s13 =	spop (v2sf)  }
0x15d: {  	s0 =	sadd.s32 s13, s0;
	(v2sf) =	vpush v3, $0xF  }
0x15e: {  	v17 =	vsub.s32 v45, v40;
	s0 =	sadd.s32 $0x80000000, s0;
	(v2sf) =	vpush v7, $0xF  }
0x15f: {  	s18 =	spop (v2sf);
	(v2sf) =	vpush v6, $0xF;
	v6 =	vadd.s32 s0, v17  }
0x160: {  	[tilespmem:$0x40E0] =	vst v6  }
0x161: {  	[tilespmem:$0x42E0] =	vst v6;
	v6 =	vld [tilespmem:$0x1FEA0];
	_ =	sdelay $0x2  }
0x162: {  	s0 =	sadd.s32 s18, s0  }
0x163: {  	v17 =	vsub.s32 v44, v38;
	s0 =	sadd.s32 $0x80000000, s0  }
0x164: {  	s20 =	spop (v2sf);
	(v2sf) =	vpush v6, $0xF;
	v6 =	vadd.s32 s0, v17;
	v17 =	vld [tilespmem:$0x1FEB0];
	_ =	sdelay $0x1  }
0x165: {  	v61 =	vld [tilespmem:$0x41D0];
	_ =	sdelay $0x1  }
0x166: {  	s0 =	sadd.s32 s20, s0  }
0x167: {  	[tilespmem:$0x40F0] =	vst v6;
	s0 =	sadd.s32 $0x80000000, s0;
	v17 =	vsub.s32 v41, v17  }
0x168: {  	[tilespmem:$0x42F0] =	vst v6;
	v6 =	vadd.s32 s0, v17;
	v17 =	vld [tilespmem:$0x1FEC0]  }
0x169: {  	(xrf0) =	vadd.scan.msk.s32 $0xffff, v61;
	_ =	sdelay $0x1  }
0x16a: {  	s21 =	spop (v2sf)  }
0x16b: {  	s0 =	sadd.s32 s21, s0  }
0x16c: {  	v3 =	vld [tilespmem:$0x41E0];
	[tilespmem:$0x4100] =	vst v6;
	s0 =	sadd.s32 $0x80000000, s0;
	v17 =	vsub.s32 v39, v17  }
0x16d: {  	v16, _, _ =	vpop (xrf0);
	[tilespmem:$0x4300] =	vst v6;
	v6 =	vadd.s32 s0, v17;
	v17 =	vld [tilespmem:$0x1FED0]  }
0x16e: {  	v7, _, _ =	vpop (xrf0)  }
0x16f: {  	v62 =	vxor.u32 $0x80000000, v7  }
0x170: {  	s31 =	spop (v2sf);
	(xrf0) =	vmax.scan.msk.u32 $0xffff, v62  }
0x171: {  	(xrf0) =	vadd.scan.msk.s32 $0xffff, v3;
	(v2sf) =	vpush v36, $0xF;
	s0 =	sadd.s32 s31, s0  }
0x172: {  	(v2sf) =	vpush v22, $0xF;
	[tilespmem:$0x4110] =	vst v6;
	s0 =	sadd.s32 $0x80000000, s0;
	v17 =	vsub.s32 v37, v17  }
0x173: {  	s2 =	spop (v2sf);
	(v2sf) =	vpush v4, $0xF;
	[tilespmem:$0x4310] =	vst v6;
	v6 =	vadd.s32 s0, v17;
	v17 =	vld [tilespmem:$0x1FEE0]  }
0x174: {  	s3 =	spop (v2sf);
	(v2sf) =	vpush v5, $0xF;
	v5 =	vld [tilespmem:$0x1FEF0];
	[tilespmem:$0x4120] =	vst v6  }
0x175: {  	[tilespmem:$0x4320] =	vst v6;
	v6 =	vld [tilespmem:$0x1FF00]  }
0x176: {  	v18, _, _ =	vpop (xrf0)  }
0x177: {  	v63, _, _ =	vpop (xrf0);
	s0 =	sadd.s32 s2, s0  }
0x178: {  	v4 =	vxor.u32 $0x80000000, v63;
	s0 =	sadd.s32 $0x80000000, s0;
	v17 =	vsub.s32 v33, v17  }
0x179: {  	(xrf0) =	vmax.scan.msk.u32 $0xffff, v4;
	v4 =	vadd.s32 s0, v17;
	s0 =	sadd.s32 s3, s0  }
0x17a: {  	v5 =	vsub.s32 v6, v5;
	v6 =	vld [tilespmem:$0x1FF20];
	[tilespmem:$0x4130] =	vst v4;
	s0 =	sadd.s32 $0x80000000, s0  }
0x17b: {  	[tilespmem:$0x4330] =	vst v4;
	v4 =	vadd.s32 s0, v5;
	v5 =	vld [tilespmem:$0x1FF10];
	_ =	sdelay $0x2  }
0x17c: {  	s4 =	spop (v2sf)  }
0x17d: {  	s0 =	sadd.s32 s4, s0  }
0x17e: {  	[tilespmem:$0x4140] =	vst v4;
	s0 =	sadd.s32 $0x80000000, s0;
	v5 =	vsub.s32 v6, v5;
	v6 =	vld [tilespmem:$0x1FF40]  }
0x17f: {  	[tilespmem:$0x4340] =	vst v4;
	v4 =	vadd.s32 s0, v5;
	v5 =	vld [tilespmem:$0x1FF30];
	_ =	sdelay $0x2  }
0x180: {  	s5 =	spop (v2sf)  }
0x181: {  	s0 =	sadd.s32 s5, s0  }
0x182: {  	(v2sf) =	vpush v16, $0xF;
	[tilespmem:$0x4150] =	vst v4;
	s0 =	sadd.s32 $0x80000000, s0;
	v5 =	vsub.s32 v6, v5  }
0x183: {  	(v2sf) =	vpush v18, $0xF;
	[tilespmem:$0x4350] =	vst v4;
	v6, _, _ =	vpop (xrf0);
	v4 =	vadd.s32 s0, v5;
	v5 =	vld [tilespmem:$0x1FF50]  }
0x184: {  	s9 =	spop (v2sf);
	(v2sf) =	vpush v6, $0xF;
	v6 =	vld [tilespmem:$0x1FF60];
	_ =	sdelay $0x3  }
0x185: {  	s0 =	sadd.s32 s9, s0  }
0x186: {  	[tilespmem:$0x4160] =	vst v4;
	s0 =	sadd.s32 $0x80000000, s0;
	v5 =	vsub.s32 v6, v5;
	v6 =	vld [tilespmem:$0x1FF80]  }
0x187: {  	[tilespmem:$0x4360] =	vst v4;
	v4 =	vadd.s32 s0, v5;
	v5 =	vld [tilespmem:$0x1FF70];
	_ =	sdelay $0x2  }
0x188: {  	s10 =	spop (v2sf)  }
0x189: {  	s0 =	sadd.s32 s10, s0  }
0x18a: {  	[tilespmem:$0x4170] =	vst v4;
	s0 =	sadd.s32 $0x80000000, s0;
	v5 =	vsub.s32 v6, v5  }
0x18b: {  	[tilespmem:$0x4370] =	vst v4;
	v4 =	vadd.s32 s0, v5;
	v5 =	vld [tilespmem:$0x1FF90];
	_ =	sdelay $0x2  }
0x18c: {  	s11 =	spop (v2sf)  }
0x18d: {  	s0 =	sadd.s32 s11, s0  }
0x18e: {  	s12 =	spop (v2sf);
	v6 =	vld [tilespmem:$0x41F0];
	[tilespmem:$0x4180] =	vst v4;
	s0 =	sadd.s32 $0x80000000, s0;
	v5 =	vsub.s32 v34, v5  }
0x18f: {  	[tilespmem:$0x4380] =	vst v4;
	v4 =	vadd.s32 s0, v5;
	s0 =	sadd.s32 s12, s0  }
0x190: {  	s13 =	spop (v2sf);
	v5 =	vsub.s32 v31, v35;
	[tilespmem:$0x4190] =	vst v4;
	s0 =	sadd.s32 $0x80000000, s0  }
0x191: {  	[tilespmem:$0x4390] =	vst v4;
	v4 =	vadd.s32 s0, v5;
	s0 =	sadd.s32 s13, s0  }
0x192: {  	s18 =	spop (v2sf);
	v5 =	vsub.s32 v32, v23;
	[tilespmem:$0x41A0] =	vst v4;
	s0 =	sadd.s32 $0x80000000, s0  }
0x193: {  	(xrf0) =	vadd.scan.msk.s32 $0xffff, v6;
	[tilespmem:$0x43A0] =	vst v4;
	v4 =	vadd.s32 s0, v5;
	s0 =	sadd.s32 s18, s0  }
0x194: {  	v1 =	vsub.s32 v1, v28;
	s20 =	spop (v2sf);
	[tilespmem:$0x41B0] =	vst v4;
	s0 =	sadd.s32 $0x80000000, s0  }
0x195: {  	[tilespmem:$0x43B0] =	vst v4;
	v1 =	vadd.s32 s0, v1;
	s0 =	sadd.s32 s20, s0  }
0x196: {  	v3 =	vsub.s32 v63, v3;
	s21 =	spop (v2sf);
	v4 =	vsub.s32 v7, v61;
	[tilespmem:$0x41C0] =	vst v1;
	s0 =	sadd.s32 $0x80000000, s0  }
0x197: {  	[tilespmem:$0x43C0] =	vst v1;
	v1 =	vadd.s32 s0, v4;
	s0 =	sadd.s32 s21, s0  }
0x198: {  	s31 =	spop (v2sf);
	[tilespmem:$0x41D0] =	vst v1;
	s0 =	sadd.s32 $0x80000000, s0  }
0x199: {  	[tilespmem:$0x43D0] =	vst v1;
	v1 =	vadd.s32 s0, v3;
	s0 =	sadd.s32 s31, s0;
	v3, _, _ =	vpop (xrf0)  }
0x19a: {  	[tilespmem:$0x41E0] =	vst v1;
	s0 =	sadd.s32 $0x80000000, s0;
	v3 =	vsub.s32 v3, v6  }
0x19b: {  	[tilespmem:$0x43E0] =	vst v1;
	v1 =	vadd.s32 s0, v3  }
0x19c: {  	[tilespmem:$0x41F0] =	vst v1  }
0x19d: {  	s2 =	simm.s32 $0x1000;
	[tilespmem:$0x43F0] =	vst v1  }
0x19e: {  	v3 =	vld [tilespmem:s2+$0x0]  }
0x19f: {  	s0 =	simm.s32 $0x0  }
0x1a0: {  	s9 =	simm.s32 $0x10;
	s10 =	simm.s32 $0x0;
	v1 =	vld [tilespmem:s0+$0x0]  }
.LBB2_7:
0x1a1: {  	p1 =	sne.s32 s9, $0xFF0;
	_ =	sdelay $0x1  }
0x1a2: {  	vm0 =	vgt.s32 v3, $0x0  }
0x1a3: {  	v3 =	vnsel vm0, $0x0, v3  }
0x1a4: {  	v3 =	vmin.u32 v3, $0x1FE  }
0x1a5: {  	(xrf1) =	vunique.msk.u32 $0xffff, v3;
	_ =	sdelay $0x8  }
0x1a6: {  	v4 =	vld.idx.msk [tilespmem:v3+s15+$0x0], $0xffff;
	_ =	sdelay $0x4  }
0x1a7: {  	_, v5, vm0 =	vpop (xrf1)  }
0x1a8: {  	v4 =	vadd.s32 v4, v5  }
0x1a9: {  	v5 =	vadd.s32 $0xFFFFFFFF, v4  }
0x1aa: {  	vm1 =	vgt.s32 v5, $0x0  }
0x1ab: {  	v5 =	vnsel vm1, $0x0, v5  }
0x1ac: {  	v5 =	vmin.u32 v5, $0xFFF;
	_ =	sdelay $0x4  }
0x1ad: {  	[tilespmem:v5+s16+$0x0] =	vst.idx.msk $0xffff, v1;
	v1 =	vor.u32 s0, v2;
	s0 =	smov.u32 s9  }
.Ltmp5:
0x1ae: {  	[tilespmem:v5+s17+$0x0] =	vst.idx.msk $0xffff, v1;
	(pc) =	sbr.rel @p1 .LBB2_7-.Ltmp5, $4  }
0x1af: {  	s2 =	sadd.s32 $0x10, s2;
	[tilespmem:v3+s15+$0x0] =	vst.idx.msk vm0, v4  }
0x1b0: {  	s10 =	sadd.s32 $0x10, s10;
	v3 =	vld [tilespmem:s2+$0x0]  }
0x1b1: {  	v1 =	vld [tilespmem:s10+$0x0]  }
0x1b2: {  	s9 =	sadd.s32 $0x10, s9  }
0x1b3: {  	_ =	sdelay $0x1  }
0x1b4: {  	vm0 =	vgt.s32 v3, $0x0  }
0x1b5: {  	v3 =	vnsel vm0, $0x0, v3  }
0x1b6: {  	v3 =	vmin.u32 v3, $0x1FE  }
0x1b7: {  	(xrf1) =	vunique.msk.u32 $0xffff, v3;
	_ =	sdelay $0x9  }
0x1b8: {  	v4 =	vld.idx.msk [tilespmem:v3+s15+$0x0], $0xffff;
	_ =	sdelay $0x3  }
0x1b9: {  	_, v5, vm15 =	vpop (xrf1)  }
0x1ba: {  	v4 =	vadd.s32 v4, v5  }
0x1bb: {  	v5 =	vadd.s32 $0xFFFFFFFF, v4  }
0x1bc: {  	vm1 =	vgt.s32 v5, $0x0  }
0x1bd: {  	v5 =	vnsel vm1, $0x0, v5  }
0x1be: {  	v5 =	vmin.u32 v5, $0xFFF;
	_ =	sdelay $0x4  }
0x1bf: {  	[tilespmem:v5+s16+$0x0] =	vst.idx.msk $0xffff, v1;
	v1 =	vor.u32 s0, v2  }
0x1c0: {  	[tilespmem:v5+s17+$0x0] =	vst.idx.msk $0xffff, v1  }
0x1c1: {  	s0 =	simm.s32 $0x0;
	[tilespmem:v3+s15+$0x0] =	vst.idx.msk vm15, v4  }
0x1c2: {  	s1 =	simm.s32 $0x40;
	v1 =	vld [tilespmem:s0+$0x2000]  }
.LBB2_9:
0x1c3: {  	p1 =	sne.s32 s1, $0x3FC0  }
.Ltmp6:
0x1c4: {  	_ = 	snop;
	(pc) =	sbr.rel @p1 .LBB2_9-.Ltmp6, $3  }
0x1c5: {  	_ =	sdelay $0x1  }
0x1c6: {  	s2 =	sshra.s32 s1, $0x2;
	s1 =	sadd.s32 $0x40, s1;
	v3 =	vand.u32 $0xFF, v1  }
0x1c7: {  	v1 =	vld [tilespmem:s2+$0x2000];
	[tilespmem:s0+$0x1000] =	vst v3;
	s0 =	smov.u32 s2  }
0x1c8: {  	_ =	sdelay $0x3  }
0x1c9: {  	v1 =	vand.u32 $0xFF, v1  }
0x1ca: {  	[tilespmem:s0+$0x1000] =	vst v1;
	s0 =	simm.s32 $0x0  }
0x1cb: {  	v1 =	vld [tilespmem:s0+$0x3070]  }
0x1cc: {  	v3 =	vld [tilespmem:s0+$0x3000]  }
0x1cd: {  	v4 =	vld [tilespmem:s0+$0x3010]  }
0x1ce: {  	v5 =	vld [tilespmem:s0+$0x3020]  }
0x1cf: {  	v6 =	vld [tilespmem:s0+$0x3030]  }
0x1d0: {  	v7 =	vld [tilespmem:s0+$0x3040]  }
0x1d1: {  	v16 =	vld [tilespmem:s0+$0x3050]  }
0x1d2: {  	v17 =	vld [tilespmem:s0+$0x3060];
	_ =	sdelay $0x1  }
0x1d3: {  	v1 =	vmul.u32 $0x1A, v1  }
0x1d4: {  	v3 =	vmul.u32 $0x1A, v3;
	v4 =	vmul.u32 $0x1A, v4;
	v5 =	vmul.u32 $0x1A, v5  }
0x1d5: {  	v6 =	vmul.u32 $0x1A, v6;
	v7 =	vmul.u32 $0x1A, v7;
	v19 =	vmul.u32 $0x1A, v16  }
0x1d6: {  	v16 =	vmul.u32 $0x1A, v17;
	v18 =	vadd.s32 v0, v1;
	v1 =	vadd.s32 v0, v3  }
0x1d7: {  	v3 =	vadd.s32 v0, v4;
	v4 =	vadd.s32 v0, v5;
	vm0 =	vgt.s32 v18, $0x0  }
0x1d8: {  	v5 =	vadd.s32 v0, v6;
	v6 =	vadd.s32 v0, v7;
	v18 =	vnsel vm0, $0x0, v18  }
0x1d9: {  	v7 =	vadd.s32 v0, v19;
	vm1 =	vgt.s32 v3, $0x0;
	v18 =	vmin.u32 v18, $0x19FFF  }
0x1da: {  	s9 =	simm.s32 $0x80;
	s2 =	simm.s32 $0x400;
	vm2 =	vgt.s32 v4, $0x0;
	vm3 =	vgt.s32 v5, $0x0;
	vm0 =	vgt.s32 v1, $0x0;
	[tilespmem:s0+$0x4470] =	vst v18  }
.LBB2_11:
0x1db: {  	p1 =	sne.s32 s2, $0x3E00;
	v17 =	vld [tilespmem:s9+$0x3070];
	vm4 =	vgt.s32 v6, $0x0;
	vm5 =	vgt.s32 v7, $0x0;
	v16 =	vadd.s32 v0, v16  }
0x1dc: {  	v1 =	vnsel vm0, $0x0, v1;
	v3 =	vnsel vm1, $0x0, v3;
	v18 =	vld [tilespmem:s9+$0x3000];
	vm0 =	vgt.s32 v16, $0x0  }
0x1dd: {  	v4 =	vnsel vm2, $0x0, v4;
	v5 =	vnsel vm3, $0x0, v5;
	v6 =	vnsel vm4, $0x0, v6;
	v19 =	vld [tilespmem:s9+$0x3010]  }
0x1de: {  	v1 =	vmin.u32 v1, $0x19FFF;
	v7 =	vnsel vm5, $0x0, v7;
	v16 =	vnsel vm0, $0x0, v16;
	v20 =	vld [tilespmem:s9+$0x3020]  }
0x1df: {  	v21 =	vld [tilespmem:s9+$0x3030];
	[tilespmem:s0+$0x4400] =	vst v1;
	v1 =	vmin.u32 v3, $0x19FFF;
	v3 =	vmin.u32 v4, $0x19FFF;
	v4 =	vmin.u32 v5, $0x19FFF  }
0x1e0: {  	v6 =	vmin.u32 v6, $0x19FFF;
	v7 =	vmin.u32 v7, $0x19FFF;
	v5 =	vld [tilespmem:s9+$0x3040];
	v17 =	vmul.u32 $0x1A, v17;
	[tilespmem:s0+$0x4410] =	vst v1  }
0x1e1: {  	v16 =	vmin.u32 v16, $0x19FFF;
	v1 =	vmul.u32 $0x1A, v18;
	v18 =	vld [tilespmem:s9+$0x3050];
	[tilespmem:s0+$0x4420] =	vst v3  }
0x1e2: {  	v3 =	vmul.u32 $0x1A, v19;
	v19 =	vld [tilespmem:s9+$0x3060];
	v17 =	vadd.s32 v0, v17;
	[tilespmem:s0+$0x4430] =	vst v4  }
0x1e3: {  	v1 =	vadd.s32 v0, v1;
	v4 =	vmul.u32 $0x1A, v20;
	vm0 =	vgt.s32 v17, $0x0;
	[tilespmem:s0+$0x4440] =	vst v6  }
.Ltmp7:
0x1e4: {  	v3 =	vadd.s32 v0, v3;
	v6 =	vmul.u32 $0x1A, v21;
	v17 =	vnsel vm0, $0x0, v17;
	[tilespmem:s0+$0x4450] =	vst v7;
	(pc) =	sbr.rel @p1 .LBB2_11-.Ltmp7, $4  }
0x1e5: {  	v4 =	vadd.s32 v0, v4;
	v7 =	vmul.u32 $0x1A, v5;
	v17 =	vmin.u32 v17, $0x19FFF;
	[tilespmem:s0+$0x4460] =	vst v16;
	s0 =	smov.u32 s9  }
0x1e6: {  	vm0 =	vgt.s32 v1, $0x0;
	v5 =	vadd.s32 v0, v6;
	v18 =	vmul.u32 $0x1A, v18;
	[tilespmem:s0+$0x4470] =	vst v17  }
0x1e7: {  	vm1 =	vgt.s32 v3, $0x0;
	v6 =	vadd.s32 v0, v7;
	v16 =	vmul.u32 $0x1A, v19  }
0x1e8: {  	s9 =	sshra.s32 s2, $0x2;
	s2 =	sadd.s32 $0x200, s2;
	vm2 =	vgt.s32 v4, $0x0;
	vm3 =	vgt.s32 v5, $0x0;
	v7 =	vadd.s32 v0, v18  }
0x1e9: {  	v17 =	vld [tilespmem:$0x1FFA0];
	_ =	sdelay $0x4  }
0x1ea: {  	v17 =	vxor.u32 $0x80000000, v17  }
0x1eb: {  	(xrf0) =	vmax.scan.msk.u32 $0xffff, v17;
	_ =	sdelay $0x5  }
0x1ec: {  	v20, _, _ =	vpop (xrf0)  }
0x1ed: {  	(v2sf) =	vpush v20, $0xF;
	_ =	sdelay $0x2  }
0x1ee: {  	v18 =	vld [tilespmem:s9+$0x3000]  }
0x1ef: {  	v19 =	vld [tilespmem:s9+$0x3010];
	v1 =	vnsel vm0, $0x0, v1  }
0x1f0: {  	v21 =	vld [tilespmem:s9+$0x3020];
	vm14 =	vgt.s32 v6, $0x0;
	v16 =	vadd.s32 v0, v16;
	v3 =	vnsel vm1, $0x0, v3  }
0x1f1: {  	vm15 =	vgt.s32 v7, $0x0;
	v58 =	vnsel vm3, $0x0, v5;
	v1 =	vmin.u32 v1, $0x19FFF;
	v17 =	vld [tilespmem:s9+$0x3070]  }
0x1f2: {  	v57 =	vld [tilespmem:s9+$0x3030];
	vm4 =	vgt.s32 v16, $0x0;
	v3 =	vmin.u32 v3, $0x19FFF;
	v6 =	vnsel vm14, $0x0, v6;
	[tilespmem:s0+$0x4400] =	vst v1  }
0x1f3: {  	v7 =	vnsel vm15, $0x0, v7;
	v16 =	vnsel vm4, $0x0, v16;
	v18 =	vmul.u32 $0x1A, v18;
	v59 =	vld [tilespmem:s9+$0x3040]  }
0x1f4: {  	v6 =	vmin.u32 v6, $0x19FFF;
	v7 =	vmin.u32 v7, $0x19FFF;
	v1 =	vnsel vm2, $0x0, v4  }
0x1f5: {  	v21 =	vmul.u32 $0x1A, v21;
	[tilespmem:s0+$0x4410] =	vst v3;
	v1 =	vmin.u32 v1, $0x19FFF;
	v18 =	vadd.s32 v0, v18  }
0x1f6: {  	v3 =	vmin.u32 v58, $0x19FFF;
	vm9 =	vgt.s32 v18, $0x0;
	v60 =	vmul.u32 $0x1A, v17;
	v17 =	vld [tilespmem:s9+$0x3050];
	[tilespmem:s0+$0x4420] =	vst v1  }
0x1f7: {  	v1 =	vmin.u32 v16, $0x19FFF;
	v16 =	vmul.u32 $0x1A, v19;
	v61 =	vld [tilespmem:s9+$0x3060];
	[tilespmem:s0+$0x4430] =	vst v3;
	v3 =	vadd.s32 v0, v21  }
0x1f8: {  	v5 =	vmul.u32 $0x1A, v59;
	[tilespmem:s0+$0x4460] =	vst v1;
	v1 =	vnsel vm9, $0x0, v18;
	v4 =	vadd.s32 v0, v60  }
0x1f9: {  	s1 =	sld [smem:$0x7FD];
	v16 =	vadd.s32 v0, v16;
	v20 =	vmul.u32 $0x1A, v57;
	vm11 =	vgt.s32 v3, $0x0  }
0x1fa: {  	[tilespmem:s0+$0x4440] =	vst v6;
	v1 =	vmin.u32 v1, $0x19FFF;
	vm8 =	vgt.s32 v4, $0x0;
	vm10 =	vgt.s32 v16, $0x0;
	s21 =	spop (v2sf)  }
0x1fb: {  	[tilespmem:s0+$0x4450] =	vst v7;
	v5 =	vadd.s32 v0, v5;
	v3 =	vnsel vm11, $0x0, v3;
	v4 =	vnsel vm8, $0x0, v4;
	s0 =	sadd.s32 $0x7FFFFFFF, s21  }
0x1fc: {  	p0 =	seq.s32 s1, $0x1;
	v6 =	vadd.s32 v0, v20;
	v16 =	vnsel vm10, $0x0, v16;
	vm13 =	vgt.s32 v5, $0x0;
	s0 =	sshrl.u32 s0, $0x8  }
0x1fd: {  	[tilespmem:s9+$0x4400] =	vst v1;
	v3 =	vmin.u32 v3, $0x19FFF;
	v4 =	vmin.u32 v4, $0x19FFF;
	v17 =	vmul.u32 $0x1A, v17;
	s0 =	simm.s32 @p0 $0x27AC  }
0x1fe: {  	vm12 =	vgt.s32 v6, $0x0;
	v1 =	vmin.u32 v16, $0x19FFF;
	[tilespmem:s9+$0x4420] =	vst v3;
	v7 =	vmul.u32 $0x1A, v61;
	s10 =	ssub.s32 s0, s8  }
0x1ff: {  	v5 =	vnsel vm13, $0x0, v5;
	[tilespmem:s9+$0x4470] =	vst v4;
	v6 =	vnsel vm12, $0x0, v6;
	v62 =	vadd.s32 v0, v17;
	p1 =	slt.s32 s10, $0x0  }
.Ltmp8:
0x200: {  	[tilespmem:s9+$0x4410] =	vst v1;
	v63 =	vmin.u32 v5, $0x19FFF;
	vm14 =	vgt.s32 v62, $0x0;
	v1 =	vadd.s32 v0, v7;
	(pc) =	sbr.rel @p1 .LBB2_23-.Ltmp8, $4  }
0x201: {  	v6 =	vmin.u32 v6, $0x19FFF;
	[tilespmem:s9+$0x4440] =	vst v63;
	vm15 =	vgt.s32 v1, $0x0;
	v3 =	vnsel vm14, $0x0, v62  }
0x202: {  	[tilespmem:s9+$0x4430] =	vst v6;
	v1 =	vnsel vm15, $0x0, v1;
	v3 =	vmin.u32 v3, $0x19FFF  }
0x203: {  	v1 =	vmin.u32 v1, $0x19FFF;
	[tilespmem:s9+$0x4450] =	vst v3;
	s31 =	sshll.u32 s0, $0x8  }
0x204: {  	[tilespmem:s9+$0x4460] =	vst v1;
	s11 =	sadd.s32 $0x100, s31  }
0x205: {  	p1 =	sne.s32 s0, s8  }
0x206: {  	p2 =	slt.s32 @!p1 s11, $0x27AC41  }
0x207: {  	p1 =	por p1, p2  }
.Ltmp9:
0x208: {  	_ = 	snop;
	(pc) =	sbr.rel @p1 .LBB2_15-.Ltmp9, $1  }
0x209: {  	_ =	sdelay $0x3  }
0x20a: {  	s0 =	rddreg [dreg:$0x3];
	s1 =	simm.s32 $0x0  }
0x20b: {  	[tilespmem:s19], [sflag:$0x1] =	stream.linear.gather [hbm4b:s0+s1], $0x4000, $0x38;
	[tilespmem:$0x1DB00] =	vst v63  }
.LBB2_23:
0x20c: {  	s0 =	sand.u32 $0x3, s10  }
0x20d: {  	s1 =	sadd.s32 $0x4, s10;
	p1 =	slt.s32 s10, $0xFFFFFFFD;
	p2 =	sne.s32 s0, $0x0  }
0x20e: {  	s31 =	sshrl.u32 s1, $0x1E;
	p1 =	por !p1, !p2  }
0x20f: {  	s0 =	sadd.s32 s31, s1;
	s1 =	simm.s32 $0x1;
	p1 =	por !p1, !p1  }
0x210: {  	s0 =	sshra.s32 s0, $0x2;
	s1 =	simm.s32 @!p1 $0x0  }
0x211: {  	s6 =	ssub.s32 s0, s1  }
0x212: {  	p1 =	slt.s32 s6, $0x1  }
.Ltmp10:
0x213: {  	_ = 	snop;
	(pc) =	sbr.rel @!p1 .LBB2_24-.Ltmp10, $4  }
.Ltmp11:
0x214: {  	_ = 	snop;
	(pc) =	sbr.rel @p1 .LBB2_69-.Ltmp11, $4  }
0x215: {  	_ = 	snop  }
0x216: {  	_ = 	snop  }
0x217: {  	s8 =	simm.s32 $0x0  }
0x218: {  	_ = 	snop  }
.LBB2_68:
0x219: {  	s8 =	sadd.s32 $0x1, s8  }
0x21a: {  	p0 =	sne.s32 s8, s6  }
.Ltmp12:
0x21b: {  	_ = 	snop;
	(pc) =	sbr.rel @!p0 .LBB2_69-.Ltmp12, $1  }
0x21c: {  	_ =	sdelay $0x3  }
.LBB2_24:
0x21d: {  	s9 =	sshll.u32 s8, $0x2  }
0x21e: {  	p1 =	sgt.s32 s9, s10  }
.Ltmp13:
0x21f: {  	_ = 	snop;
	(pc) =	sbr.rel @p1 .LBB2_35-.Ltmp13, $1  }
0x220: {  	_ =	sdelay $0x3  }
0x221: {  	s0 =	sor.u32 $0x1, s9  }
0x222: {  	v1 =	vmov s0  }
0x223: {  	v1 =	vand.u32 $0xFFFFFFFD, v1  }
0x224: {  	v3 =	vmov s9;
	v1 =	vbroadcast v1, $0x0  }
0x225: {  	v3 =	vand.u32 $0xFFFFFFFC, v3  }
0x226: {  	v3 =	vbroadcast v3, $0x0  }
0x227: {  	_ =	swait.ge [sflag:s25], $0x4000  }
0x228: {  	[sflag:s25] =	ssyncset.done $0x0  }
0x229: {  	[sflag:s25] =	ssyncadd.s32 $0xFFFFC000  }
0x22a: {  	v1 =	vld.idx.msk [tilespmem:v1+s14+$0x0], $0xffff;
	_ =	sdelay $0x1  }
0x22b: {  	v3 =	vld.idx.msk [tilespmem:v3+s14+$0x0], $0xffff;
	_ =	sdelay $0x2  }
0x22c: {  	v1 =	vxor.u32 $0x80000000, v1  }
0x22d: {  	(xrf0) =	vmax.scan.msk.u32 $0xffff, v1  }
0x22e: {  	v1 =	vxor.u32 $0x80000000, v3  }
0x22f: {  	(xrf0) =	vmax.scan.msk.u32 $0xffff, v1;
	_ =	sdelay $0x3  }
0x230: {  	v1, _, _ =	vpop (xrf0)  }
0x231: {  	(v2sf) =	vpush v1, $0xF  }
0x232: {  	v1, _, _ =	vpop (xrf0)  }
0x233: {  	(v2sf) =	vpush v1, $0xF;
	_ =	sdelay $0xc  }
0x234: {  	s21 =	spop (v2sf)  }
0x235: {  	s12 =	sxor.u32 $0x80000000, s21  }
0x236: {  	s31 =	spop (v2sf);
	p1 =	slt.s32 s12, $0x1000  }
0x237: {  	s2 =	sxor.u32 $0x80000000, s31;
	s12 =	simm.s32 @!p1 $0x1000  }
0x238: {  	p1 =	sge.s32 s2, s12  }
.Ltmp14:
0x239: {  	_ = 	snop;
	(pc) =	sbr.rel @p1 .LBB2_33-.Ltmp14, $1  }
0x23a: {  	_ =	sdelay $0x3  }
0x23b: {  	s31 =	sadd.s32 $0x1, s2  }
0x23c: {  	p3 =	sne.s32 s12, s31  }
.Ltmp15:
0x23d: {  	v1 =	vmov s2;
	(pc) =	sbr.rel @!p3 .LBB2_27-.Ltmp15, $4  }
0x23e: {  	vm0 =	vgt.s32 v1, $0x0  }
0x23f: {  	s1 =	sand.u32 $0x7F, s2;
	v1 =	vnsel vm0, $0x0, v1  }
0x240: {  	p1 =	sgt.u32 s2, $0xFF;
	p2 =	seq.s32 s1, $0x0;
	s0 =	sshll.u32 s1, $0x7;
	v1 =	vmin.u32 v1, $0xFFF  }
0x241: {  	p4 =	por !p1, !p2;
	p1 =	sne.s32 s1, $0x7F;
	p2 =	por $0x0, $0x0;
	v1 =	vbroadcast v1, $0x0  }
0x242: {  	_ =	sdelay $0x4  }
0x243: {  	v1 =	vld.idx.msk [tilespmem:v1+s28+$0x0], $0xffff;
	_ =	sdelay $0x1  }
0x244: {  	s1 =	sshrl.u32 s2, $0x7  }
0x245: {  	p3 =	por !p4, !p4;
	s1 =	sand.u32 $0x1, s1  }
0x246: {  	p2 =	sne.s32 @p3 s1, $0x0  }
0x247: {  	p4 =	por p2, !p3;
	v3 =	vshll.u32 v1, $0x3  }
0x248: {  	p6 =	seq.s32 s1, $0x1;
	s3 =	simm.s32 @!p4 $0x5;
	v1 =	vand.u32 $0x7F, v1;
	v3 =	vand.u32 $0xFFFFFC00, v3  }
0x249: {  	p3 =	por !p3, !p6;
	_ =	swait.ge @!p4 [sflag:s3], $0x4000;
	v1 =	vor.u32 v1, v3  }
0x24a: {  	p3 =	por !p3, !p3;
	[sflag:s3] =	ssyncset.done @!p4 $0x0;
	v3 =	vadd.s32 v8, v1  }
0x24b: {  	[sflag:s3] =	ssyncadd.s32 @!p4 $0xFFFFC000;
	s3 =	simm.s32 @p3 $0x6  }
0x24c: {  	_ =	swait.ge @p3 [sflag:s3], $0x4000  }
0x24d: {  	[sflag:s3] =	ssyncset.done @p3 $0x0  }
0x24e: {  	[sflag:s3] =	ssyncadd.s32 @p3 $0xFFFFC000  }
0x24f: {  	v3 =	vld.idx.msk [tilespmem:v3+s19+$0x0], $0xffff;
	_ =	sdelay $0x2  }
0x250: {  	v4 =	vadd.s32 v9, v1;
	_ =	sdelay $0x1  }
0x251: {  	s20 =	sshll.u32 s1, $0xE;
	v3 =	vadd.f32 v3, v12  }
0x252: {  	s0 =	sor.u32 s0, s20  }
0x253: {  	[tilespmem:s0+$0x15B00] =	vst v3  }
0x254: {  	v3 =	vld.idx.msk [tilespmem:v4+s19+$0x0], $0xffff;
	_ =	sdelay $0x2  }
0x255: {  	v62 =	vadd.s32 v10, v1;
	_ =	sdelay $0x1  }
0x256: {  	v3 =	vadd.f32 v3, v13  }
0x257: {  	s3 =	sadd.s32 $0x15B00, s0  }
0x258: {  	[tilespmem:s3+$0x10] =	vst v3  }
0x259: {  	v3 =	vld.idx.msk [tilespmem:v62+s19+$0x0], $0xffff;
	_ =	sdelay $0x2  }
0x25a: {  	v1 =	vadd.s32 v11, v1;
	_ =	sdelay $0x1  }
0x25b: {  	v3 =	vadd.f32 v3, v14;
	_ =	sdelay $0x1  }
0x25c: {  	[tilespmem:s3+$0x20] =	vst v3  }
0x25d: {  	v1 =	vld.idx.msk [tilespmem:v1+s19+$0x0], $0xffff  }
0x25e: {  	s13 =	sadd.s32 $0x1, s31  }
0x25f: {  	p0 =	sgt.u32 s31, $0xFF;
	s21 =	sand.u32 $0x7F, s31;
	p2 =	por !p6, !p6;
	v3 =	vmov s31  }
0x260: {  	p6 =	sne.s32 @!p1 s1, $0x0;
	p5 =	por p1, p2;
	p3 =	sne.s32 s12, s13;
	vm0 =	vgt.s32 v3, $0x0  }
.Ltmp16:
0x261: {  	p6 =	por p6, p1;
	p2 =	seq.s32 s21, $0x0;
	v3 =	vnsel vm0, $0x0, v3;
	(pc) =	sbr.rel @!p3 .LBB2_29-.Ltmp16, $4  }
0x262: {  	p1 =	sne.s32 s21, $0x7F;
	s20 =	simm.s32 @!p6 $0x15B00;
	s1 =	sand.u32 @!p6 $0xFFFFFF80, s2;
	v63 =	vadd.f32 v1, v15;
	v1 =	vmin.u32 v3, $0xFFF  }
0x263: {  	s2 =	sand.u32 @!p5 $0xFFFFFF80, s2;
	s18 =	simm.s32 @!p6 $0x80;
	s5 =	simm.s32 @!p5 $0x19B00;
	v1 =	vbroadcast v1, $0x0  }
0x264: {  	s4 =	sadd.s32 @!p5 $0x4400, s2;
	p4 =	por !p0, !p2;
	p2 =	por $0x1, $0x1  }
0x265: {  	s0 =	sshll.u32 s21, $0x7;
	s21 =	sadd.s32 @!p6 $0x4400, s1;
	[tilespmem:s3+$0x30] =	vst v63;
	s3 =	simm.s32 @!p5 $0x80  }
.LBB2_30:
0x266: {  	[hbm4b:s7+s18] =	stream.indirect.scatter @!p6 [tilespmem:s20], [sflag:$0x5], $0x80, s21, s18, $0xb8;
	[tilespmem:$0x1DB00] =	vst v63  }
0x267: {  	s2 =	smov.u32 s31;
	s31 =	smov.u32 s13;
	s13 =	sadd.s32 $0x1, s13  }
0x268: {  	[hbm4b:s7+s3] =	stream.indirect.scatter @!p5 [tilespmem:s5], [sflag:$0x6], $0x80, s4, s3, $0xb8;
	[tilespmem:$0x1DB00] =	vst v63  }
0x269: {  	p3 =	sne.s32 s12, s13;
	v1 =	vld.idx.msk [tilespmem:v1+s28+$0x0], $0xffff  }
0x26a: {  	s1 =	sshrl.u32 s2, $0x7  }
0x26b: {  	s20 =	sand.u32 $0x1, s1;
	p5 =	por !p4, !p4  }
0x26c: {  	p4 =	sne.s32 @p5 s20, $0x0  }
0x26d: {  	p6 =	por p4, !p5  }
0x26e: {  	p4 =	seq.s32 s20, $0x1;
	s1 =	simm.s32 @!p6 $0x5  }
0x26f: {  	p5 =	por !p5, !p4;
	v3 =	vshll.u32 v1, $0x3;
	_ =	swait.ge @!p6 [sflag:s1], $0x4000  }
0x270: {  	p5 =	por !p5, !p5;
	v1 =	vand.u32 $0x7F, v1;
	v3 =	vand.u32 $0xFFFFFC00, v3;
	[sflag:s1] =	ssyncset.done @!p6 $0x0  }
0x271: {  	v1 =	vor.u32 v1, v3;
	[sflag:s1] =	ssyncadd.s32 @!p6 $0xFFFFC000;
	s1 =	simm.s32 @p5 $0x6  }
0x272: {  	v3 =	vadd.s32 v8, v1;
	_ =	swait.ge @p5 [sflag:s1], $0x4000  }
0x273: {  	[sflag:s1] =	ssyncset.done @p5 $0x0  }
0x274: {  	[sflag:s1] =	ssyncadd.s32 @p5 $0xFFFFC000;
	_ =	sdelay $0x2  }
0x275: {  	v3 =	vld.idx.msk [tilespmem:v3+s19+$0x0], $0xffff;
	_ =	sdelay $0x1  }
0x276: {  	v4 =	vadd.s32 v9, v1;
	_ =	sdelay $0x1  }
0x277: {  	s1 =	sshll.u32 s20, $0xE  }
0x278: {  	s0 =	sor.u32 s0, s1  }
0x279: {  	v3 =	vadd.f32 v3, v12;
	_ =	sdelay $0x1  }
0x27a: {  	[tilespmem:s0+$0x15B00] =	vst v3  }
0x27b: {  	v3 =	vld.idx.msk [tilespmem:v4+s19+$0x0], $0xffff;
	_ =	sdelay $0x1  }
0x27c: {  	v4 =	vadd.s32 v10, v1;
	_ =	sdelay $0x2  }
0x27d: {  	s1 =	sadd.s32 $0x15B00, s0  }
0x27e: {  	v3 =	vadd.f32 v3, v13;
	_ =	sdelay $0x1  }
0x27f: {  	[tilespmem:s1+$0x10] =	vst v3  }
0x280: {  	v3 =	vld.idx.msk [tilespmem:v4+s19+$0x0], $0xffff;
	_ =	sdelay $0x1  }
0x281: {  	v1 =	vadd.s32 v11, v1;
	_ =	sdelay $0x3  }
0x282: {  	v3 =	vadd.f32 v3, v14;
	_ =	sdelay $0x1  }
0x283: {  	[tilespmem:s1+$0x20] =	vst v3  }
0x284: {  	v3 =	vmov s31;
	v4 =	vld.idx.msk [tilespmem:v1+s19+$0x0], $0xffff  }
0x285: {  	vm0 =	vgt.s32 v3, $0x0  }
0x286: {  	p4 =	por !p4, !p4;
	v1 =	vnsel vm0, $0x0, v3  }
0x287: {  	p0 =	sgt.u32 s31, $0xFF;
	p6 =	sne.s32 @!p1 s20, $0x0;
	p5 =	por p1, p4;
	v1 =	vmin.u32 v1, $0xFFF  }
.Ltmp17:
0x288: {  	s3 =	sand.u32 $0x7F, s31;
	p6 =	por p6, p1;
	v1 =	vbroadcast v1, $0x0;
	(pc) =	sbr.rel @p3 .LBB2_30-.Ltmp17, $4  }
0x289: {  	p1 =	seq.s32 s3, $0x0;
	s20 =	simm.s32 @!p6 $0x15B00;
	s0 =	sshll.u32 s3, $0x7  }
0x28a: {  	p4 =	por !p0, !p1;
	p1 =	sne.s32 s3, $0x7F;
	s3 =	sand.u32 @!p6 $0xFFFFFF80, s2;
	v3 =	vadd.f32 v4, v15  }
0x28b: {  	s18 =	simm.s32 @!p6 $0x80;
	s2 =	sand.u32 @!p5 $0xFFFFFF80, s2;
	s21 =	sadd.s32 @!p6 $0x4400, s3  }
0x28c: {  	s5 =	simm.s32 @!p5 $0x19B00;
	s4 =	sadd.s32 @!p5 $0x4400, s2;
	s3 =	simm.s32 @!p5 $0x80;
	[tilespmem:s1+$0x30] =	vst v3  }
0x28d: {  	s2 =	smov.u32 s31  }
.LBB2_32:
0x28e: {  	p0 =	por p6, !p2  }
0x28f: {  	[hbm4b:s7+s18] =	stream.indirect.scatter @!p0 [tilespmem:s20], [sflag:$0x5], $0x80, s21, s18, $0xb8;
	[tilespmem:$0x1DB00] =	vst v63  }
0x290: {  	p0 =	por p5, !p2  }
0x291: {  	[hbm4b:s7+s3] =	stream.indirect.scatter @!p0 [tilespmem:s5], [sflag:$0x6], $0x80, s4, s3, $0xb8;
	[tilespmem:$0x1DB00] =	vst v63  }
0x292: {  	v1 =	vld.idx.msk [tilespmem:v1+s28+$0x0], $0xffff;
	_ =	sdelay $0x1  }
0x293: {  	s1 =	sshrl.u32 s2, $0x7  }
0x294: {  	s1 =	sand.u32 $0x1, s1;
	p0 =	por !p4, !p4  }
0x295: {  	p2 =	sne.s32 @p0 s1, $0x0  }
0x296: {  	p3 =	por p2, !p0;
	v3 =	vshll.u32 v1, $0x3  }
0x297: {  	p6 =	seq.s32 s1, $0x1;
	s3 =	simm.s32 @!p3 $0x5;
	v1 =	vand.u32 $0x7F, v1;
	v3 =	vand.u32 $0xFFFFFC00, v3  }
0x298: {  	p0 =	por !p0, !p6;
	_ =	swait.ge @!p3 [sflag:s3], $0x4000;
	v1 =	vor.u32 v1, v3  }
0x299: {  	p0 =	por !p0, !p0;
	[sflag:s3] =	ssyncset.done @!p3 $0x0;
	v3 =	vadd.s32 v8, v1  }
0x29a: {  	[sflag:s3] =	ssyncadd.s32 @!p3 $0xFFFFC000;
	s3 =	simm.s32 @p0 $0x6  }
0x29b: {  	_ =	swait.ge @p0 [sflag:s3], $0x4000  }
0x29c: {  	[sflag:s3] =	ssyncset.done @p0 $0x0  }
0x29d: {  	[sflag:s3] =	ssyncadd.s32 @p0 $0xFFFFC000  }
0x29e: {  	v3 =	vld.idx.msk [tilespmem:v3+s19+$0x0], $0xffff;
	_ =	sdelay $0x2  }
0x29f: {  	v4 =	vadd.s32 v9, v1;
	_ =	sdelay $0x1  }
0x2a0: {  	s31 =	sshll.u32 s1, $0xE;
	v3 =	vadd.f32 v3, v12  }
0x2a1: {  	s0 =	sor.u32 s0, s31  }
0x2a2: {  	[tilespmem:s0+$0x15B00] =	vst v3  }
0x2a3: {  	v3 =	vld.idx.msk [tilespmem:v4+s19+$0x0], $0xffff;
	_ =	sdelay $0x2  }
0x2a4: {  	v63 =	vadd.s32 v10, v1;
	_ =	sdelay $0x1  }
0x2a5: {  	v3 =	vadd.f32 v3, v13  }
0x2a6: {  	s0 =	sadd.s32 $0x15B00, s0  }
0x2a7: {  	[tilespmem:s0+$0x10] =	vst v3  }
0x2a8: {  	v3 =	vld.idx.msk [tilespmem:v63+s19+$0x0], $0xffff;
	_ =	sdelay $0x2  }
0x2a9: {  	v1 =	vadd.s32 v11, v1;
	_ =	sdelay $0x1  }
0x2aa: {  	v3 =	vadd.f32 v3, v14;
	_ =	sdelay $0x1  }
0x2ab: {  	[tilespmem:s0+$0x20] =	vst v3  }
0x2ac: {  	v1 =	vld.idx.msk [tilespmem:v1+s19+$0x0], $0xffff;
	_ =	sdelay $0x3  }
0x2ad: {  	p0 =	sne.s32 @!p1 s1, $0x0  }
0x2ae: {  	p2 =	por !p6, !p6;
	p0 =	por p0, p1;
	v1 =	vadd.f32 v1, v15  }
0x2af: {  	p1 =	por p1, p2;
	s1 =	simm.s32 @!p0 $0x15B00;
	s3 =	sand.u32 @!p0 $0xFFFFFF80, s2  }
0x2b0: {  	s4 =	simm.s32 @!p0 $0x80;
	s2 =	sand.u32 @!p1 $0xFFFFFF80, s2;
	s3 =	sadd.s32 @!p0 $0x4400, s3;
	[tilespmem:s0+$0x30] =	vst v1  }
0x2b1: {  	[hbm4b:s7+s4] =	stream.indirect.scatter @!p0 [tilespmem:s1], [sflag:$0x5], $0x80, s3, s4, $0xb8;
	[tilespmem:$0x1DB00] =	vst v63  }
0x2b2: {  	s0 =	sadd.s32 @!p1 $0x4400, s2;
	s2 =	simm.s32 @!p1 $0x19B00;
	s1 =	simm.s32 @!p1 $0x80  }
0x2b3: {  	[hbm4b:s7+s1] =	stream.indirect.scatter @!p1 [tilespmem:s2], [sflag:$0x6], $0x80, s0, s1, $0xb8;
	[tilespmem:$0x1DB00] =	vst v63  }
.LBB2_33:
0x2b4: {  	s0 =	sadd.s32 $0x4, s9  }
0x2b5: {  	p0 =	sgt.s32 s0, s10  }
.Ltmp18:
0x2b6: {  	_ = 	snop;
	(pc) =	sbr.rel @p0 .LBB2_35-.Ltmp18, $1  }
0x2b7: {  	_ =	sdelay $0x3  }
0x2b8: {  	p0 =	slt.s32 s11, $0x27AC41  }
0x2b9: {  	p1 =	sne.s32 @!p0 s0, s10  }
0x2ba: {  	p0 =	por p0, p1  }
0x2bb: {  	s0 =	rddreg @!p0 [dreg:$0x3];
	s1 =	simm.s32 @!p0 $0x0  }
0x2bc: {  	[tilespmem:s19], [sflag:$0x1] =	stream.linear.gather @!p0 [hbm4b:s0+s1], $0x4000, $0x38;
	[tilespmem:$0x1DB00] =	vst v63  }
0x2bd: {  	s1 =	rddreg @p0 [dreg:$0xa]  }
0x2be: {  	s0 =	sadd.s32 @p0 s1, s0  }
0x2bf: {  	s0 =	sshll.u32 @p0 s0, $0x8  }
0x2c0: {  	s1 =	rddreg @p0 [dreg:$0x2];
	s0 =	sand.u32 @p0 $0x1FFFFF00, s0  }
0x2c1: {  	s2 =	simm.s32 @p0 $0x800;
	s0 =	sadd.s32 @p0 s1, s0;
	s1 =	simm.s32 @p0 $0x13D6400  }
0x2c2: {  	[tilespmem:s19], [sflag:$0x1] =	stream.strided.gather @p0 [hbm4b:s0+s2], $0x4000, s1, s2, $0x38;
	[tilespmem:$0x1DB00] =	vst v63  }
.LBB2_35:
0x2c3: {  	p0 =	slt.s32 s9, s10  }
.Ltmp19:
0x2c4: {  	_ = 	snop;
	(pc) =	sbr.rel @!p0 .LBB2_46-.Ltmp19, $2  }
0x2c5: {  	_ =	sdelay $0x2  }
0x2c6: {  	s31 =	sor.u32 $0x2, s9  }
0x2c7: {  	v1 =	vmov s31  }
0x2c8: {  	s0 =	sor.u32 $0x1, s9;
	v1 =	vand.u32 $0xFFFFFFFE, v1  }
0x2c9: {  	v3 =	vmov s0;
	v1 =	vbroadcast v1, $0x0  }
0x2ca: {  	v3 =	vand.u32 $0xFFFFFFFD, v3  }
0x2cb: {  	v3 =	vbroadcast v3, $0x0  }
0x2cc: {  	_ =	swait.ge [sflag:s26], $0x4000  }
0x2cd: {  	[sflag:s26] =	ssyncset.done $0x0  }
0x2ce: {  	[sflag:s26] =	ssyncadd.s32 $0xFFFFC000  }
0x2cf: {  	v1 =	vld.idx.msk [tilespmem:v1+s14+$0x0], $0xffff;
	_ =	sdelay $0x1  }
0x2d0: {  	v3 =	vld.idx.msk [tilespmem:v3+s14+$0x0], $0xffff;
	_ =	sdelay $0x2  }
0x2d1: {  	v1 =	vxor.u32 $0x80000000, v1  }
0x2d2: {  	(xrf0) =	vmax.scan.msk.u32 $0xffff, v1  }
0x2d3: {  	v1 =	vxor.u32 $0x80000000, v3  }
0x2d4: {  	(xrf0) =	vmax.scan.msk.u32 $0xffff, v1;
	_ =	sdelay $0x3  }
0x2d5: {  	v1, _, _ =	vpop (xrf0)  }
0x2d6: {  	(v2sf) =	vpush v1, $0xF  }
0x2d7: {  	v1, _, _ =	vpop (xrf0)  }
0x2d8: {  	(v2sf) =	vpush v1, $0xF;
	_ =	sdelay $0xc  }
0x2d9: {  	s20 =	spop (v2sf)  }
0x2da: {  	s12 =	sxor.u32 $0x80000000, s20  }
0x2db: {  	s21 =	spop (v2sf);
	p0 =	slt.s32 s12, $0x1000  }
0x2dc: {  	s20 =	sxor.u32 $0x80000000, s21;
	s12 =	simm.s32 @!p0 $0x1000  }
0x2dd: {  	p0 =	sge.s32 s20, s12  }
.Ltmp20:
0x2de: {  	_ = 	snop;
	(pc) =	sbr.rel @p0 .LBB2_44-.Ltmp20, $1  }
0x2df: {  	_ =	sdelay $0x3  }
0x2e0: {  	s0 =	sadd.s32 $0x1, s20  }
0x2e1: {  	p0 =	sne.s32 s12, s0  }
.Ltmp21:
0x2e2: {  	v1 =	vmov s20;
	(pc) =	sbr.rel @!p0 .LBB2_38-.Ltmp21, $4  }
0x2e3: {  	vm0 =	vgt.s32 v1, $0x0  }
0x2e4: {  	s1 =	sand.u32 $0x7F, s20;
	v1 =	vnsel vm0, $0x0, v1  }
0x2e5: {  	p1 =	sgt.u32 s20, $0xFF;
	p2 =	seq.s32 s1, $0x0;
	s13 =	sshll.u32 s1, $0x7;
	v1 =	vmin.u32 v1, $0xFFF  }
0x2e6: {  	p4 =	por !p1, !p2;
	p1 =	sne.s32 s1, $0x7F;
	p2 =	por $0x0, $0x0;
	v1 =	vbroadcast v1, $0x0  }
0x2e7: {  	_ =	sdelay $0x4  }
0x2e8: {  	v1 =	vld.idx.msk [tilespmem:v1+s28+$0x0], $0xffff;
	_ =	sdelay $0x1  }
0x2e9: {  	s1 =	sshrl.u32 s20, $0x7  }
0x2ea: {  	p0 =	por !p4, !p4;
	s1 =	sand.u32 $0x1, s1  }
0x2eb: {  	p2 =	sne.s32 @p0 s1, $0x0  }
0x2ec: {  	p3 =	por p2, !p0;
	v3 =	vshll.u32 v1, $0x3  }
0x2ed: {  	p5 =	seq.s32 s1, $0x1;
	s2 =	simm.s32 @!p3 $0x5;
	v1 =	vand.u32 $0x7F, v1;
	v3 =	vand.u32 $0xFFFFFC00, v3  }
0x2ee: {  	p0 =	por !p0, !p5;
	_ =	swait.ge @!p3 [sflag:s2], $0x4000;
	v1 =	vor.u32 v1, v3  }
0x2ef: {  	p0 =	por !p0, !p0;
	[sflag:s2] =	ssyncset.done @!p3 $0x0;
	v3 =	vadd.s32 v8, v1  }
0x2f0: {  	[sflag:s2] =	ssyncadd.s32 @!p3 $0xFFFFC000;
	s2 =	simm.s32 @p0 $0x6  }
0x2f1: {  	_ =	swait.ge @p0 [sflag:s2], $0x4000  }
0x2f2: {  	[sflag:s2] =	ssyncset.done @p0 $0x0  }
0x2f3: {  	[sflag:s2] =	ssyncadd.s32 @p0 $0xFFFFC000  }
0x2f4: {  	v3 =	vld.idx.msk [tilespmem:v3+s22+$0x0], $0xffff;
	_ =	sdelay $0x2  }
0x2f5: {  	v4 =	vadd.s32 v9, v1;
	_ =	sdelay $0x1  }
0x2f6: {  	s5 =	sshll.u32 s1, $0xE;
	v3 =	vadd.f32 v3, v12  }
0x2f7: {  	s2 =	sor.u32 s13, s5  }
0x2f8: {  	[tilespmem:s2+$0x15B00] =	vst v3  }
0x2f9: {  	v3 =	vld.idx.msk [tilespmem:v4+s22+$0x0], $0xffff;
	_ =	sdelay $0x2  }
0x2fa: {  	v62 =	vadd.s32 v10, v1;
	_ =	sdelay $0x1  }
0x2fb: {  	v3 =	vadd.f32 v3, v13  }
0x2fc: {  	s3 =	sadd.s32 $0x15B00, s2  }
0x2fd: {  	[tilespmem:s3+$0x10] =	vst v3  }
0x2fe: {  	v3 =	vld.idx.msk [tilespmem:v62+s22+$0x0], $0xffff;
	_ =	sdelay $0x2  }
0x2ff: {  	v1 =	vadd.s32 v11, v1;
	_ =	sdelay $0x1  }
0x300: {  	v3 =	vadd.f32 v3, v14;
	_ =	sdelay $0x1  }
0x301: {  	[tilespmem:s3+$0x20] =	vst v3  }
0x302: {  	v1 =	vld.idx.msk [tilespmem:v1+s22+$0x0], $0xffff  }
0x303: {  	s18 =	sand.u32 $0x7F, s0  }
0x304: {  	p4 =	sne.s32 @!p1 s1, $0x0;
	p6 =	por !p5, !p5;
	s2 =	sadd.s32 $0x1, s0;
	v3 =	vmov s0  }
0x305: {  	p2 =	sgt.u32 s0, $0xFF;
	p5 =	por p1, p6;
	p3 =	sne.s32 s12, s2;
	vm0 =	vgt.s32 v3, $0x0  }
.Ltmp22:
0x306: {  	p6 =	por p4, p1;
	p4 =	seq.s32 s18, $0x0;
	v3 =	vnsel vm0, $0x0, v3;
	(pc) =	sbr.rel @!p3 .LBB2_40-.Ltmp22, $4  }
0x307: {  	p1 =	sne.s32 s18, $0x7F;
	s21 =	simm.s32 @!p6 $0x15B00;
	p4 =	por !p2, !p4;
	v63 =	vadd.f32 v1, v15;
	v1 =	vmin.u32 v3, $0xFFF  }
0x308: {  	s1 =	sand.u32 @!p6 $0xFFFFFF80, s20;
	s4 =	simm.s32 @!p6 $0x80;
	p2 =	por $0x1, $0x1;
	v1 =	vbroadcast v1, $0x0  }
0x309: {  	s13 =	sshll.u32 s18, $0x7;
	s5 =	sand.u32 @!p5 $0xFFFFFF80, s20;
	s18 =	sadd.s32 @!p6 $0x4400, s1  }
0x30a: {  	s1 =	simm.s32 @!p5 $0x80;
	s5 =	sadd.s32 @!p5 $0x4400, s5;
	[tilespmem:s3+$0x30] =	vst v63;
	s3 =	simm.s32 @!p5 $0x19B00  }
.LBB2_41:
0x30b: {  	[hbm4b:s7+s4] =	stream.indirect.scatter @!p6 [tilespmem:s21], [sflag:$0x5], $0x80, s18, s4, $0xb8;
	[tilespmem:$0x1DB00] =	vst v63  }
0x30c: {  	s20 =	smov.u32 s0;
	s0 =	smov.u32 s2;
	s2 =	sadd.s32 $0x1, s2  }
0x30d: {  	[hbm4b:s7+s1] =	stream.indirect.scatter @!p5 [tilespmem:s3], [sflag:$0x6], $0x80, s5, s1, $0xb8;
	[tilespmem:$0x1DB00] =	vst v63  }
0x30e: {  	p3 =	sne.s32 s12, s2;
	v1 =	vld.idx.msk [tilespmem:v1+s28+$0x0], $0xffff  }
0x30f: {  	s1 =	sshrl.u32 s20, $0x7  }
0x310: {  	p0 =	por !p4, !p4;
	s21 =	sand.u32 $0x1, s1  }
0x311: {  	p4 =	sne.s32 @p0 s21, $0x0  }
0x312: {  	p5 =	por p4, !p0  }
0x313: {  	p4 =	seq.s32 s21, $0x1;
	s1 =	simm.s32 @!p5 $0x5  }
0x314: {  	p0 =	por !p0, !p4;
	v3 =	vshll.u32 v1, $0x3;
	_ =	swait.ge @!p5 [sflag:s1], $0x4000  }
0x315: {  	p0 =	por !p0, !p0;
	v1 =	vand.u32 $0x7F, v1;
	v3 =	vand.u32 $0xFFFFFC00, v3;
	[sflag:s1] =	ssyncset.done @!p5 $0x0  }
0x316: {  	v1 =	vor.u32 v1, v3;
	[sflag:s1] =	ssyncadd.s32 @!p5 $0xFFFFC000;
	s1 =	simm.s32 @p0 $0x6  }
0x317: {  	v3 =	vadd.s32 v8, v1;
	_ =	swait.ge @p0 [sflag:s1], $0x4000  }
0x318: {  	[sflag:s1] =	ssyncset.done @p0 $0x0  }
0x319: {  	[sflag:s1] =	ssyncadd.s32 @p0 $0xFFFFC000;
	_ =	sdelay $0x2  }
0x31a: {  	v3 =	vld.idx.msk [tilespmem:v3+s22+$0x0], $0xffff;
	_ =	sdelay $0x1  }
0x31b: {  	v4 =	vadd.s32 v9, v1;
	_ =	sdelay $0x1  }
0x31c: {  	s1 =	sshll.u32 s21, $0xE  }
0x31d: {  	s1 =	sor.u32 s13, s1  }
0x31e: {  	v3 =	vadd.f32 v3, v12;
	_ =	sdelay $0x1  }
0x31f: {  	[tilespmem:s1+$0x15B00] =	vst v3  }
0x320: {  	v3 =	vld.idx.msk [tilespmem:v4+s22+$0x0], $0xffff;
	_ =	sdelay $0x1  }
0x321: {  	v4 =	vadd.s32 v10, v1;
	_ =	sdelay $0x2  }
0x322: {  	s1 =	sadd.s32 $0x15B00, s1  }
0x323: {  	v3 =	vadd.f32 v3, v13;
	_ =	sdelay $0x1  }
0x324: {  	[tilespmem:s1+$0x10] =	vst v3  }
0x325: {  	v3 =	vld.idx.msk [tilespmem:v4+s22+$0x0], $0xffff;
	_ =	sdelay $0x1  }
0x326: {  	v1 =	vadd.s32 v11, v1;
	_ =	sdelay $0x3  }
0x327: {  	v3 =	vadd.f32 v3, v14;
	_ =	sdelay $0x1  }
0x328: {  	[tilespmem:s1+$0x20] =	vst v3  }
0x329: {  	v3 =	vmov s0;
	v4 =	vld.idx.msk [tilespmem:v1+s22+$0x0], $0xffff  }
0x32a: {  	vm0 =	vgt.s32 v3, $0x0  }
0x32b: {  	p0 =	por !p4, !p4;
	v1 =	vnsel vm0, $0x0, v3  }
0x32c: {  	p6 =	sne.s32 @!p1 s21, $0x0;
	p4 =	sgt.u32 s0, $0xFF;
	p5 =	por p1, p0;
	v1 =	vmin.u32 v1, $0xFFF  }
.Ltmp23:
0x32d: {  	s3 =	sand.u32 $0x7F, s0;
	p6 =	por p6, p1;
	v1 =	vbroadcast v1, $0x0;
	(pc) =	sbr.rel @p3 .LBB2_41-.Ltmp23, $4  }
0x32e: {  	s21 =	simm.s32 @!p6 $0x15B00;
	p0 =	seq.s32 s3, $0x0;
	s13 =	sshll.u32 s3, $0x7  }
0x32f: {  	p1 =	sne.s32 s3, $0x7F;
	s3 =	sand.u32 @!p6 $0xFFFFFF80, s20;
	p4 =	por !p4, !p0;
	v3 =	vadd.f32 v4, v15  }
0x330: {  	s4 =	simm.s32 @!p6 $0x80;
	s18 =	sadd.s32 @!p6 $0x4400, s3;
	s3 =	sand.u32 @!p5 $0xFFFFFF80, s20  }
0x331: {  	s5 =	sadd.s32 @!p5 $0x4400, s3;
	s3 =	simm.s32 @!p5 $0x19B00;
	[tilespmem:s1+$0x30] =	vst v3;
	s1 =	simm.s32 @!p5 $0x80  }
0x332: {  	s20 =	smov.u32 s0  }
.LBB2_43:
0x333: {  	p0 =	por p6, !p2  }
0x334: {  	[hbm4b:s7+s4] =	stream.indirect.scatter @!p0 [tilespmem:s21], [sflag:$0x5], $0x80, s18, s4, $0xb8;
	[tilespmem:$0x1DB00] =	vst v63  }
0x335: {  	p0 =	por p5, !p2  }
0x336: {  	[hbm4b:s7+s1] =	stream.indirect.scatter @!p0 [tilespmem:s3], [sflag:$0x6], $0x80, s5, s1, $0xb8;
	[tilespmem:$0x1DB00] =	vst v63  }
0x337: {  	v1 =	vld.idx.msk [tilespmem:v1+s28+$0x0], $0xffff;
	_ =	sdelay $0x1  }
0x338: {  	s0 =	sshrl.u32 s20, $0x7  }
0x339: {  	s0 =	sand.u32 $0x1, s0;
	p0 =	por !p4, !p4  }
0x33a: {  	p2 =	sne.s32 @p0 s0, $0x0  }
0x33b: {  	p3 =	por p2, !p0;
	v3 =	vshll.u32 v1, $0x3  }
0x33c: {  	p6 =	seq.s32 s0, $0x1;
	s1 =	simm.s32 @!p3 $0x5;
	v1 =	vand.u32 $0x7F, v1;
	v3 =	vand.u32 $0xFFFFFC00, v3  }
0x33d: {  	p0 =	por !p0, !p6;
	_ =	swait.ge @!p3 [sflag:s1], $0x4000;
	v1 =	vor.u32 v1, v3  }
0x33e: {  	p0 =	por !p0, !p0;
	[sflag:s1] =	ssyncset.done @!p3 $0x0;
	v3 =	vadd.s32 v8, v1  }
0x33f: {  	[sflag:s1] =	ssyncadd.s32 @!p3 $0xFFFFC000;
	s1 =	simm.s32 @p0 $0x6  }
0x340: {  	_ =	swait.ge @p0 [sflag:s1], $0x4000  }
0x341: {  	[sflag:s1] =	ssyncset.done @p0 $0x0  }
0x342: {  	[sflag:s1] =	ssyncadd.s32 @p0 $0xFFFFC000  }
0x343: {  	v3 =	vld.idx.msk [tilespmem:v3+s22+$0x0], $0xffff;
	_ =	sdelay $0x2  }
0x344: {  	v4 =	vadd.s32 v9, v1;
	_ =	sdelay $0x1  }
0x345: {  	s21 =	sshll.u32 s0, $0xE;
	v3 =	vadd.f32 v3, v12  }
0x346: {  	s1 =	sor.u32 s13, s21  }
0x347: {  	[tilespmem:s1+$0x15B00] =	vst v3  }
0x348: {  	v3 =	vld.idx.msk [tilespmem:v4+s22+$0x0], $0xffff;
	_ =	sdelay $0x2  }
0x349: {  	v63 =	vadd.s32 v10, v1;
	_ =	sdelay $0x1  }
0x34a: {  	v3 =	vadd.f32 v3, v13  }
0x34b: {  	s1 =	sadd.s32 $0x15B00, s1  }
0x34c: {  	[tilespmem:s1+$0x10] =	vst v3  }
0x34d: {  	v3 =	vld.idx.msk [tilespmem:v63+s22+$0x0], $0xffff;
	_ =	sdelay $0x2  }
0x34e: {  	v1 =	vadd.s32 v11, v1;
	_ =	sdelay $0x1  }
0x34f: {  	v3 =	vadd.f32 v3, v14;
	_ =	sdelay $0x1  }
0x350: {  	[tilespmem:s1+$0x20] =	vst v3  }
0x351: {  	v1 =	vld.idx.msk [tilespmem:v1+s22+$0x0], $0xffff;
	_ =	sdelay $0x3  }
0x352: {  	p0 =	sne.s32 @!p1 s0, $0x0  }
0x353: {  	p2 =	por !p6, !p6;
	p0 =	por p0, p1;
	v1 =	vadd.f32 v1, v15  }
0x354: {  	p1 =	por p1, p2;
	s0 =	simm.s32 @!p0 $0x15B00;
	s2 =	sand.u32 @!p0 $0xFFFFFF80, s20  }
0x355: {  	s3 =	simm.s32 @!p0 $0x80;
	s4 =	sand.u32 @!p1 $0xFFFFFF80, s20;
	s2 =	sadd.s32 @!p0 $0x4400, s2;
	[tilespmem:s1+$0x30] =	vst v1  }
0x356: {  	[hbm4b:s7+s3] =	stream.indirect.scatter @!p0 [tilespmem:s0], [sflag:$0x5], $0x80, s2, s3, $0xb8;
	[tilespmem:$0x1DB00] =	vst v63  }
0x357: {  	s1 =	simm.s32 @!p1 $0x80;
	s0 =	sadd.s32 @!p1 $0x4400, s4;
	s2 =	simm.s32 @!p1 $0x19B00  }
0x358: {  	[hbm4b:s7+s1] =	stream.indirect.scatter @!p1 [tilespmem:s2], [sflag:$0x6], $0x80, s0, s1, $0xb8;
	[tilespmem:$0x1DB00] =	vst v63  }
.LBB2_44:
0x359: {  	s0 =	sadd.s32 $0x5, s9  }
0x35a: {  	p0 =	sgt.s32 s0, s10  }
.Ltmp24:
0x35b: {  	_ = 	snop;
	(pc) =	sbr.rel @p0 .LBB2_46-.Ltmp24, $1  }
0x35c: {  	_ =	sdelay $0x3  }
0x35d: {  	p0 =	slt.s32 s11, $0x27AC41  }
0x35e: {  	p1 =	sne.s32 @!p0 s0, s10  }
0x35f: {  	p0 =	por p0, p1  }
0x360: {  	s0 =	rddreg @!p0 [dreg:$0x3];
	s1 =	simm.s32 @!p0 $0x0  }
0x361: {  	[tilespmem:s22], [sflag:$0x2] =	stream.linear.gather @!p0 [hbm4b:s0+s1], $0x4000, $0x38;
	[tilespmem:$0x1DB00] =	vst v63  }
0x362: {  	s1 =	rddreg @p0 [dreg:$0xa]  }
0x363: {  	s0 =	sadd.s32 @p0 s1, s0  }
0x364: {  	s0 =	sshll.u32 @p0 s0, $0x8  }
0x365: {  	s1 =	rddreg @p0 [dreg:$0x2];
	s0 =	sand.u32 @p0 $0x1FFFFF00, s0  }
0x366: {  	s2 =	simm.s32 @p0 $0x800;
	s0 =	sadd.s32 @p0 s1, s0;
	s1 =	simm.s32 @p0 $0x13D6400  }
0x367: {  	[tilespmem:s22], [sflag:$0x2] =	stream.strided.gather @p0 [hbm4b:s0+s2], $0x4000, s1, s2, $0x38;
	[tilespmem:$0x1DB00] =	vst v63  }
.LBB2_46:
0x368: {  	p0 =	sle.s32 s31, s10  }
.Ltmp25:
0x369: {  	_ = 	snop;
	(pc) =	sbr.rel @!p0 .LBB2_57-.Ltmp25, $2  }
0x36a: {  	_ =	sdelay $0x2  }
0x36b: {  	s12 =	sor.u32 $0x3, s9  }
0x36c: {  	v1 =	vmov s31  }
0x36d: {  	v3 =	vmov s12;
	v1 =	vand.u32 $0xFFFFFFFE, v1  }
0x36e: {  	v1 =	vbroadcast v1, $0x0  }
0x36f: {  	_ =	swait.ge [sflag:s30], $0x4000  }
0x370: {  	[sflag:s30] =	ssyncset.done $0x0  }
0x371: {  	[sflag:s30] =	ssyncadd.s32 $0xFFFFC000  }
0x372: {  	v3 =	vld.idx.msk [tilespmem:v3+s14+$0x0], $0xffff;
	_ =	sdelay $0x1  }
0x373: {  	v1 =	vld.idx.msk [tilespmem:v1+s14+$0x0], $0xffff;
	_ =	sdelay $0x2  }
0x374: {  	v3 =	vxor.u32 $0x80000000, v3  }
0x375: {  	(xrf0) =	vmax.scan.msk.u32 $0xffff, v3  }
0x376: {  	v1 =	vxor.u32 $0x80000000, v1  }
0x377: {  	(xrf0) =	vmax.scan.msk.u32 $0xffff, v1;
	_ =	sdelay $0x3  }
0x378: {  	v1, _, _ =	vpop (xrf0)  }
0x379: {  	(v2sf) =	vpush v1, $0xF  }
0x37a: {  	v1, _, _ =	vpop (xrf0)  }
0x37b: {  	(v2sf) =	vpush v1, $0xF;
	_ =	sdelay $0xc  }
0x37c: {  	s0 =	spop (v2sf)  }
0x37d: {  	s31 =	sxor.u32 $0x80000000, s0  }
0x37e: {  	p0 =	slt.s32 s31, $0x1000;
	s21 =	spop (v2sf)  }
0x37f: {  	s31 =	simm.s32 @!p0 $0x1000;
	s20 =	sxor.u32 $0x80000000, s21  }
0x380: {  	p0 =	sge.s32 s20, s31  }
.Ltmp26:
0x381: {  	_ = 	snop;
	(pc) =	sbr.rel @p0 .LBB2_55-.Ltmp26, $1  }
0x382: {  	_ =	sdelay $0x3  }
0x383: {  	s0 =	sadd.s32 $0x1, s20  }
0x384: {  	p0 =	sne.s32 s31, s0  }
.Ltmp27:
0x385: {  	v1 =	vmov s20;
	(pc) =	sbr.rel @!p0 .LBB2_49-.Ltmp27, $4  }
0x386: {  	vm0 =	vgt.s32 v1, $0x0  }
0x387: {  	s1 =	sand.u32 $0x7F, s20;
	v1 =	vnsel vm0, $0x0, v1  }
0x388: {  	p1 =	sgt.u32 s20, $0xFF;
	p2 =	seq.s32 s1, $0x0;
	s13 =	sshll.u32 s1, $0x7;
	v1 =	vmin.u32 v1, $0xFFF  }
0x389: {  	p4 =	por !p1, !p2;
	p1 =	sne.s32 s1, $0x7F;
	p2 =	por $0x0, $0x0;
	v1 =	vbroadcast v1, $0x0  }
0x38a: {  	_ =	sdelay $0x4  }
0x38b: {  	v1 =	vld.idx.msk [tilespmem:v1+s28+$0x0], $0xffff;
	_ =	sdelay $0x1  }
0x38c: {  	s1 =	sshrl.u32 s20, $0x7  }
0x38d: {  	p0 =	por !p4, !p4;
	s1 =	sand.u32 $0x1, s1  }
0x38e: {  	p2 =	sne.s32 @p0 s1, $0x0  }
0x38f: {  	p3 =	por p2, !p0;
	v3 =	vshll.u32 v1, $0x3  }
0x390: {  	p5 =	seq.s32 s1, $0x1;
	s2 =	simm.s32 @!p3 $0x5;
	v1 =	vand.u32 $0x7F, v1;
	v3 =	vand.u32 $0xFFFFFC00, v3  }
0x391: {  	p0 =	por !p0, !p5;
	_ =	swait.ge @!p3 [sflag:s2], $0x4000;
	v1 =	vor.u32 v1, v3  }
0x392: {  	p0 =	por !p0, !p0;
	[sflag:s2] =	ssyncset.done @!p3 $0x0;
	v3 =	vadd.s32 v8, v1  }
0x393: {  	[sflag:s2] =	ssyncadd.s32 @!p3 $0xFFFFC000;
	s2 =	simm.s32 @p0 $0x6  }
0x394: {  	_ =	swait.ge @p0 [sflag:s2], $0x4000  }
0x395: {  	[sflag:s2] =	ssyncset.done @p0 $0x0  }
0x396: {  	[sflag:s2] =	ssyncadd.s32 @p0 $0xFFFFC000  }
0x397: {  	v3 =	vld.idx.msk [tilespmem:v3+s23+$0x0], $0xffff;
	_ =	sdelay $0x2  }
0x398: {  	v4 =	vadd.s32 v9, v1;
	_ =	sdelay $0x1  }
0x399: {  	s5 =	sshll.u32 s1, $0xE;
	v3 =	vadd.f32 v3, v12  }
0x39a: {  	s2 =	sor.u32 s13, s5  }
0x39b: {  	[tilespmem:s2+$0x15B00] =	vst v3  }
0x39c: {  	v3 =	vld.idx.msk [tilespmem:v4+s23+$0x0], $0xffff;
	_ =	sdelay $0x2  }
0x39d: {  	v62 =	vadd.s32 v10, v1;
	_ =	sdelay $0x1  }
0x39e: {  	v3 =	vadd.f32 v3, v13  }
0x39f: {  	s3 =	sadd.s32 $0x15B00, s2  }
0x3a0: {  	[tilespmem:s3+$0x10] =	vst v3  }
0x3a1: {  	v3 =	vld.idx.msk [tilespmem:v62+s23+$0x0], $0xffff;
	_ =	sdelay $0x2  }
0x3a2: {  	v1 =	vadd.s32 v11, v1;
	_ =	sdelay $0x1  }
0x3a3: {  	v3 =	vadd.f32 v3, v14;
	_ =	sdelay $0x1  }
0x3a4: {  	[tilespmem:s3+$0x20] =	vst v3  }
0x3a5: {  	v1 =	vld.idx.msk [tilespmem:v1+s23+$0x0], $0xffff  }
0x3a6: {  	s18 =	sand.u32 $0x7F, s0  }
0x3a7: {  	p4 =	sne.s32 @!p1 s1, $0x0;
	p6 =	por !p5, !p5;
	s2 =	sadd.s32 $0x1, s0;
	v3 =	vmov s0  }
0x3a8: {  	p2 =	sgt.u32 s0, $0xFF;
	p5 =	por p1, p6;
	p3 =	sne.s32 s31, s2;
	vm0 =	vgt.s32 v3, $0x0  }
.Ltmp28:
0x3a9: {  	p6 =	por p4, p1;
	p4 =	seq.s32 s18, $0x0;
	v3 =	vnsel vm0, $0x0, v3;
	(pc) =	sbr.rel @!p3 .LBB2_51-.Ltmp28, $4  }
0x3aa: {  	p1 =	sne.s32 s18, $0x7F;
	s21 =	simm.s32 @!p6 $0x15B00;
	p4 =	por !p2, !p4;
	v63 =	vadd.f32 v1, v15;
	v1 =	vmin.u32 v3, $0xFFF  }
0x3ab: {  	s1 =	sand.u32 @!p6 $0xFFFFFF80, s20;
	s4 =	simm.s32 @!p6 $0x80;
	p2 =	por $0x1, $0x1;
	v1 =	vbroadcast v1, $0x0  }
0x3ac: {  	s13 =	sshll.u32 s18, $0x7;
	s5 =	sand.u32 @!p5 $0xFFFFFF80, s20;
	s18 =	sadd.s32 @!p6 $0x4400, s1  }
0x3ad: {  	s1 =	simm.s32 @!p5 $0x19B00;
	s5 =	sadd.s32 @!p5 $0x4400, s5;
	[tilespmem:s3+$0x30] =	vst v63;
	s3 =	simm.s32 @!p5 $0x80  }
.LBB2_52:
0x3ae: {  	[hbm4b:s7+s4] =	stream.indirect.scatter @!p6 [tilespmem:s21], [sflag:$0x5], $0x80, s18, s4, $0xb8;
	[tilespmem:$0x1DB00] =	vst v63  }
0x3af: {  	s20 =	smov.u32 s0;
	s0 =	smov.u32 s2;
	s2 =	sadd.s32 $0x1, s2  }
0x3b0: {  	[hbm4b:s7+s3] =	stream.indirect.scatter @!p5 [tilespmem:s1], [sflag:$0x6], $0x80, s5, s3, $0xb8;
	[tilespmem:$0x1DB00] =	vst v63  }
0x3b1: {  	p3 =	sne.s32 s31, s2;
	v1 =	vld.idx.msk [tilespmem:v1+s28+$0x0], $0xffff  }
0x3b2: {  	s1 =	sshrl.u32 s20, $0x7  }
0x3b3: {  	p0 =	por !p4, !p4;
	s21 =	sand.u32 $0x1, s1  }
0x3b4: {  	p4 =	sne.s32 @p0 s21, $0x0  }
0x3b5: {  	p5 =	por p4, !p0  }
0x3b6: {  	p4 =	seq.s32 s21, $0x1;
	s1 =	simm.s32 @!p5 $0x5  }
0x3b7: {  	p0 =	por !p0, !p4;
	v3 =	vshll.u32 v1, $0x3;
	_ =	swait.ge @!p5 [sflag:s1], $0x4000  }
0x3b8: {  	p0 =	por !p0, !p0;
	v1 =	vand.u32 $0x7F, v1;
	v3 =	vand.u32 $0xFFFFFC00, v3;
	[sflag:s1] =	ssyncset.done @!p5 $0x0  }
0x3b9: {  	v1 =	vor.u32 v1, v3;
	[sflag:s1] =	ssyncadd.s32 @!p5 $0xFFFFC000;
	s1 =	simm.s32 @p0 $0x6  }
0x3ba: {  	v3 =	vadd.s32 v8, v1;
	_ =	swait.ge @p0 [sflag:s1], $0x4000  }
0x3bb: {  	[sflag:s1] =	ssyncset.done @p0 $0x0  }
0x3bc: {  	[sflag:s1] =	ssyncadd.s32 @p0 $0xFFFFC000;
	_ =	sdelay $0x2  }
0x3bd: {  	v3 =	vld.idx.msk [tilespmem:v3+s23+$0x0], $0xffff;
	_ =	sdelay $0x1  }
0x3be: {  	v4 =	vadd.s32 v9, v1;
	_ =	sdelay $0x1  }
0x3bf: {  	s1 =	sshll.u32 s21, $0xE  }
0x3c0: {  	s1 =	sor.u32 s13, s1  }
0x3c1: {  	v3 =	vadd.f32 v3, v12;
	_ =	sdelay $0x1  }
0x3c2: {  	[tilespmem:s1+$0x15B00] =	vst v3  }
0x3c3: {  	v3 =	vld.idx.msk [tilespmem:v4+s23+$0x0], $0xffff;
	_ =	sdelay $0x1  }
0x3c4: {  	v4 =	vadd.s32 v10, v1;
	_ =	sdelay $0x2  }
0x3c5: {  	s1 =	sadd.s32 $0x15B00, s1  }
0x3c6: {  	v3 =	vadd.f32 v3, v13;
	_ =	sdelay $0x1  }
0x3c7: {  	[tilespmem:s1+$0x10] =	vst v3  }
0x3c8: {  	v3 =	vld.idx.msk [tilespmem:v4+s23+$0x0], $0xffff;
	_ =	sdelay $0x1  }
0x3c9: {  	v1 =	vadd.s32 v11, v1;
	_ =	sdelay $0x3  }
0x3ca: {  	v3 =	vadd.f32 v3, v14;
	_ =	sdelay $0x1  }
0x3cb: {  	[tilespmem:s1+$0x20] =	vst v3  }
0x3cc: {  	v3 =	vmov s0;
	v4 =	vld.idx.msk [tilespmem:v1+s23+$0x0], $0xffff  }
0x3cd: {  	vm0 =	vgt.s32 v3, $0x0  }
0x3ce: {  	p0 =	por !p4, !p4;
	v1 =	vnsel vm0, $0x0, v3  }
0x3cf: {  	p6 =	sne.s32 @!p1 s21, $0x0;
	p4 =	sgt.u32 s0, $0xFF;
	p5 =	por p1, p0;
	v1 =	vmin.u32 v1, $0xFFF  }
.Ltmp29:
0x3d0: {  	s3 =	sand.u32 $0x7F, s0;
	p6 =	por p6, p1;
	v1 =	vbroadcast v1, $0x0;
	(pc) =	sbr.rel @p3 .LBB2_52-.Ltmp29, $4  }
0x3d1: {  	s21 =	simm.s32 @!p6 $0x15B00;
	p0 =	seq.s32 s3, $0x0;
	s13 =	sshll.u32 s3, $0x7  }
0x3d2: {  	p1 =	sne.s32 s3, $0x7F;
	s3 =	sand.u32 @!p6 $0xFFFFFF80, s20;
	p4 =	por !p4, !p0;
	v3 =	vadd.f32 v4, v15  }
0x3d3: {  	s4 =	simm.s32 @!p6 $0x80;
	s18 =	sadd.s32 @!p6 $0x4400, s3;
	s3 =	sand.u32 @!p5 $0xFFFFFF80, s20  }
0x3d4: {  	s5 =	sadd.s32 @!p5 $0x4400, s3;
	s3 =	simm.s32 @!p5 $0x80;
	[tilespmem:s1+$0x30] =	vst v3;
	s1 =	simm.s32 @!p5 $0x19B00  }
0x3d5: {  	s20 =	smov.u32 s0  }
.LBB2_54:
0x3d6: {  	p0 =	por p6, !p2  }
0x3d7: {  	[hbm4b:s7+s4] =	stream.indirect.scatter @!p0 [tilespmem:s21], [sflag:$0x5], $0x80, s18, s4, $0xb8;
	[tilespmem:$0x1DB00] =	vst v63  }
0x3d8: {  	p0 =	por p5, !p2  }
0x3d9: {  	[hbm4b:s7+s3] =	stream.indirect.scatter @!p0 [tilespmem:s1], [sflag:$0x6], $0x80, s5, s3, $0xb8;
	[tilespmem:$0x1DB00] =	vst v63  }
0x3da: {  	v1 =	vld.idx.msk [tilespmem:v1+s28+$0x0], $0xffff;
	_ =	sdelay $0x1  }
0x3db: {  	s0 =	sshrl.u32 s20, $0x7  }
0x3dc: {  	s0 =	sand.u32 $0x1, s0;
	p0 =	por !p4, !p4  }
0x3dd: {  	p2 =	sne.s32 @p0 s0, $0x0  }
0x3de: {  	p3 =	por p2, !p0;
	v3 =	vshll.u32 v1, $0x3  }
0x3df: {  	p6 =	seq.s32 s0, $0x1;
	s1 =	simm.s32 @!p3 $0x5;
	v1 =	vand.u32 $0x7F, v1;
	v3 =	vand.u32 $0xFFFFFC00, v3  }
0x3e0: {  	p0 =	por !p0, !p6;
	_ =	swait.ge @!p3 [sflag:s1], $0x4000;
	v1 =	vor.u32 v1, v3  }
0x3e1: {  	p0 =	por !p0, !p0;
	[sflag:s1] =	ssyncset.done @!p3 $0x0;
	v3 =	vadd.s32 v8, v1  }
0x3e2: {  	[sflag:s1] =	ssyncadd.s32 @!p3 $0xFFFFC000;
	s1 =	simm.s32 @p0 $0x6  }
0x3e3: {  	_ =	swait.ge @p0 [sflag:s1], $0x4000  }
0x3e4: {  	[sflag:s1] =	ssyncset.done @p0 $0x0  }
0x3e5: {  	[sflag:s1] =	ssyncadd.s32 @p0 $0xFFFFC000  }
0x3e6: {  	v3 =	vld.idx.msk [tilespmem:v3+s23+$0x0], $0xffff;
	_ =	sdelay $0x2  }
0x3e7: {  	v4 =	vadd.s32 v9, v1;
	_ =	sdelay $0x1  }
0x3e8: {  	s31 =	sshll.u32 s0, $0xE;
	v3 =	vadd.f32 v3, v12  }
0x3e9: {  	s1 =	sor.u32 s13, s31  }
0x3ea: {  	[tilespmem:s1+$0x15B00] =	vst v3  }
0x3eb: {  	v3 =	vld.idx.msk [tilespmem:v4+s23+$0x0], $0xffff;
	_ =	sdelay $0x2  }
0x3ec: {  	v63 =	vadd.s32 v10, v1;
	_ =	sdelay $0x1  }
0x3ed: {  	v3 =	vadd.f32 v3, v13  }
0x3ee: {  	s1 =	sadd.s32 $0x15B00, s1  }
0x3ef: {  	[tilespmem:s1+$0x10] =	vst v3  }
0x3f0: {  	v3 =	vld.idx.msk [tilespmem:v63+s23+$0x0], $0xffff;
	_ =	sdelay $0x2  }
0x3f1: {  	v1 =	vadd.s32 v11, v1;
	_ =	sdelay $0x1  }
0x3f2: {  	v3 =	vadd.f32 v3, v14;
	_ =	sdelay $0x1  }
0x3f3: {  	[tilespmem:s1+$0x20] =	vst v3  }
0x3f4: {  	v1 =	vld.idx.msk [tilespmem:v1+s23+$0x0], $0xffff;
	_ =	sdelay $0x3  }
0x3f5: {  	p0 =	sne.s32 @!p1 s0, $0x0  }
0x3f6: {  	p2 =	por !p6, !p6;
	p0 =	por p0, p1;
	v1 =	vadd.f32 v1, v15  }
0x3f7: {  	p1 =	por p1, p2;
	s0 =	simm.s32 @!p0 $0x15B00;
	s2 =	sand.u32 @!p0 $0xFFFFFF80, s20  }
0x3f8: {  	s3 =	simm.s32 @!p0 $0x80;
	s4 =	sand.u32 @!p1 $0xFFFFFF80, s20;
	s2 =	sadd.s32 @!p0 $0x4400, s2;
	[tilespmem:s1+$0x30] =	vst v1  }
0x3f9: {  	[hbm4b:s7+s3] =	stream.indirect.scatter @!p0 [tilespmem:s0], [sflag:$0x5], $0x80, s2, s3, $0xb8;
	[tilespmem:$0x1DB00] =	vst v63  }
0x3fa: {  	s1 =	simm.s32 @!p1 $0x80;
	s0 =	sadd.s32 @!p1 $0x4400, s4;
	s2 =	simm.s32 @!p1 $0x19B00  }
0x3fb: {  	[hbm4b:s7+s1] =	stream.indirect.scatter @!p1 [tilespmem:s2], [sflag:$0x6], $0x80, s0, s1, $0xb8;
	[tilespmem:$0x1DB00] =	vst v63  }
.LBB2_55:
0x3fc: {  	s0 =	sadd.s32 $0x6, s9  }
0x3fd: {  	p0 =	sgt.s32 s0, s10  }
.Ltmp30:
0x3fe: {  	_ = 	snop;
	(pc) =	sbr.rel @p0 .LBB2_57-.Ltmp30, $1  }
0x3ff: {  	_ =	sdelay $0x3  }
0x400: {  	p0 =	slt.s32 s11, $0x27AC41  }
0x401: {  	p1 =	sne.s32 @!p0 s0, s10  }
0x402: {  	p0 =	por p0, p1  }
0x403: {  	s0 =	rddreg @!p0 [dreg:$0x3];
	s1 =	simm.s32 @!p0 $0x0  }
0x404: {  	[tilespmem:s23], [sflag:$0x3] =	stream.linear.gather @!p0 [hbm4b:s0+s1], $0x4000, $0x38;
	[tilespmem:$0x1DB00] =	vst v63  }
0x405: {  	s1 =	rddreg @p0 [dreg:$0xa]  }
0x406: {  	s0 =	sadd.s32 @p0 s1, s0  }
0x407: {  	s0 =	sshll.u32 @p0 s0, $0x8  }
0x408: {  	s1 =	rddreg @p0 [dreg:$0x2];
	s0 =	sand.u32 @p0 $0x1FFFFF00, s0  }
0x409: {  	s2 =	simm.s32 @p0 $0x800;
	s0 =	sadd.s32 @p0 s1, s0;
	s1 =	simm.s32 @p0 $0x13D6400  }
0x40a: {  	[tilespmem:s23], [sflag:$0x3] =	stream.strided.gather @p0 [hbm4b:s0+s2], $0x4000, s1, s2, $0x38;
	[tilespmem:$0x1DB00] =	vst v63  }
.LBB2_57:
0x40b: {  	p0 =	sgt.s32 s12, s10  }
.Ltmp31:
0x40c: {  	_ = 	snop;
	(pc) =	sbr.rel @p0 .LBB2_68-.Ltmp31, $1  }
0x40d: {  	_ =	sdelay $0x3  }
0x40e: {  	s0 =	sadd.s32 $0x4, s9  }
0x40f: {  	v1 =	vmov s0  }
0x410: {  	v1 =	vand.u32 $0xFFFFFFFC, v1  }
0x411: {  	v1 =	vbroadcast v1, $0x0;
	_ =	sdelay $0x2  }
0x412: {  	_ =	swait.ge [sflag:s29], $0x4000;
	v3 =	vmov s12  }
0x413: {  	[sflag:s29] =	ssyncset.done $0x0  }
0x414: {  	[sflag:s29] =	ssyncadd.s32 $0xFFFFC000  }
0x415: {  	v1 =	vld.idx.msk [tilespmem:v1+s14+$0x0], $0xffff;
	_ =	sdelay $0x1  }
0x416: {  	v3 =	vld.idx.msk [tilespmem:v3+s14+$0x0], $0xffff;
	_ =	sdelay $0x2  }
0x417: {  	v1 =	vxor.u32 $0x80000000, v1  }
0x418: {  	(xrf0) =	vmax.scan.msk.u32 $0xffff, v1  }
0x419: {  	v1 =	vxor.u32 $0x80000000, v3  }
0x41a: {  	(xrf0) =	vmax.scan.msk.u32 $0xffff, v1;
	_ =	sdelay $0x3  }
0x41b: {  	v1, _, _ =	vpop (xrf0)  }
0x41c: {  	(v2sf) =	vpush v1, $0xF  }
0x41d: {  	v1, _, _ =	vpop (xrf0)  }
0x41e: {  	(v2sf) =	vpush v1, $0xF;
	_ =	sdelay $0xc  }
0x41f: {  	s21 =	spop (v2sf)  }
0x420: {  	s12 =	sxor.u32 $0x80000000, s21  }
0x421: {  	s31 =	spop (v2sf);
	p0 =	slt.s32 s12, $0x1000  }
0x422: {  	s20 =	sxor.u32 $0x80000000, s31;
	s12 =	simm.s32 @!p0 $0x1000  }
0x423: {  	p0 =	sge.s32 s20, s12  }
.Ltmp32:
0x424: {  	_ = 	snop;
	(pc) =	sbr.rel @p0 .LBB2_66-.Ltmp32, $1  }
0x425: {  	_ =	sdelay $0x3  }
0x426: {  	s0 =	sadd.s32 $0x1, s20  }
0x427: {  	p0 =	sne.s32 s12, s0  }
.Ltmp33:
0x428: {  	v1 =	vmov s20;
	(pc) =	sbr.rel @!p0 .LBB2_60-.Ltmp33, $4  }
0x429: {  	vm0 =	vgt.s32 v1, $0x0  }
0x42a: {  	s1 =	sand.u32 $0x7F, s20;
	v1 =	vnsel vm0, $0x0, v1  }
0x42b: {  	p1 =	sgt.u32 s20, $0xFF;
	p2 =	seq.s32 s1, $0x0;
	s13 =	sshll.u32 s1, $0x7;
	v1 =	vmin.u32 v1, $0xFFF  }
0x42c: {  	p4 =	por !p1, !p2;
	p1 =	sne.s32 s1, $0x7F;
	p2 =	por $0x0, $0x0;
	v1 =	vbroadcast v1, $0x0  }
0x42d: {  	_ =	sdelay $0x4  }
0x42e: {  	v1 =	vld.idx.msk [tilespmem:v1+s28+$0x0], $0xffff;
	_ =	sdelay $0x1  }
0x42f: {  	s1 =	sshrl.u32 s20, $0x7  }
0x430: {  	p0 =	por !p4, !p4;
	s1 =	sand.u32 $0x1, s1  }
0x431: {  	p2 =	sne.s32 @p0 s1, $0x0  }
0x432: {  	p3 =	por p2, !p0;
	v3 =	vshll.u32 v1, $0x3  }
0x433: {  	p5 =	seq.s32 s1, $0x1;
	s2 =	simm.s32 @!p3 $0x5;
	v1 =	vand.u32 $0x7F, v1;
	v3 =	vand.u32 $0xFFFFFC00, v3  }
0x434: {  	p0 =	por !p0, !p5;
	_ =	swait.ge @!p3 [sflag:s2], $0x4000;
	v1 =	vor.u32 v1, v3  }
0x435: {  	p0 =	por !p0, !p0;
	[sflag:s2] =	ssyncset.done @!p3 $0x0;
	v3 =	vadd.s32 v8, v1  }
0x436: {  	[sflag:s2] =	ssyncadd.s32 @!p3 $0xFFFFC000;
	s2 =	simm.s32 @p0 $0x6  }
0x437: {  	_ =	swait.ge @p0 [sflag:s2], $0x4000  }
0x438: {  	[sflag:s2] =	ssyncset.done @p0 $0x0  }
0x439: {  	[sflag:s2] =	ssyncadd.s32 @p0 $0xFFFFC000  }
0x43a: {  	v3 =	vld.idx.msk [tilespmem:v3+s24+$0x0], $0xffff;
	_ =	sdelay $0x2  }
0x43b: {  	v4 =	vadd.s32 v9, v1;
	_ =	sdelay $0x1  }
0x43c: {  	s21 =	sshll.u32 s1, $0xE;
	v3 =	vadd.f32 v3, v12  }
0x43d: {  	s2 =	sor.u32 s13, s21  }
0x43e: {  	[tilespmem:s2+$0x15B00] =	vst v3  }
0x43f: {  	v3 =	vld.idx.msk [tilespmem:v4+s24+$0x0], $0xffff;
	_ =	sdelay $0x2  }
0x440: {  	v62 =	vadd.s32 v10, v1;
	_ =	sdelay $0x1  }
0x441: {  	v3 =	vadd.f32 v3, v13  }
0x442: {  	s3 =	sadd.s32 $0x15B00, s2  }
0x443: {  	[tilespmem:s3+$0x10] =	vst v3  }
0x444: {  	v3 =	vld.idx.msk [tilespmem:v62+s24+$0x0], $0xffff;
	_ =	sdelay $0x2  }
0x445: {  	v1 =	vadd.s32 v11, v1;
	_ =	sdelay $0x1  }
0x446: {  	v3 =	vadd.f32 v3, v14;
	_ =	sdelay $0x1  }
0x447: {  	[tilespmem:s3+$0x20] =	vst v3  }
0x448: {  	v1 =	vld.idx.msk [tilespmem:v1+s24+$0x0], $0xffff  }
0x449: {  	s31 =	sand.u32 $0x7F, s0  }
0x44a: {  	p4 =	sne.s32 @!p1 s1, $0x0;
	p6 =	por !p5, !p5;
	s2 =	sadd.s32 $0x1, s0;
	v3 =	vmov s0  }
0x44b: {  	p2 =	sgt.u32 s0, $0xFF;
	p5 =	por p1, p6;
	p3 =	sne.s32 s12, s2;
	vm0 =	vgt.s32 v3, $0x0  }
.Ltmp34:
0x44c: {  	p6 =	por p4, p1;
	p4 =	seq.s32 s31, $0x0;
	v3 =	vnsel vm0, $0x0, v3;
	(pc) =	sbr.rel @!p3 .LBB2_62-.Ltmp34, $4  }
0x44d: {  	p1 =	sne.s32 s31, $0x7F;
	p4 =	por !p2, !p4;
	s1 =	sand.u32 @!p6 $0xFFFFFF80, s20;
	v63 =	vadd.f32 v1, v15;
	v1 =	vmin.u32 v3, $0xFFF  }
0x44e: {  	s5 =	sand.u32 @!p5 $0xFFFFFF80, s20;
	s4 =	simm.s32 @!p6 $0x80;
	p2 =	por $0x1, $0x1;
	v1 =	vbroadcast v1, $0x0  }
0x44f: {  	s18 =	sadd.s32 @!p6 $0x4400, s1;
	s5 =	sadd.s32 @!p5 $0x4400, s5;
	s1 =	simm.s32 @!p5 $0x19B00  }
0x450: {  	s13 =	sshll.u32 s31, $0x7;
	s21 =	simm.s32 @!p6 $0x15B00;
	[tilespmem:s3+$0x30] =	vst v63;
	s3 =	simm.s32 @!p5 $0x80  }
.LBB2_63:
0x451: {  	[hbm4b:s7+s4] =	stream.indirect.scatter @!p6 [tilespmem:s21], [sflag:$0x5], $0x80, s18, s4, $0xb8;
	[tilespmem:$0x1DB00] =	vst v63  }
0x452: {  	s20 =	smov.u32 s0;
	s0 =	smov.u32 s2;
	s2 =	sadd.s32 $0x1, s2  }
0x453: {  	[hbm4b:s7+s3] =	stream.indirect.scatter @!p5 [tilespmem:s1], [sflag:$0x6], $0x80, s5, s3, $0xb8;
	[tilespmem:$0x1DB00] =	vst v63  }
0x454: {  	p3 =	sne.s32 s12, s2;
	v1 =	vld.idx.msk [tilespmem:v1+s28+$0x0], $0xffff  }
0x455: {  	s1 =	sshrl.u32 s20, $0x7  }
0x456: {  	p0 =	por !p4, !p4;
	s21 =	sand.u32 $0x1, s1  }
0x457: {  	p4 =	sne.s32 @p0 s21, $0x0  }
0x458: {  	p5 =	por p4, !p0  }
0x459: {  	p4 =	seq.s32 s21, $0x1;
	s1 =	simm.s32 @!p5 $0x5  }
0x45a: {  	p0 =	por !p0, !p4;
	v3 =	vshll.u32 v1, $0x3;
	_ =	swait.ge @!p5 [sflag:s1], $0x4000  }
0x45b: {  	p0 =	por !p0, !p0;
	v1 =	vand.u32 $0x7F, v1;
	v3 =	vand.u32 $0xFFFFFC00, v3;
	[sflag:s1] =	ssyncset.done @!p5 $0x0  }
0x45c: {  	v1 =	vor.u32 v1, v3;
	[sflag:s1] =	ssyncadd.s32 @!p5 $0xFFFFC000;
	s1 =	simm.s32 @p0 $0x6  }
0x45d: {  	v3 =	vadd.s32 v8, v1;
	_ =	swait.ge @p0 [sflag:s1], $0x4000  }
0x45e: {  	[sflag:s1] =	ssyncset.done @p0 $0x0  }
0x45f: {  	[sflag:s1] =	ssyncadd.s32 @p0 $0xFFFFC000;
	_ =	sdelay $0x2  }
0x460: {  	v3 =	vld.idx.msk [tilespmem:v3+s24+$0x0], $0xffff;
	_ =	sdelay $0x1  }
0x461: {  	v4 =	vadd.s32 v9, v1;
	_ =	sdelay $0x1  }
0x462: {  	s1 =	sshll.u32 s21, $0xE  }
0x463: {  	s1 =	sor.u32 s13, s1  }
0x464: {  	v3 =	vadd.f32 v3, v12;
	_ =	sdelay $0x1  }
0x465: {  	[tilespmem:s1+$0x15B00] =	vst v3  }
0x466: {  	v3 =	vld.idx.msk [tilespmem:v4+s24+$0x0], $0xffff;
	_ =	sdelay $0x1  }
0x467: {  	v4 =	vadd.s32 v10, v1;
	_ =	sdelay $0x2  }
0x468: {  	s1 =	sadd.s32 $0x15B00, s1  }
0x469: {  	v3 =	vadd.f32 v3, v13;
	_ =	sdelay $0x1  }
0x46a: {  	[tilespmem:s1+$0x10] =	vst v3  }
0x46b: {  	v3 =	vld.idx.msk [tilespmem:v4+s24+$0x0], $0xffff;
	_ =	sdelay $0x1  }
0x46c: {  	v1 =	vadd.s32 v11, v1;
	_ =	sdelay $0x3  }
0x46d: {  	v3 =	vadd.f32 v3, v14;
	_ =	sdelay $0x1  }
0x46e: {  	[tilespmem:s1+$0x20] =	vst v3  }
0x46f: {  	v3 =	vmov s0;
	v4 =	vld.idx.msk [tilespmem:v1+s24+$0x0], $0xffff  }
0x470: {  	vm0 =	vgt.s32 v3, $0x0  }
0x471: {  	p0 =	por !p4, !p4;
	v1 =	vnsel vm0, $0x0, v3  }
0x472: {  	p6 =	sne.s32 @!p1 s21, $0x0;
	p4 =	sgt.u32 s0, $0xFF;
	p5 =	por p1, p0;
	v1 =	vmin.u32 v1, $0xFFF  }
.Ltmp35:
0x473: {  	s3 =	sand.u32 $0x7F, s0;
	p6 =	por p6, p1;
	v1 =	vbroadcast v1, $0x0;
	(pc) =	sbr.rel @p3 .LBB2_63-.Ltmp35, $4  }
0x474: {  	s21 =	simm.s32 @!p6 $0x15B00;
	p0 =	seq.s32 s3, $0x0;
	s13 =	sshll.u32 s3, $0x7  }
0x475: {  	p1 =	sne.s32 s3, $0x7F;
	s3 =	sand.u32 @!p6 $0xFFFFFF80, s20;
	p4 =	por !p4, !p0;
	v3 =	vadd.f32 v4, v15  }
0x476: {  	s4 =	simm.s32 @!p6 $0x80;
	s18 =	sadd.s32 @!p6 $0x4400, s3;
	s3 =	sand.u32 @!p5 $0xFFFFFF80, s20  }
0x477: {  	s5 =	sadd.s32 @!p5 $0x4400, s3;
	s3 =	simm.s32 @!p5 $0x80;
	[tilespmem:s1+$0x30] =	vst v3;
	s1 =	simm.s32 @!p5 $0x19B00  }
0x478: {  	s20 =	smov.u32 s0  }
.LBB2_65:
0x479: {  	p0 =	por p6, !p2  }
0x47a: {  	[hbm4b:s7+s4] =	stream.indirect.scatter @!p0 [tilespmem:s21], [sflag:$0x5], $0x80, s18, s4, $0xb8;
	[tilespmem:$0x1DB00] =	vst v63  }
0x47b: {  	p0 =	por p5, !p2  }
0x47c: {  	[hbm4b:s7+s3] =	stream.indirect.scatter @!p0 [tilespmem:s1], [sflag:$0x6], $0x80, s5, s3, $0xb8;
	[tilespmem:$0x1DB00] =	vst v63  }
0x47d: {  	v1 =	vld.idx.msk [tilespmem:v1+s28+$0x0], $0xffff;
	_ =	sdelay $0x1  }
0x47e: {  	s0 =	sshrl.u32 s20, $0x7  }
0x47f: {  	s0 =	sand.u32 $0x1, s0;
	p0 =	por !p4, !p4  }
0x480: {  	p2 =	sne.s32 @p0 s0, $0x0  }
0x481: {  	p3 =	por p2, !p0;
	v3 =	vshll.u32 v1, $0x3  }
0x482: {  	p6 =	seq.s32 s0, $0x1;
	s1 =	simm.s32 @!p3 $0x5;
	v1 =	vand.u32 $0x7F, v1;
	v3 =	vand.u32 $0xFFFFFC00, v3  }
0x483: {  	p0 =	por !p0, !p6;
	_ =	swait.ge @!p3 [sflag:s1], $0x4000;
	v1 =	vor.u32 v1, v3  }
0x484: {  	p0 =	por !p0, !p0;
	[sflag:s1] =	ssyncset.done @!p3 $0x0;
	v3 =	vadd.s32 v8, v1  }
0x485: {  	[sflag:s1] =	ssyncadd.s32 @!p3 $0xFFFFC000;
	s1 =	simm.s32 @p0 $0x6  }
0x486: {  	_ =	swait.ge @p0 [sflag:s1], $0x4000  }
0x487: {  	[sflag:s1] =	ssyncset.done @p0 $0x0  }
0x488: {  	[sflag:s1] =	ssyncadd.s32 @p0 $0xFFFFC000  }
0x489: {  	v3 =	vld.idx.msk [tilespmem:v3+s24+$0x0], $0xffff;
	_ =	sdelay $0x2  }
0x48a: {  	v4 =	vadd.s32 v9, v1;
	_ =	sdelay $0x1  }
0x48b: {  	s31 =	sshll.u32 s0, $0xE;
	v3 =	vadd.f32 v3, v12  }
0x48c: {  	s1 =	sor.u32 s13, s31  }
0x48d: {  	[tilespmem:s1+$0x15B00] =	vst v3  }
0x48e: {  	v3 =	vld.idx.msk [tilespmem:v4+s24+$0x0], $0xffff;
	_ =	sdelay $0x2  }
0x48f: {  	v63 =	vadd.s32 v10, v1;
	_ =	sdelay $0x1  }
0x490: {  	v3 =	vadd.f32 v3, v13  }
0x491: {  	s1 =	sadd.s32 $0x15B00, s1  }
0x492: {  	[tilespmem:s1+$0x10] =	vst v3  }
0x493: {  	v3 =	vld.idx.msk [tilespmem:v63+s24+$0x0], $0xffff;
	_ =	sdelay $0x2  }
0x494: {  	v1 =	vadd.s32 v11, v1;
	_ =	sdelay $0x1  }
0x495: {  	v3 =	vadd.f32 v3, v14;
	_ =	sdelay $0x1  }
0x496: {  	[tilespmem:s1+$0x20] =	vst v3  }
0x497: {  	v1 =	vld.idx.msk [tilespmem:v1+s24+$0x0], $0xffff;
	_ =	sdelay $0x3  }
0x498: {  	p0 =	sne.s32 @!p1 s0, $0x0  }
0x499: {  	p2 =	por !p6, !p6;
	p0 =	por p0, p1;
	v1 =	vadd.f32 v1, v15  }
0x49a: {  	p1 =	por p1, p2;
	s0 =	simm.s32 @!p0 $0x15B00;
	s2 =	sand.u32 @!p0 $0xFFFFFF80, s20  }
0x49b: {  	s3 =	simm.s32 @!p0 $0x80;
	s4 =	sand.u32 @!p1 $0xFFFFFF80, s20;
	s2 =	sadd.s32 @!p0 $0x4400, s2;
	[tilespmem:s1+$0x30] =	vst v1  }
0x49c: {  	[hbm4b:s7+s3] =	stream.indirect.scatter @!p0 [tilespmem:s0], [sflag:$0x5], $0x80, s2, s3, $0xb8;
	[tilespmem:$0x1DB00] =	vst v63  }
0x49d: {  	s1 =	simm.s32 @!p1 $0x80;
	s0 =	sadd.s32 @!p1 $0x4400, s4;
	s2 =	simm.s32 @!p1 $0x19B00  }
0x49e: {  	[hbm4b:s7+s1] =	stream.indirect.scatter @!p1 [tilespmem:s2], [sflag:$0x6], $0x80, s0, s1, $0xb8;
	[tilespmem:$0x1DB00] =	vst v63  }
.LBB2_66:
0x49f: {  	s0 =	sadd.s32 $0x7, s9  }
0x4a0: {  	p0 =	sgt.s32 s0, s10  }
.Ltmp36:
0x4a1: {  	_ = 	snop;
	(pc) =	sbr.rel @p0 .LBB2_68-.Ltmp36, $1  }
0x4a2: {  	_ =	sdelay $0x3  }
0x4a3: {  	p0 =	slt.s32 s11, $0x27AC41  }
0x4a4: {  	p1 =	sne.s32 @!p0 s0, s10  }
0x4a5: {  	p0 =	por p0, p1  }
0x4a6: {  	s0 =	rddreg @!p0 [dreg:$0x3];
	s1 =	simm.s32 @!p0 $0x0  }
0x4a7: {  	[tilespmem:s24], [sflag:$0x4] =	stream.linear.gather @!p0 [hbm4b:s0+s1], $0x4000, $0x38;
	[tilespmem:$0x1DB00] =	vst v63  }
0x4a8: {  	s1 =	rddreg @p0 [dreg:$0xa]  }
.Ltmp37:
0x4a9: {  	s0 =	sadd.s32 @p0 s1, s0;
	(pc) =	sbr.rel .LBB2_68-.Ltmp37, $4  }
0x4aa: {  	s0 =	sshll.u32 @p0 s0, $0x8  }
0x4ab: {  	s1 =	rddreg @p0 [dreg:$0x2];
	s0 =	sand.u32 @p0 $0x1FFFFF00, s0  }
0x4ac: {  	s2 =	simm.s32 @p0 $0x800;
	s0 =	sadd.s32 @p0 s1, s0;
	s1 =	simm.s32 @p0 $0x13D6400  }
0x4ad: {  	[tilespmem:s24], [sflag:$0x4] =	stream.strided.gather @p0 [hbm4b:s0+s2], $0x4000, s1, s2, $0x38;
	[tilespmem:$0x1DB00] =	vst v63  }
.LBB2_27:
.Ltmp38:
0x4ae: {  	(pc) =	sbr.rel .LBB2_32-.Ltmp38, $2  }
0x4af: {  	_ =	sdelay $0x2  }
0x4b0: {  	_ = 	snop  }
.LBB2_38:
.Ltmp39:
0x4b1: {  	(pc) =	sbr.rel .LBB2_43-.Ltmp39, $2  }
0x4b2: {  	_ =	sdelay $0x2  }
0x4b3: {  	_ = 	snop  }
.LBB2_49:
.Ltmp40:
0x4b4: {  	(pc) =	sbr.rel .LBB2_54-.Ltmp40, $2  }
0x4b5: {  	_ =	sdelay $0x2  }
0x4b6: {  	_ = 	snop  }
.LBB2_60:
.Ltmp41:
0x4b7: {  	(pc) =	sbr.rel .LBB2_65-.Ltmp41, $2  }
0x4b8: {  	_ =	sdelay $0x2  }
0x4b9: {  	_ = 	snop  }
.LBB2_29:
.Ltmp42:
0x4ba: {  	(pc) =	sbr.rel .LBB2_32-.Ltmp42, $2  }
0x4bb: {  	_ =	sdelay $0x2  }
0x4bc: {  	s2 =	smov.u32 s31  }
.LBB2_40:
.Ltmp43:
0x4bd: {  	(pc) =	sbr.rel .LBB2_43-.Ltmp43, $2  }
0x4be: {  	_ =	sdelay $0x2  }
0x4bf: {  	s20 =	smov.u32 s0  }
.LBB2_51:
.Ltmp44:
0x4c0: {  	(pc) =	sbr.rel .LBB2_54-.Ltmp44, $2  }
0x4c1: {  	_ =	sdelay $0x2  }
0x4c2: {  	s20 =	smov.u32 s0  }
.LBB2_62:
.Ltmp45:
0x4c3: {  	(pc) =	sbr.rel .LBB2_65-.Ltmp45, $2  }
0x4c4: {  	_ =	sdelay $0x2  }
0x4c5: {  	s20 =	smov.u32 s0  }
.LBB2_15:
0x4c6: {  	p1 =	seq.s32 s0, s8  }
.Ltmp46:
0x4c7: {  	_ = 	snop;
	(pc) =	sbr.rel @p1 .LBB2_23-.Ltmp46, $4  }
0x4c8: {  	_ = 	snop  }
0x4c9: {  	s1 =	sand.u32 $0x1FFFFF00, s6;
	s2 =	rddreg [dreg:$0x2]  }
0x4ca: {  	s31 =	simm.s32 $0x13D6400;
	s3 =	simm.s32 $0x800;
	s1 =	sadd.s32 s2, s1  }
0x4cb: {  	[tilespmem:s19], [sflag:$0x1] =	stream.strided.gather [hbm4b:s1+s3], $0x4000, s31, s3, $0x38;
	[tilespmem:$0x1DB00] =	vst v63  }
0x4cc: {  	p1 =	sne.s32 s10, $0x1  }
0x4cd: {  	p2 =	slt.s32 @!p1 s11, $0x27AC41  }
0x4ce: {  	p1 =	por p1, p2  }
.Ltmp47:
0x4cf: {  	_ = 	snop;
	(pc) =	sbr.rel @p1 .LBB2_18-.Ltmp47, $1  }
0x4d0: {  	_ =	sdelay $0x3  }
.Ltmp48:
0x4d1: {  	(pc) =	sbr.rel .LBB2_23-.Ltmp48, $3  }
0x4d2: {  	_ =	sdelay $0x1  }
0x4d3: {  	s0 =	rddreg [dreg:$0x3];
	s1 =	simm.s32 $0x0  }
0x4d4: {  	[tilespmem:s22], [sflag:$0x2] =	stream.linear.gather [hbm4b:s0+s1], $0x4000, $0x38;
	[tilespmem:$0x1DB00] =	vst v63  }
.LBB2_18:
0x4d5: {  	s0 =	rddreg [dreg:$0xa];
	p1 =	slt.u32 s10, $0x2  }
.Ltmp49:
0x4d6: {  	s0 =	sshll.u32 s0, $0xB;
	(pc) =	sbr.rel @p1 .LBB2_23-.Ltmp49, $4  }
0x4d7: {  	s1 =	sadd.s32 $0x800, s0  }
0x4d8: {  	s2 =	rddreg [dreg:$0x2];
	s1 =	sshrl.u32 s1, $0x3  }
0x4d9: {  	s31 =	simm.s32 $0x13D6400;
	s3 =	simm.s32 $0x800;
	s1 =	sadd.s32 s2, s1  }
0x4da: {  	[tilespmem:s22], [sflag:$0x2] =	stream.strided.gather [hbm4b:s1+s3], $0x4000, s31, s3, $0x38;
	[tilespmem:$0x1DB00] =	vst v63  }
0x4db: {  	p1 =	sne.s32 s10, $0x2  }
0x4dc: {  	p2 =	slt.s32 @!p1 s11, $0x27AC41  }
0x4dd: {  	p1 =	por p1, p2  }
.Ltmp50:
0x4de: {  	_ = 	snop;
	(pc) =	sbr.rel @p1 .LBB2_21-.Ltmp50, $1  }
0x4df: {  	_ =	sdelay $0x3  }
.Ltmp51:
0x4e0: {  	(pc) =	sbr.rel .LBB2_23-.Ltmp51, $3  }
0x4e1: {  	_ =	sdelay $0x1  }
0x4e2: {  	s0 =	rddreg [dreg:$0x3];
	s1 =	simm.s32 $0x0  }
0x4e3: {  	[tilespmem:s23], [sflag:$0x3] =	stream.linear.gather [hbm4b:s0+s1], $0x4000, $0x38;
	[tilespmem:$0x1DB00] =	vst v63  }
.LBB2_21:
0x4e4: {  	p1 =	seq.s32 s10, $0x2  }
.Ltmp52:
0x4e5: {  	_ = 	snop;
	(pc) =	sbr.rel @p1 .LBB2_23-.Ltmp52, $4  }
0x4e6: {  	s1 =	sadd.s32 $0x1000, s0  }
0x4e7: {  	s2 =	rddreg [dreg:$0x2];
	s1 =	sshrl.u32 s1, $0x3  }
0x4e8: {  	s31 =	simm.s32 $0x13D6400;
	s3 =	simm.s32 $0x800;
	s1 =	sadd.s32 s2, s1  }
0x4e9: {  	[tilespmem:s23], [sflag:$0x3] =	stream.strided.gather [hbm4b:s1+s3], $0x4000, s31, s3, $0x38;
	[tilespmem:$0x1DB00] =	vst v63  }
0x4ea: {  	p1 =	sne.s32 s10, $0x3  }
0x4eb: {  	p2 =	slt.s32 @!p1 s11, $0x27AC41  }
0x4ec: {  	p1 =	por p1, p2  }
0x4ed: {  	s0 =	rddreg @!p1 [dreg:$0x3];
	s1 =	simm.s32 @!p1 $0x0  }
0x4ee: {  	[tilespmem:s24], [sflag:$0x4] =	stream.linear.gather @!p1 [hbm4b:s0+s1], $0x4000, $0x38;
	[tilespmem:$0x1DB00] =	vst v63  }
.Ltmp53:
0x4ef: {  	_ = 	snop;
	(pc) =	sbr.rel .LBB2_23-.Ltmp53, $4  }
0x4f0: {  	s0 =	sadd.s32 @p1 $0x1800, s0  }
0x4f1: {  	s1 =	rddreg @p1 [dreg:$0x2];
	s0 =	sshrl.u32 @p1 s0, $0x3  }
0x4f2: {  	s2 =	simm.s32 @p1 $0x800;
	s0 =	sadd.s32 @p1 s1, s0;
	s1 =	simm.s32 @p1 $0x13D6400  }
0x4f3: {  	[tilespmem:s24], [sflag:$0x4] =	stream.strided.gather @p1 [hbm4b:s0+s2], $0x4000, s1, s2, $0x38;
	[tilespmem:$0x1DB00] =	vst v63  }
.LBB2_70:
0x4f4: {  	_ =	sfence.sel $0x180000  }
0x4f5: {  	[bflag:$0x0] =	sbarrier.arrive $0xFFFF  }
0x4f6: {  	_ =	strace $0x90000047  }
0x4f7: {  	s0 =	stileid.u32;
	[bflag:$0x2] =	sbarrier.arrive $0xFFFF  }
0x4f8: {  	p0 =	sne.s32 s0, $0x0;
	s0 =	rddreg [dreg:$0x5]  }
0x4f9: {  	s0 =	sadd.s32 @!p0 $0x100000, s0  }
0x4fa: {  	[sflag:s0] =	ssyncadd.tile.s32 @!p0 $0x1;
	_ =	shalt  }
.Lfunc_end2:
_tile_overlayer_lowered:
.L_overlay_start_2:
0x4fb: {  	(tag) =	ssettag $0x2  }
0x4fc: {  	s0 =	rddreg [dreg:$0x0];
	s2 =	stileid.u32  }
0x4fd: {  	s1 =	rddreg [dreg:$0x1];
	p0 =	sne.s32 s2, $0x0  }
0x4fe: {  	s3 =	rddreg [dreg:$0x2];
	[bflag:$0x3] =	sbarrier.arrive $0xFFFF;
	s2 =	simm.s32 @!p0 $0x1C07  }
0x4ff: {  	[timem:s3], [sflag:s2] =	dma.local @!p0 [hbm:s0], s1  }
0x500: {  	s0 =	simm.s32 @!p0 $0x7  }
0x501: {  	_ =	swait.ge @!p0 [sflag:s0], s1  }
0x502: {  	s1 =	ssub.s32 @!p0 $0x0, s1;
	[sflag:s0] =	ssyncset.done @!p0 $0x0  }
0x503: {  	[sflag:s0] =	ssyncadd.s32 @!p0 s1  }
0x504: {  	[bflag:$0x3] =	sbarrier.arrive $0xFFFF  }
0x505: {  	_ =	shalt  }

</sc_bundles>
